<compile_context>
chip_gen: v7x
topology: tpu7x:2x2x1
jax: 0.10.2.dev20260603
libtpu: 0.0.44.dev20260713+nightly
codegen_flags: <defaults>
</compile_context>

<pallas_src>
import functools

import jax
import jax.numpy as jnp
from jax import lax
from jax.experimental import pallas as pl
from jax.experimental.pallas import tpu as pltpu
from jax.experimental.pallas import tpu_sc as plsc


@functools.lru_cache(maxsize=None)
def _build_sc(B, L, T, V, E):
    NW = 32
    NB = B // NW
    TOK = L * T
    TOKP = 208
    NA, NBI = 112, 96
    GROWS = L + 2
    RMAX = 3 * (V - 2)
    OUTROW = L * E
    BLK = 3 * E

    mesh = plsc.VectorSubcoreMesh(core_axis_name="c", subcore_axis_name="s")

    idx_types = [pltpu.VMEM((NA,), jnp.int32), pltpu.VMEM((NBI,), jnp.int32)]

    @functools.partial(
        pl.kernel,
        mesh=mesh,
        compiler_params=pltpu.CompilerParams(
            use_tc_tiling_on_sc=False, needs_layout_passes=False),
        out_type=jax.ShapeDtypeStruct((B * OUTROW,), jnp.float32),
        scratch_types=[
            pltpu.VMEM((NB * TOK + 16,), jnp.int32),
        ] + idx_types * 6 + [
            pltpu.VMEM((TOKP, E), jnp.float32),
            pltpu.VMEM((TOKP, E), jnp.float32),
            pltpu.VMEM((TOKP, E), jnp.float32),
            pltpu.VMEM((TOKP, E), jnp.float32),
            pltpu.VMEM((TOKP, E), jnp.float32),
            pltpu.VMEM((TOKP, E), jnp.float32),
            pltpu.VMEM((OUTROW,), jnp.float32),
            pltpu.VMEM((2, 128), jnp.float32),
            pltpu.VMEM((64,), jnp.float32),
            pltpu.VMEM((64,), jnp.float32),
            pltpu.VMEM((3, E), jnp.float32),
            pltpu.SemaphoreType.DMA,
            pltpu.SemaphoreType.DMA,
        ],
    )
    def encode(seq_hbm, w_hbm, out_hbm, seq_v,
               ia00, ib00, ia01, ib01, ia02, ib02,
               ia10, ib10, ia11, ib11, ia12, ib12,
               e00, e01, e02, e10, e11, e12,
               out_v, nz_v, den_v, rcp_v, w0_v, sem0, sem1):
        idx = ((( ia00, ib00), (ia01, ib01), (ia02, ib02)),
               (((ia10), ib10), (ia11, ib11), (ia12, ib12)))
        e_v = ((e00, e01, e02), (e10, e11, e12))
        sems = (sem0, sem1)

        wid = lax.axis_index("s") * 2 + lax.axis_index("c")
        b0 = wid * NB
        zero16f = jnp.zeros((16,), jnp.float32)
        zero16i = jnp.zeros((16,), jnp.int32)

        pltpu.sync_copy(seq_hbm.at[pl.ds(b0 * TOK, NB * TOK)],
                        seq_v.at[pl.ds(0, NB * TOK)])
        seq_v[pl.ds(NB * TOK, 16)] = zero16i
        pltpu.sync_copy(w_hbm.at[pl.ds(0, 3)], w0_v)
        w0_vals = [[w0_v[p, pl.ds(16 * c, 16)] for c in range(E // 16)]
                   for p in range(3)]
        iota16 = lax.iota(jnp.int32, 16)
        for k in range(TOK // 16, TOKP // 16 + 3):
            nz_v[(16 * k) // 128, pl.ds((16 * k) % 128, 16)] = zero16f

        def fill_indices(r, buf):
            base = r * TOK
            for k in range(TOKP // 16):
                v = seq_v[pl.ds(base + 16 * k, 16)]
                p0 = jnp.clip(v * 3 - 3, 0, RMAX)
                for p in range(3):
                    if 16 * k < NA:
                        idx[buf][p][0][pl.ds(16 * k, 16)] = p0 + p
                    else:
                        idx[buf][p][1][pl.ds(16 * k - NA, 16)] = p0 + p
                if 16 * k < TOK:
                    nz_v[(16 * k) // 128, pl.ds((16 * k) % 128, 16)] = (
                        jnp.where(v != 0, 1.0, 0.0))

        def copies(buf):
            out = []
            for p in range(3):
                out.append(pltpu.make_async_copy(
                    w_hbm.at[idx[buf][p][0]],
                    e_v[buf][p].at[pl.ds(0, NA)], sems[buf]))
                out.append(pltpu.make_async_copy(
                    w_hbm.at[idx[buf][p][1]],
                    e_v[buf][p].at[pl.ds(NA, NBI)], sems[buf]))
            return out

        def fire(buf):
            for c in copies(buf):
                c.start()

        def drain(buf):
            for c in copies(buf):
                c.wait()

        fill_indices(0, 0)
        fire(0)

        def process(r, buf):
            for g in range((L + 15) // 16):
                lvec = (iota16 + 16 * g) * T

                def nzg(tok):
                    return plsc.load_gather(
                        nz_v, [lax.shift_right_logical(tok, 7),
                               lax.bitwise_and(tok, 127)])

                s = nzg(lvec)
                for t in range(1, T):
                    s = s + nzg(lvec + t)
                den_v[pl.ds(16 * g, 16)] = s
                rcp_v[pl.ds(16 * g, 16)] = jnp.where(
                    s > 0.0, 1.0 / jnp.maximum(s, 1.0), 0.0)

            drain(buf)

            @pl.when(r + 1 < NB)
            def _():
                fill_indices(r + 1, 1 - buf)
                fire(1 - buf)

            ev = e_v[buf]

            NC4 = E // 16

            def accum(l):
                c0b = 4.0 - plsc.load_gather(
                    den_v, [jnp.full((16,), l, jnp.int32)])
                parts = []
                for p in range(3):
                    row = []
                    for c in range(NC4):
                        sl = pl.ds(16 * c, 16)
                        a = ev[p][T * l, sl] + ev[p][T * l + 1, sl]
                        a = a + ev[p][T * l + 2, sl] + ev[p][T * l + 3, sl]
                        row.append(a - c0b * w0_vals[p][c])
                    parts.append(tuple(row))
                return tuple(parts)

            def emit(j, x):
                rb = plsc.load_gather(rcp_v, [jnp.full((16,), j, jnp.int32)])
                for c in range(NC4):
                    y = x[c] * rb
                    e = jnp.exp(y + y)
                    out_v[pl.ds(j * E + 16 * c, 16)] = 1.0 - 2.0 / (e + 1.0)

            p0, q0, _r0 = accum(0)

            @plsc.parallel_loop(1, L, step=1, unroll=2, carry=(q0, p0))
            def fused(l, carry):
                s, u = carry
                p, q, rr2 = accum(l)
                emit(l - 1, tuple(s[c] + rr2[c] for c in range(NC4)))
                return (tuple(u[c] + q[c] for c in range(NC4)), p)

            s_fin, _u_fin = fused
            emit(L - 1, s_fin)
            pltpu.sync_copy(out_v, out_hbm.at[pl.ds((b0 + r) * OUTROW, OUTROW)])

        def row_pair(rr, _):
            process(2 * rr, 0)
            process(2 * rr + 1, 1)
            return 0

        lax.fori_loop(0, NB // 2, row_pair, 0)

    return encode


def kernel(seq, W):
    B, L, T = seq.shape
    E = W.shape[1]
    V = W.shape[0] // 3 + 1
    out = _build_sc(B, L, T, V, E)(seq.reshape(-1), W)
    return out.reshape(B, L, E)

# --- scband reference (transcript-rebuilt; emitter-appended) ---
"""Pipeline reference for scband-trigram-embedding-encoder-51445118271900 (READ-ONLY COPY).

The authoritative reference and input builder live on the scoring server;
editing this copy changes nothing except your own understanding.
"""

import jax, jax.numpy as jnp
import numpy as np

TRIGRAM_SIZE = 100000
EMB = 64
R = 1  # region_radius
REGION_SIZE = 2 * R + 1
B = 1024
L = 50
T = 4


def setup_inputs(seed: int = 0) -> dict:
    key = jax.random.key(seed)
    k1, k2 = jax.random.split(key)
    seq = jax.random.randint(k1, (B, L, T), 0, TRIGRAM_SIZE, dtype=jnp.int32)
    # xavier uniform for W: shape [(trigram_size-1)*region_size, emb]
    rows = (TRIGRAM_SIZE - 1) * REGION_SIZE
    limit = float(np.sqrt(6.0 / (rows + EMB)))
    W = jax.random.uniform(k2, (rows, EMB), minval=-limit, maxval=limit, dtype=jnp.float32)
    return {"seq": seq, "W": W}


def reference(seq, W):
    region_size = 2 * R + 1
    padded = jnp.pad(seq, ((0, 0), (R, R), (0, 0)))
    Lq = seq.shape[1]
    # align_emb: stack over region offsets i: padded[:, i:i+L, :] * region_size + i
    aligns = jnp.stack(
        [padded[:, i:i + Lq, :] * region_size + i for i in range(region_size)],
        axis=0,
    )  # [region_size, B, L, T] int32
    # prepend region_size zero rows (padding / id-0 embeddings)
    W_full = jnp.concatenate(
        [jnp.zeros((region_size, W.shape[1]), dtype=W.dtype), W], axis=0
    )
    align_emb = jnp.take(W_full, aligns, axis=0)  # [region_size, B, L, T, EMB]
    num = jnp.sum(jnp.sum(align_emb, axis=0), axis=2)  # [B, L, EMB]
    den = jnp.sum((seq != 0).astype(jnp.float32), axis=2, keepdims=True)  # [B, L, 1]
    safe_den = jnp.where(den != 0, den, 1.0)
    trigram_emb = jnp.where(den != 0, num / safe_den, 0.0)  # div_no_nan
    h = jnp.tanh(trigram_emb)
    return h

if __name__ == "__main__":
    import jax
    _d = setup_inputs()
    print(jax.jit(kernel)(*tuple(_d.values())))

</pallas_src>

<mosaic_0001>
#map = affine_map<(d0, d1) -> (0)>
#map1 = affine_map<(d0, d1) -> (0, 0)>
module attributes {stable_mosaic.version = 14 : i64} {
  func.func @encode(%arg0: i32, %arg1: i32, %arg2: memref<204800xi32, #tpu.memory_space<hbm>>, %arg3: memref<299997x64xf32, #tpu.memory_space<hbm>>, %arg4: memref<3276800xf32, #tpu.memory_space<hbm>>, %arg5: memref<6416xi32, #tpu.memory_space<vmem>>, %arg6: memref<112xi32, #tpu.memory_space<vmem>>, %arg7: memref<96xi32, #tpu.memory_space<vmem>>, %arg8: memref<112xi32, #tpu.memory_space<vmem>>, %arg9: memref<96xi32, #tpu.memory_space<vmem>>, %arg10: memref<112xi32, #tpu.memory_space<vmem>>, %arg11: memref<96xi32, #tpu.memory_space<vmem>>, %arg12: memref<112xi32, #tpu.memory_space<vmem>>, %arg13: memref<96xi32, #tpu.memory_space<vmem>>, %arg14: memref<112xi32, #tpu.memory_space<vmem>>, %arg15: memref<96xi32, #tpu.memory_space<vmem>>, %arg16: memref<112xi32, #tpu.memory_space<vmem>>, %arg17: memref<96xi32, #tpu.memory_space<vmem>>, %arg18: memref<208x64xf32, #tpu.memory_space<vmem>>, %arg19: memref<208x64xf32, #tpu.memory_space<vmem>>, %arg20: memref<208x64xf32, #tpu.memory_space<vmem>>, %arg21: memref<208x64xf32, #tpu.memory_space<vmem>>, %arg22: memref<208x64xf32, #tpu.memory_space<vmem>>, %arg23: memref<208x64xf32, #tpu.memory_space<vmem>>, %arg24: memref<3200xf32, #tpu.memory_space<vmem>>, %arg25: memref<2x128xf32, #tpu.memory_space<vmem>>, %arg26: memref<64xf32, #tpu.memory_space<vmem>>, %arg27: memref<64xf32, #tpu.memory_space<vmem>>, %arg28: memref<3x64xf32, #tpu.memory_space<vmem>>, %arg29: memref<!tpu.dma_semaphore, #tpu.memory_space<semaphore_mem>>, %arg30: memref<!tpu.dma_semaphore, #tpu.memory_space<semaphore_mem>>) attributes {dimension_semantics = [#tpu.dimension_semantics<core_parallel>, #tpu.dimension_semantics<subcore_parallel>], iteration_bounds = array<i64: 2, 16>, scalar_prefetch = 0 : i64, scratch_operands = 26 : i64, tpu.core_type = #tpu.core_type<sc_vector_subcore>, window_params = [{transform_indices = #map}, {transform_indices = #map1}, {transform_indices = #map}]} {
    %mul3A = arith.constant 2 : i32
    %mul3A_0 = arith.muli %arg1, %mul3A : i32
    %add3A = arith.addi %mul3A_0, %arg0 : i32
    %mul3A_1 = arith.constant 32 : i32
    %mul3A_2 = arith.muli %add3A, %mul3A_1 : i32
    %broadcast_in_dim3A = arith.constant 0.000000e+00 : f32
    %broadcast_in_dim3A_3 = vector.broadcast %broadcast_in_dim3A : f32 to vector<16xf32>
    %broadcast_in_dim3A_4 = arith.constant 0 : i32
    %broadcast_in_dim3A_5 = vector.broadcast %broadcast_in_dim3A_4 : i32 to vector<16xi32>
    %mul3A_6 = arith.constant 200 : i32
    %mul3A_7 = arith.muli %mul3A_2, %mul3A_6 : i32
    "tpu.region"() ({
      %run_scoped3A = tpu.sem_alloc : memref<!tpu.dma_semaphore, #tpu.memory_space<semaphore_mem>>
      %dma_start3A_640 = arith.constant 0 : i32
      %dma_start3A_641 = tpu.memref_slice %arg5[%dma_start3A_640] : memref<6416xi32, #tpu.memory_space<vmem>> -> memref<6400xi32, #tpu.memory_space<vmem>>
      %dma_start3A_642 = tpu.memref_slice %arg2[%mul3A_7] : memref<204800xi32, #tpu.memory_space<hbm>> -> memref<6400xi32, #tpu.memory_space<hbm>>
      %dma_start3A_643 = arith.constant 0 : i32
      %dma_start3A_644 = tpu.memref_slice %arg5[%dma_start3A_643] : memref<6416xi32, #tpu.memory_space<vmem>> -> memref<6400xi32, #tpu.memory_space<vmem>>
      %dma_start3A_645 = tpu.memref_slice %arg2[%mul3A_7] : memref<204800xi32, #tpu.memory_space<hbm>> -> memref<6400xi32, #tpu.memory_space<hbm>>
      tpu.enqueue_dma source(%dma_start3A_645 : memref<6400xi32, #tpu.memory_space<hbm>>) target(%dma_start3A_644 : memref<6400xi32, #tpu.memory_space<vmem>>) target_semaphore(%run_scoped3A : memref<!tpu.dma_semaphore, #tpu.memory_space<semaphore_mem>>)
      %dma_wait3A = arith.constant 0 : i32
      %dma_wait3A_646 = tpu.memref_slice %arg5[%dma_wait3A] : memref<6416xi32, #tpu.memory_space<vmem>> -> memref<6400xi32, #tpu.memory_space<vmem>>
      %dma_wait3A_647 = tpu.memref_slice %arg2[%mul3A_7] : memref<204800xi32, #tpu.memory_space<hbm>> -> memref<6400xi32, #tpu.memory_space<hbm>>
      %dma_wait3A_648 = arith.constant 0 : i32
      %dma_wait3A_649 = tpu.memref_slice %arg5[%dma_wait3A_648] : memref<6416xi32, #tpu.memory_space<vmem>> -> memref<6400xi32, #tpu.memory_space<vmem>>
      %dma_wait3A_650 = tpu.memref_slice %arg2[%mul3A_7] : memref<204800xi32, #tpu.memory_space<hbm>> -> memref<6400xi32, #tpu.memory_space<hbm>>
      tpu.wait_dma2 semaphore(%run_scoped3A : memref<!tpu.dma_semaphore, #tpu.memory_space<semaphore_mem>>) src(%dma_wait3A_650 : memref<6400xi32, #tpu.memory_space<hbm>>) dst(%dma_wait3A_649 : memref<6400xi32, #tpu.memory_space<vmem>>)
      tpu.yield
    }) : () -> ()
    %swap3A = arith.constant 6400 : index
    %swap3A_8 = tpu.vector_load %arg5[%swap3A] {strides = array<i32>} : memref<6416xi32, #tpu.memory_space<vmem>>, vector<16xi32>,
    tpu.vector_store %arg5[%swap3A], %broadcast_in_dim3A_5 {strides = array<i32>} : memref<6416xi32, #tpu.memory_space<vmem>>, vector<16xi32>,
    "tpu.region"() ({
      %run_scoped3A = tpu.sem_alloc : memref<!tpu.dma_semaphore, #tpu.memory_space<semaphore_mem>>
      %dma_start3A_640 = arith.constant 0 : i32
      %dma_start3A_641 = arith.constant 0 : i32
      %dma_start3A_642 = tpu.memref_slice %arg3[%dma_start3A_640, %dma_start3A_641] : memref<299997x64xf32, #tpu.memory_space<hbm>> -> memref<3x64xf32, #tpu.memory_space<hbm>>
      %dma_start3A_643 = arith.constant 0 : i32
      %dma_start3A_644 = arith.constant 0 : i32
      %dma_start3A_645 = tpu.memref_slice %arg3[%dma_start3A_643, %dma_start3A_644] : memref<299997x64xf32, #tpu.memory_space<hbm>> -> memref<3x64xf32, #tpu.memory_space<hbm>>
      tpu.enqueue_dma source(%dma_start3A_645 : memref<3x64xf32, #tpu.memory_space<hbm>>) target(%arg28 : memref<3x64xf32, #tpu.memory_space<vmem>>) target_semaphore(%run_scoped3A : memref<!tpu.dma_semaphore, #tpu.memory_space<semaphore_mem>>)
      %dma_wait3A = arith.constant 0 : i32
      %dma_wait3A_646 = arith.constant 0 : i32
      %dma_wait3A_647 = tpu.memref_slice %arg3[%dma_wait3A, %dma_wait3A_646] : memref<299997x64xf32, #tpu.memory_space<hbm>> -> memref<3x64xf32, #tpu.memory_space<hbm>>
      %dma_wait3A_648 = arith.constant 0 : i32
      %dma_wait3A_649 = arith.constant 0 : i32
      %dma_wait3A_650 = tpu.memref_slice %arg3[%dma_wait3A_648, %dma_wait3A_649] : memref<299997x64xf32, #tpu.memory_space<hbm>> -> memref<3x64xf32, #tpu.memory_space<hbm>>
      tpu.wait_dma2 semaphore(%run_scoped3A : memref<!tpu.dma_semaphore, #tpu.memory_space<semaphore_mem>>) src(%dma_wait3A_650 : memref<3x64xf32, #tpu.memory_space<hbm>>) dst(%arg28 : memref<3x64xf32, #tpu.memory_space<vmem>>)
      tpu.yield
    }) : () -> ()
    %get3A = arith.constant 0 : i32
    %get3A_9 = arith.index_cast %get3A : i32 to index
    %get3A_10 = arith.constant 0 : index
    %get3A_11 = tpu.vector_load %arg28[%get3A_9, %get3A_10] {strides = array<i32>} : memref<3x64xf32, #tpu.memory_space<vmem>>, vector<16xf32>,
    %get3A_12 = arith.constant 0 : i32
    %get3A_13 = arith.index_cast %get3A_12 : i32 to index
    %get3A_14 = arith.constant 16 : index
    %get3A_15 = tpu.vector_load %arg28[%get3A_13, %get3A_14] {strides = array<i32>} : memref<3x64xf32, #tpu.memory_space<vmem>>, vector<16xf32>,
    %get3A_16 = arith.constant 0 : i32
    %get3A_17 = arith.index_cast %get3A_16 : i32 to index
    %get3A_18 = arith.constant 32 : index
    %get3A_19 = tpu.vector_load %arg28[%get3A_17, %get3A_18] {strides = array<i32>} : memref<3x64xf32, #tpu.memory_space<vmem>>, vector<16xf32>,
    %get3A_20 = arith.constant 0 : i32
    %get3A_21 = arith.index_cast %get3A_20 : i32 to index
    %get3A_22 = arith.constant 48 : index
    %get3A_23 = tpu.vector_load %arg28[%get3A_21, %get3A_22] {strides = array<i32>} : memref<3x64xf32, #tpu.memory_space<vmem>>, vector<16xf32>,
    %get3A_24 = arith.constant 1 : i32
    %get3A_25 = arith.index_cast %get3A_24 : i32 to index
    %get3A_26 = arith.constant 0 : index
    %get3A_27 = tpu.vector_load %arg28[%get3A_25, %get3A_26] {strides = array<i32>} : memref<3x64xf32, #tpu.memory_space<vmem>>, vector<16xf32>,
    %get3A_28 = arith.constant 1 : i32
    %get3A_29 = arith.index_cast %get3A_28 : i32 to index
    %get3A_30 = arith.constant 16 : index
    %get3A_31 = tpu.vector_load %arg28[%get3A_29, %get3A_30] {strides = array<i32>} : memref<3x64xf32, #tpu.memory_space<vmem>>, vector<16xf32>,
    %get3A_32 = arith.constant 1 : i32
    %get3A_33 = arith.index_cast %get3A_32 : i32 to index
    %get3A_34 = arith.constant 32 : index
    %get3A_35 = tpu.vector_load %arg28[%get3A_33, %get3A_34] {strides = array<i32>} : memref<3x64xf32, #tpu.memory_space<vmem>>, vector<16xf32>,
    %get3A_36 = arith.constant 1 : i32
    %get3A_37 = arith.index_cast %get3A_36 : i32 to index
    %get3A_38 = arith.constant 48 : index
    %get3A_39 = tpu.vector_load %arg28[%get3A_37, %get3A_38] {strides = array<i32>} : memref<3x64xf32, #tpu.memory_space<vmem>>, vector<16xf32>,
    %get3A_40 = arith.constant 2 : i32
    %get3A_41 = arith.index_cast %get3A_40 : i32 to index
    %get3A_42 = arith.constant 0 : index
    %get3A_43 = tpu.vector_load %arg28[%get3A_41, %get3A_42] {strides = array<i32>} : memref<3x64xf32, #tpu.memory_space<vmem>>, vector<16xf32>,
    %get3A_44 = arith.constant 2 : i32
    %get3A_45 = arith.index_cast %get3A_44 : i32 to index
    %get3A_46 = arith.constant 16 : index
    %get3A_47 = tpu.vector_load %arg28[%get3A_45, %get3A_46] {strides = array<i32>} : memref<3x64xf32, #tpu.memory_space<vmem>>, vector<16xf32>,
    %get3A_48 = arith.constant 2 : i32
    %get3A_49 = arith.index_cast %get3A_48 : i32 to index
    %get3A_50 = arith.constant 32 : index
    %get3A_51 = tpu.vector_load %arg28[%get3A_49, %get3A_50] {strides = array<i32>} : memref<3x64xf32, #tpu.memory_space<vmem>>, vector<16xf32>,
    %get3A_52 = arith.constant 2 : i32
    %get3A_53 = arith.index_cast %get3A_52 : i32 to index
    %get3A_54 = arith.constant 48 : index
    %get3A_55 = tpu.vector_load %arg28[%get3A_53, %get3A_54] {strides = array<i32>} : memref<3x64xf32, #tpu.memory_space<vmem>>, vector<16xf32>,
    %iota3A = tpu.iota {dimensions = array<i32: 0>} : vector<16xi32>
    %swap3A_56 = arith.constant 1 : i32
    %swap3A_57 = arith.index_cast %swap3A_56 : i32 to index
    %swap3A_58 = arith.constant 64 : index
    %swap3A_59 = tpu.vector_load %arg25[%swap3A_57, %swap3A_58] {strides = array<i32>} : memref<2x128xf32, #tpu.memory_space<vmem>>, vector<16xf32>,
    tpu.vector_store %arg25[%swap3A_57, %swap3A_58], %broadcast_in_dim3A_3 {strides = array<i32>} : memref<2x128xf32, #tpu.memory_space<vmem>>, vector<16xf32>,
    %swap3A_60 = arith.constant 1 : i32
    %swap3A_61 = arith.index_cast %swap3A_60 : i32 to index
    %swap3A_62 = arith.constant 80 : index
    %swap3A_63 = tpu.vector_load %arg25[%swap3A_61, %swap3A_62] {strides = array<i32>} : memref<2x128xf32, #tpu.memory_space<vmem>>, vector<16xf32>,
    tpu.vector_store %arg25[%swap3A_61, %swap3A_62], %broadcast_in_dim3A_3 {strides = array<i32>} : memref<2x128xf32, #tpu.memory_space<vmem>>, vector<16xf32>,
    %swap3A_64 = arith.constant 1 : i32
    %swap3A_65 = arith.index_cast %swap3A_64 : i32 to index
    %swap3A_66 = arith.constant 96 : index
    %swap3A_67 = tpu.vector_load %arg25[%swap3A_65, %swap3A_66] {strides = array<i32>} : memref<2x128xf32, #tpu.memory_space<vmem>>, vector<16xf32>,
    tpu.vector_store %arg25[%swap3A_65, %swap3A_66], %broadcast_in_dim3A_3 {strides = array<i32>} : memref<2x128xf32, #tpu.memory_space<vmem>>, vector<16xf32>,
    %swap3A_68 = arith.constant 1 : i32
    %swap3A_69 = arith.index_cast %swap3A_68 : i32 to index
    %swap3A_70 = arith.constant 112 : index
    %swap3A_71 = tpu.vector_load %arg25[%swap3A_69, %swap3A_70] {strides = array<i32>} : memref<2x128xf32, #tpu.memory_space<vmem>>, vector<16xf32>,
    tpu.vector_store %arg25[%swap3A_69, %swap3A_70], %broadcast_in_dim3A_3 {strides = array<i32>} : memref<2x128xf32, #tpu.memory_space<vmem>>, vector<16xf32>,
    %get3A_72 = arith.constant 0 : index
    %get3A_73 = tpu.vector_load %arg5[%get3A_72] {strides = array<i32>} : memref<6416xi32, #tpu.memory_space<vmem>>, vector<16xi32>,
    %mul3A_74 = arith.constant 3 : i32
    %mul3A_75 = vector.broadcast %mul3A_74 : i32 to vector<16xi32>
    %mul3A_76 = arith.muli %get3A_73, %mul3A_75 : vector<16xi32>
    %sub3A = arith.constant 3 : i32
    %sub3A_77 = vector.broadcast %sub3A : i32 to vector<16xi32>
    %sub3A_78 = arith.subi %mul3A_76, %sub3A_77 : vector<16xi32>
    %jit3A = arith.constant 0 : i32
    %jit3A_79 = arith.constant 299994 : i32
    %max3A = vector.broadcast %jit3A : i32 to vector<16xi32>
    %max3A_80 = arith.maxsi %max3A, %sub3A_78 : vector<16xi32>
    %min3A = vector.broadcast %jit3A_79 : i32 to vector<16xi32>
    %min3A_81 = arith.minsi %min3A, %max3A_80 : vector<16xi32>
    %add3A_82 = arith.constant 0 : i32
    %add3A_83 = vector.broadcast %add3A_82 : i32 to vector<16xi32>
    %add3A_84 = arith.addi %min3A_81, %add3A_83 : vector<16xi32>
    %swap3A_85 = arith.constant 0 : index
    %swap3A_86 = tpu.vector_load %arg6[%swap3A_85] {strides = array<i32>} : memref<112xi32, #tpu.memory_space<vmem>>, vector<16xi32>,
    tpu.vector_store %arg6[%swap3A_85], %add3A_84 {strides = array<i32>} : memref<112xi32, #tpu.memory_space<vmem>>, vector<16xi32>,
    %add3A_87 = arith.constant 1 : i32
    %add3A_88 = vector.broadcast %add3A_87 : i32 to vector<16xi32>
    %add3A_89 = arith.addi %min3A_81, %add3A_88 : vector<16xi32>
    %swap3A_90 = arith.constant 0 : index
    %swap3A_91 = tpu.vector_load %arg8[%swap3A_90] {strides = array<i32>} : memref<112xi32, #tpu.memory_space<vmem>>, vector<16xi32>,
    tpu.vector_store %arg8[%swap3A_90], %add3A_89 {strides = array<i32>} : memref<112xi32, #tpu.memory_space<vmem>>, vector<16xi32>,
    %add3A_92 = arith.constant 2 : i32
    %add3A_93 = vector.broadcast %add3A_92 : i32 to vector<16xi32>
    %add3A_94 = arith.addi %min3A_81, %add3A_93 : vector<16xi32>
    %swap3A_95 = arith.constant 0 : index
    %swap3A_96 = tpu.vector_load %arg10[%swap3A_95] {strides = array<i32>} : memref<112xi32, #tpu.memory_space<vmem>>, vector<16xi32>,
    tpu.vector_store %arg10[%swap3A_95], %add3A_94 {strides = array<i32>} : memref<112xi32, #tpu.memory_space<vmem>>, vector<16xi32>,
    %ne3A = arith.constant 0 : i32
    %ne3A_97 = vector.broadcast %ne3A : i32 to vector<16xi32>
    %ne3A_98 = arith.cmpi ne, %get3A_73, %ne3A_97 : vector<16xi32>
    %jit3A_99 = arith.constant 1.000000e+00 : f32
    %jit3A_100 = arith.constant 0.000000e+00 : f32
    %broadcast_in_dim3A_101 = vector.broadcast %jit3A_99 : f32 to vector<16xf32>
    %broadcast_in_dim3A_102 = vector.broadcast %jit3A_100 : f32 to vector<16xf32>
    %select_n3A = arith.select %ne3A_98, %broadcast_in_dim3A_101, %broadcast_in_dim3A_102 : vector<16xi1>, vector<16xf32>
    %swap3A_103 = arith.constant 0 : i32
    %swap3A_104 = arith.index_cast %swap3A_103 : i32 to index
    %swap3A_105 = arith.constant 0 : index
    %swap3A_106 = tpu.vector_load %arg25[%swap3A_104, %swap3A_105] {strides = array<i32>} : memref<2x128xf32, #tpu.memory_space<vmem>>, vector<16xf32>,
    tpu.vector_store %arg25[%swap3A_104, %swap3A_105], %select_n3A {strides = array<i32>} : memref<2x128xf32, #tpu.memory_space<vmem>>, vector<16xf32>,
    %get3A_107 = arith.constant 16 : index
    %get3A_108 = tpu.vector_load %arg5[%get3A_107] {strides = array<i32>} : memref<6416xi32, #tpu.memory_space<vmem>>, vector<16xi32>,
    %mul3A_109 = arith.constant 3 : i32
    %mul3A_110 = vector.broadcast %mul3A_109 : i32 to vector<16xi32>
    %mul3A_111 = arith.muli %get3A_108, %mul3A_110 : vector<16xi32>
    %sub3A_112 = arith.constant 3 : i32
    %sub3A_113 = vector.broadcast %sub3A_112 : i32 to vector<16xi32>
    %sub3A_114 = arith.subi %mul3A_111, %sub3A_113 : vector<16xi32>
    %jit3A_115 = arith.constant 0 : i32
    %jit3A_116 = arith.constant 299994 : i32
    %max3A_117 = vector.broadcast %jit3A_115 : i32 to vector<16xi32>
    %max3A_118 = arith.maxsi %max3A_117, %sub3A_114 : vector<16xi32>
    %min3A_119 = vector.broadcast %jit3A_116 : i32 to vector<16xi32>
    %min3A_120 = arith.minsi %min3A_119, %max3A_118 : vector<16xi32>
    %add3A_121 = arith.constant 0 : i32
    %add3A_122 = vector.broadcast %add3A_121 : i32 to vector<16xi32>
    %add3A_123 = arith.addi %min3A_120, %add3A_122 : vector<16xi32>
    %swap3A_124 = arith.constant 16 : index
    %swap3A_125 = tpu.vector_load %arg6[%swap3A_124] {strides = array<i32>} : memref<112xi32, #tpu.memory_space<vmem>>, vector<16xi32>,
    tpu.vector_store %arg6[%swap3A_124], %add3A_123 {strides = array<i32>} : memref<112xi32, #tpu.memory_space<vmem>>, vector<16xi32>,
    %add3A_126 = arith.constant 1 : i32
    %add3A_127 = vector.broadcast %add3A_126 : i32 to vector<16xi32>
    %add3A_128 = arith.addi %min3A_120, %add3A_127 : vector<16xi32>
    %swap3A_129 = arith.constant 16 : index
    %swap3A_130 = tpu.vector_load %arg8[%swap3A_129] {strides = array<i32>} : memref<112xi32, #tpu.memory_space<vmem>>, vector<16xi32>,
    tpu.vector_store %arg8[%swap3A_129], %add3A_128 {strides = array<i32>} : memref<112xi32, #tpu.memory_space<vmem>>, vector<16xi32>,
    %add3A_131 = arith.constant 2 : i32
    %add3A_132 = vector.broadcast %add3A_131 : i32 to vector<16xi32>
    %add3A_133 = arith.addi %min3A_120, %add3A_132 : vector<16xi32>
    %swap3A_134 = arith.constant 16 : index
    %swap3A_135 = tpu.vector_load %arg10[%swap3A_134] {strides = array<i32>} : memref<112xi32, #tpu.memory_space<vmem>>, vector<16xi32>,
    tpu.vector_store %arg10[%swap3A_134], %add3A_133 {strides = array<i32>} : memref<112xi32, #tpu.memory_space<vmem>>, vector<16xi32>,
    %ne3A_136 = arith.constant 0 : i32
    %ne3A_137 = vector.broadcast %ne3A_136 : i32 to vector<16xi32>
    %ne3A_138 = arith.cmpi ne, %get3A_108, %ne3A_137 : vector<16xi32>
    %jit3A_139 = arith.constant 1.000000e+00 : f32
    %jit3A_140 = arith.constant 0.000000e+00 : f32
    %broadcast_in_dim3A_141 = vector.broadcast %jit3A_139 : f32 to vector<16xf32>
    %broadcast_in_dim3A_142 = vector.broadcast %jit3A_140 : f32 to vector<16xf32>
    %select_n3A_143 = arith.select %ne3A_138, %broadcast_in_dim3A_141, %broadcast_in_dim3A_142 : vector<16xi1>, vector<16xf32>
    %swap3A_144 = arith.constant 0 : i32
    %swap3A_145 = arith.index_cast %swap3A_144 : i32 to index
    %swap3A_146 = arith.constant 16 : index
    %swap3A_147 = tpu.vector_load %arg25[%swap3A_145, %swap3A_146] {strides = array<i32>} : memref<2x128xf32, #tpu.memory_space<vmem>>, vector<16xf32>,
    tpu.vector_store %arg25[%swap3A_145, %swap3A_146], %select_n3A_143 {strides = array<i32>} : memref<2x128xf32, #tpu.memory_space<vmem>>, vector<16xf32>,
    %get3A_148 = arith.constant 32 : index
    %get3A_149 = tpu.vector_load %arg5[%get3A_148] {strides = array<i32>} : memref<6416xi32, #tpu.memory_space<vmem>>, vector<16xi32>,
    %mul3A_150 = arith.constant 3 : i32
    %mul3A_151 = vector.broadcast %mul3A_150 : i32 to vector<16xi32>
    %mul3A_152 = arith.muli %get3A_149, %mul3A_151 : vector<16xi32>
    %sub3A_153 = arith.constant 3 : i32
    %sub3A_154 = vector.broadcast %sub3A_153 : i32 to vector<16xi32>
    %sub3A_155 = arith.subi %mul3A_152, %sub3A_154 : vector<16xi32>
    %jit3A_156 = arith.constant 0 : i32
    %jit3A_157 = arith.constant 299994 : i32
    %max3A_158 = vector.broadcast %jit3A_156 : i32 to vector<16xi32>
    %max3A_159 = arith.maxsi %max3A_158, %sub3A_155 : vector<16xi32>
    %min3A_160 = vector.broadcast %jit3A_157 : i32 to vector<16xi32>
    %min3A_161 = arith.minsi %min3A_160, %max3A_159 : vector<16xi32>
    %add3A_162 = arith.constant 0 : i32
    %add3A_163 = vector.broadcast %add3A_162 : i32 to vector<16xi32>
    %add3A_164 = arith.addi %min3A_161, %add3A_163 : vector<16xi32>
    %swap3A_165 = arith.constant 32 : index
    %swap3A_166 = tpu.vector_load %arg6[%swap3A_165] {strides = array<i32>} : memref<112xi32, #tpu.memory_space<vmem>>, vector<16xi32>,
    tpu.vector_store %arg6[%swap3A_165], %add3A_164 {strides = array<i32>} : memref<112xi32, #tpu.memory_space<vmem>>, vector<16xi32>,
    %add3A_167 = arith.constant 1 : i32
    %add3A_168 = vector.broadcast %add3A_167 : i32 to vector<16xi32>
    %add3A_169 = arith.addi %min3A_161, %add3A_168 : vector<16xi32>
    %swap3A_170 = arith.constant 32 : index
    %swap3A_171 = tpu.vector_load %arg8[%swap3A_170] {strides = array<i32>} : memref<112xi32, #tpu.memory_space<vmem>>, vector<16xi32>,
    tpu.vector_store %arg8[%swap3A_170], %add3A_169 {strides = array<i32>} : memref<112xi32, #tpu.memory_space<vmem>>, vector<16xi32>,
    %add3A_172 = arith.constant 2 : i32
    %add3A_173 = vector.broadcast %add3A_172 : i32 to vector<16xi32>
    %add3A_174 = arith.addi %min3A_161, %add3A_173 : vector<16xi32>
    %swap3A_175 = arith.constant 32 : index
    %swap3A_176 = tpu.vector_load %arg10[%swap3A_175] {strides = array<i32>} : memref<112xi32, #tpu.memory_space<vmem>>, vector<16xi32>,
    tpu.vector_store %arg10[%swap3A_175], %add3A_174 {strides = array<i32>} : memref<112xi32, #tpu.memory_space<vmem>>, vector<16xi32>,
    %ne3A_177 = arith.constant 0 : i32
    %ne3A_178 = vector.broadcast %ne3A_177 : i32 to vector<16xi32>
    %ne3A_179 = arith.cmpi ne, %get3A_149, %ne3A_178 : vector<16xi32>
    %jit3A_180 = arith.constant 1.000000e+00 : f32
    %jit3A_181 = arith.constant 0.000000e+00 : f32
    %broadcast_in_dim3A_182 = vector.broadcast %jit3A_180 : f32 to vector<16xf32>
    %broadcast_in_dim3A_183 = vector.broadcast %jit3A_181 : f32 to vector<16xf32>
    %select_n3A_184 = arith.select %ne3A_179, %broadcast_in_dim3A_182, %broadcast_in_dim3A_183 : vector<16xi1>, vector<16xf32>
    %swap3A_185 = arith.constant 0 : i32
    %swap3A_186 = arith.index_cast %swap3A_185 : i32 to index
    %swap3A_187 = arith.constant 32 : index
    %swap3A_188 = tpu.vector_load %arg25[%swap3A_186, %swap3A_187] {strides = array<i32>} : memref<2x128xf32, #tpu.memory_space<vmem>>, vector<16xf32>,
    tpu.vector_store %arg25[%swap3A_186, %swap3A_187], %select_n3A_184 {strides = array<i32>} : memref<2x128xf32, #tpu.memory_space<vmem>>, vector<16xf32>,
    %get3A_189 = arith.constant 48 : index
    %get3A_190 = tpu.vector_load %arg5[%get3A_189] {strides = array<i32>} : memref<6416xi32, #tpu.memory_space<vmem>>, vector<16xi32>,
    %mul3A_191 = arith.constant 3 : i32
    %mul3A_192 = vector.broadcast %mul3A_191 : i32 to vector<16xi32>
    %mul3A_193 = arith.muli %get3A_190, %mul3A_192 : vector<16xi32>
    %sub3A_194 = arith.constant 3 : i32
    %sub3A_195 = vector.broadcast %sub3A_194 : i32 to vector<16xi32>
    %sub3A_196 = arith.subi %mul3A_193, %sub3A_195 : vector<16xi32>
    %jit3A_197 = arith.constant 0 : i32
    %jit3A_198 = arith.constant 299994 : i32
    %max3A_199 = vector.broadcast %jit3A_197 : i32 to vector<16xi32>
    %max3A_200 = arith.maxsi %max3A_199, %sub3A_196 : vector<16xi32>
    %min3A_201 = vector.broadcast %jit3A_198 : i32 to vector<16xi32>
    %min3A_202 = arith.minsi %min3A_201, %max3A_200 : vector<16xi32>
    %add3A_203 = arith.constant 0 : i32
    %add3A_204 = vector.broadcast %add3A_203 : i32 to vector<16xi32>
    %add3A_205 = arith.addi %min3A_202, %add3A_204 : vector<16xi32>
    %swap3A_206 = arith.constant 48 : index
    %swap3A_207 = tpu.vector_load %arg6[%swap3A_206] {strides = array<i32>} : memref<112xi32, #tpu.memory_space<vmem>>, vector<16xi32>,
    tpu.vector_store %arg6[%swap3A_206], %add3A_205 {strides = array<i32>} : memref<112xi32, #tpu.memory_space<vmem>>, vector<16xi32>,
    %add3A_208 = arith.constant 1 : i32
    %add3A_209 = vector.broadcast %add3A_208 : i32 to vector<16xi32>
    %add3A_210 = arith.addi %min3A_202, %add3A_209 : vector<16xi32>
    %swap3A_211 = arith.constant 48 : index
    %swap3A_212 = tpu.vector_load %arg8[%swap3A_211] {strides = array<i32>} : memref<112xi32, #tpu.memory_space<vmem>>, vector<16xi32>,
    tpu.vector_store %arg8[%swap3A_211], %add3A_210 {strides = array<i32>} : memref<112xi32, #tpu.memory_space<vmem>>, vector<16xi32>,
    %add3A_213 = arith.constant 2 : i32
    %add3A_214 = vector.broadcast %add3A_213 : i32 to vector<16xi32>
    %add3A_215 = arith.addi %min3A_202, %add3A_214 : vector<16xi32>
    %swap3A_216 = arith.constant 48 : index
    %swap3A_217 = tpu.vector_load %arg10[%swap3A_216] {strides = array<i32>} : memref<112xi32, #tpu.memory_space<vmem>>, vector<16xi32>,
    tpu.vector_store %arg10[%swap3A_216], %add3A_215 {strides = array<i32>} : memref<112xi32, #tpu.memory_space<vmem>>, vector<16xi32>,
    %ne3A_218 = arith.constant 0 : i32
    %ne3A_219 = vector.broadcast %ne3A_218 : i32 to vector<16xi32>
    %ne3A_220 = arith.cmpi ne, %get3A_190, %ne3A_219 : vector<16xi32>
    %jit3A_221 = arith.constant 1.000000e+00 : f32
    %jit3A_222 = arith.constant 0.000000e+00 : f32
    %broadcast_in_dim3A_223 = vector.broadcast %jit3A_221 : f32 to vector<16xf32>
    %broadcast_in_dim3A_224 = vector.broadcast %jit3A_222 : f32 to vector<16xf32>
    %select_n3A_225 = arith.select %ne3A_220, %broadcast_in_dim3A_223, %broadcast_in_dim3A_224 : vector<16xi1>, vector<16xf32>
    %swap3A_226 = arith.constant 0 : i32
    %swap3A_227 = arith.index_cast %swap3A_226 : i32 to index
    %swap3A_228 = arith.constant 48 : index
    %swap3A_229 = tpu.vector_load %arg25[%swap3A_227, %swap3A_228] {strides = array<i32>} : memref<2x128xf32, #tpu.memory_space<vmem>>, vector<16xf32>,
    tpu.vector_store %arg25[%swap3A_227, %swap3A_228], %select_n3A_225 {strides = array<i32>} : memref<2x128xf32, #tpu.memory_space<vmem>>, vector<16xf32>,
    %get3A_230 = arith.constant 64 : index
    %get3A_231 = tpu.vector_load %arg5[%get3A_230] {strides = array<i32>} : memref<6416xi32, #tpu.memory_space<vmem>>, vector<16xi32>,
    %mul3A_232 = arith.constant 3 : i32
    %mul3A_233 = vector.broadcast %mul3A_232 : i32 to vector<16xi32>
    %mul3A_234 = arith.muli %get3A_231, %mul3A_233 : vector<16xi32>
    %sub3A_235 = arith.constant 3 : i32
    %sub3A_236 = vector.broadcast %sub3A_235 : i32 to vector<16xi32>
    %sub3A_237 = arith.subi %mul3A_234, %sub3A_236 : vector<16xi32>
    %jit3A_238 = arith.constant 0 : i32
    %jit3A_239 = arith.constant 299994 : i32
    %max3A_240 = vector.broadcast %jit3A_238 : i32 to vector<16xi32>
    %max3A_241 = arith.maxsi %max3A_240, %sub3A_237 : vector<16xi32>
    %min3A_242 = vector.broadcast %jit3A_239 : i32 to vector<16xi32>
    %min3A_243 = arith.minsi %min3A_242, %max3A_241 : vector<16xi32>
    %add3A_244 = arith.constant 0 : i32
    %add3A_245 = vector.broadcast %add3A_244 : i32 to vector<16xi32>
    %add3A_246 = arith.addi %min3A_243, %add3A_245 : vector<16xi32>
    %swap3A_247 = arith.constant 64 : index
    %swap3A_248 = tpu.vector_load %arg6[%swap3A_247] {strides = array<i32>} : memref<112xi32, #tpu.memory_space<vmem>>, vector<16xi32>,
    tpu.vector_store %arg6[%swap3A_247], %add3A_246 {strides = array<i32>} : memref<112xi32, #tpu.memory_space<vmem>>, vector<16xi32>,
    %add3A_249 = arith.constant 1 : i32
    %add3A_250 = vector.broadcast %add3A_249 : i32 to vector<16xi32>
    %add3A_251 = arith.addi %min3A_243, %add3A_250 : vector<16xi32>
    %swap3A_252 = arith.constant 64 : index
    %swap3A_253 = tpu.vector_load %arg8[%swap3A_252] {strides = array<i32>} : memref<112xi32, #tpu.memory_space<vmem>>, vector<16xi32>,
    tpu.vector_store %arg8[%swap3A_252], %add3A_251 {strides = array<i32>} : memref<112xi32, #tpu.memory_space<vmem>>, vector<16xi32>,
    %add3A_254 = arith.constant 2 : i32
    %add3A_255 = vector.broadcast %add3A_254 : i32 to vector<16xi32>
    %add3A_256 = arith.addi %min3A_243, %add3A_255 : vector<16xi32>
    %swap3A_257 = arith.constant 64 : index
    %swap3A_258 = tpu.vector_load %arg10[%swap3A_257] {strides = array<i32>} : memref<112xi32, #tpu.memory_space<vmem>>, vector<16xi32>,
    tpu.vector_store %arg10[%swap3A_257], %add3A_256 {strides = array<i32>} : memref<112xi32, #tpu.memory_space<vmem>>, vector<16xi32>,
    %ne3A_259 = arith.constant 0 : i32
    %ne3A_260 = vector.broadcast %ne3A_259 : i32 to vector<16xi32>
    %ne3A_261 = arith.cmpi ne, %get3A_231, %ne3A_260 : vector<16xi32>
    %jit3A_262 = arith.constant 1.000000e+00 : f32
    %jit3A_263 = arith.constant 0.000000e+00 : f32
    %broadcast_in_dim3A_264 = vector.broadcast %jit3A_262 : f32 to vector<16xf32>
    %broadcast_in_dim3A_265 = vector.broadcast %jit3A_263 : f32 to vector<16xf32>
    %select_n3A_266 = arith.select %ne3A_261, %broadcast_in_dim3A_264, %broadcast_in_dim3A_265 : vector<16xi1>, vector<16xf32>
    %swap3A_267 = arith.constant 0 : i32
    %swap3A_268 = arith.index_cast %swap3A_267 : i32 to index
    %swap3A_269 = arith.constant 64 : index
    %swap3A_270 = tpu.vector_load %arg25[%swap3A_268, %swap3A_269] {strides = array<i32>} : memref<2x128xf32, #tpu.memory_space<vmem>>, vector<16xf32>,
    tpu.vector_store %arg25[%swap3A_268, %swap3A_269], %select_n3A_266 {strides = array<i32>} : memref<2x128xf32, #tpu.memory_space<vmem>>, vector<16xf32>,
    %get3A_271 = arith.constant 80 : index
    %get3A_272 = tpu.vector_load %arg5[%get3A_271] {strides = array<i32>} : memref<6416xi32, #tpu.memory_space<vmem>>, vector<16xi32>,
    %mul3A_273 = arith.constant 3 : i32
    %mul3A_274 = vector.broadcast %mul3A_273 : i32 to vector<16xi32>
    %mul3A_275 = arith.muli %get3A_272, %mul3A_274 : vector<16xi32>
    %sub3A_276 = arith.constant 3 : i32
    %sub3A_277 = vector.broadcast %sub3A_276 : i32 to vector<16xi32>
    %sub3A_278 = arith.subi %mul3A_275, %sub3A_277 : vector<16xi32>
    %jit3A_279 = arith.constant 0 : i32
    %jit3A_280 = arith.constant 299994 : i32
    %max3A_281 = vector.broadcast %jit3A_279 : i32 to vector<16xi32>
    %max3A_282 = arith.maxsi %max3A_281, %sub3A_278 : vector<16xi32>
    %min3A_283 = vector.broadcast %jit3A_280 : i32 to vector<16xi32>
    %min3A_284 = arith.minsi %min3A_283, %max3A_282 : vector<16xi32>
    %add3A_285 = arith.constant 0 : i32
    %add3A_286 = vector.broadcast %add3A_285 : i32 to vector<16xi32>
    %add3A_287 = arith.addi %min3A_284, %add3A_286 : vector<16xi32>
    %swap3A_288 = arith.constant 80 : index
    %swap3A_289 = tpu.vector_load %arg6[%swap3A_288] {strides = array<i32>} : memref<112xi32, #tpu.memory_space<vmem>>, vector<16xi32>,
    tpu.vector_store %arg6[%swap3A_288], %add3A_287 {strides = array<i32>} : memref<112xi32, #tpu.memory_space<vmem>>, vector<16xi32>,
    %add3A_290 = arith.constant 1 : i32
    %add3A_291 = vector.broadcast %add3A_290 : i32 to vector<16xi32>
    %add3A_292 = arith.addi %min3A_284, %add3A_291 : vector<16xi32>
    %swap3A_293 = arith.constant 80 : index
    %swap3A_294 = tpu.vector_load %arg8[%swap3A_293] {strides = array<i32>} : memref<112xi32, #tpu.memory_space<vmem>>, vector<16xi32>,
    tpu.vector_store %arg8[%swap3A_293], %add3A_292 {strides = array<i32>} : memref<112xi32, #tpu.memory_space<vmem>>, vector<16xi32>,
    %add3A_295 = arith.constant 2 : i32
    %add3A_296 = vector.broadcast %add3A_295 : i32 to vector<16xi32>
    %add3A_297 = arith.addi %min3A_284, %add3A_296 : vector<16xi32>
    %swap3A_298 = arith.constant 80 : index
    %swap3A_299 = tpu.vector_load %arg10[%swap3A_298] {strides = array<i32>} : memref<112xi32, #tpu.memory_space<vmem>>, vector<16xi32>,
    tpu.vector_store %arg10[%swap3A_298], %add3A_297 {strides = array<i32>} : memref<112xi32, #tpu.memory_space<vmem>>, vector<16xi32>,
    %ne3A_300 = arith.constant 0 : i32
    %ne3A_301 = vector.broadcast %ne3A_300 : i32 to vector<16xi32>
    %ne3A_302 = arith.cmpi ne, %get3A_272, %ne3A_301 : vector<16xi32>
    %jit3A_303 = arith.constant 1.000000e+00 : f32
    %jit3A_304 = arith.constant 0.000000e+00 : f32
    %broadcast_in_dim3A_305 = vector.broadcast %jit3A_303 : f32 to vector<16xf32>
    %broadcast_in_dim3A_306 = vector.broadcast %jit3A_304 : f32 to vector<16xf32>
    %select_n3A_307 = arith.select %ne3A_302, %broadcast_in_dim3A_305, %broadcast_in_dim3A_306 : vector<16xi1>, vector<16xf32>
    %swap3A_308 = arith.constant 0 : i32
    %swap3A_309 = arith.index_cast %swap3A_308 : i32 to index
    %swap3A_310 = arith.constant 80 : index
    %swap3A_311 = tpu.vector_load %arg25[%swap3A_309, %swap3A_310] {strides = array<i32>} : memref<2x128xf32, #tpu.memory_space<vmem>>, vector<16xf32>,
    tpu.vector_store %arg25[%swap3A_309, %swap3A_310], %select_n3A_307 {strides = array<i32>} : memref<2x128xf32, #tpu.memory_space<vmem>>, vector<16xf32>,
    %get3A_312 = arith.constant 96 : index
    %get3A_313 = tpu.vector_load %arg5[%get3A_312] {strides = array<i32>} : memref<6416xi32, #tpu.memory_space<vmem>>, vector<16xi32>,
    %mul3A_314 = arith.constant 3 : i32
    %mul3A_315 = vector.broadcast %mul3A_314 : i32 to vector<16xi32>
    %mul3A_316 = arith.muli %get3A_313, %mul3A_315 : vector<16xi32>
    %sub3A_317 = arith.constant 3 : i32
    %sub3A_318 = vector.broadcast %sub3A_317 : i32 to vector<16xi32>
    %sub3A_319 = arith.subi %mul3A_316, %sub3A_318 : vector<16xi32>
    %jit3A_320 = arith.constant 0 : i32
    %jit3A_321 = arith.constant 299994 : i32
    %max3A_322 = vector.broadcast %jit3A_320 : i32 to vector<16xi32>
    %max3A_323 = arith.maxsi %max3A_322, %sub3A_319 : vector<16xi32>
    %min3A_324 = vector.broadcast %jit3A_321 : i32 to vector<16xi32>
    %min3A_325 = arith.minsi %min3A_324, %max3A_323 : vector<16xi32>
    %add3A_326 = arith.constant 0 : i32
    %add3A_327 = vector.broadcast %add3A_326 : i32 to vector<16xi32>
    %add3A_328 = arith.addi %min3A_325, %add3A_327 : vector<16xi32>
    %swap3A_329 = arith.constant 96 : index
    %swap3A_330 = tpu.vector_load %arg6[%swap3A_329] {strides = array<i32>} : memref<112xi32, #tpu.memory_space<vmem>>, vector<16xi32>,
    tpu.vector_store %arg6[%swap3A_329], %add3A_328 {strides = array<i32>} : memref<112xi32, #tpu.memory_space<vmem>>, vector<16xi32>,
    %add3A_331 = arith.constant 1 : i32
    %add3A_332 = vector.broadcast %add3A_331 : i32 to vector<16xi32>
    %add3A_333 = arith.addi %min3A_325, %add3A_332 : vector<16xi32>
    %swap3A_334 = arith.constant 96 : index
    %swap3A_335 = tpu.vector_load %arg8[%swap3A_334] {strides = array<i32>} : memref<112xi32, #tpu.memory_space<vmem>>, vector<16xi32>,
    tpu.vector_store %arg8[%swap3A_334], %add3A_333 {strides = array<i32>} : memref<112xi32, #tpu.memory_space<vmem>>, vector<16xi32>,
    %add3A_336 = arith.constant 2 : i32
    %add3A_337 = vector.broadcast %add3A_336 : i32 to vector<16xi32>
    %add3A_338 = arith.addi %min3A_325, %add3A_337 : vector<16xi32>
    %swap3A_339 = arith.constant 96 : index
    %swap3A_340 = tpu.vector_load %arg10[%swap3A_339] {strides = array<i32>} : memref<112xi32, #tpu.memory_space<vmem>>, vector<16xi32>,
    tpu.vector_store %arg10[%swap3A_339], %add3A_338 {strides = array<i32>} : memref<112xi32, #tpu.memory_space<vmem>>, vector<16xi32>,
    %ne3A_341 = arith.constant 0 : i32
    %ne3A_342 = vector.broadcast %ne3A_341 : i32 to vector<16xi32>
    %ne3A_343 = arith.cmpi ne, %get3A_313, %ne3A_342 : vector<16xi32>
    %jit3A_344 = arith.constant 1.000000e+00 : f32
    %jit3A_345 = arith.constant 0.000000e+00 : f32
    %broadcast_in_dim3A_346 = vector.broadcast %jit3A_344 : f32 to vector<16xf32>
    %broadcast_in_dim3A_347 = vector.broadcast %jit3A_345 : f32 to vector<16xf32>
    %select_n3A_348 = arith.select %ne3A_343, %broadcast_in_dim3A_346, %broadcast_in_dim3A_347 : vector<16xi1>, vector<16xf32>
    %swap3A_349 = arith.constant 0 : i32
    %swap3A_350 = arith.index_cast %swap3A_349 : i32 to index
    %swap3A_351 = arith.constant 96 : index
    %swap3A_352 = tpu.vector_load %arg25[%swap3A_350, %swap3A_351] {strides = array<i32>} : memref<2x128xf32, #tpu.memory_space<vmem>>, vector<16xf32>,
    tpu.vector_store %arg25[%swap3A_350, %swap3A_351], %select_n3A_348 {strides = array<i32>} : memref<2x128xf32, #tpu.memory_space<vmem>>, vector<16xf32>,
    %get3A_353 = arith.constant 112 : index
    %get3A_354 = tpu.vector_load %arg5[%get3A_353] {strides = array<i32>} : memref<6416xi32, #tpu.memory_space<vmem>>, vector<16xi32>,
    %mul3A_355 = arith.constant 3 : i32
    %mul3A_356 = vector.broadcast %mul3A_355 : i32 to vector<16xi32>
    %mul3A_357 = arith.muli %get3A_354, %mul3A_356 : vector<16xi32>
    %sub3A_358 = arith.constant 3 : i32
    %sub3A_359 = vector.broadcast %sub3A_358 : i32 to vector<16xi32>
    %sub3A_360 = arith.subi %mul3A_357, %sub3A_359 : vector<16xi32>
    %jit3A_361 = arith.constant 0 : i32
    %jit3A_362 = arith.constant 299994 : i32
    %max3A_363 = vector.broadcast %jit3A_361 : i32 to vector<16xi32>
    %max3A_364 = arith.maxsi %max3A_363, %sub3A_360 : vector<16xi32>
    %min3A_365 = vector.broadcast %jit3A_362 : i32 to vector<16xi32>
    %min3A_366 = arith.minsi %min3A_365, %max3A_364 : vector<16xi32>
    %add3A_367 = arith.constant 0 : i32
    %add3A_368 = vector.broadcast %add3A_367 : i32 to vector<16xi32>
    %add3A_369 = arith.addi %min3A_366, %add3A_368 : vector<16xi32>
    %swap3A_370 = arith.constant 0 : index
    %swap3A_371 = tpu.vector_load %arg7[%swap3A_370] {strides = array<i32>} : memref<96xi32, #tpu.memory_space<vmem>>, vector<16xi32>,
    tpu.vector_store %arg7[%swap3A_370], %add3A_369 {strides = array<i32>} : memref<96xi32, #tpu.memory_space<vmem>>, vector<16xi32>,
    %add3A_372 = arith.constant 1 : i32
    %add3A_373 = vector.broadcast %add3A_372 : i32 to vector<16xi32>
    %add3A_374 = arith.addi %min3A_366, %add3A_373 : vector<16xi32>
    %swap3A_375 = arith.constant 0 : index
    %swap3A_376 = tpu.vector_load %arg9[%swap3A_375] {strides = array<i32>} : memref<96xi32, #tpu.memory_space<vmem>>, vector<16xi32>,
    tpu.vector_store %arg9[%swap3A_375], %add3A_374 {strides = array<i32>} : memref<96xi32, #tpu.memory_space<vmem>>, vector<16xi32>,
    %add3A_377 = arith.constant 2 : i32
    %add3A_378 = vector.broadcast %add3A_377 : i32 to vector<16xi32>
    %add3A_379 = arith.addi %min3A_366, %add3A_378 : vector<16xi32>
    %swap3A_380 = arith.constant 0 : index
    %swap3A_381 = tpu.vector_load %arg11[%swap3A_380] {strides = array<i32>} : memref<96xi32, #tpu.memory_space<vmem>>, vector<16xi32>,
    tpu.vector_store %arg11[%swap3A_380], %add3A_379 {strides = array<i32>} : memref<96xi32, #tpu.memory_space<vmem>>, vector<16xi32>,
    %ne3A_382 = arith.constant 0 : i32
    %ne3A_383 = vector.broadcast %ne3A_382 : i32 to vector<16xi32>
    %ne3A_384 = arith.cmpi ne, %get3A_354, %ne3A_383 : vector<16xi32>
    %jit3A_385 = arith.constant 1.000000e+00 : f32
    %jit3A_386 = arith.constant 0.000000e+00 : f32
    %broadcast_in_dim3A_387 = vector.broadcast %jit3A_385 : f32 to vector<16xf32>
    %broadcast_in_dim3A_388 = vector.broadcast %jit3A_386 : f32 to vector<16xf32>
    %select_n3A_389 = arith.select %ne3A_384, %broadcast_in_dim3A_387, %broadcast_in_dim3A_388 : vector<16xi1>, vector<16xf32>
    %swap3A_390 = arith.constant 0 : i32
    %swap3A_391 = arith.index_cast %swap3A_390 : i32 to index
    %swap3A_392 = arith.constant 112 : index
    %swap3A_393 = tpu.vector_load %arg25[%swap3A_391, %swap3A_392] {strides = array<i32>} : memref<2x128xf32, #tpu.memory_space<vmem>>, vector<16xf32>,
    tpu.vector_store %arg25[%swap3A_391, %swap3A_392], %select_n3A_389 {strides = array<i32>} : memref<2x128xf32, #tpu.memory_space<vmem>>, vector<16xf32>,
    %get3A_394 = arith.constant 128 : index
    %get3A_395 = tpu.vector_load %arg5[%get3A_394] {strides = array<i32>} : memref<6416xi32, #tpu.memory_space<vmem>>, vector<16xi32>,
    %mul3A_396 = arith.constant 3 : i32
    %mul3A_397 = vector.broadcast %mul3A_396 : i32 to vector<16xi32>
    %mul3A_398 = arith.muli %get3A_395, %mul3A_397 : vector<16xi32>
    %sub3A_399 = arith.constant 3 : i32
    %sub3A_400 = vector.broadcast %sub3A_399 : i32 to vector<16xi32>
    %sub3A_401 = arith.subi %mul3A_398, %sub3A_400 : vector<16xi32>
    %jit3A_402 = arith.constant 0 : i32
    %jit3A_403 = arith.constant 299994 : i32
    %max3A_404 = vector.broadcast %jit3A_402 : i32 to vector<16xi32>
    %max3A_405 = arith.maxsi %max3A_404, %sub3A_401 : vector<16xi32>
    %min3A_406 = vector.broadcast %jit3A_403 : i32 to vector<16xi32>
    %min3A_407 = arith.minsi %min3A_406, %max3A_405 : vector<16xi32>
    %add3A_408 = arith.constant 0 : i32
    %add3A_409 = vector.broadcast %add3A_408 : i32 to vector<16xi32>
    %add3A_410 = arith.addi %min3A_407, %add3A_409 : vector<16xi32>
    %swap3A_411 = arith.constant 16 : index
    %swap3A_412 = tpu.vector_load %arg7[%swap3A_411] {strides = array<i32>} : memref<96xi32, #tpu.memory_space<vmem>>, vector<16xi32>,
    tpu.vector_store %arg7[%swap3A_411], %add3A_410 {strides = array<i32>} : memref<96xi32, #tpu.memory_space<vmem>>, vector<16xi32>,
    %add3A_413 = arith.constant 1 : i32
    %add3A_414 = vector.broadcast %add3A_413 : i32 to vector<16xi32>
    %add3A_415 = arith.addi %min3A_407, %add3A_414 : vector<16xi32>
    %swap3A_416 = arith.constant 16 : index
    %swap3A_417 = tpu.vector_load %arg9[%swap3A_416] {strides = array<i32>} : memref<96xi32, #tpu.memory_space<vmem>>, vector<16xi32>,
    tpu.vector_store %arg9[%swap3A_416], %add3A_415 {strides = array<i32>} : memref<96xi32, #tpu.memory_space<vmem>>, vector<16xi32>,
    %add3A_418 = arith.constant 2 : i32
    %add3A_419 = vector.broadcast %add3A_418 : i32 to vector<16xi32>
    %add3A_420 = arith.addi %min3A_407, %add3A_419 : vector<16xi32>
    %swap3A_421 = arith.constant 16 : index
    %swap3A_422 = tpu.vector_load %arg11[%swap3A_421] {strides = array<i32>} : memref<96xi32, #tpu.memory_space<vmem>>, vector<16xi32>,
    tpu.vector_store %arg11[%swap3A_421], %add3A_420 {strides = array<i32>} : memref<96xi32, #tpu.memory_space<vmem>>, vector<16xi32>,
    %ne3A_423 = arith.constant 0 : i32
    %ne3A_424 = vector.broadcast %ne3A_423 : i32 to vector<16xi32>
    %ne3A_425 = arith.cmpi ne, %get3A_395, %ne3A_424 : vector<16xi32>
    %jit3A_426 = arith.constant 1.000000e+00 : f32
    %jit3A_427 = arith.constant 0.000000e+00 : f32
    %broadcast_in_dim3A_428 = vector.broadcast %jit3A_426 : f32 to vector<16xf32>
    %broadcast_in_dim3A_429 = vector.broadcast %jit3A_427 : f32 to vector<16xf32>
    %select_n3A_430 = arith.select %ne3A_425, %broadcast_in_dim3A_428, %broadcast_in_dim3A_429 : vector<16xi1>, vector<16xf32>
    %swap3A_431 = arith.constant 1 : i32
    %swap3A_432 = arith.index_cast %swap3A_431 : i32 to index
    %swap3A_433 = arith.constant 0 : index
    %swap3A_434 = tpu.vector_load %arg25[%swap3A_432, %swap3A_433] {strides = array<i32>} : memref<2x128xf32, #tpu.memory_space<vmem>>, vector<16xf32>,
    tpu.vector_store %arg25[%swap3A_432, %swap3A_433], %select_n3A_430 {strides = array<i32>} : memref<2x128xf32, #tpu.memory_space<vmem>>, vector<16xf32>,
    %get3A_435 = arith.constant 144 : index
    %get3A_436 = tpu.vector_load %arg5[%get3A_435] {strides = array<i32>} : memref<6416xi32, #tpu.memory_space<vmem>>, vector<16xi32>,
    %mul3A_437 = arith.constant 3 : i32
    %mul3A_438 = vector.broadcast %mul3A_437 : i32 to vector<16xi32>
    %mul3A_439 = arith.muli %get3A_436, %mul3A_438 : vector<16xi32>
    %sub3A_440 = arith.constant 3 : i32
    %sub3A_441 = vector.broadcast %sub3A_440 : i32 to vector<16xi32>
    %sub3A_442 = arith.subi %mul3A_439, %sub3A_441 : vector<16xi32>
    %jit3A_443 = arith.constant 0 : i32
    %jit3A_444 = arith.constant 299994 : i32
    %max3A_445 = vector.broadcast %jit3A_443 : i32 to vector<16xi32>
    %max3A_446 = arith.maxsi %max3A_445, %sub3A_442 : vector<16xi32>
    %min3A_447 = vector.broadcast %jit3A_444 : i32 to vector<16xi32>
    %min3A_448 = arith.minsi %min3A_447, %max3A_446 : vector<16xi32>
    %add3A_449 = arith.constant 0 : i32
    %add3A_450 = vector.broadcast %add3A_449 : i32 to vector<16xi32>
    %add3A_451 = arith.addi %min3A_448, %add3A_450 : vector<16xi32>
    %swap3A_452 = arith.constant 32 : index
    %swap3A_453 = tpu.vector_load %arg7[%swap3A_452] {strides = array<i32>} : memref<96xi32, #tpu.memory_space<vmem>>, vector<16xi32>,
    tpu.vector_store %arg7[%swap3A_452], %add3A_451 {strides = array<i32>} : memref<96xi32, #tpu.memory_space<vmem>>, vector<16xi32>,
    %add3A_454 = arith.constant 1 : i32
    %add3A_455 = vector.broadcast %add3A_454 : i32 to vector<16xi32>
    %add3A_456 = arith.addi %min3A_448, %add3A_455 : vector<16xi32>
    %swap3A_457 = arith.constant 32 : index
    %swap3A_458 = tpu.vector_load %arg9[%swap3A_457] {strides = array<i32>} : memref<96xi32, #tpu.memory_space<vmem>>, vector<16xi32>,
    tpu.vector_store %arg9[%swap3A_457], %add3A_456 {strides = array<i32>} : memref<96xi32, #tpu.memory_space<vmem>>, vector<16xi32>,
    %add3A_459 = arith.constant 2 : i32
    %add3A_460 = vector.broadcast %add3A_459 : i32 to vector<16xi32>
    %add3A_461 = arith.addi %min3A_448, %add3A_460 : vector<16xi32>
    %swap3A_462 = arith.constant 32 : index
    %swap3A_463 = tpu.vector_load %arg11[%swap3A_462] {strides = array<i32>} : memref<96xi32, #tpu.memory_space<vmem>>, vector<16xi32>,
    tpu.vector_store %arg11[%swap3A_462], %add3A_461 {strides = array<i32>} : memref<96xi32, #tpu.memory_space<vmem>>, vector<16xi32>,
    %ne3A_464 = arith.constant 0 : i32
    %ne3A_465 = vector.broadcast %ne3A_464 : i32 to vector<16xi32>
    %ne3A_466 = arith.cmpi ne, %get3A_436, %ne3A_465 : vector<16xi32>
    %jit3A_467 = arith.constant 1.000000e+00 : f32
    %jit3A_468 = arith.constant 0.000000e+00 : f32
    %broadcast_in_dim3A_469 = vector.broadcast %jit3A_467 : f32 to vector<16xf32>
    %broadcast_in_dim3A_470 = vector.broadcast %jit3A_468 : f32 to vector<16xf32>
    %select_n3A_471 = arith.select %ne3A_466, %broadcast_in_dim3A_469, %broadcast_in_dim3A_470 : vector<16xi1>, vector<16xf32>
    %swap3A_472 = arith.constant 1 : i32
    %swap3A_473 = arith.index_cast %swap3A_472 : i32 to index
    %swap3A_474 = arith.constant 16 : index
    %swap3A_475 = tpu.vector_load %arg25[%swap3A_473, %swap3A_474] {strides = array<i32>} : memref<2x128xf32, #tpu.memory_space<vmem>>, vector<16xf32>,
    tpu.vector_store %arg25[%swap3A_473, %swap3A_474], %select_n3A_471 {strides = array<i32>} : memref<2x128xf32, #tpu.memory_space<vmem>>, vector<16xf32>,
    %get3A_476 = arith.constant 160 : index
    %get3A_477 = tpu.vector_load %arg5[%get3A_476] {strides = array<i32>} : memref<6416xi32, #tpu.memory_space<vmem>>, vector<16xi32>,
    %mul3A_478 = arith.constant 3 : i32
    %mul3A_479 = vector.broadcast %mul3A_478 : i32 to vector<16xi32>
    %mul3A_480 = arith.muli %get3A_477, %mul3A_479 : vector<16xi32>
    %sub3A_481 = arith.constant 3 : i32
    %sub3A_482 = vector.broadcast %sub3A_481 : i32 to vector<16xi32>
    %sub3A_483 = arith.subi %mul3A_480, %sub3A_482 : vector<16xi32>
    %jit3A_484 = arith.constant 0 : i32
    %jit3A_485 = arith.constant 299994 : i32
    %max3A_486 = vector.broadcast %jit3A_484 : i32 to vector<16xi32>
    %max3A_487 = arith.maxsi %max3A_486, %sub3A_483 : vector<16xi32>
    %min3A_488 = vector.broadcast %jit3A_485 : i32 to vector<16xi32>
    %min3A_489 = arith.minsi %min3A_488, %max3A_487 : vector<16xi32>
    %add3A_490 = arith.constant 0 : i32
    %add3A_491 = vector.broadcast %add3A_490 : i32 to vector<16xi32>
    %add3A_492 = arith.addi %min3A_489, %add3A_491 : vector<16xi32>
    %swap3A_493 = arith.constant 48 : index
    %swap3A_494 = tpu.vector_load %arg7[%swap3A_493] {strides = array<i32>} : memref<96xi32, #tpu.memory_space<vmem>>, vector<16xi32>,
    tpu.vector_store %arg7[%swap3A_493], %add3A_492 {strides = array<i32>} : memref<96xi32, #tpu.memory_space<vmem>>, vector<16xi32>,
    %add3A_495 = arith.constant 1 : i32
    %add3A_496 = vector.broadcast %add3A_495 : i32 to vector<16xi32>
    %add3A_497 = arith.addi %min3A_489, %add3A_496 : vector<16xi32>
    %swap3A_498 = arith.constant 48 : index
    %swap3A_499 = tpu.vector_load %arg9[%swap3A_498] {strides = array<i32>} : memref<96xi32, #tpu.memory_space<vmem>>, vector<16xi32>,
    tpu.vector_store %arg9[%swap3A_498], %add3A_497 {strides = array<i32>} : memref<96xi32, #tpu.memory_space<vmem>>, vector<16xi32>,
    %add3A_500 = arith.constant 2 : i32
    %add3A_501 = vector.broadcast %add3A_500 : i32 to vector<16xi32>
    %add3A_502 = arith.addi %min3A_489, %add3A_501 : vector<16xi32>
    %swap3A_503 = arith.constant 48 : index
    %swap3A_504 = tpu.vector_load %arg11[%swap3A_503] {strides = array<i32>} : memref<96xi32, #tpu.memory_space<vmem>>, vector<16xi32>,
    tpu.vector_store %arg11[%swap3A_503], %add3A_502 {strides = array<i32>} : memref<96xi32, #tpu.memory_space<vmem>>, vector<16xi32>,
    %ne3A_505 = arith.constant 0 : i32
    %ne3A_506 = vector.broadcast %ne3A_505 : i32 to vector<16xi32>
    %ne3A_507 = arith.cmpi ne, %get3A_477, %ne3A_506 : vector<16xi32>
    %jit3A_508 = arith.constant 1.000000e+00 : f32
    %jit3A_509 = arith.constant 0.000000e+00 : f32
    %broadcast_in_dim3A_510 = vector.broadcast %jit3A_508 : f32 to vector<16xf32>
    %broadcast_in_dim3A_511 = vector.broadcast %jit3A_509 : f32 to vector<16xf32>
    %select_n3A_512 = arith.select %ne3A_507, %broadcast_in_dim3A_510, %broadcast_in_dim3A_511 : vector<16xi1>, vector<16xf32>
    %swap3A_513 = arith.constant 1 : i32
    %swap3A_514 = arith.index_cast %swap3A_513 : i32 to index
    %swap3A_515 = arith.constant 32 : index
    %swap3A_516 = tpu.vector_load %arg25[%swap3A_514, %swap3A_515] {strides = array<i32>} : memref<2x128xf32, #tpu.memory_space<vmem>>, vector<16xf32>,
    tpu.vector_store %arg25[%swap3A_514, %swap3A_515], %select_n3A_512 {strides = array<i32>} : memref<2x128xf32, #tpu.memory_space<vmem>>, vector<16xf32>,
    %get3A_517 = arith.constant 176 : index
    %get3A_518 = tpu.vector_load %arg5[%get3A_517] {strides = array<i32>} : memref<6416xi32, #tpu.memory_space<vmem>>, vector<16xi32>,
    %mul3A_519 = arith.constant 3 : i32
    %mul3A_520 = vector.broadcast %mul3A_519 : i32 to vector<16xi32>
    %mul3A_521 = arith.muli %get3A_518, %mul3A_520 : vector<16xi32>
    %sub3A_522 = arith.constant 3 : i32
    %sub3A_523 = vector.broadcast %sub3A_522 : i32 to vector<16xi32>
    %sub3A_524 = arith.subi %mul3A_521, %sub3A_523 : vector<16xi32>
    %jit3A_525 = arith.constant 0 : i32
    %jit3A_526 = arith.constant 299994 : i32
    %max3A_527 = vector.broadcast %jit3A_525 : i32 to vector<16xi32>
    %max3A_528 = arith.maxsi %max3A_527, %sub3A_524 : vector<16xi32>
    %min3A_529 = vector.broadcast %jit3A_526 : i32 to vector<16xi32>
    %min3A_530 = arith.minsi %min3A_529, %max3A_528 : vector<16xi32>
    %add3A_531 = arith.constant 0 : i32
    %add3A_532 = vector.broadcast %add3A_531 : i32 to vector<16xi32>
    %add3A_533 = arith.addi %min3A_530, %add3A_532 : vector<16xi32>
    %swap3A_534 = arith.constant 64 : index
    %swap3A_535 = tpu.vector_load %arg7[%swap3A_534] {strides = array<i32>} : memref<96xi32, #tpu.memory_space<vmem>>, vector<16xi32>,
    tpu.vector_store %arg7[%swap3A_534], %add3A_533 {strides = array<i32>} : memref<96xi32, #tpu.memory_space<vmem>>, vector<16xi32>,
    %add3A_536 = arith.constant 1 : i32
    %add3A_537 = vector.broadcast %add3A_536 : i32 to vector<16xi32>
    %add3A_538 = arith.addi %min3A_530, %add3A_537 : vector<16xi32>
    %swap3A_539 = arith.constant 64 : index
    %swap3A_540 = tpu.vector_load %arg9[%swap3A_539] {strides = array<i32>} : memref<96xi32, #tpu.memory_space<vmem>>, vector<16xi32>,
    tpu.vector_store %arg9[%swap3A_539], %add3A_538 {strides = array<i32>} : memref<96xi32, #tpu.memory_space<vmem>>, vector<16xi32>,
    %add3A_541 = arith.constant 2 : i32
    %add3A_542 = vector.broadcast %add3A_541 : i32 to vector<16xi32>
    %add3A_543 = arith.addi %min3A_530, %add3A_542 : vector<16xi32>
    %swap3A_544 = arith.constant 64 : index
    %swap3A_545 = tpu.vector_load %arg11[%swap3A_544] {strides = array<i32>} : memref<96xi32, #tpu.memory_space<vmem>>, vector<16xi32>,
    tpu.vector_store %arg11[%swap3A_544], %add3A_543 {strides = array<i32>} : memref<96xi32, #tpu.memory_space<vmem>>, vector<16xi32>,
    %ne3A_546 = arith.constant 0 : i32
    %ne3A_547 = vector.broadcast %ne3A_546 : i32 to vector<16xi32>
    %ne3A_548 = arith.cmpi ne, %get3A_518, %ne3A_547 : vector<16xi32>
    %jit3A_549 = arith.constant 1.000000e+00 : f32
    %jit3A_550 = arith.constant 0.000000e+00 : f32
    %broadcast_in_dim3A_551 = vector.broadcast %jit3A_549 : f32 to vector<16xf32>
    %broadcast_in_dim3A_552 = vector.broadcast %jit3A_550 : f32 to vector<16xf32>
    %select_n3A_553 = arith.select %ne3A_548, %broadcast_in_dim3A_551, %broadcast_in_dim3A_552 : vector<16xi1>, vector<16xf32>
    %swap3A_554 = arith.constant 1 : i32
    %swap3A_555 = arith.index_cast %swap3A_554 : i32 to index
    %swap3A_556 = arith.constant 48 : index
    %swap3A_557 = tpu.vector_load %arg25[%swap3A_555, %swap3A_556] {strides = array<i32>} : memref<2x128xf32, #tpu.memory_space<vmem>>, vector<16xf32>,
    tpu.vector_store %arg25[%swap3A_555, %swap3A_556], %select_n3A_553 {strides = array<i32>} : memref<2x128xf32, #tpu.memory_space<vmem>>, vector<16xf32>,
    %get3A_558 = arith.constant 192 : index
    %get3A_559 = tpu.vector_load %arg5[%get3A_558] {strides = array<i32>} : memref<6416xi32, #tpu.memory_space<vmem>>, vector<16xi32>,
    %mul3A_560 = arith.constant 3 : i32
    %mul3A_561 = vector.broadcast %mul3A_560 : i32 to vector<16xi32>
    %mul3A_562 = arith.muli %get3A_559, %mul3A_561 : vector<16xi32>
    %sub3A_563 = arith.constant 3 : i32
    %sub3A_564 = vector.broadcast %sub3A_563 : i32 to vector<16xi32>
    %sub3A_565 = arith.subi %mul3A_562, %sub3A_564 : vector<16xi32>
    %jit3A_566 = arith.constant 0 : i32
    %jit3A_567 = arith.constant 299994 : i32
    %max3A_568 = vector.broadcast %jit3A_566 : i32 to vector<16xi32>
    %max3A_569 = arith.maxsi %max3A_568, %sub3A_565 : vector<16xi32>
    %min3A_570 = vector.broadcast %jit3A_567 : i32 to vector<16xi32>
    %min3A_571 = arith.minsi %min3A_570, %max3A_569 : vector<16xi32>
    %add3A_572 = arith.constant 0 : i32
    %add3A_573 = vector.broadcast %add3A_572 : i32 to vector<16xi32>
    %add3A_574 = arith.addi %min3A_571, %add3A_573 : vector<16xi32>
    %swap3A_575 = arith.constant 80 : index
    %swap3A_576 = tpu.vector_load %arg7[%swap3A_575] {strides = array<i32>} : memref<96xi32, #tpu.memory_space<vmem>>, vector<16xi32>,
    tpu.vector_store %arg7[%swap3A_575], %add3A_574 {strides = array<i32>} : memref<96xi32, #tpu.memory_space<vmem>>, vector<16xi32>,
    %add3A_577 = arith.constant 1 : i32
    %add3A_578 = vector.broadcast %add3A_577 : i32 to vector<16xi32>
    %add3A_579 = arith.addi %min3A_571, %add3A_578 : vector<16xi32>
    %swap3A_580 = arith.constant 80 : index
    %swap3A_581 = tpu.vector_load %arg9[%swap3A_580] {strides = array<i32>} : memref<96xi32, #tpu.memory_space<vmem>>, vector<16xi32>,
    tpu.vector_store %arg9[%swap3A_580], %add3A_579 {strides = array<i32>} : memref<96xi32, #tpu.memory_space<vmem>>, vector<16xi32>,
    %add3A_582 = arith.constant 2 : i32
    %add3A_583 = vector.broadcast %add3A_582 : i32 to vector<16xi32>
    %add3A_584 = arith.addi %min3A_571, %add3A_583 : vector<16xi32>
    %swap3A_585 = arith.constant 80 : index
    %swap3A_586 = tpu.vector_load %arg11[%swap3A_585] {strides = array<i32>} : memref<96xi32, #tpu.memory_space<vmem>>, vector<16xi32>,
    tpu.vector_store %arg11[%swap3A_585], %add3A_584 {strides = array<i32>} : memref<96xi32, #tpu.memory_space<vmem>>, vector<16xi32>,
    %ne3A_587 = arith.constant 0 : i32
    %ne3A_588 = vector.broadcast %ne3A_587 : i32 to vector<16xi32>
    %ne3A_589 = arith.cmpi ne, %get3A_559, %ne3A_588 : vector<16xi32>
    %jit3A_590 = arith.constant 1.000000e+00 : f32
    %jit3A_591 = arith.constant 0.000000e+00 : f32
    %broadcast_in_dim3A_592 = vector.broadcast %jit3A_590 : f32 to vector<16xf32>
    %broadcast_in_dim3A_593 = vector.broadcast %jit3A_591 : f32 to vector<16xf32>
    %select_n3A_594 = arith.select %ne3A_589, %broadcast_in_dim3A_592, %broadcast_in_dim3A_593 : vector<16xi1>, vector<16xf32>
    %swap3A_595 = arith.constant 1 : i32
    %swap3A_596 = arith.index_cast %swap3A_595 : i32 to index
    %swap3A_597 = arith.constant 64 : index
    %swap3A_598 = tpu.vector_load %arg25[%swap3A_596, %swap3A_597] {strides = array<i32>} : memref<2x128xf32, #tpu.memory_space<vmem>>, vector<16xf32>,
    tpu.vector_store %arg25[%swap3A_596, %swap3A_597], %select_n3A_594 {strides = array<i32>} : memref<2x128xf32, #tpu.memory_space<vmem>>, vector<16xf32>,
    %dma_start3A = arith.constant 0 : i32
    %dma_start3A_599 = arith.constant 0 : i32
    %dma_start3A_600 = tpu.memref_slice %arg18[%dma_start3A, %dma_start3A_599] : memref<208x64xf32, #tpu.memory_space<vmem>> -> memref<112x64xf32, #tpu.memory_space<vmem>>
    %dma_start3A_601 = arith.constant 0 : i32
    %dma_start3A_602 = arith.constant 0 : i32
    %dma_start3A_603 = tpu.memref_slice %arg3[%dma_start3A_601, %dma_start3A_602] : memref<299997x64xf32, #tpu.memory_space<hbm>> -> memref<299997x64xf32, #tpu.memory_space<hbm>>
    tpu.enqueue_indirect_dma source(%dma_start3A_603 : memref<299997x64xf32, #tpu.memory_space<hbm>>) target(%dma_start3A_600 : memref<112x64xf32, #tpu.memory_space<vmem>>) offsets(%arg6 : memref<112xi32, #tpu.memory_space<vmem>>) semaphore(%arg29 : memref<!tpu.dma_semaphore, #tpu.memory_space<semaphore_mem>>)
    %dma_start3A_604 = arith.constant 112 : i32
    %dma_start3A_605 = arith.constant 0 : i32
    %dma_start3A_606 = tpu.memref_slice %arg18[%dma_start3A_604, %dma_start3A_605] : memref<208x64xf32, #tpu.memory_space<vmem>> -> memref<96x64xf32, #tpu.memory_space<vmem>>
    %dma_start3A_607 = arith.constant 0 : i32
    %dma_start3A_608 = arith.constant 0 : i32
    %dma_start3A_609 = tpu.memref_slice %arg3[%dma_start3A_607, %dma_start3A_608] : memref<299997x64xf32, #tpu.memory_space<hbm>> -> memref<299997x64xf32, #tpu.memory_space<hbm>>
    tpu.enqueue_indirect_dma source(%dma_start3A_609 : memref<299997x64xf32, #tpu.memory_space<hbm>>) target(%dma_start3A_606 : memref<96x64xf32, #tpu.memory_space<vmem>>) offsets(%arg7 : memref<96xi32, #tpu.memory_space<vmem>>) semaphore(%arg29 : memref<!tpu.dma_semaphore, #tpu.memory_space<semaphore_mem>>)
    %dma_start3A_610 = arith.constant 0 : i32
    %dma_start3A_611 = arith.constant 0 : i32
    %dma_start3A_612 = tpu.memref_slice %arg19[%dma_start3A_610, %dma_start3A_611] : memref<208x64xf32, #tpu.memory_space<vmem>> -> memref<112x64xf32, #tpu.memory_space<vmem>>
    %dma_start3A_613 = arith.constant 0 : i32
    %dma_start3A_614 = arith.constant 0 : i32
    %dma_start3A_615 = tpu.memref_slice %arg3[%dma_start3A_613, %dma_start3A_614] : memref<299997x64xf32, #tpu.memory_space<hbm>> -> memref<299997x64xf32, #tpu.memory_space<hbm>>
    tpu.enqueue_indirect_dma source(%dma_start3A_615 : memref<299997x64xf32, #tpu.memory_space<hbm>>) target(%dma_start3A_612 : memref<112x64xf32, #tpu.memory_space<vmem>>) offsets(%arg8 : memref<112xi32, #tpu.memory_space<vmem>>) semaphore(%arg29 : memref<!tpu.dma_semaphore, #tpu.memory_space<semaphore_mem>>)
    %dma_start3A_616 = arith.constant 112 : i32
    %dma_start3A_617 = arith.constant 0 : i32
    %dma_start3A_618 = tpu.memref_slice %arg19[%dma_start3A_616, %dma_start3A_617] : memref<208x64xf32, #tpu.memory_space<vmem>> -> memref<96x64xf32, #tpu.memory_space<vmem>>
    %dma_start3A_619 = arith.constant 0 : i32
    %dma_start3A_620 = arith.constant 0 : i32
    %dma_start3A_621 = tpu.memref_slice %arg3[%dma_start3A_619, %dma_start3A_620] : memref<299997x64xf32, #tpu.memory_space<hbm>> -> memref<299997x64xf32, #tpu.memory_space<hbm>>
    tpu.enqueue_indirect_dma source(%dma_start3A_621 : memref<299997x64xf32, #tpu.memory_space<hbm>>) target(%dma_start3A_618 : memref<96x64xf32, #tpu.memory_space<vmem>>) offsets(%arg9 : memref<96xi32, #tpu.memory_space<vmem>>) semaphore(%arg29 : memref<!tpu.dma_semaphore, #tpu.memory_space<semaphore_mem>>)
    %dma_start3A_622 = arith.constant 0 : i32
    %dma_start3A_623 = arith.constant 0 : i32
    %dma_start3A_624 = tpu.memref_slice %arg20[%dma_start3A_622, %dma_start3A_623] : memref<208x64xf32, #tpu.memory_space<vmem>> -> memref<112x64xf32, #tpu.memory_space<vmem>>
    %dma_start3A_625 = arith.constant 0 : i32
    %dma_start3A_626 = arith.constant 0 : i32
    %dma_start3A_627 = tpu.memref_slice %arg3[%dma_start3A_625, %dma_start3A_626] : memref<299997x64xf32, #tpu.memory_space<hbm>> -> memref<299997x64xf32, #tpu.memory_space<hbm>>
    tpu.enqueue_indirect_dma source(%dma_start3A_627 : memref<299997x64xf32, #tpu.memory_space<hbm>>) target(%dma_start3A_624 : memref<112x64xf32, #tpu.memory_space<vmem>>) offsets(%arg10 : memref<112xi32, #tpu.memory_space<vmem>>) semaphore(%arg29 : memref<!tpu.dma_semaphore, #tpu.memory_space<semaphore_mem>>)
    %dma_start3A_628 = arith.constant 112 : i32
    %dma_start3A_629 = arith.constant 0 : i32
    %dma_start3A_630 = tpu.memref_slice %arg20[%dma_start3A_628, %dma_start3A_629] : memref<208x64xf32, #tpu.memory_space<vmem>> -> memref<96x64xf32, #tpu.memory_space<vmem>>
    %dma_start3A_631 = arith.constant 0 : i32
    %dma_start3A_632 = arith.constant 0 : i32
    %dma_start3A_633 = tpu.memref_slice %arg3[%dma_start3A_631, %dma_start3A_632] : memref<299997x64xf32, #tpu.memory_space<hbm>> -> memref<299997x64xf32, #tpu.memory_space<hbm>>
    tpu.enqueue_indirect_dma source(%dma_start3A_633 : memref<299997x64xf32, #tpu.memory_space<hbm>>) target(%dma_start3A_630 : memref<96x64xf32, #tpu.memory_space<vmem>>) offsets(%arg11 : memref<96xi32, #tpu.memory_space<vmem>>) semaphore(%arg29 : memref<!tpu.dma_semaphore, #tpu.memory_space<semaphore_mem>>)
    %scan3A = arith.constant 0 : i32
    %scan3A_634 = arith.constant 0 : i32
    %scan3A_635 = arith.constant 16 : i32
    %scan3A_636 = arith.addi %scan3A_634, %scan3A_635 : i32
    %scan3A_637 = arith.constant 1 : i32
    %scan3A_638 = scf.for %scan3A_640 = %scan3A_634 to %scan3A_636 step %scan3A_637 iter_args(%scan3A_641 = %scan3A) -> (i32)  : i32 {
      %mul3A_642 = arith.constant 2 : i32
      %mul3A_643 = arith.muli %mul3A_642, %scan3A_640 : i32
      %add3A_644 = arith.constant 0 : i32
      %add3A_645 = vector.broadcast %add3A_644 : i32 to vector<16xi32>
      %add3A_646 = arith.addi %iota3A, %add3A_645 : vector<16xi32>
      %mul3A_647 = arith.constant 4 : i32
      %mul3A_648 = vector.broadcast %mul3A_647 : i32 to vector<16xi32>
      %mul3A_649 = arith.muli %add3A_646, %mul3A_648 : vector<16xi32>
      %shift_right_logical3A = arith.constant 7 : i32
      %shift_right_logical3A_650 = vector.broadcast %shift_right_logical3A : i32 to vector<16xi32>
      %shift_right_logical3A_651 = arith.shrui %mul3A_649, %shift_right_logical3A_650 : vector<16xi32>
      %and3A = arith.constant 127 : i32
      %and3A_652 = vector.broadcast %and3A : i32 to vector<16xi32>
      %and3A_653 = arith.andi %mul3A_649, %and3A_652 : vector<16xi32>
      %gather3A = tpu.vector_load_idx %arg25[%shift_right_logical3A_651, %and3A_653] : memref<2x128xf32, #tpu.memory_space<vmem>>[vector<16xi32>, vector<16xi32>], vector<16xf32>,
      %add3A_654 = arith.constant 1 : i32
      %add3A_655 = vector.broadcast %add3A_654 : i32 to vector<16xi32>
      %add3A_656 = arith.addi %mul3A_649, %add3A_655 : vector<16xi32>
      %shift_right_logical3A_657 = arith.constant 7 : i32
      %shift_right_logical3A_658 = vector.broadcast %shift_right_logical3A_657 : i32 to vector<16xi32>
      %shift_right_logical3A_659 = arith.shrui %add3A_656, %shift_right_logical3A_658 : vector<16xi32>
      %and3A_660 = arith.constant 127 : i32
      %and3A_661 = vector.broadcast %and3A_660 : i32 to vector<16xi32>
      %and3A_662 = arith.andi %add3A_656, %and3A_661 : vector<16xi32>
      %gather3A_663 = tpu.vector_load_idx %arg25[%shift_right_logical3A_659, %and3A_662] : memref<2x128xf32, #tpu.memory_space<vmem>>[vector<16xi32>, vector<16xi32>], vector<16xf32>,
      %add3A_664 = arith.addf %gather3A, %gather3A_663 : vector<16xf32>
      %add3A_665 = arith.constant 2 : i32
      %add3A_666 = vector.broadcast %add3A_665 : i32 to vector<16xi32>
      %add3A_667 = arith.addi %mul3A_649, %add3A_666 : vector<16xi32>
      %shift_right_logical3A_668 = arith.constant 7 : i32
      %shift_right_logical3A_669 = vector.broadcast %shift_right_logical3A_668 : i32 to vector<16xi32>
      %shift_right_logical3A_670 = arith.shrui %add3A_667, %shift_right_logical3A_669 : vector<16xi32>
      %and3A_671 = arith.constant 127 : i32
      %and3A_672 = vector.broadcast %and3A_671 : i32 to vector<16xi32>
      %and3A_673 = arith.andi %add3A_667, %and3A_672 : vector<16xi32>
      %gather3A_674 = tpu.vector_load_idx %arg25[%shift_right_logical3A_670, %and3A_673] : memref<2x128xf32, #tpu.memory_space<vmem>>[vector<16xi32>, vector<16xi32>], vector<16xf32>,
      %add3A_675 = arith.addf %add3A_664, %gather3A_674 : vector<16xf32>
      %add3A_676 = arith.constant 3 : i32
      %add3A_677 = vector.broadcast %add3A_676 : i32 to vector<16xi32>
      %add3A_678 = arith.addi %mul3A_649, %add3A_677 : vector<16xi32>
      %shift_right_logical3A_679 = arith.constant 7 : i32
      %shift_right_logical3A_680 = vector.broadcast %shift_right_logical3A_679 : i32 to vector<16xi32>
      %shift_right_logical3A_681 = arith.shrui %add3A_678, %shift_right_logical3A_680 : vector<16xi32>
      %and3A_682 = arith.constant 127 : i32
      %and3A_683 = vector.broadcast %and3A_682 : i32 to vector<16xi32>
      %and3A_684 = arith.andi %add3A_678, %and3A_683 : vector<16xi32>
      %gather3A_685 = tpu.vector_load_idx %arg25[%shift_right_logical3A_681, %and3A_684] : memref<2x128xf32, #tpu.memory_space<vmem>>[vector<16xi32>, vector<16xi32>], vector<16xf32>,
      %add3A_686 = arith.addf %add3A_675, %gather3A_685 : vector<16xf32>
      %swap3A_687 = arith.constant 0 : index
      %swap3A_688 = tpu.vector_load %arg26[%swap3A_687] {strides = array<i32>} : memref<64xf32, #tpu.memory_space<vmem>>, vector<16xf32>,
      tpu.vector_store %arg26[%swap3A_687], %add3A_686 {strides = array<i32>} : memref<64xf32, #tpu.memory_space<vmem>>, vector<16xf32>,
      %gt3A = arith.constant 0.000000e+00 : f32
      %gt3A_689 = vector.broadcast %gt3A : f32 to vector<16xf32>
      %gt3A_690 = arith.cmpf ogt, %add3A_686, %gt3A_689 : vector<16xf32>
      %max3A_691 = arith.constant 1.000000e+00 : f32
      %max3A_692 = vector.broadcast %max3A_691 : f32 to vector<16xf32>
      %max3A_693 = arith.maximumf %add3A_686, %max3A_692 : vector<16xf32>
      %div3A = arith.constant 1.000000e+00 : f32
      %div3A_694 = vector.broadcast %div3A : f32 to vector<16xf32>
      %div3A_695 = arith.divf %div3A_694, %max3A_693 : vector<16xf32>
      %jit3A_696 = arith.constant 0.000000e+00 : f32
      %broadcast_in_dim3A_697 = vector.broadcast %jit3A_696 : f32 to vector<16xf32>
      %select_n3A_698 = arith.select %gt3A_690, %div3A_695, %broadcast_in_dim3A_697 : vector<16xi1>, vector<16xf32>
      %swap3A_699 = arith.constant 0 : index
      %swap3A_700 = tpu.vector_load %arg27[%swap3A_699] {strides = array<i32>} : memref<64xf32, #tpu.memory_space<vmem>>, vector<16xf32>,
      tpu.vector_store %arg27[%swap3A_699], %select_n3A_698 {strides = array<i32>} : memref<64xf32, #tpu.memory_space<vmem>>, vector<16xf32>,
      %add3A_701 = arith.constant 16 : i32
      %add3A_702 = vector.broadcast %add3A_701 : i32 to vector<16xi32>
      %add3A_703 = arith.addi %iota3A, %add3A_702 : vector<16xi32>
      %mul3A_704 = arith.constant 4 : i32
      %mul3A_705 = vector.broadcast %mul3A_704 : i32 to vector<16xi32>
      %mul3A_706 = arith.muli %add3A_703, %mul3A_705 : vector<16xi32>
      %shift_right_logical3A_707 = arith.constant 7 : i32
      %shift_right_logical3A_708 = vector.broadcast %shift_right_logical3A_707 : i32 to vector<16xi32>
      %shift_right_logical3A_709 = arith.shrui %mul3A_706, %shift_right_logical3A_708 : vector<16xi32>
      %and3A_710 = arith.constant 127 : i32
      %and3A_711 = vector.broadcast %and3A_710 : i32 to vector<16xi32>
      %and3A_712 = arith.andi %mul3A_706, %and3A_711 : vector<16xi32>
      %gather3A_713 = tpu.vector_load_idx %arg25[%shift_right_logical3A_709, %and3A_712] : memref<2x128xf32, #tpu.memory_space<vmem>>[vector<16xi32>, vector<16xi32>], vector<16xf32>,
      %add3A_714 = arith.constant 1 : i32
      %add3A_715 = vector.broadcast %add3A_714 : i32 to vector<16xi32>
      %add3A_716 = arith.addi %mul3A_706, %add3A_715 : vector<16xi32>
      %shift_right_logical3A_717 = arith.constant 7 : i32
      %shift_right_logical3A_718 = vector.broadcast %shift_right_logical3A_717 : i32 to vector<16xi32>
      %shift_right_logical3A_719 = arith.shrui %add3A_716, %shift_right_logical3A_718 : vector<16xi32>
      %and3A_720 = arith.constant 127 : i32
      %and3A_721 = vector.broadcast %and3A_720 : i32 to vector<16xi32>
      %and3A_722 = arith.andi %add3A_716, %and3A_721 : vector<16xi32>
      %gather3A_723 = tpu.vector_load_idx %arg25[%shift_right_logical3A_719, %and3A_722] : memref<2x128xf32, #tpu.memory_space<vmem>>[vector<16xi32>, vector<16xi32>], vector<16xf32>,
      %add3A_724 = arith.addf %gather3A_713, %gather3A_723 : vector<16xf32>
      %add3A_725 = arith.constant 2 : i32
      %add3A_726 = vector.broadcast %add3A_725 : i32 to vector<16xi32>
      %add3A_727 = arith.addi %mul3A_706, %add3A_726 : vector<16xi32>
      %shift_right_logical3A_728 = arith.constant 7 : i32
      %shift_right_logical3A_729 = vector.broadcast %shift_right_logical3A_728 : i32 to vector<16xi32>
      %shift_right_logical3A_730 = arith.shrui %add3A_727, %shift_right_logical3A_729 : vector<16xi32>
      %and3A_731 = arith.constant 127 : i32
      %and3A_732 = vector.broadcast %and3A_731 : i32 to vector<16xi32>
      %and3A_733 = arith.andi %add3A_727, %and3A_732 : vector<16xi32>
      %gather3A_734 = tpu.vector_load_idx %arg25[%shift_right_logical3A_730, %and3A_733] : memref<2x128xf32, #tpu.memory_space<vmem>>[vector<16xi32>, vector<16xi32>], vector<16xf32>,
      %add3A_735 = arith.addf %add3A_724, %gather3A_734 : vector<16xf32>
      %add3A_736 = arith.constant 3 : i32
      %add3A_737 = vector.broadcast %add3A_736 : i32 to vector<16xi32>
      %add3A_738 = arith.addi %mul3A_706, %add3A_737 : vector<16xi32>
      %shift_right_logical3A_739 = arith.constant 7 : i32
      %shift_right_logical3A_740 = vector.broadcast %shift_right_logical3A_739 : i32 to vector<16xi32>
      %shift_right_logical3A_741 = arith.shrui %add3A_738, %shift_right_logical3A_740 : vector<16xi32>
      %and3A_742 = arith.constant 127 : i32
      %and3A_743 = vector.broadcast %and3A_742 : i32 to vector<16xi32>
      %and3A_744 = arith.andi %add3A_738, %and3A_743 : vector<16xi32>
      %gather3A_745 = tpu.vector_load_idx %arg25[%shift_right_logical3A_741, %and3A_744] : memref<2x128xf32, #tpu.memory_space<vmem>>[vector<16xi32>, vector<16xi32>], vector<16xf32>,
      %add3A_746 = arith.addf %add3A_735, %gather3A_745 : vector<16xf32>
      %swap3A_747 = arith.constant 16 : index
      %swap3A_748 = tpu.vector_load %arg26[%swap3A_747] {strides = array<i32>} : memref<64xf32, #tpu.memory_space<vmem>>, vector<16xf32>,
      tpu.vector_store %arg26[%swap3A_747], %add3A_746 {strides = array<i32>} : memref<64xf32, #tpu.memory_space<vmem>>, vector<16xf32>,
      %gt3A_749 = arith.constant 0.000000e+00 : f32
      %gt3A_750 = vector.broadcast %gt3A_749 : f32 to vector<16xf32>
      %gt3A_751 = arith.cmpf ogt, %add3A_746, %gt3A_750 : vector<16xf32>
      %max3A_752 = arith.constant 1.000000e+00 : f32
      %max3A_753 = vector.broadcast %max3A_752 : f32 to vector<16xf32>
      %max3A_754 = arith.maximumf %add3A_746, %max3A_753 : vector<16xf32>
      %div3A_755 = arith.constant 1.000000e+00 : f32
      %div3A_756 = vector.broadcast %div3A_755 : f32 to vector<16xf32>
      %div3A_757 = arith.divf %div3A_756, %max3A_754 : vector<16xf32>
      %jit3A_758 = arith.constant 0.000000e+00 : f32
      %broadcast_in_dim3A_759 = vector.broadcast %jit3A_758 : f32 to vector<16xf32>
      %select_n3A_760 = arith.select %gt3A_751, %div3A_757, %broadcast_in_dim3A_759 : vector<16xi1>, vector<16xf32>
      %swap3A_761 = arith.constant 16 : index
      %swap3A_762 = tpu.vector_load %arg27[%swap3A_761] {strides = array<i32>} : memref<64xf32, #tpu.memory_space<vmem>>, vector<16xf32>,
      tpu.vector_store %arg27[%swap3A_761], %select_n3A_760 {strides = array<i32>} : memref<64xf32, #tpu.memory_space<vmem>>, vector<16xf32>,
      %add3A_763 = arith.constant 32 : i32
      %add3A_764 = vector.broadcast %add3A_763 : i32 to vector<16xi32>
      %add3A_765 = arith.addi %iota3A, %add3A_764 : vector<16xi32>
      %mul3A_766 = arith.constant 4 : i32
      %mul3A_767 = vector.broadcast %mul3A_766 : i32 to vector<16xi32>
      %mul3A_768 = arith.muli %add3A_765, %mul3A_767 : vector<16xi32>
      %shift_right_logical3A_769 = arith.constant 7 : i32
      %shift_right_logical3A_770 = vector.broadcast %shift_right_logical3A_769 : i32 to vector<16xi32>
      %shift_right_logical3A_771 = arith.shrui %mul3A_768, %shift_right_logical3A_770 : vector<16xi32>
      %and3A_772 = arith.constant 127 : i32
      %and3A_773 = vector.broadcast %and3A_772 : i32 to vector<16xi32>
      %and3A_774 = arith.andi %mul3A_768, %and3A_773 : vector<16xi32>
      %gather3A_775 = tpu.vector_load_idx %arg25[%shift_right_logical3A_771, %and3A_774] : memref<2x128xf32, #tpu.memory_space<vmem>>[vector<16xi32>, vector<16xi32>], vector<16xf32>,
      %add3A_776 = arith.constant 1 : i32
      %add3A_777 = vector.broadcast %add3A_776 : i32 to vector<16xi32>
      %add3A_778 = arith.addi %mul3A_768, %add3A_777 : vector<16xi32>
      %shift_right_logical3A_779 = arith.constant 7 : i32
      %shift_right_logical3A_780 = vector.broadcast %shift_right_logical3A_779 : i32 to vector<16xi32>
      %shift_right_logical3A_781 = arith.shrui %add3A_778, %shift_right_logical3A_780 : vector<16xi32>
      %and3A_782 = arith.constant 127 : i32
      %and3A_783 = vector.broadcast %and3A_782 : i32 to vector<16xi32>
      %and3A_784 = arith.andi %add3A_778, %and3A_783 : vector<16xi32>
      %gather3A_785 = tpu.vector_load_idx %arg25[%shift_right_logical3A_781, %and3A_784] : memref<2x128xf32, #tpu.memory_space<vmem>>[vector<16xi32>, vector<16xi32>], vector<16xf32>,
      %add3A_786 = arith.addf %gather3A_775, %gather3A_785 : vector<16xf32>
      %add3A_787 = arith.constant 2 : i32
      %add3A_788 = vector.broadcast %add3A_787 : i32 to vector<16xi32>
      %add3A_789 = arith.addi %mul3A_768, %add3A_788 : vector<16xi32>
      %shift_right_logical3A_790 = arith.constant 7 : i32
      %shift_right_logical3A_791 = vector.broadcast %shift_right_logical3A_790 : i32 to vector<16xi32>
      %shift_right_logical3A_792 = arith.shrui %add3A_789, %shift_right_logical3A_791 : vector<16xi32>
      %and3A_793 = arith.constant 127 : i32
      %and3A_794 = vector.broadcast %and3A_793 : i32 to vector<16xi32>
      %and3A_795 = arith.andi %add3A_789, %and3A_794 : vector<16xi32>
      %gather3A_796 = tpu.vector_load_idx %arg25[%shift_right_logical3A_792, %and3A_795] : memref<2x128xf32, #tpu.memory_space<vmem>>[vector<16xi32>, vector<16xi32>], vector<16xf32>,
      %add3A_797 = arith.addf %add3A_786, %gather3A_796 : vector<16xf32>
      %add3A_798 = arith.constant 3 : i32
      %add3A_799 = vector.broadcast %add3A_798 : i32 to vector<16xi32>
      %add3A_800 = arith.addi %mul3A_768, %add3A_799 : vector<16xi32>
      %shift_right_logical3A_801 = arith.constant 7 : i32
      %shift_right_logical3A_802 = vector.broadcast %shift_right_logical3A_801 : i32 to vector<16xi32>
      %shift_right_logical3A_803 = arith.shrui %add3A_800, %shift_right_logical3A_802 : vector<16xi32>
      %and3A_804 = arith.constant 127 : i32
      %and3A_805 = vector.broadcast %and3A_804 : i32 to vector<16xi32>
      %and3A_806 = arith.andi %add3A_800, %and3A_805 : vector<16xi32>
      %gather3A_807 = tpu.vector_load_idx %arg25[%shift_right_logical3A_803, %and3A_806] : memref<2x128xf32, #tpu.memory_space<vmem>>[vector<16xi32>, vector<16xi32>], vector<16xf32>,
      %add3A_808 = arith.addf %add3A_797, %gather3A_807 : vector<16xf32>
      %swap3A_809 = arith.constant 32 : index
      %swap3A_810 = tpu.vector_load %arg26[%swap3A_809] {strides = array<i32>} : memref<64xf32, #tpu.memory_space<vmem>>, vector<16xf32>,
      tpu.vector_store %arg26[%swap3A_809], %add3A_808 {strides = array<i32>} : memref<64xf32, #tpu.memory_space<vmem>>, vector<16xf32>,
      %gt3A_811 = arith.constant 0.000000e+00 : f32
      %gt3A_812 = vector.broadcast %gt3A_811 : f32 to vector<16xf32>
      %gt3A_813 = arith.cmpf ogt, %add3A_808, %gt3A_812 : vector<16xf32>
      %max3A_814 = arith.constant 1.000000e+00 : f32
      %max3A_815 = vector.broadcast %max3A_814 : f32 to vector<16xf32>
      %max3A_816 = arith.maximumf %add3A_808, %max3A_815 : vector<16xf32>
      %div3A_817 = arith.constant 1.000000e+00 : f32
      %div3A_818 = vector.broadcast %div3A_817 : f32 to vector<16xf32>
      %div3A_819 = arith.divf %div3A_818, %max3A_816 : vector<16xf32>
      %jit3A_820 = arith.constant 0.000000e+00 : f32
      %broadcast_in_dim3A_821 = vector.broadcast %jit3A_820 : f32 to vector<16xf32>
      %select_n3A_822 = arith.select %gt3A_813, %div3A_819, %broadcast_in_dim3A_821 : vector<16xi1>, vector<16xf32>
      %swap3A_823 = arith.constant 32 : index
      %swap3A_824 = tpu.vector_load %arg27[%swap3A_823] {strides = array<i32>} : memref<64xf32, #tpu.memory_space<vmem>>, vector<16xf32>,
      tpu.vector_store %arg27[%swap3A_823], %select_n3A_822 {strides = array<i32>} : memref<64xf32, #tpu.memory_space<vmem>>, vector<16xf32>,
      %add3A_825 = arith.constant 48 : i32
      %add3A_826 = vector.broadcast %add3A_825 : i32 to vector<16xi32>
      %add3A_827 = arith.addi %iota3A, %add3A_826 : vector<16xi32>
      %mul3A_828 = arith.constant 4 : i32
      %mul3A_829 = vector.broadcast %mul3A_828 : i32 to vector<16xi32>
      %mul3A_830 = arith.muli %add3A_827, %mul3A_829 : vector<16xi32>
      %shift_right_logical3A_831 = arith.constant 7 : i32
      %shift_right_logical3A_832 = vector.broadcast %shift_right_logical3A_831 : i32 to vector<16xi32>
      %shift_right_logical3A_833 = arith.shrui %mul3A_830, %shift_right_logical3A_832 : vector<16xi32>
      %and3A_834 = arith.constant 127 : i32
      %and3A_835 = vector.broadcast %and3A_834 : i32 to vector<16xi32>
      %and3A_836 = arith.andi %mul3A_830, %and3A_835 : vector<16xi32>
      %gather3A_837 = tpu.vector_load_idx %arg25[%shift_right_logical3A_833, %and3A_836] : memref<2x128xf32, #tpu.memory_space<vmem>>[vector<16xi32>, vector<16xi32>], vector<16xf32>,
      %add3A_838 = arith.constant 1 : i32
      %add3A_839 = vector.broadcast %add3A_838 : i32 to vector<16xi32>
      %add3A_840 = arith.addi %mul3A_830, %add3A_839 : vector<16xi32>
      %shift_right_logical3A_841 = arith.constant 7 : i32
      %shift_right_logical3A_842 = vector.broadcast %shift_right_logical3A_841 : i32 to vector<16xi32>
      %shift_right_logical3A_843 = arith.shrui %add3A_840, %shift_right_logical3A_842 : vector<16xi32>
      %and3A_844 = arith.constant 127 : i32
      %and3A_845 = vector.broadcast %and3A_844 : i32 to vector<16xi32>
      %and3A_846 = arith.andi %add3A_840, %and3A_845 : vector<16xi32>
      %gather3A_847 = tpu.vector_load_idx %arg25[%shift_right_logical3A_843, %and3A_846] : memref<2x128xf32, #tpu.memory_space<vmem>>[vector<16xi32>, vector<16xi32>], vector<16xf32>,
      %add3A_848 = arith.addf %gather3A_837, %gather3A_847 : vector<16xf32>
      %add3A_849 = arith.constant 2 : i32
      %add3A_850 = vector.broadcast %add3A_849 : i32 to vector<16xi32>
      %add3A_851 = arith.addi %mul3A_830, %add3A_850 : vector<16xi32>
      %shift_right_logical3A_852 = arith.constant 7 : i32
      %shift_right_logical3A_853 = vector.broadcast %shift_right_logical3A_852 : i32 to vector<16xi32>
      %shift_right_logical3A_854 = arith.shrui %add3A_851, %shift_right_logical3A_853 : vector<16xi32>
      %and3A_855 = arith.constant 127 : i32
      %and3A_856 = vector.broadcast %and3A_855 : i32 to vector<16xi32>
      %and3A_857 = arith.andi %add3A_851, %and3A_856 : vector<16xi32>
      %gather3A_858 = tpu.vector_load_idx %arg25[%shift_right_logical3A_854, %and3A_857] : memref<2x128xf32, #tpu.memory_space<vmem>>[vector<16xi32>, vector<16xi32>], vector<16xf32>,
      %add3A_859 = arith.addf %add3A_848, %gather3A_858 : vector<16xf32>
      %add3A_860 = arith.constant 3 : i32
      %add3A_861 = vector.broadcast %add3A_860 : i32 to vector<16xi32>
      %add3A_862 = arith.addi %mul3A_830, %add3A_861 : vector<16xi32>
      %shift_right_logical3A_863 = arith.constant 7 : i32
      %shift_right_logical3A_864 = vector.broadcast %shift_right_logical3A_863 : i32 to vector<16xi32>
      %shift_right_logical3A_865 = arith.shrui %add3A_862, %shift_right_logical3A_864 : vector<16xi32>
      %and3A_866 = arith.constant 127 : i32
      %and3A_867 = vector.broadcast %and3A_866 : i32 to vector<16xi32>
      %and3A_868 = arith.andi %add3A_862, %and3A_867 : vector<16xi32>
      %gather3A_869 = tpu.vector_load_idx %arg25[%shift_right_logical3A_865, %and3A_868] : memref<2x128xf32, #tpu.memory_space<vmem>>[vector<16xi32>, vector<16xi32>], vector<16xf32>,
      %add3A_870 = arith.addf %add3A_859, %gather3A_869 : vector<16xf32>
      %swap3A_871 = arith.constant 48 : index
      %swap3A_872 = tpu.vector_load %arg26[%swap3A_871] {strides = array<i32>} : memref<64xf32, #tpu.memory_space<vmem>>, vector<16xf32>,
      tpu.vector_store %arg26[%swap3A_871], %add3A_870 {strides = array<i32>} : memref<64xf32, #tpu.memory_space<vmem>>, vector<16xf32>,
      %gt3A_873 = arith.constant 0.000000e+00 : f32
      %gt3A_874 = vector.broadcast %gt3A_873 : f32 to vector<16xf32>
      %gt3A_875 = arith.cmpf ogt, %add3A_870, %gt3A_874 : vector<16xf32>
      %max3A_876 = arith.constant 1.000000e+00 : f32
      %max3A_877 = vector.broadcast %max3A_876 : f32 to vector<16xf32>
      %max3A_878 = arith.maximumf %add3A_870, %max3A_877 : vector<16xf32>
      %div3A_879 = arith.constant 1.000000e+00 : f32
      %div3A_880 = vector.broadcast %div3A_879 : f32 to vector<16xf32>
      %div3A_881 = arith.divf %div3A_880, %max3A_878 : vector<16xf32>
      %jit3A_882 = arith.constant 0.000000e+00 : f32
      %broadcast_in_dim3A_883 = vector.broadcast %jit3A_882 : f32 to vector<16xf32>
      %select_n3A_884 = arith.select %gt3A_875, %div3A_881, %broadcast_in_dim3A_883 : vector<16xi1>, vector<16xf32>
      %swap3A_885 = arith.constant 48 : index
      %swap3A_886 = tpu.vector_load %arg27[%swap3A_885] {strides = array<i32>} : memref<64xf32, #tpu.memory_space<vmem>>, vector<16xf32>,
      tpu.vector_store %arg27[%swap3A_885], %select_n3A_884 {strides = array<i32>} : memref<64xf32, #tpu.memory_space<vmem>>, vector<16xf32>,
      %dma_wait3A = arith.constant 0 : i32
      %dma_wait3A_887 = arith.constant 0 : i32
      %dma_wait3A_888 = tpu.memref_slice %arg18[%dma_wait3A, %dma_wait3A_887] : memref<208x64xf32, #tpu.memory_space<vmem>> -> memref<112x64xf32, #tpu.memory_space<vmem>>
      %dma_wait3A_889 = arith.constant 0 : i32
      %dma_wait3A_890 = arith.constant 0 : i32
      %dma_wait3A_891 = tpu.memref_slice %arg3[%dma_wait3A_889, %dma_wait3A_890] : memref<299997x64xf32, #tpu.memory_space<hbm>> -> memref<299997x64xf32, #tpu.memory_space<hbm>>
      tpu.wait_indirect_dma semaphore(%arg29 : memref<!tpu.dma_semaphore, #tpu.memory_space<semaphore_mem>>) src(%dma_wait3A_891 : memref<299997x64xf32, #tpu.memory_space<hbm>>) dst(%dma_wait3A_888 : memref<112x64xf32, #tpu.memory_space<vmem>>)
      %dma_wait3A_892 = arith.constant 112 : i32
      %dma_wait3A_893 = arith.constant 0 : i32
      %dma_wait3A_894 = tpu.memref_slice %arg18[%dma_wait3A_892, %dma_wait3A_893] : memref<208x64xf32, #tpu.memory_space<vmem>> -> memref<96x64xf32, #tpu.memory_space<vmem>>
      %dma_wait3A_895 = arith.constant 0 : i32
      %dma_wait3A_896 = arith.constant 0 : i32
      %dma_wait3A_897 = tpu.memref_slice %arg3[%dma_wait3A_895, %dma_wait3A_896] : memref<299997x64xf32, #tpu.memory_space<hbm>> -> memref<299997x64xf32, #tpu.memory_space<hbm>>
      tpu.wait_indirect_dma semaphore(%arg29 : memref<!tpu.dma_semaphore, #tpu.memory_space<semaphore_mem>>) src(%dma_wait3A_897 : memref<299997x64xf32, #tpu.memory_space<hbm>>) dst(%dma_wait3A_894 : memref<96x64xf32, #tpu.memory_space<vmem>>)
      %dma_wait3A_898 = arith.constant 0 : i32
      %dma_wait3A_899 = arith.constant 0 : i32
      %dma_wait3A_900 = tpu.memref_slice %arg19[%dma_wait3A_898, %dma_wait3A_899] : memref<208x64xf32, #tpu.memory_space<vmem>> -> memref<112x64xf32, #tpu.memory_space<vmem>>
      %dma_wait3A_901 = arith.constant 0 : i32
      %dma_wait3A_902 = arith.constant 0 : i32
      %dma_wait3A_903 = tpu.memref_slice %arg3[%dma_wait3A_901, %dma_wait3A_902] : memref<299997x64xf32, #tpu.memory_space<hbm>> -> memref<299997x64xf32, #tpu.memory_space<hbm>>
      tpu.wait_indirect_dma semaphore(%arg29 : memref<!tpu.dma_semaphore, #tpu.memory_space<semaphore_mem>>) src(%dma_wait3A_903 : memref<299997x64xf32, #tpu.memory_space<hbm>>) dst(%dma_wait3A_900 : memref<112x64xf32, #tpu.memory_space<vmem>>)
      %dma_wait3A_904 = arith.constant 112 : i32
      %dma_wait3A_905 = arith.constant 0 : i32
      %dma_wait3A_906 = tpu.memref_slice %arg19[%dma_wait3A_904, %dma_wait3A_905] : memref<208x64xf32, #tpu.memory_space<vmem>> -> memref<96x64xf32, #tpu.memory_space<vmem>>
      %dma_wait3A_907 = arith.constant 0 : i32
      %dma_wait3A_908 = arith.constant 0 : i32
      %dma_wait3A_909 = tpu.memref_slice %arg3[%dma_wait3A_907, %dma_wait3A_908] : memref<299997x64xf32, #tpu.memory_space<hbm>> -> memref<299997x64xf32, #tpu.memory_space<hbm>>
      tpu.wait_indirect_dma semaphore(%arg29 : memref<!tpu.dma_semaphore, #tpu.memory_space<semaphore_mem>>) src(%dma_wait3A_909 : memref<299997x64xf32, #tpu.memory_space<hbm>>) dst(%dma_wait3A_906 : memref<96x64xf32, #tpu.memory_space<vmem>>)
      %dma_wait3A_910 = arith.constant 0 : i32
      %dma_wait3A_911 = arith.constant 0 : i32
      %dma_wait3A_912 = tpu.memref_slice %arg20[%dma_wait3A_910, %dma_wait3A_911] : memref<208x64xf32, #tpu.memory_space<vmem>> -> memref<112x64xf32, #tpu.memory_space<vmem>>
      %dma_wait3A_913 = arith.constant 0 : i32
      %dma_wait3A_914 = arith.constant 0 : i32
      %dma_wait3A_915 = tpu.memref_slice %arg3[%dma_wait3A_913, %dma_wait3A_914] : memref<299997x64xf32, #tpu.memory_space<hbm>> -> memref<299997x64xf32, #tpu.memory_space<hbm>>
      tpu.wait_indirect_dma semaphore(%arg29 : memref<!tpu.dma_semaphore, #tpu.memory_space<semaphore_mem>>) src(%dma_wait3A_915 : memref<299997x64xf32, #tpu.memory_space<hbm>>) dst(%dma_wait3A_912 : memref<112x64xf32, #tpu.memory_space<vmem>>)
      %dma_wait3A_916 = arith.constant 112 : i32
      %dma_wait3A_917 = arith.constant 0 : i32
      %dma_wait3A_918 = tpu.memref_slice %arg20[%dma_wait3A_916, %dma_wait3A_917] : memref<208x64xf32, #tpu.memory_space<vmem>> -> memref<96x64xf32, #tpu.memory_space<vmem>>
      %dma_wait3A_919 = arith.constant 0 : i32
      %dma_wait3A_920 = arith.constant 0 : i32
      %dma_wait3A_921 = tpu.memref_slice %arg3[%dma_wait3A_919, %dma_wait3A_920] : memref<299997x64xf32, #tpu.memory_space<hbm>> -> memref<299997x64xf32, #tpu.memory_space<hbm>>
      tpu.wait_indirect_dma semaphore(%arg29 : memref<!tpu.dma_semaphore, #tpu.memory_space<semaphore_mem>>) src(%dma_wait3A_921 : memref<299997x64xf32, #tpu.memory_space<hbm>>) dst(%dma_wait3A_918 : memref<96x64xf32, #tpu.memory_space<vmem>>)
      %add3A_922 = arith.constant 1 : i32
      %add3A_923 = arith.addi %mul3A_643, %add3A_922 : i32
      %lt3A = arith.constant 32 : i32
      %lt3A_924 = arith.cmpi slt, %add3A_923, %lt3A : i32
      %convert_element_type3A = arith.extui %lt3A_924 : i1 to i32
      %cond3A = arith.constant 0 : i32
      %cond3A_925 = arith.cmpi ne, %convert_element_type3A, %cond3A : i32
      scf.if %cond3A_925 {
        %add3A_1868 = arith.constant 1 : i32
        %add3A_1869 = arith.addi %mul3A_643, %add3A_1868 : i32
        %mul3A_1870 = arith.constant 200 : i32
        %mul3A_1871 = arith.muli %add3A_1869, %mul3A_1870 : i32
        %add3A_1872 = arith.constant 0 : i32
        %add3A_1873 = arith.addi %mul3A_1871, %add3A_1872 : i32
        %get3A_1874 = arith.index_cast %add3A_1873 : i32 to index
        %get3A_1875 = tpu.vector_load %arg5[%get3A_1874] {strides = array<i32>} : memref<6416xi32, #tpu.memory_space<vmem>>, vector<16xi32>,
        %mul3A_1876 = arith.constant 3 : i32
        %mul3A_1877 = vector.broadcast %mul3A_1876 : i32 to vector<16xi32>
        %mul3A_1878 = arith.muli %get3A_1875, %mul3A_1877 : vector<16xi32>
        %sub3A_1879 = arith.constant 3 : i32
        %sub3A_1880 = vector.broadcast %sub3A_1879 : i32 to vector<16xi32>
        %sub3A_1881 = arith.subi %mul3A_1878, %sub3A_1880 : vector<16xi32>
        %jit3A_1882 = arith.constant 0 : i32
        %jit3A_1883 = arith.constant 299994 : i32
        %max3A_1884 = vector.broadcast %jit3A_1882 : i32 to vector<16xi32>
        %max3A_1885 = arith.maxsi %max3A_1884, %sub3A_1881 : vector<16xi32>
        %min3A_1886 = vector.broadcast %jit3A_1883 : i32 to vector<16xi32>
        %min3A_1887 = arith.minsi %min3A_1886, %max3A_1885 : vector<16xi32>
        %add3A_1888 = arith.constant 0 : i32
        %add3A_1889 = vector.broadcast %add3A_1888 : i32 to vector<16xi32>
        %add3A_1890 = arith.addi %min3A_1887, %add3A_1889 : vector<16xi32>
        %swap3A_1891 = arith.constant 0 : index
        %swap3A_1892 = tpu.vector_load %arg12[%swap3A_1891] {strides = array<i32>} : memref<112xi32, #tpu.memory_space<vmem>>, vector<16xi32>,
        tpu.vector_store %arg12[%swap3A_1891], %add3A_1890 {strides = array<i32>} : memref<112xi32, #tpu.memory_space<vmem>>, vector<16xi32>,
        %add3A_1893 = arith.constant 1 : i32
        %add3A_1894 = vector.broadcast %add3A_1893 : i32 to vector<16xi32>
        %add3A_1895 = arith.addi %min3A_1887, %add3A_1894 : vector<16xi32>
        %swap3A_1896 = arith.constant 0 : index
        %swap3A_1897 = tpu.vector_load %arg14[%swap3A_1896] {strides = array<i32>} : memref<112xi32, #tpu.memory_space<vmem>>, vector<16xi32>,
        tpu.vector_store %arg14[%swap3A_1896], %add3A_1895 {strides = array<i32>} : memref<112xi32, #tpu.memory_space<vmem>>, vector<16xi32>,
        %add3A_1898 = arith.constant 2 : i32
        %add3A_1899 = vector.broadcast %add3A_1898 : i32 to vector<16xi32>
        %add3A_1900 = arith.addi %min3A_1887, %add3A_1899 : vector<16xi32>
        %swap3A_1901 = arith.constant 0 : index
        %swap3A_1902 = tpu.vector_load %arg16[%swap3A_1901] {strides = array<i32>} : memref<112xi32, #tpu.memory_space<vmem>>, vector<16xi32>,
        tpu.vector_store %arg16[%swap3A_1901], %add3A_1900 {strides = array<i32>} : memref<112xi32, #tpu.memory_space<vmem>>, vector<16xi32>,
        %ne3A_1903 = arith.constant 0 : i32
        %ne3A_1904 = vector.broadcast %ne3A_1903 : i32 to vector<16xi32>
        %ne3A_1905 = arith.cmpi ne, %get3A_1875, %ne3A_1904 : vector<16xi32>
        %jit3A_1906 = arith.constant 1.000000e+00 : f32
        %jit3A_1907 = arith.constant 0.000000e+00 : f32
        %broadcast_in_dim3A_1908 = vector.broadcast %jit3A_1906 : f32 to vector<16xf32>
        %broadcast_in_dim3A_1909 = vector.broadcast %jit3A_1907 : f32 to vector<16xf32>
        %select_n3A_1910 = arith.select %ne3A_1905, %broadcast_in_dim3A_1908, %broadcast_in_dim3A_1909 : vector<16xi1>, vector<16xf32>
        %swap3A_1911 = arith.constant 0 : i32
        %swap3A_1912 = arith.index_cast %swap3A_1911 : i32 to index
        %swap3A_1913 = arith.constant 0 : index
        %swap3A_1914 = tpu.vector_load %arg25[%swap3A_1912, %swap3A_1913] {strides = array<i32>} : memref<2x128xf32, #tpu.memory_space<vmem>>, vector<16xf32>,
        tpu.vector_store %arg25[%swap3A_1912, %swap3A_1913], %select_n3A_1910 {strides = array<i32>} : memref<2x128xf32, #tpu.memory_space<vmem>>, vector<16xf32>,
        %add3A_1915 = arith.constant 16 : i32
        %add3A_1916 = arith.addi %mul3A_1871, %add3A_1915 : i32
        %get3A_1917 = arith.index_cast %add3A_1916 : i32 to index
        %get3A_1918 = tpu.vector_load %arg5[%get3A_1917] {strides = array<i32>} : memref<6416xi32, #tpu.memory_space<vmem>>, vector<16xi32>,
        %mul3A_1919 = arith.constant 3 : i32
        %mul3A_1920 = vector.broadcast %mul3A_1919 : i32 to vector<16xi32>
        %mul3A_1921 = arith.muli %get3A_1918, %mul3A_1920 : vector<16xi32>
        %sub3A_1922 = arith.constant 3 : i32
        %sub3A_1923 = vector.broadcast %sub3A_1922 : i32 to vector<16xi32>
        %sub3A_1924 = arith.subi %mul3A_1921, %sub3A_1923 : vector<16xi32>
        %jit3A_1925 = arith.constant 0 : i32
        %jit3A_1926 = arith.constant 299994 : i32
        %max3A_1927 = vector.broadcast %jit3A_1925 : i32 to vector<16xi32>
        %max3A_1928 = arith.maxsi %max3A_1927, %sub3A_1924 : vector<16xi32>
        %min3A_1929 = vector.broadcast %jit3A_1926 : i32 to vector<16xi32>
        %min3A_1930 = arith.minsi %min3A_1929, %max3A_1928 : vector<16xi32>
        %add3A_1931 = arith.constant 0 : i32
        %add3A_1932 = vector.broadcast %add3A_1931 : i32 to vector<16xi32>
        %add3A_1933 = arith.addi %min3A_1930, %add3A_1932 : vector<16xi32>
        %swap3A_1934 = arith.constant 16 : index
        %swap3A_1935 = tpu.vector_load %arg12[%swap3A_1934] {strides = array<i32>} : memref<112xi32, #tpu.memory_space<vmem>>, vector<16xi32>,
        tpu.vector_store %arg12[%swap3A_1934], %add3A_1933 {strides = array<i32>} : memref<112xi32, #tpu.memory_space<vmem>>, vector<16xi32>,
        %add3A_1936 = arith.constant 1 : i32
        %add3A_1937 = vector.broadcast %add3A_1936 : i32 to vector<16xi32>
        %add3A_1938 = arith.addi %min3A_1930, %add3A_1937 : vector<16xi32>
        %swap3A_1939 = arith.constant 16 : index
        %swap3A_1940 = tpu.vector_load %arg14[%swap3A_1939] {strides = array<i32>} : memref<112xi32, #tpu.memory_space<vmem>>, vector<16xi32>,
        tpu.vector_store %arg14[%swap3A_1939], %add3A_1938 {strides = array<i32>} : memref<112xi32, #tpu.memory_space<vmem>>, vector<16xi32>,
        %add3A_1941 = arith.constant 2 : i32
        %add3A_1942 = vector.broadcast %add3A_1941 : i32 to vector<16xi32>
        %add3A_1943 = arith.addi %min3A_1930, %add3A_1942 : vector<16xi32>
        %swap3A_1944 = arith.constant 16 : index
        %swap3A_1945 = tpu.vector_load %arg16[%swap3A_1944] {strides = array<i32>} : memref<112xi32, #tpu.memory_space<vmem>>, vector<16xi32>,
        tpu.vector_store %arg16[%swap3A_1944], %add3A_1943 {strides = array<i32>} : memref<112xi32, #tpu.memory_space<vmem>>, vector<16xi32>,
        %ne3A_1946 = arith.constant 0 : i32
        %ne3A_1947 = vector.broadcast %ne3A_1946 : i32 to vector<16xi32>
        %ne3A_1948 = arith.cmpi ne, %get3A_1918, %ne3A_1947 : vector<16xi32>
        %jit3A_1949 = arith.constant 1.000000e+00 : f32
        %jit3A_1950 = arith.constant 0.000000e+00 : f32
        %broadcast_in_dim3A_1951 = vector.broadcast %jit3A_1949 : f32 to vector<16xf32>
        %broadcast_in_dim3A_1952 = vector.broadcast %jit3A_1950 : f32 to vector<16xf32>
        %select_n3A_1953 = arith.select %ne3A_1948, %broadcast_in_dim3A_1951, %broadcast_in_dim3A_1952 : vector<16xi1>, vector<16xf32>
        %swap3A_1954 = arith.constant 0 : i32
        %swap3A_1955 = arith.index_cast %swap3A_1954 : i32 to index
        %swap3A_1956 = arith.constant 16 : index
        %swap3A_1957 = tpu.vector_load %arg25[%swap3A_1955, %swap3A_1956] {strides = array<i32>} : memref<2x128xf32, #tpu.memory_space<vmem>>, vector<16xf32>,
        tpu.vector_store %arg25[%swap3A_1955, %swap3A_1956], %select_n3A_1953 {strides = array<i32>} : memref<2x128xf32, #tpu.memory_space<vmem>>, vector<16xf32>,
        %add3A_1958 = arith.constant 32 : i32
        %add3A_1959 = arith.addi %mul3A_1871, %add3A_1958 : i32
        %get3A_1960 = arith.index_cast %add3A_1959 : i32 to index
        %get3A_1961 = tpu.vector_load %arg5[%get3A_1960] {strides = array<i32>} : memref<6416xi32, #tpu.memory_space<vmem>>, vector<16xi32>,
        %mul3A_1962 = arith.constant 3 : i32
        %mul3A_1963 = vector.broadcast %mul3A_1962 : i32 to vector<16xi32>
        %mul3A_1964 = arith.muli %get3A_1961, %mul3A_1963 : vector<16xi32>
        %sub3A_1965 = arith.constant 3 : i32
        %sub3A_1966 = vector.broadcast %sub3A_1965 : i32 to vector<16xi32>
        %sub3A_1967 = arith.subi %mul3A_1964, %sub3A_1966 : vector<16xi32>
        %jit3A_1968 = arith.constant 0 : i32
        %jit3A_1969 = arith.constant 299994 : i32
        %max3A_1970 = vector.broadcast %jit3A_1968 : i32 to vector<16xi32>
        %max3A_1971 = arith.maxsi %max3A_1970, %sub3A_1967 : vector<16xi32>
        %min3A_1972 = vector.broadcast %jit3A_1969 : i32 to vector<16xi32>
        %min3A_1973 = arith.minsi %min3A_1972, %max3A_1971 : vector<16xi32>
        %add3A_1974 = arith.constant 0 : i32
        %add3A_1975 = vector.broadcast %add3A_1974 : i32 to vector<16xi32>
        %add3A_1976 = arith.addi %min3A_1973, %add3A_1975 : vector<16xi32>
        %swap3A_1977 = arith.constant 32 : index
        %swap3A_1978 = tpu.vector_load %arg12[%swap3A_1977] {strides = array<i32>} : memref<112xi32, #tpu.memory_space<vmem>>, vector<16xi32>,
        tpu.vector_store %arg12[%swap3A_1977], %add3A_1976 {strides = array<i32>} : memref<112xi32, #tpu.memory_space<vmem>>, vector<16xi32>,
        %add3A_1979 = arith.constant 1 : i32
        %add3A_1980 = vector.broadcast %add3A_1979 : i32 to vector<16xi32>
        %add3A_1981 = arith.addi %min3A_1973, %add3A_1980 : vector<16xi32>
        %swap3A_1982 = arith.constant 32 : index
        %swap3A_1983 = tpu.vector_load %arg14[%swap3A_1982] {strides = array<i32>} : memref<112xi32, #tpu.memory_space<vmem>>, vector<16xi32>,
        tpu.vector_store %arg14[%swap3A_1982], %add3A_1981 {strides = array<i32>} : memref<112xi32, #tpu.memory_space<vmem>>, vector<16xi32>,
        %add3A_1984 = arith.constant 2 : i32
        %add3A_1985 = vector.broadcast %add3A_1984 : i32 to vector<16xi32>
        %add3A_1986 = arith.addi %min3A_1973, %add3A_1985 : vector<16xi32>
        %swap3A_1987 = arith.constant 32 : index
        %swap3A_1988 = tpu.vector_load %arg16[%swap3A_1987] {strides = array<i32>} : memref<112xi32, #tpu.memory_space<vmem>>, vector<16xi32>,
        tpu.vector_store %arg16[%swap3A_1987], %add3A_1986 {strides = array<i32>} : memref<112xi32, #tpu.memory_space<vmem>>, vector<16xi32>,
        %ne3A_1989 = arith.constant 0 : i32
        %ne3A_1990 = vector.broadcast %ne3A_1989 : i32 to vector<16xi32>
        %ne3A_1991 = arith.cmpi ne, %get3A_1961, %ne3A_1990 : vector<16xi32>
        %jit3A_1992 = arith.constant 1.000000e+00 : f32
        %jit3A_1993 = arith.constant 0.000000e+00 : f32
        %broadcast_in_dim3A_1994 = vector.broadcast %jit3A_1992 : f32 to vector<16xf32>
        %broadcast_in_dim3A_1995 = vector.broadcast %jit3A_1993 : f32 to vector<16xf32>
        %select_n3A_1996 = arith.select %ne3A_1991, %broadcast_in_dim3A_1994, %broadcast_in_dim3A_1995 : vector<16xi1>, vector<16xf32>
        %swap3A_1997 = arith.constant 0 : i32
        %swap3A_1998 = arith.index_cast %swap3A_1997 : i32 to index
        %swap3A_1999 = arith.constant 32 : index
        %swap3A_2000 = tpu.vector_load %arg25[%swap3A_1998, %swap3A_1999] {strides = array<i32>} : memref<2x128xf32, #tpu.memory_space<vmem>>, vector<16xf32>,
        tpu.vector_store %arg25[%swap3A_1998, %swap3A_1999], %select_n3A_1996 {strides = array<i32>} : memref<2x128xf32, #tpu.memory_space<vmem>>, vector<16xf32>,
        %add3A_2001 = arith.constant 48 : i32
        %add3A_2002 = arith.addi %mul3A_1871, %add3A_2001 : i32
        %get3A_2003 = arith.index_cast %add3A_2002 : i32 to index
        %get3A_2004 = tpu.vector_load %arg5[%get3A_2003] {strides = array<i32>} : memref<6416xi32, #tpu.memory_space<vmem>>, vector<16xi32>,
        %mul3A_2005 = arith.constant 3 : i32
        %mul3A_2006 = vector.broadcast %mul3A_2005 : i32 to vector<16xi32>
        %mul3A_2007 = arith.muli %get3A_2004, %mul3A_2006 : vector<16xi32>
        %sub3A_2008 = arith.constant 3 : i32
        %sub3A_2009 = vector.broadcast %sub3A_2008 : i32 to vector<16xi32>
        %sub3A_2010 = arith.subi %mul3A_2007, %sub3A_2009 : vector<16xi32>
        %jit3A_2011 = arith.constant 0 : i32
        %jit3A_2012 = arith.constant 299994 : i32
        %max3A_2013 = vector.broadcast %jit3A_2011 : i32 to vector<16xi32>
        %max3A_2014 = arith.maxsi %max3A_2013, %sub3A_2010 : vector<16xi32>
        %min3A_2015 = vector.broadcast %jit3A_2012 : i32 to vector<16xi32>
        %min3A_2016 = arith.minsi %min3A_2015, %max3A_2014 : vector<16xi32>
        %add3A_2017 = arith.constant 0 : i32
        %add3A_2018 = vector.broadcast %add3A_2017 : i32 to vector<16xi32>
        %add3A_2019 = arith.addi %min3A_2016, %add3A_2018 : vector<16xi32>
        %swap3A_2020 = arith.constant 48 : index
        %swap3A_2021 = tpu.vector_load %arg12[%swap3A_2020] {strides = array<i32>} : memref<112xi32, #tpu.memory_space<vmem>>, vector<16xi32>,
        tpu.vector_store %arg12[%swap3A_2020], %add3A_2019 {strides = array<i32>} : memref<112xi32, #tpu.memory_space<vmem>>, vector<16xi32>,
        %add3A_2022 = arith.constant 1 : i32
        %add3A_2023 = vector.broadcast %add3A_2022 : i32 to vector<16xi32>
        %add3A_2024 = arith.addi %min3A_2016, %add3A_2023 : vector<16xi32>
        %swap3A_2025 = arith.constant 48 : index
        %swap3A_2026 = tpu.vector_load %arg14[%swap3A_2025] {strides = array<i32>} : memref<112xi32, #tpu.memory_space<vmem>>, vector<16xi32>,
        tpu.vector_store %arg14[%swap3A_2025], %add3A_2024 {strides = array<i32>} : memref<112xi32, #tpu.memory_space<vmem>>, vector<16xi32>,
        %add3A_2027 = arith.constant 2 : i32
        %add3A_2028 = vector.broadcast %add3A_2027 : i32 to vector<16xi32>
        %add3A_2029 = arith.addi %min3A_2016, %add3A_2028 : vector<16xi32>
        %swap3A_2030 = arith.constant 48 : index
        %swap3A_2031 = tpu.vector_load %arg16[%swap3A_2030] {strides = array<i32>} : memref<112xi32, #tpu.memory_space<vmem>>, vector<16xi32>,
        tpu.vector_store %arg16[%swap3A_2030], %add3A_2029 {strides = array<i32>} : memref<112xi32, #tpu.memory_space<vmem>>, vector<16xi32>,
        %ne3A_2032 = arith.constant 0 : i32
        %ne3A_2033 = vector.broadcast %ne3A_2032 : i32 to vector<16xi32>
        %ne3A_2034 = arith.cmpi ne, %get3A_2004, %ne3A_2033 : vector<16xi32>
        %jit3A_2035 = arith.constant 1.000000e+00 : f32
        %jit3A_2036 = arith.constant 0.000000e+00 : f32
        %broadcast_in_dim3A_2037 = vector.broadcast %jit3A_2035 : f32 to vector<16xf32>
        %broadcast_in_dim3A_2038 = vector.broadcast %jit3A_2036 : f32 to vector<16xf32>
        %select_n3A_2039 = arith.select %ne3A_2034, %broadcast_in_dim3A_2037, %broadcast_in_dim3A_2038 : vector<16xi1>, vector<16xf32>
        %swap3A_2040 = arith.constant 0 : i32
        %swap3A_2041 = arith.index_cast %swap3A_2040 : i32 to index
        %swap3A_2042 = arith.constant 48 : index
        %swap3A_2043 = tpu.vector_load %arg25[%swap3A_2041, %swap3A_2042] {strides = array<i32>} : memref<2x128xf32, #tpu.memory_space<vmem>>, vector<16xf32>,
        tpu.vector_store %arg25[%swap3A_2041, %swap3A_2042], %select_n3A_2039 {strides = array<i32>} : memref<2x128xf32, #tpu.memory_space<vmem>>, vector<16xf32>,
        %add3A_2044 = arith.constant 64 : i32
        %add3A_2045 = arith.addi %mul3A_1871, %add3A_2044 : i32
        %get3A_2046 = arith.index_cast %add3A_2045 : i32 to index
        %get3A_2047 = tpu.vector_load %arg5[%get3A_2046] {strides = array<i32>} : memref<6416xi32, #tpu.memory_space<vmem>>, vector<16xi32>,
        %mul3A_2048 = arith.constant 3 : i32
        %mul3A_2049 = vector.broadcast %mul3A_2048 : i32 to vector<16xi32>
        %mul3A_2050 = arith.muli %get3A_2047, %mul3A_2049 : vector<16xi32>
        %sub3A_2051 = arith.constant 3 : i32
        %sub3A_2052 = vector.broadcast %sub3A_2051 : i32 to vector<16xi32>
        %sub3A_2053 = arith.subi %mul3A_2050, %sub3A_2052 : vector<16xi32>
        %jit3A_2054 = arith.constant 0 : i32
        %jit3A_2055 = arith.constant 299994 : i32
        %max3A_2056 = vector.broadcast %jit3A_2054 : i32 to vector<16xi32>
        %max3A_2057 = arith.maxsi %max3A_2056, %sub3A_2053 : vector<16xi32>
        %min3A_2058 = vector.broadcast %jit3A_2055 : i32 to vector<16xi32>
        %min3A_2059 = arith.minsi %min3A_2058, %max3A_2057 : vector<16xi32>
        %add3A_2060 = arith.constant 0 : i32
        %add3A_2061 = vector.broadcast %add3A_2060 : i32 to vector<16xi32>
        %add3A_2062 = arith.addi %min3A_2059, %add3A_2061 : vector<16xi32>
        %swap3A_2063 = arith.constant 64 : index
        %swap3A_2064 = tpu.vector_load %arg12[%swap3A_2063] {strides = array<i32>} : memref<112xi32, #tpu.memory_space<vmem>>, vector<16xi32>,
        tpu.vector_store %arg12[%swap3A_2063], %add3A_2062 {strides = array<i32>} : memref<112xi32, #tpu.memory_space<vmem>>, vector<16xi32>,
        %add3A_2065 = arith.constant 1 : i32
        %add3A_2066 = vector.broadcast %add3A_2065 : i32 to vector<16xi32>
        %add3A_2067 = arith.addi %min3A_2059, %add3A_2066 : vector<16xi32>
        %swap3A_2068 = arith.constant 64 : index
        %swap3A_2069 = tpu.vector_load %arg14[%swap3A_2068] {strides = array<i32>} : memref<112xi32, #tpu.memory_space<vmem>>, vector<16xi32>,
        tpu.vector_store %arg14[%swap3A_2068], %add3A_2067 {strides = array<i32>} : memref<112xi32, #tpu.memory_space<vmem>>, vector<16xi32>,
        %add3A_2070 = arith.constant 2 : i32
        %add3A_2071 = vector.broadcast %add3A_2070 : i32 to vector<16xi32>
        %add3A_2072 = arith.addi %min3A_2059, %add3A_2071 : vector<16xi32>
        %swap3A_2073 = arith.constant 64 : index
        %swap3A_2074 = tpu.vector_load %arg16[%swap3A_2073] {strides = array<i32>} : memref<112xi32, #tpu.memory_space<vmem>>, vector<16xi32>,
        tpu.vector_store %arg16[%swap3A_2073], %add3A_2072 {strides = array<i32>} : memref<112xi32, #tpu.memory_space<vmem>>, vector<16xi32>,
        %ne3A_2075 = arith.constant 0 : i32
        %ne3A_2076 = vector.broadcast %ne3A_2075 : i32 to vector<16xi32>
        %ne3A_2077 = arith.cmpi ne, %get3A_2047, %ne3A_2076 : vector<16xi32>
        %jit3A_2078 = arith.constant 1.000000e+00 : f32
        %jit3A_2079 = arith.constant 0.000000e+00 : f32
        %broadcast_in_dim3A_2080 = vector.broadcast %jit3A_2078 : f32 to vector<16xf32>
        %broadcast_in_dim3A_2081 = vector.broadcast %jit3A_2079 : f32 to vector<16xf32>
        %select_n3A_2082 = arith.select %ne3A_2077, %broadcast_in_dim3A_2080, %broadcast_in_dim3A_2081 : vector<16xi1>, vector<16xf32>
        %swap3A_2083 = arith.constant 0 : i32
        %swap3A_2084 = arith.index_cast %swap3A_2083 : i32 to index
        %swap3A_2085 = arith.constant 64 : index
        %swap3A_2086 = tpu.vector_load %arg25[%swap3A_2084, %swap3A_2085] {strides = array<i32>} : memref<2x128xf32, #tpu.memory_space<vmem>>, vector<16xf32>,
        tpu.vector_store %arg25[%swap3A_2084, %swap3A_2085], %select_n3A_2082 {strides = array<i32>} : memref<2x128xf32, #tpu.memory_space<vmem>>, vector<16xf32>,
        %add3A_2087 = arith.constant 80 : i32
        %add3A_2088 = arith.addi %mul3A_1871, %add3A_2087 : i32
        %get3A_2089 = arith.index_cast %add3A_2088 : i32 to index
        %get3A_2090 = tpu.vector_load %arg5[%get3A_2089] {strides = array<i32>} : memref<6416xi32, #tpu.memory_space<vmem>>, vector<16xi32>,
        %mul3A_2091 = arith.constant 3 : i32
        %mul3A_2092 = vector.broadcast %mul3A_2091 : i32 to vector<16xi32>
        %mul3A_2093 = arith.muli %get3A_2090, %mul3A_2092 : vector<16xi32>
        %sub3A_2094 = arith.constant 3 : i32
        %sub3A_2095 = vector.broadcast %sub3A_2094 : i32 to vector<16xi32>
        %sub3A_2096 = arith.subi %mul3A_2093, %sub3A_2095 : vector<16xi32>
        %jit3A_2097 = arith.constant 0 : i32
        %jit3A_2098 = arith.constant 299994 : i32
        %max3A_2099 = vector.broadcast %jit3A_2097 : i32 to vector<16xi32>
        %max3A_2100 = arith.maxsi %max3A_2099, %sub3A_2096 : vector<16xi32>
        %min3A_2101 = vector.broadcast %jit3A_2098 : i32 to vector<16xi32>
        %min3A_2102 = arith.minsi %min3A_2101, %max3A_2100 : vector<16xi32>
        %add3A_2103 = arith.constant 0 : i32
        %add3A_2104 = vector.broadcast %add3A_2103 : i32 to vector<16xi32>
        %add3A_2105 = arith.addi %min3A_2102, %add3A_2104 : vector<16xi32>
        %swap3A_2106 = arith.constant 80 : index
        %swap3A_2107 = tpu.vector_load %arg12[%swap3A_2106] {strides = array<i32>} : memref<112xi32, #tpu.memory_space<vmem>>, vector<16xi32>,
        tpu.vector_store %arg12[%swap3A_2106], %add3A_2105 {strides = array<i32>} : memref<112xi32, #tpu.memory_space<vmem>>, vector<16xi32>,
        %add3A_2108 = arith.constant 1 : i32
        %add3A_2109 = vector.broadcast %add3A_2108 : i32 to vector<16xi32>
        %add3A_2110 = arith.addi %min3A_2102, %add3A_2109 : vector<16xi32>
        %swap3A_2111 = arith.constant 80 : index
        %swap3A_2112 = tpu.vector_load %arg14[%swap3A_2111] {strides = array<i32>} : memref<112xi32, #tpu.memory_space<vmem>>, vector<16xi32>,
        tpu.vector_store %arg14[%swap3A_2111], %add3A_2110 {strides = array<i32>} : memref<112xi32, #tpu.memory_space<vmem>>, vector<16xi32>,
        %add3A_2113 = arith.constant 2 : i32
        %add3A_2114 = vector.broadcast %add3A_2113 : i32 to vector<16xi32>
        %add3A_2115 = arith.addi %min3A_2102, %add3A_2114 : vector<16xi32>
        %swap3A_2116 = arith.constant 80 : index
        %swap3A_2117 = tpu.vector_load %arg16[%swap3A_2116] {strides = array<i32>} : memref<112xi32, #tpu.memory_space<vmem>>, vector<16xi32>,
        tpu.vector_store %arg16[%swap3A_2116], %add3A_2115 {strides = array<i32>} : memref<112xi32, #tpu.memory_space<vmem>>, vector<16xi32>,
        %ne3A_2118 = arith.constant 0 : i32
        %ne3A_2119 = vector.broadcast %ne3A_2118 : i32 to vector<16xi32>
        %ne3A_2120 = arith.cmpi ne, %get3A_2090, %ne3A_2119 : vector<16xi32>
        %jit3A_2121 = arith.constant 1.000000e+00 : f32
        %jit3A_2122 = arith.constant 0.000000e+00 : f32
        %broadcast_in_dim3A_2123 = vector.broadcast %jit3A_2121 : f32 to vector<16xf32>
        %broadcast_in_dim3A_2124 = vector.broadcast %jit3A_2122 : f32 to vector<16xf32>
        %select_n3A_2125 = arith.select %ne3A_2120, %broadcast_in_dim3A_2123, %broadcast_in_dim3A_2124 : vector<16xi1>, vector<16xf32>
        %swap3A_2126 = arith.constant 0 : i32
        %swap3A_2127 = arith.index_cast %swap3A_2126 : i32 to index
        %swap3A_2128 = arith.constant 80 : index
        %swap3A_2129 = tpu.vector_load %arg25[%swap3A_2127, %swap3A_2128] {strides = array<i32>} : memref<2x128xf32, #tpu.memory_space<vmem>>, vector<16xf32>,
        tpu.vector_store %arg25[%swap3A_2127, %swap3A_2128], %select_n3A_2125 {strides = array<i32>} : memref<2x128xf32, #tpu.memory_space<vmem>>, vector<16xf32>,
        %add3A_2130 = arith.constant 96 : i32
        %add3A_2131 = arith.addi %mul3A_1871, %add3A_2130 : i32
        %get3A_2132 = arith.index_cast %add3A_2131 : i32 to index
        %get3A_2133 = tpu.vector_load %arg5[%get3A_2132] {strides = array<i32>} : memref<6416xi32, #tpu.memory_space<vmem>>, vector<16xi32>,
        %mul3A_2134 = arith.constant 3 : i32
        %mul3A_2135 = vector.broadcast %mul3A_2134 : i32 to vector<16xi32>
        %mul3A_2136 = arith.muli %get3A_2133, %mul3A_2135 : vector<16xi32>
        %sub3A_2137 = arith.constant 3 : i32
        %sub3A_2138 = vector.broadcast %sub3A_2137 : i32 to vector<16xi32>
        %sub3A_2139 = arith.subi %mul3A_2136, %sub3A_2138 : vector<16xi32>
        %jit3A_2140 = arith.constant 0 : i32
        %jit3A_2141 = arith.constant 299994 : i32
        %max3A_2142 = vector.broadcast %jit3A_2140 : i32 to vector<16xi32>
        %max3A_2143 = arith.maxsi %max3A_2142, %sub3A_2139 : vector<16xi32>
        %min3A_2144 = vector.broadcast %jit3A_2141 : i32 to vector<16xi32>
        %min3A_2145 = arith.minsi %min3A_2144, %max3A_2143 : vector<16xi32>
        %add3A_2146 = arith.constant 0 : i32
        %add3A_2147 = vector.broadcast %add3A_2146 : i32 to vector<16xi32>
        %add3A_2148 = arith.addi %min3A_2145, %add3A_2147 : vector<16xi32>
        %swap3A_2149 = arith.constant 96 : index
        %swap3A_2150 = tpu.vector_load %arg12[%swap3A_2149] {strides = array<i32>} : memref<112xi32, #tpu.memory_space<vmem>>, vector<16xi32>,
        tpu.vector_store %arg12[%swap3A_2149], %add3A_2148 {strides = array<i32>} : memref<112xi32, #tpu.memory_space<vmem>>, vector<16xi32>,
        %add3A_2151 = arith.constant 1 : i32
        %add3A_2152 = vector.broadcast %add3A_2151 : i32 to vector<16xi32>
        %add3A_2153 = arith.addi %min3A_2145, %add3A_2152 : vector<16xi32>
        %swap3A_2154 = arith.constant 96 : index
        %swap3A_2155 = tpu.vector_load %arg14[%swap3A_2154] {strides = array<i32>} : memref<112xi32, #tpu.memory_space<vmem>>, vector<16xi32>,
        tpu.vector_store %arg14[%swap3A_2154], %add3A_2153 {strides = array<i32>} : memref<112xi32, #tpu.memory_space<vmem>>, vector<16xi32>,
        %add3A_2156 = arith.constant 2 : i32
        %add3A_2157 = vector.broadcast %add3A_2156 : i32 to vector<16xi32>
        %add3A_2158 = arith.addi %min3A_2145, %add3A_2157 : vector<16xi32>
        %swap3A_2159 = arith.constant 96 : index
        %swap3A_2160 = tpu.vector_load %arg16[%swap3A_2159] {strides = array<i32>} : memref<112xi32, #tpu.memory_space<vmem>>, vector<16xi32>,
        tpu.vector_store %arg16[%swap3A_2159], %add3A_2158 {strides = array<i32>} : memref<112xi32, #tpu.memory_space<vmem>>, vector<16xi32>,
        %ne3A_2161 = arith.constant 0 : i32
        %ne3A_2162 = vector.broadcast %ne3A_2161 : i32 to vector<16xi32>
        %ne3A_2163 = arith.cmpi ne, %get3A_2133, %ne3A_2162 : vector<16xi32>
        %jit3A_2164 = arith.constant 1.000000e+00 : f32
        %jit3A_2165 = arith.constant 0.000000e+00 : f32
        %broadcast_in_dim3A_2166 = vector.broadcast %jit3A_2164 : f32 to vector<16xf32>
        %broadcast_in_dim3A_2167 = vector.broadcast %jit3A_2165 : f32 to vector<16xf32>
        %select_n3A_2168 = arith.select %ne3A_2163, %broadcast_in_dim3A_2166, %broadcast_in_dim3A_2167 : vector<16xi1>, vector<16xf32>
        %swap3A_2169 = arith.constant 0 : i32
        %swap3A_2170 = arith.index_cast %swap3A_2169 : i32 to index
        %swap3A_2171 = arith.constant 96 : index
        %swap3A_2172 = tpu.vector_load %arg25[%swap3A_2170, %swap3A_2171] {strides = array<i32>} : memref<2x128xf32, #tpu.memory_space<vmem>>, vector<16xf32>,
        tpu.vector_store %arg25[%swap3A_2170, %swap3A_2171], %select_n3A_2168 {strides = array<i32>} : memref<2x128xf32, #tpu.memory_space<vmem>>, vector<16xf32>,
        %add3A_2173 = arith.constant 112 : i32
        %add3A_2174 = arith.addi %mul3A_1871, %add3A_2173 : i32
        %get3A_2175 = arith.index_cast %add3A_2174 : i32 to index
        %get3A_2176 = tpu.vector_load %arg5[%get3A_2175] {strides = array<i32>} : memref<6416xi32, #tpu.memory_space<vmem>>, vector<16xi32>,
        %mul3A_2177 = arith.constant 3 : i32
        %mul3A_2178 = vector.broadcast %mul3A_2177 : i32 to vector<16xi32>
        %mul3A_2179 = arith.muli %get3A_2176, %mul3A_2178 : vector<16xi32>
        %sub3A_2180 = arith.constant 3 : i32
        %sub3A_2181 = vector.broadcast %sub3A_2180 : i32 to vector<16xi32>
        %sub3A_2182 = arith.subi %mul3A_2179, %sub3A_2181 : vector<16xi32>
        %jit3A_2183 = arith.constant 0 : i32
        %jit3A_2184 = arith.constant 299994 : i32
        %max3A_2185 = vector.broadcast %jit3A_2183 : i32 to vector<16xi32>
        %max3A_2186 = arith.maxsi %max3A_2185, %sub3A_2182 : vector<16xi32>
        %min3A_2187 = vector.broadcast %jit3A_2184 : i32 to vector<16xi32>
        %min3A_2188 = arith.minsi %min3A_2187, %max3A_2186 : vector<16xi32>
        %add3A_2189 = arith.constant 0 : i32
        %add3A_2190 = vector.broadcast %add3A_2189 : i32 to vector<16xi32>
        %add3A_2191 = arith.addi %min3A_2188, %add3A_2190 : vector<16xi32>
        %swap3A_2192 = arith.constant 0 : index
        %swap3A_2193 = tpu.vector_load %arg13[%swap3A_2192] {strides = array<i32>} : memref<96xi32, #tpu.memory_space<vmem>>, vector<16xi32>,
        tpu.vector_store %arg13[%swap3A_2192], %add3A_2191 {strides = array<i32>} : memref<96xi32, #tpu.memory_space<vmem>>, vector<16xi32>,
        %add3A_2194 = arith.constant 1 : i32
        %add3A_2195 = vector.broadcast %add3A_2194 : i32 to vector<16xi32>
        %add3A_2196 = arith.addi %min3A_2188, %add3A_2195 : vector<16xi32>
        %swap3A_2197 = arith.constant 0 : index
        %swap3A_2198 = tpu.vector_load %arg15[%swap3A_2197] {strides = array<i32>} : memref<96xi32, #tpu.memory_space<vmem>>, vector<16xi32>,
        tpu.vector_store %arg15[%swap3A_2197], %add3A_2196 {strides = array<i32>} : memref<96xi32, #tpu.memory_space<vmem>>, vector<16xi32>,
        %add3A_2199 = arith.constant 2 : i32
        %add3A_2200 = vector.broadcast %add3A_2199 : i32 to vector<16xi32>
        %add3A_2201 = arith.addi %min3A_2188, %add3A_2200 : vector<16xi32>
        %swap3A_2202 = arith.constant 0 : index
        %swap3A_2203 = tpu.vector_load %arg17[%swap3A_2202] {strides = array<i32>} : memref<96xi32, #tpu.memory_space<vmem>>, vector<16xi32>,
        tpu.vector_store %arg17[%swap3A_2202], %add3A_2201 {strides = array<i32>} : memref<96xi32, #tpu.memory_space<vmem>>, vector<16xi32>,
        %ne3A_2204 = arith.constant 0 : i32
        %ne3A_2205 = vector.broadcast %ne3A_2204 : i32 to vector<16xi32>
        %ne3A_2206 = arith.cmpi ne, %get3A_2176, %ne3A_2205 : vector<16xi32>
        %jit3A_2207 = arith.constant 1.000000e+00 : f32
        %jit3A_2208 = arith.constant 0.000000e+00 : f32
        %broadcast_in_dim3A_2209 = vector.broadcast %jit3A_2207 : f32 to vector<16xf32>
        %broadcast_in_dim3A_2210 = vector.broadcast %jit3A_2208 : f32 to vector<16xf32>
        %select_n3A_2211 = arith.select %ne3A_2206, %broadcast_in_dim3A_2209, %broadcast_in_dim3A_2210 : vector<16xi1>, vector<16xf32>
        %swap3A_2212 = arith.constant 0 : i32
        %swap3A_2213 = arith.index_cast %swap3A_2212 : i32 to index
        %swap3A_2214 = arith.constant 112 : index
        %swap3A_2215 = tpu.vector_load %arg25[%swap3A_2213, %swap3A_2214] {strides = array<i32>} : memref<2x128xf32, #tpu.memory_space<vmem>>, vector<16xf32>,
        tpu.vector_store %arg25[%swap3A_2213, %swap3A_2214], %select_n3A_2211 {strides = array<i32>} : memref<2x128xf32, #tpu.memory_space<vmem>>, vector<16xf32>,
        %add3A_2216 = arith.constant 128 : i32
        %add3A_2217 = arith.addi %mul3A_1871, %add3A_2216 : i32
        %get3A_2218 = arith.index_cast %add3A_2217 : i32 to index
        %get3A_2219 = tpu.vector_load %arg5[%get3A_2218] {strides = array<i32>} : memref<6416xi32, #tpu.memory_space<vmem>>, vector<16xi32>,
        %mul3A_2220 = arith.constant 3 : i32
        %mul3A_2221 = vector.broadcast %mul3A_2220 : i32 to vector<16xi32>
        %mul3A_2222 = arith.muli %get3A_2219, %mul3A_2221 : vector<16xi32>
        %sub3A_2223 = arith.constant 3 : i32
        %sub3A_2224 = vector.broadcast %sub3A_2223 : i32 to vector<16xi32>
        %sub3A_2225 = arith.subi %mul3A_2222, %sub3A_2224 : vector<16xi32>
        %jit3A_2226 = arith.constant 0 : i32
        %jit3A_2227 = arith.constant 299994 : i32
        %max3A_2228 = vector.broadcast %jit3A_2226 : i32 to vector<16xi32>
        %max3A_2229 = arith.maxsi %max3A_2228, %sub3A_2225 : vector<16xi32>
        %min3A_2230 = vector.broadcast %jit3A_2227 : i32 to vector<16xi32>
        %min3A_2231 = arith.minsi %min3A_2230, %max3A_2229 : vector<16xi32>
        %add3A_2232 = arith.constant 0 : i32
        %add3A_2233 = vector.broadcast %add3A_2232 : i32 to vector<16xi32>
        %add3A_2234 = arith.addi %min3A_2231, %add3A_2233 : vector<16xi32>
        %swap3A_2235 = arith.constant 16 : index
        %swap3A_2236 = tpu.vector_load %arg13[%swap3A_2235] {strides = array<i32>} : memref<96xi32, #tpu.memory_space<vmem>>, vector<16xi32>,
        tpu.vector_store %arg13[%swap3A_2235], %add3A_2234 {strides = array<i32>} : memref<96xi32, #tpu.memory_space<vmem>>, vector<16xi32>,
        %add3A_2237 = arith.constant 1 : i32
        %add3A_2238 = vector.broadcast %add3A_2237 : i32 to vector<16xi32>
        %add3A_2239 = arith.addi %min3A_2231, %add3A_2238 : vector<16xi32>
        %swap3A_2240 = arith.constant 16 : index
        %swap3A_2241 = tpu.vector_load %arg15[%swap3A_2240] {strides = array<i32>} : memref<96xi32, #tpu.memory_space<vmem>>, vector<16xi32>,
        tpu.vector_store %arg15[%swap3A_2240], %add3A_2239 {strides = array<i32>} : memref<96xi32, #tpu.memory_space<vmem>>, vector<16xi32>,
        %add3A_2242 = arith.constant 2 : i32
        %add3A_2243 = vector.broadcast %add3A_2242 : i32 to vector<16xi32>
        %add3A_2244 = arith.addi %min3A_2231, %add3A_2243 : vector<16xi32>
        %swap3A_2245 = arith.constant 16 : index
        %swap3A_2246 = tpu.vector_load %arg17[%swap3A_2245] {strides = array<i32>} : memref<96xi32, #tpu.memory_space<vmem>>, vector<16xi32>,
        tpu.vector_store %arg17[%swap3A_2245], %add3A_2244 {strides = array<i32>} : memref<96xi32, #tpu.memory_space<vmem>>, vector<16xi32>,
        %ne3A_2247 = arith.constant 0 : i32
        %ne3A_2248 = vector.broadcast %ne3A_2247 : i32 to vector<16xi32>
        %ne3A_2249 = arith.cmpi ne, %get3A_2219, %ne3A_2248 : vector<16xi32>
        %jit3A_2250 = arith.constant 1.000000e+00 : f32
        %jit3A_2251 = arith.constant 0.000000e+00 : f32
        %broadcast_in_dim3A_2252 = vector.broadcast %jit3A_2250 : f32 to vector<16xf32>
        %broadcast_in_dim3A_2253 = vector.broadcast %jit3A_2251 : f32 to vector<16xf32>
        %select_n3A_2254 = arith.select %ne3A_2249, %broadcast_in_dim3A_2252, %broadcast_in_dim3A_2253 : vector<16xi1>, vector<16xf32>
        %swap3A_2255 = arith.constant 1 : i32
        %swap3A_2256 = arith.index_cast %swap3A_2255 : i32 to index
        %swap3A_2257 = arith.constant 0 : index
        %swap3A_2258 = tpu.vector_load %arg25[%swap3A_2256, %swap3A_2257] {strides = array<i32>} : memref<2x128xf32, #tpu.memory_space<vmem>>, vector<16xf32>,
        tpu.vector_store %arg25[%swap3A_2256, %swap3A_2257], %select_n3A_2254 {strides = array<i32>} : memref<2x128xf32, #tpu.memory_space<vmem>>, vector<16xf32>,
        %add3A_2259 = arith.constant 144 : i32
        %add3A_2260 = arith.addi %mul3A_1871, %add3A_2259 : i32
        %get3A_2261 = arith.index_cast %add3A_2260 : i32 to index
        %get3A_2262 = tpu.vector_load %arg5[%get3A_2261] {strides = array<i32>} : memref<6416xi32, #tpu.memory_space<vmem>>, vector<16xi32>,
        %mul3A_2263 = arith.constant 3 : i32
        %mul3A_2264 = vector.broadcast %mul3A_2263 : i32 to vector<16xi32>
        %mul3A_2265 = arith.muli %get3A_2262, %mul3A_2264 : vector<16xi32>
        %sub3A_2266 = arith.constant 3 : i32
        %sub3A_2267 = vector.broadcast %sub3A_2266 : i32 to vector<16xi32>
        %sub3A_2268 = arith.subi %mul3A_2265, %sub3A_2267 : vector<16xi32>
        %jit3A_2269 = arith.constant 0 : i32
        %jit3A_2270 = arith.constant 299994 : i32
        %max3A_2271 = vector.broadcast %jit3A_2269 : i32 to vector<16xi32>
        %max3A_2272 = arith.maxsi %max3A_2271, %sub3A_2268 : vector<16xi32>
        %min3A_2273 = vector.broadcast %jit3A_2270 : i32 to vector<16xi32>
        %min3A_2274 = arith.minsi %min3A_2273, %max3A_2272 : vector<16xi32>
        %add3A_2275 = arith.constant 0 : i32
        %add3A_2276 = vector.broadcast %add3A_2275 : i32 to vector<16xi32>
        %add3A_2277 = arith.addi %min3A_2274, %add3A_2276 : vector<16xi32>
        %swap3A_2278 = arith.constant 32 : index
        %swap3A_2279 = tpu.vector_load %arg13[%swap3A_2278] {strides = array<i32>} : memref<96xi32, #tpu.memory_space<vmem>>, vector<16xi32>,
        tpu.vector_store %arg13[%swap3A_2278], %add3A_2277 {strides = array<i32>} : memref<96xi32, #tpu.memory_space<vmem>>, vector<16xi32>,
        %add3A_2280 = arith.constant 1 : i32
        %add3A_2281 = vector.broadcast %add3A_2280 : i32 to vector<16xi32>
        %add3A_2282 = arith.addi %min3A_2274, %add3A_2281 : vector<16xi32>
        %swap3A_2283 = arith.constant 32 : index
        %swap3A_2284 = tpu.vector_load %arg15[%swap3A_2283] {strides = array<i32>} : memref<96xi32, #tpu.memory_space<vmem>>, vector<16xi32>,
        tpu.vector_store %arg15[%swap3A_2283], %add3A_2282 {strides = array<i32>} : memref<96xi32, #tpu.memory_space<vmem>>, vector<16xi32>,
        %add3A_2285 = arith.constant 2 : i32
        %add3A_2286 = vector.broadcast %add3A_2285 : i32 to vector<16xi32>
        %add3A_2287 = arith.addi %min3A_2274, %add3A_2286 : vector<16xi32>
        %swap3A_2288 = arith.constant 32 : index
        %swap3A_2289 = tpu.vector_load %arg17[%swap3A_2288] {strides = array<i32>} : memref<96xi32, #tpu.memory_space<vmem>>, vector<16xi32>,
        tpu.vector_store %arg17[%swap3A_2288], %add3A_2287 {strides = array<i32>} : memref<96xi32, #tpu.memory_space<vmem>>, vector<16xi32>,
        %ne3A_2290 = arith.constant 0 : i32
        %ne3A_2291 = vector.broadcast %ne3A_2290 : i32 to vector<16xi32>
        %ne3A_2292 = arith.cmpi ne, %get3A_2262, %ne3A_2291 : vector<16xi32>
        %jit3A_2293 = arith.constant 1.000000e+00 : f32
        %jit3A_2294 = arith.constant 0.000000e+00 : f32
        %broadcast_in_dim3A_2295 = vector.broadcast %jit3A_2293 : f32 to vector<16xf32>
        %broadcast_in_dim3A_2296 = vector.broadcast %jit3A_2294 : f32 to vector<16xf32>
        %select_n3A_2297 = arith.select %ne3A_2292, %broadcast_in_dim3A_2295, %broadcast_in_dim3A_2296 : vector<16xi1>, vector<16xf32>
        %swap3A_2298 = arith.constant 1 : i32
        %swap3A_2299 = arith.index_cast %swap3A_2298 : i32 to index
        %swap3A_2300 = arith.constant 16 : index
        %swap3A_2301 = tpu.vector_load %arg25[%swap3A_2299, %swap3A_2300] {strides = array<i32>} : memref<2x128xf32, #tpu.memory_space<vmem>>, vector<16xf32>,
        tpu.vector_store %arg25[%swap3A_2299, %swap3A_2300], %select_n3A_2297 {strides = array<i32>} : memref<2x128xf32, #tpu.memory_space<vmem>>, vector<16xf32>,
        %add3A_2302 = arith.constant 160 : i32
        %add3A_2303 = arith.addi %mul3A_1871, %add3A_2302 : i32
        %get3A_2304 = arith.index_cast %add3A_2303 : i32 to index
        %get3A_2305 = tpu.vector_load %arg5[%get3A_2304] {strides = array<i32>} : memref<6416xi32, #tpu.memory_space<vmem>>, vector<16xi32>,
        %mul3A_2306 = arith.constant 3 : i32
        %mul3A_2307 = vector.broadcast %mul3A_2306 : i32 to vector<16xi32>
        %mul3A_2308 = arith.muli %get3A_2305, %mul3A_2307 : vector<16xi32>
        %sub3A_2309 = arith.constant 3 : i32
        %sub3A_2310 = vector.broadcast %sub3A_2309 : i32 to vector<16xi32>
        %sub3A_2311 = arith.subi %mul3A_2308, %sub3A_2310 : vector<16xi32>
        %jit3A_2312 = arith.constant 0 : i32
        %jit3A_2313 = arith.constant 299994 : i32
        %max3A_2314 = vector.broadcast %jit3A_2312 : i32 to vector<16xi32>
        %max3A_2315 = arith.maxsi %max3A_2314, %sub3A_2311 : vector<16xi32>
        %min3A_2316 = vector.broadcast %jit3A_2313 : i32 to vector<16xi32>
        %min3A_2317 = arith.minsi %min3A_2316, %max3A_2315 : vector<16xi32>
        %add3A_2318 = arith.constant 0 : i32
        %add3A_2319 = vector.broadcast %add3A_2318 : i32 to vector<16xi32>
        %add3A_2320 = arith.addi %min3A_2317, %add3A_2319 : vector<16xi32>
        %swap3A_2321 = arith.constant 48 : index
        %swap3A_2322 = tpu.vector_load %arg13[%swap3A_2321] {strides = array<i32>} : memref<96xi32, #tpu.memory_space<vmem>>, vector<16xi32>,
        tpu.vector_store %arg13[%swap3A_2321], %add3A_2320 {strides = array<i32>} : memref<96xi32, #tpu.memory_space<vmem>>, vector<16xi32>,
        %add3A_2323 = arith.constant 1 : i32
        %add3A_2324 = vector.broadcast %add3A_2323 : i32 to vector<16xi32>
        %add3A_2325 = arith.addi %min3A_2317, %add3A_2324 : vector<16xi32>
        %swap3A_2326 = arith.constant 48 : index
        %swap3A_2327 = tpu.vector_load %arg15[%swap3A_2326] {strides = array<i32>} : memref<96xi32, #tpu.memory_space<vmem>>, vector<16xi32>,
        tpu.vector_store %arg15[%swap3A_2326], %add3A_2325 {strides = array<i32>} : memref<96xi32, #tpu.memory_space<vmem>>, vector<16xi32>,
        %add3A_2328 = arith.constant 2 : i32
        %add3A_2329 = vector.broadcast %add3A_2328 : i32 to vector<16xi32>
        %add3A_2330 = arith.addi %min3A_2317, %add3A_2329 : vector<16xi32>
        %swap3A_2331 = arith.constant 48 : index
        %swap3A_2332 = tpu.vector_load %arg17[%swap3A_2331] {strides = array<i32>} : memref<96xi32, #tpu.memory_space<vmem>>, vector<16xi32>,
        tpu.vector_store %arg17[%swap3A_2331], %add3A_2330 {strides = array<i32>} : memref<96xi32, #tpu.memory_space<vmem>>, vector<16xi32>,
        %ne3A_2333 = arith.constant 0 : i32
        %ne3A_2334 = vector.broadcast %ne3A_2333 : i32 to vector<16xi32>
        %ne3A_2335 = arith.cmpi ne, %get3A_2305, %ne3A_2334 : vector<16xi32>
        %jit3A_2336 = arith.constant 1.000000e+00 : f32
        %jit3A_2337 = arith.constant 0.000000e+00 : f32
        %broadcast_in_dim3A_2338 = vector.broadcast %jit3A_2336 : f32 to vector<16xf32>
        %broadcast_in_dim3A_2339 = vector.broadcast %jit3A_2337 : f32 to vector<16xf32>
        %select_n3A_2340 = arith.select %ne3A_2335, %broadcast_in_dim3A_2338, %broadcast_in_dim3A_2339 : vector<16xi1>, vector<16xf32>
        %swap3A_2341 = arith.constant 1 : i32
        %swap3A_2342 = arith.index_cast %swap3A_2341 : i32 to index
        %swap3A_2343 = arith.constant 32 : index
        %swap3A_2344 = tpu.vector_load %arg25[%swap3A_2342, %swap3A_2343] {strides = array<i32>} : memref<2x128xf32, #tpu.memory_space<vmem>>, vector<16xf32>,
        tpu.vector_store %arg25[%swap3A_2342, %swap3A_2343], %select_n3A_2340 {strides = array<i32>} : memref<2x128xf32, #tpu.memory_space<vmem>>, vector<16xf32>,
        %add3A_2345 = arith.constant 176 : i32
        %add3A_2346 = arith.addi %mul3A_1871, %add3A_2345 : i32
        %get3A_2347 = arith.index_cast %add3A_2346 : i32 to index
        %get3A_2348 = tpu.vector_load %arg5[%get3A_2347] {strides = array<i32>} : memref<6416xi32, #tpu.memory_space<vmem>>, vector<16xi32>,
        %mul3A_2349 = arith.constant 3 : i32
        %mul3A_2350 = vector.broadcast %mul3A_2349 : i32 to vector<16xi32>
        %mul3A_2351 = arith.muli %get3A_2348, %mul3A_2350 : vector<16xi32>
        %sub3A_2352 = arith.constant 3 : i32
        %sub3A_2353 = vector.broadcast %sub3A_2352 : i32 to vector<16xi32>
        %sub3A_2354 = arith.subi %mul3A_2351, %sub3A_2353 : vector<16xi32>
        %jit3A_2355 = arith.constant 0 : i32
        %jit3A_2356 = arith.constant 299994 : i32
        %max3A_2357 = vector.broadcast %jit3A_2355 : i32 to vector<16xi32>
        %max3A_2358 = arith.maxsi %max3A_2357, %sub3A_2354 : vector<16xi32>
        %min3A_2359 = vector.broadcast %jit3A_2356 : i32 to vector<16xi32>
        %min3A_2360 = arith.minsi %min3A_2359, %max3A_2358 : vector<16xi32>
        %add3A_2361 = arith.constant 0 : i32
        %add3A_2362 = vector.broadcast %add3A_2361 : i32 to vector<16xi32>
        %add3A_2363 = arith.addi %min3A_2360, %add3A_2362 : vector<16xi32>
        %swap3A_2364 = arith.constant 64 : index
        %swap3A_2365 = tpu.vector_load %arg13[%swap3A_2364] {strides = array<i32>} : memref<96xi32, #tpu.memory_space<vmem>>, vector<16xi32>,
        tpu.vector_store %arg13[%swap3A_2364], %add3A_2363 {strides = array<i32>} : memref<96xi32, #tpu.memory_space<vmem>>, vector<16xi32>,
        %add3A_2366 = arith.constant 1 : i32
        %add3A_2367 = vector.broadcast %add3A_2366 : i32 to vector<16xi32>
        %add3A_2368 = arith.addi %min3A_2360, %add3A_2367 : vector<16xi32>
        %swap3A_2369 = arith.constant 64 : index
        %swap3A_2370 = tpu.vector_load %arg15[%swap3A_2369] {strides = array<i32>} : memref<96xi32, #tpu.memory_space<vmem>>, vector<16xi32>,
        tpu.vector_store %arg15[%swap3A_2369], %add3A_2368 {strides = array<i32>} : memref<96xi32, #tpu.memory_space<vmem>>, vector<16xi32>,
        %add3A_2371 = arith.constant 2 : i32
        %add3A_2372 = vector.broadcast %add3A_2371 : i32 to vector<16xi32>
        %add3A_2373 = arith.addi %min3A_2360, %add3A_2372 : vector<16xi32>
        %swap3A_2374 = arith.constant 64 : index
        %swap3A_2375 = tpu.vector_load %arg17[%swap3A_2374] {strides = array<i32>} : memref<96xi32, #tpu.memory_space<vmem>>, vector<16xi32>,
        tpu.vector_store %arg17[%swap3A_2374], %add3A_2373 {strides = array<i32>} : memref<96xi32, #tpu.memory_space<vmem>>, vector<16xi32>,
        %ne3A_2376 = arith.constant 0 : i32
        %ne3A_2377 = vector.broadcast %ne3A_2376 : i32 to vector<16xi32>
        %ne3A_2378 = arith.cmpi ne, %get3A_2348, %ne3A_2377 : vector<16xi32>
        %jit3A_2379 = arith.constant 1.000000e+00 : f32
        %jit3A_2380 = arith.constant 0.000000e+00 : f32
        %broadcast_in_dim3A_2381 = vector.broadcast %jit3A_2379 : f32 to vector<16xf32>
        %broadcast_in_dim3A_2382 = vector.broadcast %jit3A_2380 : f32 to vector<16xf32>
        %select_n3A_2383 = arith.select %ne3A_2378, %broadcast_in_dim3A_2381, %broadcast_in_dim3A_2382 : vector<16xi1>, vector<16xf32>
        %swap3A_2384 = arith.constant 1 : i32
        %swap3A_2385 = arith.index_cast %swap3A_2384 : i32 to index
        %swap3A_2386 = arith.constant 48 : index
        %swap3A_2387 = tpu.vector_load %arg25[%swap3A_2385, %swap3A_2386] {strides = array<i32>} : memref<2x128xf32, #tpu.memory_space<vmem>>, vector<16xf32>,
        tpu.vector_store %arg25[%swap3A_2385, %swap3A_2386], %select_n3A_2383 {strides = array<i32>} : memref<2x128xf32, #tpu.memory_space<vmem>>, vector<16xf32>,
        %add3A_2388 = arith.constant 192 : i32
        %add3A_2389 = arith.addi %mul3A_1871, %add3A_2388 : i32
        %get3A_2390 = arith.index_cast %add3A_2389 : i32 to index
        %get3A_2391 = tpu.vector_load %arg5[%get3A_2390] {strides = array<i32>} : memref<6416xi32, #tpu.memory_space<vmem>>, vector<16xi32>,
        %mul3A_2392 = arith.constant 3 : i32
        %mul3A_2393 = vector.broadcast %mul3A_2392 : i32 to vector<16xi32>
        %mul3A_2394 = arith.muli %get3A_2391, %mul3A_2393 : vector<16xi32>
        %sub3A_2395 = arith.constant 3 : i32
        %sub3A_2396 = vector.broadcast %sub3A_2395 : i32 to vector<16xi32>
        %sub3A_2397 = arith.subi %mul3A_2394, %sub3A_2396 : vector<16xi32>
        %jit3A_2398 = arith.constant 0 : i32
        %jit3A_2399 = arith.constant 299994 : i32
        %max3A_2400 = vector.broadcast %jit3A_2398 : i32 to vector<16xi32>
        %max3A_2401 = arith.maxsi %max3A_2400, %sub3A_2397 : vector<16xi32>
        %min3A_2402 = vector.broadcast %jit3A_2399 : i32 to vector<16xi32>
        %min3A_2403 = arith.minsi %min3A_2402, %max3A_2401 : vector<16xi32>
        %add3A_2404 = arith.constant 0 : i32
        %add3A_2405 = vector.broadcast %add3A_2404 : i32 to vector<16xi32>
        %add3A_2406 = arith.addi %min3A_2403, %add3A_2405 : vector<16xi32>
        %swap3A_2407 = arith.constant 80 : index
        %swap3A_2408 = tpu.vector_load %arg13[%swap3A_2407] {strides = array<i32>} : memref<96xi32, #tpu.memory_space<vmem>>, vector<16xi32>,
        tpu.vector_store %arg13[%swap3A_2407], %add3A_2406 {strides = array<i32>} : memref<96xi32, #tpu.memory_space<vmem>>, vector<16xi32>,
        %add3A_2409 = arith.constant 1 : i32
        %add3A_2410 = vector.broadcast %add3A_2409 : i32 to vector<16xi32>
        %add3A_2411 = arith.addi %min3A_2403, %add3A_2410 : vector<16xi32>
        %swap3A_2412 = arith.constant 80 : index
        %swap3A_2413 = tpu.vector_load %arg15[%swap3A_2412] {strides = array<i32>} : memref<96xi32, #tpu.memory_space<vmem>>, vector<16xi32>,
        tpu.vector_store %arg15[%swap3A_2412], %add3A_2411 {strides = array<i32>} : memref<96xi32, #tpu.memory_space<vmem>>, vector<16xi32>,
        %add3A_2414 = arith.constant 2 : i32
        %add3A_2415 = vector.broadcast %add3A_2414 : i32 to vector<16xi32>
        %add3A_2416 = arith.addi %min3A_2403, %add3A_2415 : vector<16xi32>
        %swap3A_2417 = arith.constant 80 : index
        %swap3A_2418 = tpu.vector_load %arg17[%swap3A_2417] {strides = array<i32>} : memref<96xi32, #tpu.memory_space<vmem>>, vector<16xi32>,
        tpu.vector_store %arg17[%swap3A_2417], %add3A_2416 {strides = array<i32>} : memref<96xi32, #tpu.memory_space<vmem>>, vector<16xi32>,
        %ne3A_2419 = arith.constant 0 : i32
        %ne3A_2420 = vector.broadcast %ne3A_2419 : i32 to vector<16xi32>
        %ne3A_2421 = arith.cmpi ne, %get3A_2391, %ne3A_2420 : vector<16xi32>
        %jit3A_2422 = arith.constant 1.000000e+00 : f32
        %jit3A_2423 = arith.constant 0.000000e+00 : f32
        %broadcast_in_dim3A_2424 = vector.broadcast %jit3A_2422 : f32 to vector<16xf32>
        %broadcast_in_dim3A_2425 = vector.broadcast %jit3A_2423 : f32 to vector<16xf32>
        %select_n3A_2426 = arith.select %ne3A_2421, %broadcast_in_dim3A_2424, %broadcast_in_dim3A_2425 : vector<16xi1>, vector<16xf32>
        %swap3A_2427 = arith.constant 1 : i32
        %swap3A_2428 = arith.index_cast %swap3A_2427 : i32 to index
        %swap3A_2429 = arith.constant 64 : index
        %swap3A_2430 = tpu.vector_load %arg25[%swap3A_2428, %swap3A_2429] {strides = array<i32>} : memref<2x128xf32, #tpu.memory_space<vmem>>, vector<16xf32>,
        tpu.vector_store %arg25[%swap3A_2428, %swap3A_2429], %select_n3A_2426 {strides = array<i32>} : memref<2x128xf32, #tpu.memory_space<vmem>>, vector<16xf32>,
        %dma_start3A_2431 = arith.constant 0 : i32
        %dma_start3A_2432 = arith.constant 0 : i32
        %dma_start3A_2433 = tpu.memref_slice %arg21[%dma_start3A_2431, %dma_start3A_2432] : memref<208x64xf32, #tpu.memory_space<vmem>> -> memref<112x64xf32, #tpu.memory_space<vmem>>
        %dma_start3A_2434 = arith.constant 0 : i32
        %dma_start3A_2435 = arith.constant 0 : i32
        %dma_start3A_2436 = tpu.memref_slice %arg3[%dma_start3A_2434, %dma_start3A_2435] : memref<299997x64xf32, #tpu.memory_space<hbm>> -> memref<299997x64xf32, #tpu.memory_space<hbm>>
        tpu.enqueue_indirect_dma source(%dma_start3A_2436 : memref<299997x64xf32, #tpu.memory_space<hbm>>) target(%dma_start3A_2433 : memref<112x64xf32, #tpu.memory_space<vmem>>) offsets(%arg12 : memref<112xi32, #tpu.memory_space<vmem>>) semaphore(%arg30 : memref<!tpu.dma_semaphore, #tpu.memory_space<semaphore_mem>>)
        %dma_start3A_2437 = arith.constant 112 : i32
        %dma_start3A_2438 = arith.constant 0 : i32
        %dma_start3A_2439 = tpu.memref_slice %arg21[%dma_start3A_2437, %dma_start3A_2438] : memref<208x64xf32, #tpu.memory_space<vmem>> -> memref<96x64xf32, #tpu.memory_space<vmem>>
        %dma_start3A_2440 = arith.constant 0 : i32
        %dma_start3A_2441 = arith.constant 0 : i32
        %dma_start3A_2442 = tpu.memref_slice %arg3[%dma_start3A_2440, %dma_start3A_2441] : memref<299997x64xf32, #tpu.memory_space<hbm>> -> memref<299997x64xf32, #tpu.memory_space<hbm>>
        tpu.enqueue_indirect_dma source(%dma_start3A_2442 : memref<299997x64xf32, #tpu.memory_space<hbm>>) target(%dma_start3A_2439 : memref<96x64xf32, #tpu.memory_space<vmem>>) offsets(%arg13 : memref<96xi32, #tpu.memory_space<vmem>>) semaphore(%arg30 : memref<!tpu.dma_semaphore, #tpu.memory_space<semaphore_mem>>)
        %dma_start3A_2443 = arith.constant 0 : i32
        %dma_start3A_2444 = arith.constant 0 : i32
        %dma_start3A_2445 = tpu.memref_slice %arg22[%dma_start3A_2443, %dma_start3A_2444] : memref<208x64xf32, #tpu.memory_space<vmem>> -> memref<112x64xf32, #tpu.memory_space<vmem>>
        %dma_start3A_2446 = arith.constant 0 : i32
        %dma_start3A_2447 = arith.constant 0 : i32
        %dma_start3A_2448 = tpu.memref_slice %arg3[%dma_start3A_2446, %dma_start3A_2447] : memref<299997x64xf32, #tpu.memory_space<hbm>> -> memref<299997x64xf32, #tpu.memory_space<hbm>>
        tpu.enqueue_indirect_dma source(%dma_start3A_2448 : memref<299997x64xf32, #tpu.memory_space<hbm>>) target(%dma_start3A_2445 : memref<112x64xf32, #tpu.memory_space<vmem>>) offsets(%arg14 : memref<112xi32, #tpu.memory_space<vmem>>) semaphore(%arg30 : memref<!tpu.dma_semaphore, #tpu.memory_space<semaphore_mem>>)
        %dma_start3A_2449 = arith.constant 112 : i32
        %dma_start3A_2450 = arith.constant 0 : i32
        %dma_start3A_2451 = tpu.memref_slice %arg22[%dma_start3A_2449, %dma_start3A_2450] : memref<208x64xf32, #tpu.memory_space<vmem>> -> memref<96x64xf32, #tpu.memory_space<vmem>>
        %dma_start3A_2452 = arith.constant 0 : i32
        %dma_start3A_2453 = arith.constant 0 : i32
        %dma_start3A_2454 = tpu.memref_slice %arg3[%dma_start3A_2452, %dma_start3A_2453] : memref<299997x64xf32, #tpu.memory_space<hbm>> -> memref<299997x64xf32, #tpu.memory_space<hbm>>
        tpu.enqueue_indirect_dma source(%dma_start3A_2454 : memref<299997x64xf32, #tpu.memory_space<hbm>>) target(%dma_start3A_2451 : memref<96x64xf32, #tpu.memory_space<vmem>>) offsets(%arg15 : memref<96xi32, #tpu.memory_space<vmem>>) semaphore(%arg30 : memref<!tpu.dma_semaphore, #tpu.memory_space<semaphore_mem>>)
        %dma_start3A_2455 = arith.constant 0 : i32
        %dma_start3A_2456 = arith.constant 0 : i32
        %dma_start3A_2457 = tpu.memref_slice %arg23[%dma_start3A_2455, %dma_start3A_2456] : memref<208x64xf32, #tpu.memory_space<vmem>> -> memref<112x64xf32, #tpu.memory_space<vmem>>
        %dma_start3A_2458 = arith.constant 0 : i32
        %dma_start3A_2459 = arith.constant 0 : i32
        %dma_start3A_2460 = tpu.memref_slice %arg3[%dma_start3A_2458, %dma_start3A_2459] : memref<299997x64xf32, #tpu.memory_space<hbm>> -> memref<299997x64xf32, #tpu.memory_space<hbm>>
        tpu.enqueue_indirect_dma source(%dma_start3A_2460 : memref<299997x64xf32, #tpu.memory_space<hbm>>) target(%dma_start3A_2457 : memref<112x64xf32, #tpu.memory_space<vmem>>) offsets(%arg16 : memref<112xi32, #tpu.memory_space<vmem>>) semaphore(%arg30 : memref<!tpu.dma_semaphore, #tpu.memory_space<semaphore_mem>>)
        %dma_start3A_2461 = arith.constant 112 : i32
        %dma_start3A_2462 = arith.constant 0 : i32
        %dma_start3A_2463 = tpu.memref_slice %arg23[%dma_start3A_2461, %dma_start3A_2462] : memref<208x64xf32, #tpu.memory_space<vmem>> -> memref<96x64xf32, #tpu.memory_space<vmem>>
        %dma_start3A_2464 = arith.constant 0 : i32
        %dma_start3A_2465 = arith.constant 0 : i32
        %dma_start3A_2466 = tpu.memref_slice %arg3[%dma_start3A_2464, %dma_start3A_2465] : memref<299997x64xf32, #tpu.memory_space<hbm>> -> memref<299997x64xf32, #tpu.memory_space<hbm>>
        tpu.enqueue_indirect_dma source(%dma_start3A_2466 : memref<299997x64xf32, #tpu.memory_space<hbm>>) target(%dma_start3A_2463 : memref<96x64xf32, #tpu.memory_space<vmem>>) offsets(%arg17 : memref<96xi32, #tpu.memory_space<vmem>>) semaphore(%arg30 : memref<!tpu.dma_semaphore, #tpu.memory_space<semaphore_mem>>)
      } else {
      }
      %broadcast_in_dim3A_926 = arith.constant 0 : i32
      %broadcast_in_dim3A_927 = vector.broadcast %broadcast_in_dim3A_926 : i32 to vector<16xi32>
      %gather3A_928 = tpu.vector_load_idx %arg26[%broadcast_in_dim3A_927] : memref<64xf32, #tpu.memory_space<vmem>>[vector<16xi32>], vector<16xf32>,
      %sub3A_929 = arith.constant 4.000000e+00 : f32
      %sub3A_930 = vector.broadcast %sub3A_929 : f32 to vector<16xf32>
      %sub3A_931 = arith.subf %sub3A_930, %gather3A_928 : vector<16xf32>
      %get3A_932 = arith.constant 0 : i32
      %get3A_933 = arith.index_cast %get3A_932 : i32 to index
      %get3A_934 = arith.constant 0 : index
      %get3A_935 = tpu.vector_load %arg18[%get3A_933, %get3A_934] {strides = array<i32>} : memref<208x64xf32, #tpu.memory_space<vmem>>, vector<16xf32>,
      %get3A_936 = arith.constant 1 : i32
      %get3A_937 = arith.index_cast %get3A_936 : i32 to index
      %get3A_938 = arith.constant 0 : index
      %get3A_939 = tpu.vector_load %arg18[%get3A_937, %get3A_938] {strides = array<i32>} : memref<208x64xf32, #tpu.memory_space<vmem>>, vector<16xf32>,
      %add3A_940 = arith.addf %get3A_935, %get3A_939 : vector<16xf32>
      %get3A_941 = arith.constant 2 : i32
      %get3A_942 = arith.index_cast %get3A_941 : i32 to index
      %get3A_943 = arith.constant 0 : index
      %get3A_944 = tpu.vector_load %arg18[%get3A_942, %get3A_943] {strides = array<i32>} : memref<208x64xf32, #tpu.memory_space<vmem>>, vector<16xf32>,
      %add3A_945 = arith.addf %add3A_940, %get3A_944 : vector<16xf32>
      %get3A_946 = arith.constant 3 : i32
      %get3A_947 = arith.index_cast %get3A_946 : i32 to index
      %get3A_948 = arith.constant 0 : index
      %get3A_949 = tpu.vector_load %arg18[%get3A_947, %get3A_948] {strides = array<i32>} : memref<208x64xf32, #tpu.memory_space<vmem>>, vector<16xf32>,
      %add3A_950 = arith.addf %add3A_945, %get3A_949 : vector<16xf32>
      %mul3A_951 = arith.mulf %sub3A_931, %get3A_11 : vector<16xf32>
      %sub3A_952 = arith.subf %add3A_950, %mul3A_951 : vector<16xf32>
      %get3A_953 = arith.constant 0 : i32
      %get3A_954 = arith.index_cast %get3A_953 : i32 to index
      %get3A_955 = arith.constant 16 : index
      %get3A_956 = tpu.vector_load %arg18[%get3A_954, %get3A_955] {strides = array<i32>} : memref<208x64xf32, #tpu.memory_space<vmem>>, vector<16xf32>,
      %get3A_957 = arith.constant 1 : i32
      %get3A_958 = arith.index_cast %get3A_957 : i32 to index
      %get3A_959 = arith.constant 16 : index
      %get3A_960 = tpu.vector_load %arg18[%get3A_958, %get3A_959] {strides = array<i32>} : memref<208x64xf32, #tpu.memory_space<vmem>>, vector<16xf32>,
      %add3A_961 = arith.addf %get3A_956, %get3A_960 : vector<16xf32>
      %get3A_962 = arith.constant 2 : i32
      %get3A_963 = arith.index_cast %get3A_962 : i32 to index
      %get3A_964 = arith.constant 16 : index
      %get3A_965 = tpu.vector_load %arg18[%get3A_963, %get3A_964] {strides = array<i32>} : memref<208x64xf32, #tpu.memory_space<vmem>>, vector<16xf32>,
      %add3A_966 = arith.addf %add3A_961, %get3A_965 : vector<16xf32>
      %get3A_967 = arith.constant 3 : i32
      %get3A_968 = arith.index_cast %get3A_967 : i32 to index
      %get3A_969 = arith.constant 16 : index
      %get3A_970 = tpu.vector_load %arg18[%get3A_968, %get3A_969] {strides = array<i32>} : memref<208x64xf32, #tpu.memory_space<vmem>>, vector<16xf32>,
      %add3A_971 = arith.addf %add3A_966, %get3A_970 : vector<16xf32>
      %mul3A_972 = arith.mulf %sub3A_931, %get3A_15 : vector<16xf32>
      %sub3A_973 = arith.subf %add3A_971, %mul3A_972 : vector<16xf32>
      %get3A_974 = arith.constant 0 : i32
      %get3A_975 = arith.index_cast %get3A_974 : i32 to index
      %get3A_976 = arith.constant 32 : index
      %get3A_977 = tpu.vector_load %arg18[%get3A_975, %get3A_976] {strides = array<i32>} : memref<208x64xf32, #tpu.memory_space<vmem>>, vector<16xf32>,
      %get3A_978 = arith.constant 1 : i32
      %get3A_979 = arith.index_cast %get3A_978 : i32 to index
      %get3A_980 = arith.constant 32 : index
      %get3A_981 = tpu.vector_load %arg18[%get3A_979, %get3A_980] {strides = array<i32>} : memref<208x64xf32, #tpu.memory_space<vmem>>, vector<16xf32>,
      %add3A_982 = arith.addf %get3A_977, %get3A_981 : vector<16xf32>
      %get3A_983 = arith.constant 2 : i32
      %get3A_984 = arith.index_cast %get3A_983 : i32 to index
      %get3A_985 = arith.constant 32 : index
      %get3A_986 = tpu.vector_load %arg18[%get3A_984, %get3A_985] {strides = array<i32>} : memref<208x64xf32, #tpu.memory_space<vmem>>, vector<16xf32>,
      %add3A_987 = arith.addf %add3A_982, %get3A_986 : vector<16xf32>
      %get3A_988 = arith.constant 3 : i32
      %get3A_989 = arith.index_cast %get3A_988 : i32 to index
      %get3A_990 = arith.constant 32 : index
      %get3A_991 = tpu.vector_load %arg18[%get3A_989, %get3A_990] {strides = array<i32>} : memref<208x64xf32, #tpu.memory_space<vmem>>, vector<16xf32>,
      %add3A_992 = arith.addf %add3A_987, %get3A_991 : vector<16xf32>
      %mul3A_993 = arith.mulf %sub3A_931, %get3A_19 : vector<16xf32>
      %sub3A_994 = arith.subf %add3A_992, %mul3A_993 : vector<16xf32>
      %get3A_995 = arith.constant 0 : i32
      %get3A_996 = arith.index_cast %get3A_995 : i32 to index
      %get3A_997 = arith.constant 48 : index
      %get3A_998 = tpu.vector_load %arg18[%get3A_996, %get3A_997] {strides = array<i32>} : memref<208x64xf32, #tpu.memory_space<vmem>>, vector<16xf32>,
      %get3A_999 = arith.constant 1 : i32
      %get3A_1000 = arith.index_cast %get3A_999 : i32 to index
      %get3A_1001 = arith.constant 48 : index
      %get3A_1002 = tpu.vector_load %arg18[%get3A_1000, %get3A_1001] {strides = array<i32>} : memref<208x64xf32, #tpu.memory_space<vmem>>, vector<16xf32>,
      %add3A_1003 = arith.addf %get3A_998, %get3A_1002 : vector<16xf32>
      %get3A_1004 = arith.constant 2 : i32
      %get3A_1005 = arith.index_cast %get3A_1004 : i32 to index
      %get3A_1006 = arith.constant 48 : index
      %get3A_1007 = tpu.vector_load %arg18[%get3A_1005, %get3A_1006] {strides = array<i32>} : memref<208x64xf32, #tpu.memory_space<vmem>>, vector<16xf32>,
      %add3A_1008 = arith.addf %add3A_1003, %get3A_1007 : vector<16xf32>
      %get3A_1009 = arith.constant 3 : i32
      %get3A_1010 = arith.index_cast %get3A_1009 : i32 to index
      %get3A_1011 = arith.constant 48 : index
      %get3A_1012 = tpu.vector_load %arg18[%get3A_1010, %get3A_1011] {strides = array<i32>} : memref<208x64xf32, #tpu.memory_space<vmem>>, vector<16xf32>,
      %add3A_1013 = arith.addf %add3A_1008, %get3A_1012 : vector<16xf32>
      %mul3A_1014 = arith.mulf %sub3A_931, %get3A_23 : vector<16xf32>
      %sub3A_1015 = arith.subf %add3A_1013, %mul3A_1014 : vector<16xf32>
      %get3A_1016 = arith.constant 0 : i32
      %get3A_1017 = arith.index_cast %get3A_1016 : i32 to index
      %get3A_1018 = arith.constant 0 : index
      %get3A_1019 = tpu.vector_load %arg19[%get3A_1017, %get3A_1018] {strides = array<i32>} : memref<208x64xf32, #tpu.memory_space<vmem>>, vector<16xf32>,
      %get3A_1020 = arith.constant 1 : i32
      %get3A_1021 = arith.index_cast %get3A_1020 : i32 to index
      %get3A_1022 = arith.constant 0 : index
      %get3A_1023 = tpu.vector_load %arg19[%get3A_1021, %get3A_1022] {strides = array<i32>} : memref<208x64xf32, #tpu.memory_space<vmem>>, vector<16xf32>,
      %add3A_1024 = arith.addf %get3A_1019, %get3A_1023 : vector<16xf32>
      %get3A_1025 = arith.constant 2 : i32
      %get3A_1026 = arith.index_cast %get3A_1025 : i32 to index
      %get3A_1027 = arith.constant 0 : index
      %get3A_1028 = tpu.vector_load %arg19[%get3A_1026, %get3A_1027] {strides = array<i32>} : memref<208x64xf32, #tpu.memory_space<vmem>>, vector<16xf32>,
      %add3A_1029 = arith.addf %add3A_1024, %get3A_1028 : vector<16xf32>
      %get3A_1030 = arith.constant 3 : i32
      %get3A_1031 = arith.index_cast %get3A_1030 : i32 to index
      %get3A_1032 = arith.constant 0 : index
      %get3A_1033 = tpu.vector_load %arg19[%get3A_1031, %get3A_1032] {strides = array<i32>} : memref<208x64xf32, #tpu.memory_space<vmem>>, vector<16xf32>,
      %add3A_1034 = arith.addf %add3A_1029, %get3A_1033 : vector<16xf32>
      %mul3A_1035 = arith.mulf %sub3A_931, %get3A_27 : vector<16xf32>
      %sub3A_1036 = arith.subf %add3A_1034, %mul3A_1035 : vector<16xf32>
      %get3A_1037 = arith.constant 0 : i32
      %get3A_1038 = arith.index_cast %get3A_1037 : i32 to index
      %get3A_1039 = arith.constant 16 : index
      %get3A_1040 = tpu.vector_load %arg19[%get3A_1038, %get3A_1039] {strides = array<i32>} : memref<208x64xf32, #tpu.memory_space<vmem>>, vector<16xf32>,
      %get3A_1041 = arith.constant 1 : i32
      %get3A_1042 = arith.index_cast %get3A_1041 : i32 to index
      %get3A_1043 = arith.constant 16 : index
      %get3A_1044 = tpu.vector_load %arg19[%get3A_1042, %get3A_1043] {strides = array<i32>} : memref<208x64xf32, #tpu.memory_space<vmem>>, vector<16xf32>,
      %add3A_1045 = arith.addf %get3A_1040, %get3A_1044 : vector<16xf32>
      %get3A_1046 = arith.constant 2 : i32
      %get3A_1047 = arith.index_cast %get3A_1046 : i32 to index
      %get3A_1048 = arith.constant 16 : index
      %get3A_1049 = tpu.vector_load %arg19[%get3A_1047, %get3A_1048] {strides = array<i32>} : memref<208x64xf32, #tpu.memory_space<vmem>>, vector<16xf32>,
      %add3A_1050 = arith.addf %add3A_1045, %get3A_1049 : vector<16xf32>
      %get3A_1051 = arith.constant 3 : i32
      %get3A_1052 = arith.index_cast %get3A_1051 : i32 to index
      %get3A_1053 = arith.constant 16 : index
      %get3A_1054 = tpu.vector_load %arg19[%get3A_1052, %get3A_1053] {strides = array<i32>} : memref<208x64xf32, #tpu.memory_space<vmem>>, vector<16xf32>,
      %add3A_1055 = arith.addf %add3A_1050, %get3A_1054 : vector<16xf32>
      %mul3A_1056 = arith.mulf %sub3A_931, %get3A_31 : vector<16xf32>
      %sub3A_1057 = arith.subf %add3A_1055, %mul3A_1056 : vector<16xf32>
      %get3A_1058 = arith.constant 0 : i32
      %get3A_1059 = arith.index_cast %get3A_1058 : i32 to index
      %get3A_1060 = arith.constant 32 : index
      %get3A_1061 = tpu.vector_load %arg19[%get3A_1059, %get3A_1060] {strides = array<i32>} : memref<208x64xf32, #tpu.memory_space<vmem>>, vector<16xf32>,
      %get3A_1062 = arith.constant 1 : i32
      %get3A_1063 = arith.index_cast %get3A_1062 : i32 to index
      %get3A_1064 = arith.constant 32 : index
      %get3A_1065 = tpu.vector_load %arg19[%get3A_1063, %get3A_1064] {strides = array<i32>} : memref<208x64xf32, #tpu.memory_space<vmem>>, vector<16xf32>,
      %add3A_1066 = arith.addf %get3A_1061, %get3A_1065 : vector<16xf32>
      %get3A_1067 = arith.constant 2 : i32
      %get3A_1068 = arith.index_cast %get3A_1067 : i32 to index
      %get3A_1069 = arith.constant 32 : index
      %get3A_1070 = tpu.vector_load %arg19[%get3A_1068, %get3A_1069] {strides = array<i32>} : memref<208x64xf32, #tpu.memory_space<vmem>>, vector<16xf32>,
      %add3A_1071 = arith.addf %add3A_1066, %get3A_1070 : vector<16xf32>
      %get3A_1072 = arith.constant 3 : i32
      %get3A_1073 = arith.index_cast %get3A_1072 : i32 to index
      %get3A_1074 = arith.constant 32 : index
      %get3A_1075 = tpu.vector_load %arg19[%get3A_1073, %get3A_1074] {strides = array<i32>} : memref<208x64xf32, #tpu.memory_space<vmem>>, vector<16xf32>,
      %add3A_1076 = arith.addf %add3A_1071, %get3A_1075 : vector<16xf32>
      %mul3A_1077 = arith.mulf %sub3A_931, %get3A_35 : vector<16xf32>
      %sub3A_1078 = arith.subf %add3A_1076, %mul3A_1077 : vector<16xf32>
      %get3A_1079 = arith.constant 0 : i32
      %get3A_1080 = arith.index_cast %get3A_1079 : i32 to index
      %get3A_1081 = arith.constant 48 : index
      %get3A_1082 = tpu.vector_load %arg19[%get3A_1080, %get3A_1081] {strides = array<i32>} : memref<208x64xf32, #tpu.memory_space<vmem>>, vector<16xf32>,
      %get3A_1083 = arith.constant 1 : i32
      %get3A_1084 = arith.index_cast %get3A_1083 : i32 to index
      %get3A_1085 = arith.constant 48 : index
      %get3A_1086 = tpu.vector_load %arg19[%get3A_1084, %get3A_1085] {strides = array<i32>} : memref<208x64xf32, #tpu.memory_space<vmem>>, vector<16xf32>,
      %add3A_1087 = arith.addf %get3A_1082, %get3A_1086 : vector<16xf32>
      %get3A_1088 = arith.constant 2 : i32
      %get3A_1089 = arith.index_cast %get3A_1088 : i32 to index
      %get3A_1090 = arith.constant 48 : index
      %get3A_1091 = tpu.vector_load %arg19[%get3A_1089, %get3A_1090] {strides = array<i32>} : memref<208x64xf32, #tpu.memory_space<vmem>>, vector<16xf32>,
      %add3A_1092 = arith.addf %add3A_1087, %get3A_1091 : vector<16xf32>
      %get3A_1093 = arith.constant 3 : i32
      %get3A_1094 = arith.index_cast %get3A_1093 : i32 to index
      %get3A_1095 = arith.constant 48 : index
      %get3A_1096 = tpu.vector_load %arg19[%get3A_1094, %get3A_1095] {strides = array<i32>} : memref<208x64xf32, #tpu.memory_space<vmem>>, vector<16xf32>,
      %add3A_1097 = arith.addf %add3A_1092, %get3A_1096 : vector<16xf32>
      %mul3A_1098 = arith.mulf %sub3A_931, %get3A_39 : vector<16xf32>
      %sub3A_1099 = arith.subf %add3A_1097, %mul3A_1098 : vector<16xf32>
      %get3A_1100 = arith.constant 0 : i32
      %get3A_1101 = arith.index_cast %get3A_1100 : i32 to index
      %get3A_1102 = arith.constant 0 : index
      %get3A_1103 = tpu.vector_load %arg20[%get3A_1101, %get3A_1102] {strides = array<i32>} : memref<208x64xf32, #tpu.memory_space<vmem>>, vector<16xf32>,
      %get3A_1104 = arith.constant 1 : i32
      %get3A_1105 = arith.index_cast %get3A_1104 : i32 to index
      %get3A_1106 = arith.constant 0 : index
      %get3A_1107 = tpu.vector_load %arg20[%get3A_1105, %get3A_1106] {strides = array<i32>} : memref<208x64xf32, #tpu.memory_space<vmem>>, vector<16xf32>,
      %add3A_1108 = arith.addf %get3A_1103, %get3A_1107 : vector<16xf32>
      %get3A_1109 = arith.constant 2 : i32
      %get3A_1110 = arith.index_cast %get3A_1109 : i32 to index
      %get3A_1111 = arith.constant 0 : index
      %get3A_1112 = tpu.vector_load %arg20[%get3A_1110, %get3A_1111] {strides = array<i32>} : memref<208x64xf32, #tpu.memory_space<vmem>>, vector<16xf32>,
      %add3A_1113 = arith.addf %add3A_1108, %get3A_1112 : vector<16xf32>
      %get3A_1114 = arith.constant 3 : i32
      %get3A_1115 = arith.index_cast %get3A_1114 : i32 to index
      %get3A_1116 = arith.constant 0 : index
      %get3A_1117 = tpu.vector_load %arg20[%get3A_1115, %get3A_1116] {strides = array<i32>} : memref<208x64xf32, #tpu.memory_space<vmem>>, vector<16xf32>,
      %add3A_1118 = arith.addf %add3A_1113, %get3A_1117 : vector<16xf32>
      %mul3A_1119 = arith.mulf %sub3A_931, %get3A_43 : vector<16xf32>
      %sub3A_1120 = arith.subf %add3A_1118, %mul3A_1119 : vector<16xf32>
      %get3A_1121 = arith.constant 0 : i32
      %get3A_1122 = arith.index_cast %get3A_1121 : i32 to index
      %get3A_1123 = arith.constant 16 : index
      %get3A_1124 = tpu.vector_load %arg20[%get3A_1122, %get3A_1123] {strides = array<i32>} : memref<208x64xf32, #tpu.memory_space<vmem>>, vector<16xf32>,
      %get3A_1125 = arith.constant 1 : i32
      %get3A_1126 = arith.index_cast %get3A_1125 : i32 to index
      %get3A_1127 = arith.constant 16 : index
      %get3A_1128 = tpu.vector_load %arg20[%get3A_1126, %get3A_1127] {strides = array<i32>} : memref<208x64xf32, #tpu.memory_space<vmem>>, vector<16xf32>,
      %add3A_1129 = arith.addf %get3A_1124, %get3A_1128 : vector<16xf32>
      %get3A_1130 = arith.constant 2 : i32
      %get3A_1131 = arith.index_cast %get3A_1130 : i32 to index
      %get3A_1132 = arith.constant 16 : index
      %get3A_1133 = tpu.vector_load %arg20[%get3A_1131, %get3A_1132] {strides = array<i32>} : memref<208x64xf32, #tpu.memory_space<vmem>>, vector<16xf32>,
      %add3A_1134 = arith.addf %add3A_1129, %get3A_1133 : vector<16xf32>
      %get3A_1135 = arith.constant 3 : i32
      %get3A_1136 = arith.index_cast %get3A_1135 : i32 to index
      %get3A_1137 = arith.constant 16 : index
      %get3A_1138 = tpu.vector_load %arg20[%get3A_1136, %get3A_1137] {strides = array<i32>} : memref<208x64xf32, #tpu.memory_space<vmem>>, vector<16xf32>,
      %add3A_1139 = arith.addf %add3A_1134, %get3A_1138 : vector<16xf32>
      %mul3A_1140 = arith.mulf %sub3A_931, %get3A_47 : vector<16xf32>
      %sub3A_1141 = arith.subf %add3A_1139, %mul3A_1140 : vector<16xf32>
      %get3A_1142 = arith.constant 0 : i32
      %get3A_1143 = arith.index_cast %get3A_1142 : i32 to index
      %get3A_1144 = arith.constant 32 : index
      %get3A_1145 = tpu.vector_load %arg20[%get3A_1143, %get3A_1144] {strides = array<i32>} : memref<208x64xf32, #tpu.memory_space<vmem>>, vector<16xf32>,
      %get3A_1146 = arith.constant 1 : i32
      %get3A_1147 = arith.index_cast %get3A_1146 : i32 to index
      %get3A_1148 = arith.constant 32 : index
      %get3A_1149 = tpu.vector_load %arg20[%get3A_1147, %get3A_1148] {strides = array<i32>} : memref<208x64xf32, #tpu.memory_space<vmem>>, vector<16xf32>,
      %add3A_1150 = arith.addf %get3A_1145, %get3A_1149 : vector<16xf32>
      %get3A_1151 = arith.constant 2 : i32
      %get3A_1152 = arith.index_cast %get3A_1151 : i32 to index
      %get3A_1153 = arith.constant 32 : index
      %get3A_1154 = tpu.vector_load %arg20[%get3A_1152, %get3A_1153] {strides = array<i32>} : memref<208x64xf32, #tpu.memory_space<vmem>>, vector<16xf32>,
      %add3A_1155 = arith.addf %add3A_1150, %get3A_1154 : vector<16xf32>
      %get3A_1156 = arith.constant 3 : i32
      %get3A_1157 = arith.index_cast %get3A_1156 : i32 to index
      %get3A_1158 = arith.constant 32 : index
      %get3A_1159 = tpu.vector_load %arg20[%get3A_1157, %get3A_1158] {strides = array<i32>} : memref<208x64xf32, #tpu.memory_space<vmem>>, vector<16xf32>,
      %add3A_1160 = arith.addf %add3A_1155, %get3A_1159 : vector<16xf32>
      %mul3A_1161 = arith.mulf %sub3A_931, %get3A_51 : vector<16xf32>
      %sub3A_1162 = arith.subf %add3A_1160, %mul3A_1161 : vector<16xf32>
      %get3A_1163 = arith.constant 0 : i32
      %get3A_1164 = arith.index_cast %get3A_1163 : i32 to index
      %get3A_1165 = arith.constant 48 : index
      %get3A_1166 = tpu.vector_load %arg20[%get3A_1164, %get3A_1165] {strides = array<i32>} : memref<208x64xf32, #tpu.memory_space<vmem>>, vector<16xf32>,
      %get3A_1167 = arith.constant 1 : i32
      %get3A_1168 = arith.index_cast %get3A_1167 : i32 to index
      %get3A_1169 = arith.constant 48 : index
      %get3A_1170 = tpu.vector_load %arg20[%get3A_1168, %get3A_1169] {strides = array<i32>} : memref<208x64xf32, #tpu.memory_space<vmem>>, vector<16xf32>,
      %add3A_1171 = arith.addf %get3A_1166, %get3A_1170 : vector<16xf32>
      %get3A_1172 = arith.constant 2 : i32
      %get3A_1173 = arith.index_cast %get3A_1172 : i32 to index
      %get3A_1174 = arith.constant 48 : index
      %get3A_1175 = tpu.vector_load %arg20[%get3A_1173, %get3A_1174] {strides = array<i32>} : memref<208x64xf32, #tpu.memory_space<vmem>>, vector<16xf32>,
      %add3A_1176 = arith.addf %add3A_1171, %get3A_1175 : vector<16xf32>
      %get3A_1177 = arith.constant 3 : i32
      %get3A_1178 = arith.index_cast %get3A_1177 : i32 to index
      %get3A_1179 = arith.constant 48 : index
      %get3A_1180 = tpu.vector_load %arg20[%get3A_1178, %get3A_1179] {strides = array<i32>} : memref<208x64xf32, #tpu.memory_space<vmem>>, vector<16xf32>,
      %add3A_1181 = arith.addf %add3A_1176, %get3A_1180 : vector<16xf32>
      %mul3A_1182 = arith.mulf %sub3A_931, %get3A_55 : vector<16xf32>
      %sub3A_1183 = arith.subf %add3A_1181, %mul3A_1182 : vector<16xf32>
      %parallel_loop3A = arith.constant 1 : i32
      %parallel_loop3A_1184 = arith.constant 50 : i32
      %parallel_loop3A_1185 = arith.constant 1 : i32
      %parallel_loop3A_1186:8 = scf.for %parallel_loop3A_1868 = %parallel_loop3A to %parallel_loop3A_1184 step %parallel_loop3A_1185 iter_args(%parallel_loop3A_1869 = %sub3A_1036, %parallel_loop3A_1870 = %sub3A_1057, %parallel_loop3A_1871 = %sub3A_1078, %parallel_loop3A_1872 = %sub3A_1099, %parallel_loop3A_1873 = %sub3A_952, %parallel_loop3A_1874 = %sub3A_973, %parallel_loop3A_1875 = %sub3A_994, %parallel_loop3A_1876 = %sub3A_1015) -> (vector<16xf32>, vector<16xf32>, vector<16xf32>, vector<16xf32>, vector<16xf32>, vector<16xf32>, vector<16xf32>, vector<16xf32>)  : i32 {
        %parallel_loop3A_1877 = vector.broadcast %parallel_loop3A_1868 : i32 to vector<16xi32>
        %parallel_loop3A_1878 = tpu.vector_load_idx %arg26[%parallel_loop3A_1877] : memref<64xf32, #tpu.memory_space<vmem>>[vector<16xi32>], vector<16xf32>,
        %parallel_loop3A_1879 = arith.constant 4.000000e+00 : f32
        %parallel_loop3A_1880 = vector.broadcast %parallel_loop3A_1879 : f32 to vector<16xf32>
        %parallel_loop3A_1881 = arith.subf %parallel_loop3A_1880, %parallel_loop3A_1878 : vector<16xf32>
        %parallel_loop3A_1882 = arith.constant 4 : i32
        %parallel_loop3A_1883 = arith.muli %parallel_loop3A_1882, %parallel_loop3A_1868 : i32
        %parallel_loop3A_1884 = arith.index_cast %parallel_loop3A_1883 : i32 to index
        %parallel_loop3A_1885 = arith.constant 0 : index
        %parallel_loop3A_1886 = tpu.vector_load %arg18[%parallel_loop3A_1884, %parallel_loop3A_1885] {strides = array<i32>} : memref<208x64xf32, #tpu.memory_space<vmem>>, vector<16xf32>,
        %parallel_loop3A_1887 = arith.constant 4 : i32
        %parallel_loop3A_1888 = arith.muli %parallel_loop3A_1887, %parallel_loop3A_1868 : i32
        %parallel_loop3A_1889 = arith.constant 1 : i32
        %parallel_loop3A_1890 = arith.addi %parallel_loop3A_1888, %parallel_loop3A_1889 : i32
        %parallel_loop3A_1891 = arith.index_cast %parallel_loop3A_1890 : i32 to index
        %parallel_loop3A_1892 = arith.constant 0 : index
        %parallel_loop3A_1893 = tpu.vector_load %arg18[%parallel_loop3A_1891, %parallel_loop3A_1892] {strides = array<i32>} : memref<208x64xf32, #tpu.memory_space<vmem>>, vector<16xf32>,
        %parallel_loop3A_1894 = arith.addf %parallel_loop3A_1886, %parallel_loop3A_1893 : vector<16xf32>
        %parallel_loop3A_1895 = arith.constant 4 : i32
        %parallel_loop3A_1896 = arith.muli %parallel_loop3A_1895, %parallel_loop3A_1868 : i32
        %parallel_loop3A_1897 = arith.constant 2 : i32
        %parallel_loop3A_1898 = arith.addi %parallel_loop3A_1896, %parallel_loop3A_1897 : i32
        %parallel_loop3A_1899 = arith.index_cast %parallel_loop3A_1898 : i32 to index
        %parallel_loop3A_1900 = arith.constant 0 : index
        %parallel_loop3A_1901 = tpu.vector_load %arg18[%parallel_loop3A_1899, %parallel_loop3A_1900] {strides = array<i32>} : memref<208x64xf32, #tpu.memory_space<vmem>>, vector<16xf32>,
        %parallel_loop3A_1902 = arith.addf %parallel_loop3A_1894, %parallel_loop3A_1901 : vector<16xf32>
        %parallel_loop3A_1903 = arith.constant 4 : i32
        %parallel_loop3A_1904 = arith.muli %parallel_loop3A_1903, %parallel_loop3A_1868 : i32
        %parallel_loop3A_1905 = arith.constant 3 : i32
        %parallel_loop3A_1906 = arith.addi %parallel_loop3A_1904, %parallel_loop3A_1905 : i32
        %parallel_loop3A_1907 = arith.index_cast %parallel_loop3A_1906 : i32 to index
        %parallel_loop3A_1908 = arith.constant 0 : index
        %parallel_loop3A_1909 = tpu.vector_load %arg18[%parallel_loop3A_1907, %parallel_loop3A_1908] {strides = array<i32>} : memref<208x64xf32, #tpu.memory_space<vmem>>, vector<16xf32>,
        %parallel_loop3A_1910 = arith.addf %parallel_loop3A_1902, %parallel_loop3A_1909 : vector<16xf32>
        %parallel_loop3A_1911 = arith.mulf %parallel_loop3A_1881, %get3A_11 : vector<16xf32>
        %parallel_loop3A_1912 = arith.subf %parallel_loop3A_1910, %parallel_loop3A_1911 : vector<16xf32>
        %parallel_loop3A_1913 = arith.constant 4 : i32
        %parallel_loop3A_1914 = arith.muli %parallel_loop3A_1913, %parallel_loop3A_1868 : i32
        %parallel_loop3A_1915 = arith.index_cast %parallel_loop3A_1914 : i32 to index
        %parallel_loop3A_1916 = arith.constant 16 : index
        %parallel_loop3A_1917 = tpu.vector_load %arg18[%parallel_loop3A_1915, %parallel_loop3A_1916] {strides = array<i32>} : memref<208x64xf32, #tpu.memory_space<vmem>>, vector<16xf32>,
        %parallel_loop3A_1918 = arith.constant 4 : i32
        %parallel_loop3A_1919 = arith.muli %parallel_loop3A_1918, %parallel_loop3A_1868 : i32
        %parallel_loop3A_1920 = arith.constant 1 : i32
        %parallel_loop3A_1921 = arith.addi %parallel_loop3A_1919, %parallel_loop3A_1920 : i32
        %parallel_loop3A_1922 = arith.index_cast %parallel_loop3A_1921 : i32 to index
        %parallel_loop3A_1923 = arith.constant 16 : index
        %parallel_loop3A_1924 = tpu.vector_load %arg18[%parallel_loop3A_1922, %parallel_loop3A_1923] {strides = array<i32>} : memref<208x64xf32, #tpu.memory_space<vmem>>, vector<16xf32>,
        %parallel_loop3A_1925 = arith.addf %parallel_loop3A_1917, %parallel_loop3A_1924 : vector<16xf32>
        %parallel_loop3A_1926 = arith.constant 4 : i32
        %parallel_loop3A_1927 = arith.muli %parallel_loop3A_1926, %parallel_loop3A_1868 : i32
        %parallel_loop3A_1928 = arith.constant 2 : i32
        %parallel_loop3A_1929 = arith.addi %parallel_loop3A_1927, %parallel_loop3A_1928 : i32
        %parallel_loop3A_1930 = arith.index_cast %parallel_loop3A_1929 : i32 to index
        %parallel_loop3A_1931 = arith.constant 16 : index
        %parallel_loop3A_1932 = tpu.vector_load %arg18[%parallel_loop3A_1930, %parallel_loop3A_1931] {strides = array<i32>} : memref<208x64xf32, #tpu.memory_space<vmem>>, vector<16xf32>,
        %parallel_loop3A_1933 = arith.addf %parallel_loop3A_1925, %parallel_loop3A_1932 : vector<16xf32>
        %parallel_loop3A_1934 = arith.constant 4 : i32
        %parallel_loop3A_1935 = arith.muli %parallel_loop3A_1934, %parallel_loop3A_1868 : i32
        %parallel_loop3A_1936 = arith.constant 3 : i32
        %parallel_loop3A_1937 = arith.addi %parallel_loop3A_1935, %parallel_loop3A_1936 : i32
        %parallel_loop3A_1938 = arith.index_cast %parallel_loop3A_1937 : i32 to index
        %parallel_loop3A_1939 = arith.constant 16 : index
        %parallel_loop3A_1940 = tpu.vector_load %arg18[%parallel_loop3A_1938, %parallel_loop3A_1939] {strides = array<i32>} : memref<208x64xf32, #tpu.memory_space<vmem>>, vector<16xf32>,
        %parallel_loop3A_1941 = arith.addf %parallel_loop3A_1933, %parallel_loop3A_1940 : vector<16xf32>
        %parallel_loop3A_1942 = arith.mulf %parallel_loop3A_1881, %get3A_15 : vector<16xf32>
        %parallel_loop3A_1943 = arith.subf %parallel_loop3A_1941, %parallel_loop3A_1942 : vector<16xf32>
        %parallel_loop3A_1944 = arith.constant 4 : i32
        %parallel_loop3A_1945 = arith.muli %parallel_loop3A_1944, %parallel_loop3A_1868 : i32
        %parallel_loop3A_1946 = arith.index_cast %parallel_loop3A_1945 : i32 to index
        %parallel_loop3A_1947 = arith.constant 32 : index
        %parallel_loop3A_1948 = tpu.vector_load %arg18[%parallel_loop3A_1946, %parallel_loop3A_1947] {strides = array<i32>} : memref<208x64xf32, #tpu.memory_space<vmem>>, vector<16xf32>,
        %parallel_loop3A_1949 = arith.constant 4 : i32
        %parallel_loop3A_1950 = arith.muli %parallel_loop3A_1949, %parallel_loop3A_1868 : i32
        %parallel_loop3A_1951 = arith.constant 1 : i32
        %parallel_loop3A_1952 = arith.addi %parallel_loop3A_1950, %parallel_loop3A_1951 : i32
        %parallel_loop3A_1953 = arith.index_cast %parallel_loop3A_1952 : i32 to index
        %parallel_loop3A_1954 = arith.constant 32 : index
        %parallel_loop3A_1955 = tpu.vector_load %arg18[%parallel_loop3A_1953, %parallel_loop3A_1954] {strides = array<i32>} : memref<208x64xf32, #tpu.memory_space<vmem>>, vector<16xf32>,
        %parallel_loop3A_1956 = arith.addf %parallel_loop3A_1948, %parallel_loop3A_1955 : vector<16xf32>
        %parallel_loop3A_1957 = arith.constant 4 : i32
        %parallel_loop3A_1958 = arith.muli %parallel_loop3A_1957, %parallel_loop3A_1868 : i32
        %parallel_loop3A_1959 = arith.constant 2 : i32
        %parallel_loop3A_1960 = arith.addi %parallel_loop3A_1958, %parallel_loop3A_1959 : i32
        %parallel_loop3A_1961 = arith.index_cast %parallel_loop3A_1960 : i32 to index
        %parallel_loop3A_1962 = arith.constant 32 : index
        %parallel_loop3A_1963 = tpu.vector_load %arg18[%parallel_loop3A_1961, %parallel_loop3A_1962] {strides = array<i32>} : memref<208x64xf32, #tpu.memory_space<vmem>>, vector<16xf32>,
        %parallel_loop3A_1964 = arith.addf %parallel_loop3A_1956, %parallel_loop3A_1963 : vector<16xf32>
        %parallel_loop3A_1965 = arith.constant 4 : i32
        %parallel_loop3A_1966 = arith.muli %parallel_loop3A_1965, %parallel_loop3A_1868 : i32
        %parallel_loop3A_1967 = arith.constant 3 : i32
        %parallel_loop3A_1968 = arith.addi %parallel_loop3A_1966, %parallel_loop3A_1967 : i32
        %parallel_loop3A_1969 = arith.index_cast %parallel_loop3A_1968 : i32 to index
        %parallel_loop3A_1970 = arith.constant 32 : index
        %parallel_loop3A_1971 = tpu.vector_load %arg18[%parallel_loop3A_1969, %parallel_loop3A_1970] {strides = array<i32>} : memref<208x64xf32, #tpu.memory_space<vmem>>, vector<16xf32>,
        %parallel_loop3A_1972 = arith.addf %parallel_loop3A_1964, %parallel_loop3A_1971 : vector<16xf32>
        %parallel_loop3A_1973 = arith.mulf %parallel_loop3A_1881, %get3A_19 : vector<16xf32>
        %parallel_loop3A_1974 = arith.subf %parallel_loop3A_1972, %parallel_loop3A_1973 : vector<16xf32>
        %parallel_loop3A_1975 = arith.constant 4 : i32
        %parallel_loop3A_1976 = arith.muli %parallel_loop3A_1975, %parallel_loop3A_1868 : i32
        %parallel_loop3A_1977 = arith.index_cast %parallel_loop3A_1976 : i32 to index
        %parallel_loop3A_1978 = arith.constant 48 : index
        %parallel_loop3A_1979 = tpu.vector_load %arg18[%parallel_loop3A_1977, %parallel_loop3A_1978] {strides = array<i32>} : memref<208x64xf32, #tpu.memory_space<vmem>>, vector<16xf32>,
        %parallel_loop3A_1980 = arith.constant 4 : i32
        %parallel_loop3A_1981 = arith.muli %parallel_loop3A_1980, %parallel_loop3A_1868 : i32
        %parallel_loop3A_1982 = arith.constant 1 : i32
        %parallel_loop3A_1983 = arith.addi %parallel_loop3A_1981, %parallel_loop3A_1982 : i32
        %parallel_loop3A_1984 = arith.index_cast %parallel_loop3A_1983 : i32 to index
        %parallel_loop3A_1985 = arith.constant 48 : index
        %parallel_loop3A_1986 = tpu.vector_load %arg18[%parallel_loop3A_1984, %parallel_loop3A_1985] {strides = array<i32>} : memref<208x64xf32, #tpu.memory_space<vmem>>, vector<16xf32>,
        %parallel_loop3A_1987 = arith.addf %parallel_loop3A_1979, %parallel_loop3A_1986 : vector<16xf32>
        %parallel_loop3A_1988 = arith.constant 4 : i32
        %parallel_loop3A_1989 = arith.muli %parallel_loop3A_1988, %parallel_loop3A_1868 : i32
        %parallel_loop3A_1990 = arith.constant 2 : i32
        %parallel_loop3A_1991 = arith.addi %parallel_loop3A_1989, %parallel_loop3A_1990 : i32
        %parallel_loop3A_1992 = arith.index_cast %parallel_loop3A_1991 : i32 to index
        %parallel_loop3A_1993 = arith.constant 48 : index
        %parallel_loop3A_1994 = tpu.vector_load %arg18[%parallel_loop3A_1992, %parallel_loop3A_1993] {strides = array<i32>} : memref<208x64xf32, #tpu.memory_space<vmem>>, vector<16xf32>,
        %parallel_loop3A_1995 = arith.addf %parallel_loop3A_1987, %parallel_loop3A_1994 : vector<16xf32>
        %parallel_loop3A_1996 = arith.constant 4 : i32
        %parallel_loop3A_1997 = arith.muli %parallel_loop3A_1996, %parallel_loop3A_1868 : i32
        %parallel_loop3A_1998 = arith.constant 3 : i32
        %parallel_loop3A_1999 = arith.addi %parallel_loop3A_1997, %parallel_loop3A_1998 : i32
        %parallel_loop3A_2000 = arith.index_cast %parallel_loop3A_1999 : i32 to index
        %parallel_loop3A_2001 = arith.constant 48 : index
        %parallel_loop3A_2002 = tpu.vector_load %arg18[%parallel_loop3A_2000, %parallel_loop3A_2001] {strides = array<i32>} : memref<208x64xf32, #tpu.memory_space<vmem>>, vector<16xf32>,
        %parallel_loop3A_2003 = arith.addf %parallel_loop3A_1995, %parallel_loop3A_2002 : vector<16xf32>
        %parallel_loop3A_2004 = arith.mulf %parallel_loop3A_1881, %get3A_23 : vector<16xf32>
        %parallel_loop3A_2005 = arith.subf %parallel_loop3A_2003, %parallel_loop3A_2004 : vector<16xf32>
        %parallel_loop3A_2006 = arith.constant 4 : i32
        %parallel_loop3A_2007 = arith.muli %parallel_loop3A_2006, %parallel_loop3A_1868 : i32
        %parallel_loop3A_2008 = arith.index_cast %parallel_loop3A_2007 : i32 to index
        %parallel_loop3A_2009 = arith.constant 0 : index
        %parallel_loop3A_2010 = tpu.vector_load %arg19[%parallel_loop3A_2008, %parallel_loop3A_2009] {strides = array<i32>} : memref<208x64xf32, #tpu.memory_space<vmem>>, vector<16xf32>,
        %parallel_loop3A_2011 = arith.constant 4 : i32
        %parallel_loop3A_2012 = arith.muli %parallel_loop3A_2011, %parallel_loop3A_1868 : i32
        %parallel_loop3A_2013 = arith.constant 1 : i32
        %parallel_loop3A_2014 = arith.addi %parallel_loop3A_2012, %parallel_loop3A_2013 : i32
        %parallel_loop3A_2015 = arith.index_cast %parallel_loop3A_2014 : i32 to index
        %parallel_loop3A_2016 = arith.constant 0 : index
        %parallel_loop3A_2017 = tpu.vector_load %arg19[%parallel_loop3A_2015, %parallel_loop3A_2016] {strides = array<i32>} : memref<208x64xf32, #tpu.memory_space<vmem>>, vector<16xf32>,
        %parallel_loop3A_2018 = arith.addf %parallel_loop3A_2010, %parallel_loop3A_2017 : vector<16xf32>
        %parallel_loop3A_2019 = arith.constant 4 : i32
        %parallel_loop3A_2020 = arith.muli %parallel_loop3A_2019, %parallel_loop3A_1868 : i32
        %parallel_loop3A_2021 = arith.constant 2 : i32
        %parallel_loop3A_2022 = arith.addi %parallel_loop3A_2020, %parallel_loop3A_2021 : i32
        %parallel_loop3A_2023 = arith.index_cast %parallel_loop3A_2022 : i32 to index
        %parallel_loop3A_2024 = arith.constant 0 : index
        %parallel_loop3A_2025 = tpu.vector_load %arg19[%parallel_loop3A_2023, %parallel_loop3A_2024] {strides = array<i32>} : memref<208x64xf32, #tpu.memory_space<vmem>>, vector<16xf32>,
        %parallel_loop3A_2026 = arith.addf %parallel_loop3A_2018, %parallel_loop3A_2025 : vector<16xf32>
        %parallel_loop3A_2027 = arith.constant 4 : i32
        %parallel_loop3A_2028 = arith.muli %parallel_loop3A_2027, %parallel_loop3A_1868 : i32
        %parallel_loop3A_2029 = arith.constant 3 : i32
        %parallel_loop3A_2030 = arith.addi %parallel_loop3A_2028, %parallel_loop3A_2029 : i32
        %parallel_loop3A_2031 = arith.index_cast %parallel_loop3A_2030 : i32 to index
        %parallel_loop3A_2032 = arith.constant 0 : index
        %parallel_loop3A_2033 = tpu.vector_load %arg19[%parallel_loop3A_2031, %parallel_loop3A_2032] {strides = array<i32>} : memref<208x64xf32, #tpu.memory_space<vmem>>, vector<16xf32>,
        %parallel_loop3A_2034 = arith.addf %parallel_loop3A_2026, %parallel_loop3A_2033 : vector<16xf32>
        %parallel_loop3A_2035 = arith.mulf %parallel_loop3A_1881, %get3A_27 : vector<16xf32>
        %parallel_loop3A_2036 = arith.subf %parallel_loop3A_2034, %parallel_loop3A_2035 : vector<16xf32>
        %parallel_loop3A_2037 = arith.constant 4 : i32
        %parallel_loop3A_2038 = arith.muli %parallel_loop3A_2037, %parallel_loop3A_1868 : i32
        %parallel_loop3A_2039 = arith.index_cast %parallel_loop3A_2038 : i32 to index
        %parallel_loop3A_2040 = arith.constant 16 : index
        %parallel_loop3A_2041 = tpu.vector_load %arg19[%parallel_loop3A_2039, %parallel_loop3A_2040] {strides = array<i32>} : memref<208x64xf32, #tpu.memory_space<vmem>>, vector<16xf32>,
        %parallel_loop3A_2042 = arith.constant 4 : i32
        %parallel_loop3A_2043 = arith.muli %parallel_loop3A_2042, %parallel_loop3A_1868 : i32
        %parallel_loop3A_2044 = arith.constant 1 : i32
        %parallel_loop3A_2045 = arith.addi %parallel_loop3A_2043, %parallel_loop3A_2044 : i32
        %parallel_loop3A_2046 = arith.index_cast %parallel_loop3A_2045 : i32 to index
        %parallel_loop3A_2047 = arith.constant 16 : index
        %parallel_loop3A_2048 = tpu.vector_load %arg19[%parallel_loop3A_2046, %parallel_loop3A_2047] {strides = array<i32>} : memref<208x64xf32, #tpu.memory_space<vmem>>, vector<16xf32>,
        %parallel_loop3A_2049 = arith.addf %parallel_loop3A_2041, %parallel_loop3A_2048 : vector<16xf32>
        %parallel_loop3A_2050 = arith.constant 4 : i32
        %parallel_loop3A_2051 = arith.muli %parallel_loop3A_2050, %parallel_loop3A_1868 : i32
        %parallel_loop3A_2052 = arith.constant 2 : i32
        %parallel_loop3A_2053 = arith.addi %parallel_loop3A_2051, %parallel_loop3A_2052 : i32
        %parallel_loop3A_2054 = arith.index_cast %parallel_loop3A_2053 : i32 to index
        %parallel_loop3A_2055 = arith.constant 16 : index
        %parallel_loop3A_2056 = tpu.vector_load %arg19[%parallel_loop3A_2054, %parallel_loop3A_2055] {strides = array<i32>} : memref<208x64xf32, #tpu.memory_space<vmem>>, vector<16xf32>,
        %parallel_loop3A_2057 = arith.addf %parallel_loop3A_2049, %parallel_loop3A_2056 : vector<16xf32>
        %parallel_loop3A_2058 = arith.constant 4 : i32
        %parallel_loop3A_2059 = arith.muli %parallel_loop3A_2058, %parallel_loop3A_1868 : i32
        %parallel_loop3A_2060 = arith.constant 3 : i32
        %parallel_loop3A_2061 = arith.addi %parallel_loop3A_2059, %parallel_loop3A_2060 : i32
        %parallel_loop3A_2062 = arith.index_cast %parallel_loop3A_2061 : i32 to index
        %parallel_loop3A_2063 = arith.constant 16 : index
        %parallel_loop3A_2064 = tpu.vector_load %arg19[%parallel_loop3A_2062, %parallel_loop3A_2063] {strides = array<i32>} : memref<208x64xf32, #tpu.memory_space<vmem>>, vector<16xf32>,
        %parallel_loop3A_2065 = arith.addf %parallel_loop3A_2057, %parallel_loop3A_2064 : vector<16xf32>
        %parallel_loop3A_2066 = arith.mulf %parallel_loop3A_1881, %get3A_31 : vector<16xf32>
        %parallel_loop3A_2067 = arith.subf %parallel_loop3A_2065, %parallel_loop3A_2066 : vector<16xf32>
        %parallel_loop3A_2068 = arith.constant 4 : i32
        %parallel_loop3A_2069 = arith.muli %parallel_loop3A_2068, %parallel_loop3A_1868 : i32
        %parallel_loop3A_2070 = arith.index_cast %parallel_loop3A_2069 : i32 to index
        %parallel_loop3A_2071 = arith.constant 32 : index
        %parallel_loop3A_2072 = tpu.vector_load %arg19[%parallel_loop3A_2070, %parallel_loop3A_2071] {strides = array<i32>} : memref<208x64xf32, #tpu.memory_space<vmem>>, vector<16xf32>,
        %parallel_loop3A_2073 = arith.constant 4 : i32
        %parallel_loop3A_2074 = arith.muli %parallel_loop3A_2073, %parallel_loop3A_1868 : i32
        %parallel_loop3A_2075 = arith.constant 1 : i32
        %parallel_loop3A_2076 = arith.addi %parallel_loop3A_2074, %parallel_loop3A_2075 : i32
        %parallel_loop3A_2077 = arith.index_cast %parallel_loop3A_2076 : i32 to index
        %parallel_loop3A_2078 = arith.constant 32 : index
        %parallel_loop3A_2079 = tpu.vector_load %arg19[%parallel_loop3A_2077, %parallel_loop3A_2078] {strides = array<i32>} : memref<208x64xf32, #tpu.memory_space<vmem>>, vector<16xf32>,
        %parallel_loop3A_2080 = arith.addf %parallel_loop3A_2072, %parallel_loop3A_2079 : vector<16xf32>
        %parallel_loop3A_2081 = arith.constant 4 : i32
        %parallel_loop3A_2082 = arith.muli %parallel_loop3A_2081, %parallel_loop3A_1868 : i32
        %parallel_loop3A_2083 = arith.constant 2 : i32
        %parallel_loop3A_2084 = arith.addi %parallel_loop3A_2082, %parallel_loop3A_2083 : i32
        %parallel_loop3A_2085 = arith.index_cast %parallel_loop3A_2084 : i32 to index
        %parallel_loop3A_2086 = arith.constant 32 : index
        %parallel_loop3A_2087 = tpu.vector_load %arg19[%parallel_loop3A_2085, %parallel_loop3A_2086] {strides = array<i32>} : memref<208x64xf32, #tpu.memory_space<vmem>>, vector<16xf32>,
        %parallel_loop3A_2088 = arith.addf %parallel_loop3A_2080, %parallel_loop3A_2087 : vector<16xf32>
        %parallel_loop3A_2089 = arith.constant 4 : i32
        %parallel_loop3A_2090 = arith.muli %parallel_loop3A_2089, %parallel_loop3A_1868 : i32
        %parallel_loop3A_2091 = arith.constant 3 : i32
        %parallel_loop3A_2092 = arith.addi %parallel_loop3A_2090, %parallel_loop3A_2091 : i32
        %parallel_loop3A_2093 = arith.index_cast %parallel_loop3A_2092 : i32 to index
        %parallel_loop3A_2094 = arith.constant 32 : index
        %parallel_loop3A_2095 = tpu.vector_load %arg19[%parallel_loop3A_2093, %parallel_loop3A_2094] {strides = array<i32>} : memref<208x64xf32, #tpu.memory_space<vmem>>, vector<16xf32>,
        %parallel_loop3A_2096 = arith.addf %parallel_loop3A_2088, %parallel_loop3A_2095 : vector<16xf32>
        %parallel_loop3A_2097 = arith.mulf %parallel_loop3A_1881, %get3A_35 : vector<16xf32>
        %parallel_loop3A_2098 = arith.subf %parallel_loop3A_2096, %parallel_loop3A_2097 : vector<16xf32>
        %parallel_loop3A_2099 = arith.constant 4 : i32
        %parallel_loop3A_2100 = arith.muli %parallel_loop3A_2099, %parallel_loop3A_1868 : i32
        %parallel_loop3A_2101 = arith.index_cast %parallel_loop3A_2100 : i32 to index
        %parallel_loop3A_2102 = arith.constant 48 : index
        %parallel_loop3A_2103 = tpu.vector_load %arg19[%parallel_loop3A_2101, %parallel_loop3A_2102] {strides = array<i32>} : memref<208x64xf32, #tpu.memory_space<vmem>>, vector<16xf32>,
        %parallel_loop3A_2104 = arith.constant 4 : i32
        %parallel_loop3A_2105 = arith.muli %parallel_loop3A_2104, %parallel_loop3A_1868 : i32
        %parallel_loop3A_2106 = arith.constant 1 : i32
        %parallel_loop3A_2107 = arith.addi %parallel_loop3A_2105, %parallel_loop3A_2106 : i32
        %parallel_loop3A_2108 = arith.index_cast %parallel_loop3A_2107 : i32 to index
        %parallel_loop3A_2109 = arith.constant 48 : index
        %parallel_loop3A_2110 = tpu.vector_load %arg19[%parallel_loop3A_2108, %parallel_loop3A_2109] {strides = array<i32>} : memref<208x64xf32, #tpu.memory_space<vmem>>, vector<16xf32>,
        %parallel_loop3A_2111 = arith.addf %parallel_loop3A_2103, %parallel_loop3A_2110 : vector<16xf32>
        %parallel_loop3A_2112 = arith.constant 4 : i32
        %parallel_loop3A_2113 = arith.muli %parallel_loop3A_2112, %parallel_loop3A_1868 : i32
        %parallel_loop3A_2114 = arith.constant 2 : i32
        %parallel_loop3A_2115 = arith.addi %parallel_loop3A_2113, %parallel_loop3A_2114 : i32
        %parallel_loop3A_2116 = arith.index_cast %parallel_loop3A_2115 : i32 to index
        %parallel_loop3A_2117 = arith.constant 48 : index
        %parallel_loop3A_2118 = tpu.vector_load %arg19[%parallel_loop3A_2116, %parallel_loop3A_2117] {strides = array<i32>} : memref<208x64xf32, #tpu.memory_space<vmem>>, vector<16xf32>,
        %parallel_loop3A_2119 = arith.addf %parallel_loop3A_2111, %parallel_loop3A_2118 : vector<16xf32>
        %parallel_loop3A_2120 = arith.constant 4 : i32
        %parallel_loop3A_2121 = arith.muli %parallel_loop3A_2120, %parallel_loop3A_1868 : i32
        %parallel_loop3A_2122 = arith.constant 3 : i32
        %parallel_loop3A_2123 = arith.addi %parallel_loop3A_2121, %parallel_loop3A_2122 : i32
        %parallel_loop3A_2124 = arith.index_cast %parallel_loop3A_2123 : i32 to index
        %parallel_loop3A_2125 = arith.constant 48 : index
        %parallel_loop3A_2126 = tpu.vector_load %arg19[%parallel_loop3A_2124, %parallel_loop3A_2125] {strides = array<i32>} : memref<208x64xf32, #tpu.memory_space<vmem>>, vector<16xf32>,
        %parallel_loop3A_2127 = arith.addf %parallel_loop3A_2119, %parallel_loop3A_2126 : vector<16xf32>
        %parallel_loop3A_2128 = arith.mulf %parallel_loop3A_1881, %get3A_39 : vector<16xf32>
        %parallel_loop3A_2129 = arith.subf %parallel_loop3A_2127, %parallel_loop3A_2128 : vector<16xf32>
        %parallel_loop3A_2130 = arith.constant 4 : i32
        %parallel_loop3A_2131 = arith.muli %parallel_loop3A_2130, %parallel_loop3A_1868 : i32
        %parallel_loop3A_2132 = arith.index_cast %parallel_loop3A_2131 : i32 to index
        %parallel_loop3A_2133 = arith.constant 0 : index
        %parallel_loop3A_2134 = tpu.vector_load %arg20[%parallel_loop3A_2132, %parallel_loop3A_2133] {strides = array<i32>} : memref<208x64xf32, #tpu.memory_space<vmem>>, vector<16xf32>,
        %parallel_loop3A_2135 = arith.constant 4 : i32
        %parallel_loop3A_2136 = arith.muli %parallel_loop3A_2135, %parallel_loop3A_1868 : i32
        %parallel_loop3A_2137 = arith.constant 1 : i32
        %parallel_loop3A_2138 = arith.addi %parallel_loop3A_2136, %parallel_loop3A_2137 : i32
        %parallel_loop3A_2139 = arith.index_cast %parallel_loop3A_2138 : i32 to index
        %parallel_loop3A_2140 = arith.constant 0 : index
        %parallel_loop3A_2141 = tpu.vector_load %arg20[%parallel_loop3A_2139, %parallel_loop3A_2140] {strides = array<i32>} : memref<208x64xf32, #tpu.memory_space<vmem>>, vector<16xf32>,
        %parallel_loop3A_2142 = arith.addf %parallel_loop3A_2134, %parallel_loop3A_2141 : vector<16xf32>
        %parallel_loop3A_2143 = arith.constant 4 : i32
        %parallel_loop3A_2144 = arith.muli %parallel_loop3A_2143, %parallel_loop3A_1868 : i32
        %parallel_loop3A_2145 = arith.constant 2 : i32
        %parallel_loop3A_2146 = arith.addi %parallel_loop3A_2144, %parallel_loop3A_2145 : i32
        %parallel_loop3A_2147 = arith.index_cast %parallel_loop3A_2146 : i32 to index
        %parallel_loop3A_2148 = arith.constant 0 : index
        %parallel_loop3A_2149 = tpu.vector_load %arg20[%parallel_loop3A_2147, %parallel_loop3A_2148] {strides = array<i32>} : memref<208x64xf32, #tpu.memory_space<vmem>>, vector<16xf32>,
        %parallel_loop3A_2150 = arith.addf %parallel_loop3A_2142, %parallel_loop3A_2149 : vector<16xf32>
        %parallel_loop3A_2151 = arith.constant 4 : i32
        %parallel_loop3A_2152 = arith.muli %parallel_loop3A_2151, %parallel_loop3A_1868 : i32
        %parallel_loop3A_2153 = arith.constant 3 : i32
        %parallel_loop3A_2154 = arith.addi %parallel_loop3A_2152, %parallel_loop3A_2153 : i32
        %parallel_loop3A_2155 = arith.index_cast %parallel_loop3A_2154 : i32 to index
        %parallel_loop3A_2156 = arith.constant 0 : index
        %parallel_loop3A_2157 = tpu.vector_load %arg20[%parallel_loop3A_2155, %parallel_loop3A_2156] {strides = array<i32>} : memref<208x64xf32, #tpu.memory_space<vmem>>, vector<16xf32>,
        %parallel_loop3A_2158 = arith.addf %parallel_loop3A_2150, %parallel_loop3A_2157 : vector<16xf32>
        %parallel_loop3A_2159 = arith.mulf %parallel_loop3A_1881, %get3A_43 : vector<16xf32>
        %parallel_loop3A_2160 = arith.subf %parallel_loop3A_2158, %parallel_loop3A_2159 : vector<16xf32>
        %parallel_loop3A_2161 = arith.constant 4 : i32
        %parallel_loop3A_2162 = arith.muli %parallel_loop3A_2161, %parallel_loop3A_1868 : i32
        %parallel_loop3A_2163 = arith.index_cast %parallel_loop3A_2162 : i32 to index
        %parallel_loop3A_2164 = arith.constant 16 : index
        %parallel_loop3A_2165 = tpu.vector_load %arg20[%parallel_loop3A_2163, %parallel_loop3A_2164] {strides = array<i32>} : memref<208x64xf32, #tpu.memory_space<vmem>>, vector<16xf32>,
        %parallel_loop3A_2166 = arith.constant 4 : i32
        %parallel_loop3A_2167 = arith.muli %parallel_loop3A_2166, %parallel_loop3A_1868 : i32
        %parallel_loop3A_2168 = arith.constant 1 : i32
        %parallel_loop3A_2169 = arith.addi %parallel_loop3A_2167, %parallel_loop3A_2168 : i32
        %parallel_loop3A_2170 = arith.index_cast %parallel_loop3A_2169 : i32 to index
        %parallel_loop3A_2171 = arith.constant 16 : index
        %parallel_loop3A_2172 = tpu.vector_load %arg20[%parallel_loop3A_2170, %parallel_loop3A_2171] {strides = array<i32>} : memref<208x64xf32, #tpu.memory_space<vmem>>, vector<16xf32>,
        %parallel_loop3A_2173 = arith.addf %parallel_loop3A_2165, %parallel_loop3A_2172 : vector<16xf32>
        %parallel_loop3A_2174 = arith.constant 4 : i32
        %parallel_loop3A_2175 = arith.muli %parallel_loop3A_2174, %parallel_loop3A_1868 : i32
        %parallel_loop3A_2176 = arith.constant 2 : i32
        %parallel_loop3A_2177 = arith.addi %parallel_loop3A_2175, %parallel_loop3A_2176 : i32
        %parallel_loop3A_2178 = arith.index_cast %parallel_loop3A_2177 : i32 to index
        %parallel_loop3A_2179 = arith.constant 16 : index
        %parallel_loop3A_2180 = tpu.vector_load %arg20[%parallel_loop3A_2178, %parallel_loop3A_2179] {strides = array<i32>} : memref<208x64xf32, #tpu.memory_space<vmem>>, vector<16xf32>,
        %parallel_loop3A_2181 = arith.addf %parallel_loop3A_2173, %parallel_loop3A_2180 : vector<16xf32>
        %parallel_loop3A_2182 = arith.constant 4 : i32
        %parallel_loop3A_2183 = arith.muli %parallel_loop3A_2182, %parallel_loop3A_1868 : i32
        %parallel_loop3A_2184 = arith.constant 3 : i32
        %parallel_loop3A_2185 = arith.addi %parallel_loop3A_2183, %parallel_loop3A_2184 : i32
        %parallel_loop3A_2186 = arith.index_cast %parallel_loop3A_2185 : i32 to index
        %parallel_loop3A_2187 = arith.constant 16 : index
        %parallel_loop3A_2188 = tpu.vector_load %arg20[%parallel_loop3A_2186, %parallel_loop3A_2187] {strides = array<i32>} : memref<208x64xf32, #tpu.memory_space<vmem>>, vector<16xf32>,
        %parallel_loop3A_2189 = arith.addf %parallel_loop3A_2181, %parallel_loop3A_2188 : vector<16xf32>
        %parallel_loop3A_2190 = arith.mulf %parallel_loop3A_1881, %get3A_47 : vector<16xf32>
        %parallel_loop3A_2191 = arith.subf %parallel_loop3A_2189, %parallel_loop3A_2190 : vector<16xf32>
        %parallel_loop3A_2192 = arith.constant 4 : i32
        %parallel_loop3A_2193 = arith.muli %parallel_loop3A_2192, %parallel_loop3A_1868 : i32
        %parallel_loop3A_2194 = arith.index_cast %parallel_loop3A_2193 : i32 to index
        %parallel_loop3A_2195 = arith.constant 32 : index
        %parallel_loop3A_2196 = tpu.vector_load %arg20[%parallel_loop3A_2194, %parallel_loop3A_2195] {strides = array<i32>} : memref<208x64xf32, #tpu.memory_space<vmem>>, vector<16xf32>,
        %parallel_loop3A_2197 = arith.constant 4 : i32
        %parallel_loop3A_2198 = arith.muli %parallel_loop3A_2197, %parallel_loop3A_1868 : i32
        %parallel_loop3A_2199 = arith.constant 1 : i32
        %parallel_loop3A_2200 = arith.addi %parallel_loop3A_2198, %parallel_loop3A_2199 : i32
        %parallel_loop3A_2201 = arith.index_cast %parallel_loop3A_2200 : i32 to index
        %parallel_loop3A_2202 = arith.constant 32 : index
        %parallel_loop3A_2203 = tpu.vector_load %arg20[%parallel_loop3A_2201, %parallel_loop3A_2202] {strides = array<i32>} : memref<208x64xf32, #tpu.memory_space<vmem>>, vector<16xf32>,
        %parallel_loop3A_2204 = arith.addf %parallel_loop3A_2196, %parallel_loop3A_2203 : vector<16xf32>
        %parallel_loop3A_2205 = arith.constant 4 : i32
        %parallel_loop3A_2206 = arith.muli %parallel_loop3A_2205, %parallel_loop3A_1868 : i32
        %parallel_loop3A_2207 = arith.constant 2 : i32
        %parallel_loop3A_2208 = arith.addi %parallel_loop3A_2206, %parallel_loop3A_2207 : i32
        %parallel_loop3A_2209 = arith.index_cast %parallel_loop3A_2208 : i32 to index
        %parallel_loop3A_2210 = arith.constant 32 : index
        %parallel_loop3A_2211 = tpu.vector_load %arg20[%parallel_loop3A_2209, %parallel_loop3A_2210] {strides = array<i32>} : memref<208x64xf32, #tpu.memory_space<vmem>>, vector<16xf32>,
        %parallel_loop3A_2212 = arith.addf %parallel_loop3A_2204, %parallel_loop3A_2211 : vector<16xf32>
        %parallel_loop3A_2213 = arith.constant 4 : i32
        %parallel_loop3A_2214 = arith.muli %parallel_loop3A_2213, %parallel_loop3A_1868 : i32
        %parallel_loop3A_2215 = arith.constant 3 : i32
        %parallel_loop3A_2216 = arith.addi %parallel_loop3A_2214, %parallel_loop3A_2215 : i32
        %parallel_loop3A_2217 = arith.index_cast %parallel_loop3A_2216 : i32 to index
        %parallel_loop3A_2218 = arith.constant 32 : index
        %parallel_loop3A_2219 = tpu.vector_load %arg20[%parallel_loop3A_2217, %parallel_loop3A_2218] {strides = array<i32>} : memref<208x64xf32, #tpu.memory_space<vmem>>, vector<16xf32>,
        %parallel_loop3A_2220 = arith.addf %parallel_loop3A_2212, %parallel_loop3A_2219 : vector<16xf32>
        %parallel_loop3A_2221 = arith.mulf %parallel_loop3A_1881, %get3A_51 : vector<16xf32>
        %parallel_loop3A_2222 = arith.subf %parallel_loop3A_2220, %parallel_loop3A_2221 : vector<16xf32>
        %parallel_loop3A_2223 = arith.constant 4 : i32
        %parallel_loop3A_2224 = arith.muli %parallel_loop3A_2223, %parallel_loop3A_1868 : i32
        %parallel_loop3A_2225 = arith.index_cast %parallel_loop3A_2224 : i32 to index
        %parallel_loop3A_2226 = arith.constant 48 : index
        %parallel_loop3A_2227 = tpu.vector_load %arg20[%parallel_loop3A_2225, %parallel_loop3A_2226] {strides = array<i32>} : memref<208x64xf32, #tpu.memory_space<vmem>>, vector<16xf32>,
        %parallel_loop3A_2228 = arith.constant 4 : i32
        %parallel_loop3A_2229 = arith.muli %parallel_loop3A_2228, %parallel_loop3A_1868 : i32
        %parallel_loop3A_2230 = arith.constant 1 : i32
        %parallel_loop3A_2231 = arith.addi %parallel_loop3A_2229, %parallel_loop3A_2230 : i32
        %parallel_loop3A_2232 = arith.index_cast %parallel_loop3A_2231 : i32 to index
        %parallel_loop3A_2233 = arith.constant 48 : index
        %parallel_loop3A_2234 = tpu.vector_load %arg20[%parallel_loop3A_2232, %parallel_loop3A_2233] {strides = array<i32>} : memref<208x64xf32, #tpu.memory_space<vmem>>, vector<16xf32>,
        %parallel_loop3A_2235 = arith.addf %parallel_loop3A_2227, %parallel_loop3A_2234 : vector<16xf32>
        %parallel_loop3A_2236 = arith.constant 4 : i32
        %parallel_loop3A_2237 = arith.muli %parallel_loop3A_2236, %parallel_loop3A_1868 : i32
        %parallel_loop3A_2238 = arith.constant 2 : i32
        %parallel_loop3A_2239 = arith.addi %parallel_loop3A_2237, %parallel_loop3A_2238 : i32
        %parallel_loop3A_2240 = arith.index_cast %parallel_loop3A_2239 : i32 to index
        %parallel_loop3A_2241 = arith.constant 48 : index
        %parallel_loop3A_2242 = tpu.vector_load %arg20[%parallel_loop3A_2240, %parallel_loop3A_2241] {strides = array<i32>} : memref<208x64xf32, #tpu.memory_space<vmem>>, vector<16xf32>,
        %parallel_loop3A_2243 = arith.addf %parallel_loop3A_2235, %parallel_loop3A_2242 : vector<16xf32>
        %parallel_loop3A_2244 = arith.constant 4 : i32
        %parallel_loop3A_2245 = arith.muli %parallel_loop3A_2244, %parallel_loop3A_1868 : i32
        %parallel_loop3A_2246 = arith.constant 3 : i32
        %parallel_loop3A_2247 = arith.addi %parallel_loop3A_2245, %parallel_loop3A_2246 : i32
        %parallel_loop3A_2248 = arith.index_cast %parallel_loop3A_2247 : i32 to index
        %parallel_loop3A_2249 = arith.constant 48 : index
        %parallel_loop3A_2250 = tpu.vector_load %arg20[%parallel_loop3A_2248, %parallel_loop3A_2249] {strides = array<i32>} : memref<208x64xf32, #tpu.memory_space<vmem>>, vector<16xf32>,
        %parallel_loop3A_2251 = arith.addf %parallel_loop3A_2243, %parallel_loop3A_2250 : vector<16xf32>
        %parallel_loop3A_2252 = arith.mulf %parallel_loop3A_1881, %get3A_55 : vector<16xf32>
        %parallel_loop3A_2253 = arith.subf %parallel_loop3A_2251, %parallel_loop3A_2252 : vector<16xf32>
        %parallel_loop3A_2254 = arith.constant 1 : i32
        %parallel_loop3A_2255 = arith.subi %parallel_loop3A_1868, %parallel_loop3A_2254 : i32
        %parallel_loop3A_2256 = arith.addf %parallel_loop3A_1869, %parallel_loop3A_2160 : vector<16xf32>
        %parallel_loop3A_2257 = arith.addf %parallel_loop3A_1870, %parallel_loop3A_2191 : vector<16xf32>
        %parallel_loop3A_2258 = arith.addf %parallel_loop3A_1871, %parallel_loop3A_2222 : vector<16xf32>
        %parallel_loop3A_2259 = arith.addf %parallel_loop3A_1872, %parallel_loop3A_2253 : vector<16xf32>
        %parallel_loop3A_2260 = vector.broadcast %parallel_loop3A_2255 : i32 to vector<16xi32>
        %parallel_loop3A_2261 = tpu.vector_load_idx %arg27[%parallel_loop3A_2260] : memref<64xf32, #tpu.memory_space<vmem>>[vector<16xi32>], vector<16xf32>,
        %parallel_loop3A_2262 = arith.mulf %parallel_loop3A_2256, %parallel_loop3A_2261 : vector<16xf32>
        %parallel_loop3A_2263 = arith.addf %parallel_loop3A_2262, %parallel_loop3A_2262 : vector<16xf32>
        %parallel_loop3A_2264 = math.exp %parallel_loop3A_2263 : vector<16xf32>
        %parallel_loop3A_2265 = arith.constant 1.000000e+00 : f32
        %parallel_loop3A_2266 = vector.broadcast %parallel_loop3A_2265 : f32 to vector<16xf32>
        %parallel_loop3A_2267 = arith.addf %parallel_loop3A_2264, %parallel_loop3A_2266 : vector<16xf32>
        %parallel_loop3A_2268 = arith.constant 2.000000e+00 : f32
        %parallel_loop3A_2269 = vector.broadcast %parallel_loop3A_2268 : f32 to vector<16xf32>
        %parallel_loop3A_2270 = arith.divf %parallel_loop3A_2269, %parallel_loop3A_2267 : vector<16xf32>
        %parallel_loop3A_2271 = arith.constant 1.000000e+00 : f32
        %parallel_loop3A_2272 = vector.broadcast %parallel_loop3A_2271 : f32 to vector<16xf32>
        %parallel_loop3A_2273 = arith.subf %parallel_loop3A_2272, %parallel_loop3A_2270 : vector<16xf32>
        %parallel_loop3A_2274 = arith.constant 64 : i32
        %parallel_loop3A_2275 = arith.muli %parallel_loop3A_2255, %parallel_loop3A_2274 : i32
        %parallel_loop3A_2276 = arith.constant 0 : i32
        %parallel_loop3A_2277 = arith.addi %parallel_loop3A_2275, %parallel_loop3A_2276 : i32
        %parallel_loop3A_2278 = arith.index_cast %parallel_loop3A_2277 : i32 to index
        %parallel_loop3A_2279 = tpu.vector_load %arg24[%parallel_loop3A_2278] {strides = array<i32>} : memref<3200xf32, #tpu.memory_space<vmem>>, vector<16xf32>,
        tpu.vector_store %arg24[%parallel_loop3A_2278], %parallel_loop3A_2273 {strides = array<i32>} : memref<3200xf32, #tpu.memory_space<vmem>>, vector<16xf32>,
        %parallel_loop3A_2280 = arith.mulf %parallel_loop3A_2257, %parallel_loop3A_2261 : vector<16xf32>
        %parallel_loop3A_2281 = arith.addf %parallel_loop3A_2280, %parallel_loop3A_2280 : vector<16xf32>
        %parallel_loop3A_2282 = math.exp %parallel_loop3A_2281 : vector<16xf32>
        %parallel_loop3A_2283 = arith.constant 1.000000e+00 : f32
        %parallel_loop3A_2284 = vector.broadcast %parallel_loop3A_2283 : f32 to vector<16xf32>
        %parallel_loop3A_2285 = arith.addf %parallel_loop3A_2282, %parallel_loop3A_2284 : vector<16xf32>
        %parallel_loop3A_2286 = arith.constant 2.000000e+00 : f32
        %parallel_loop3A_2287 = vector.broadcast %parallel_loop3A_2286 : f32 to vector<16xf32>
        %parallel_loop3A_2288 = arith.divf %parallel_loop3A_2287, %parallel_loop3A_2285 : vector<16xf32>
        %parallel_loop3A_2289 = arith.constant 1.000000e+00 : f32
        %parallel_loop3A_2290 = vector.broadcast %parallel_loop3A_2289 : f32 to vector<16xf32>
        %parallel_loop3A_2291 = arith.subf %parallel_loop3A_2290, %parallel_loop3A_2288 : vector<16xf32>
        %parallel_loop3A_2292 = arith.constant 64 : i32
        %parallel_loop3A_2293 = arith.muli %parallel_loop3A_2255, %parallel_loop3A_2292 : i32
        %parallel_loop3A_2294 = arith.constant 16 : i32
        %parallel_loop3A_2295 = arith.addi %parallel_loop3A_2293, %parallel_loop3A_2294 : i32
        %parallel_loop3A_2296 = arith.index_cast %parallel_loop3A_2295 : i32 to index
        %parallel_loop3A_2297 = tpu.vector_load %arg24[%parallel_loop3A_2296] {strides = array<i32>} : memref<3200xf32, #tpu.memory_space<vmem>>, vector<16xf32>,
        tpu.vector_store %arg24[%parallel_loop3A_2296], %parallel_loop3A_2291 {strides = array<i32>} : memref<3200xf32, #tpu.memory_space<vmem>>, vector<16xf32>,
        %parallel_loop3A_2298 = arith.mulf %parallel_loop3A_2258, %parallel_loop3A_2261 : vector<16xf32>
        %parallel_loop3A_2299 = arith.addf %parallel_loop3A_2298, %parallel_loop3A_2298 : vector<16xf32>
        %parallel_loop3A_2300 = math.exp %parallel_loop3A_2299 : vector<16xf32>
        %parallel_loop3A_2301 = arith.constant 1.000000e+00 : f32
        %parallel_loop3A_2302 = vector.broadcast %parallel_loop3A_2301 : f32 to vector<16xf32>
        %parallel_loop3A_2303 = arith.addf %parallel_loop3A_2300, %parallel_loop3A_2302 : vector<16xf32>
        %parallel_loop3A_2304 = arith.constant 2.000000e+00 : f32
        %parallel_loop3A_2305 = vector.broadcast %parallel_loop3A_2304 : f32 to vector<16xf32>
        %parallel_loop3A_2306 = arith.divf %parallel_loop3A_2305, %parallel_loop3A_2303 : vector<16xf32>
        %parallel_loop3A_2307 = arith.constant 1.000000e+00 : f32
        %parallel_loop3A_2308 = vector.broadcast %parallel_loop3A_2307 : f32 to vector<16xf32>
        %parallel_loop3A_2309 = arith.subf %parallel_loop3A_2308, %parallel_loop3A_2306 : vector<16xf32>
        %parallel_loop3A_2310 = arith.constant 64 : i32
        %parallel_loop3A_2311 = arith.muli %parallel_loop3A_2255, %parallel_loop3A_2310 : i32
        %parallel_loop3A_2312 = arith.constant 32 : i32
        %parallel_loop3A_2313 = arith.addi %parallel_loop3A_2311, %parallel_loop3A_2312 : i32
        %parallel_loop3A_2314 = arith.index_cast %parallel_loop3A_2313 : i32 to index
        %parallel_loop3A_2315 = tpu.vector_load %arg24[%parallel_loop3A_2314] {strides = array<i32>} : memref<3200xf32, #tpu.memory_space<vmem>>, vector<16xf32>,
        tpu.vector_store %arg24[%parallel_loop3A_2314], %parallel_loop3A_2309 {strides = array<i32>} : memref<3200xf32, #tpu.memory_space<vmem>>, vector<16xf32>,
        %parallel_loop3A_2316 = arith.mulf %parallel_loop3A_2259, %parallel_loop3A_2261 : vector<16xf32>
        %parallel_loop3A_2317 = arith.addf %parallel_loop3A_2316, %parallel_loop3A_2316 : vector<16xf32>
        %parallel_loop3A_2318 = math.exp %parallel_loop3A_2317 : vector<16xf32>
        %parallel_loop3A_2319 = arith.constant 1.000000e+00 : f32
        %parallel_loop3A_2320 = vector.broadcast %parallel_loop3A_2319 : f32 to vector<16xf32>
        %parallel_loop3A_2321 = arith.addf %parallel_loop3A_2318, %parallel_loop3A_2320 : vector<16xf32>
        %parallel_loop3A_2322 = arith.constant 2.000000e+00 : f32
        %parallel_loop3A_2323 = vector.broadcast %parallel_loop3A_2322 : f32 to vector<16xf32>
        %parallel_loop3A_2324 = arith.divf %parallel_loop3A_2323, %parallel_loop3A_2321 : vector<16xf32>
        %parallel_loop3A_2325 = arith.constant 1.000000e+00 : f32
        %parallel_loop3A_2326 = vector.broadcast %parallel_loop3A_2325 : f32 to vector<16xf32>
        %parallel_loop3A_2327 = arith.subf %parallel_loop3A_2326, %parallel_loop3A_2324 : vector<16xf32>
        %parallel_loop3A_2328 = arith.constant 64 : i32
        %parallel_loop3A_2329 = arith.muli %parallel_loop3A_2255, %parallel_loop3A_2328 : i32
        %parallel_loop3A_2330 = arith.constant 48 : i32
        %parallel_loop3A_2331 = arith.addi %parallel_loop3A_2329, %parallel_loop3A_2330 : i32
        %parallel_loop3A_2332 = arith.index_cast %parallel_loop3A_2331 : i32 to index
        %parallel_loop3A_2333 = tpu.vector_load %arg24[%parallel_loop3A_2332] {strides = array<i32>} : memref<3200xf32, #tpu.memory_space<vmem>>, vector<16xf32>,
        tpu.vector_store %arg24[%parallel_loop3A_2332], %parallel_loop3A_2327 {strides = array<i32>} : memref<3200xf32, #tpu.memory_space<vmem>>, vector<16xf32>,
        %parallel_loop3A_2334 = arith.addf %parallel_loop3A_1873, %parallel_loop3A_2036 : vector<16xf32>
        %parallel_loop3A_2335 = arith.addf %parallel_loop3A_1874, %parallel_loop3A_2067 : vector<16xf32>
        %parallel_loop3A_2336 = arith.addf %parallel_loop3A_1875, %parallel_loop3A_2098 : vector<16xf32>
        %parallel_loop3A_2337 = arith.addf %parallel_loop3A_1876, %parallel_loop3A_2129 : vector<16xf32>
        scf.yield %parallel_loop3A_2334, %parallel_loop3A_2335, %parallel_loop3A_2336, %parallel_loop3A_2337, %parallel_loop3A_1912, %parallel_loop3A_1943, %parallel_loop3A_1974, %parallel_loop3A_2005 : vector<16xf32>, vector<16xf32>, vector<16xf32>, vector<16xf32>, vector<16xf32>, vector<16xf32>, vector<16xf32>, vector<16xf32>
      } {sc.loop_unroll_factor = 2 : i64, sc.parallel_access}
      %broadcast_in_dim3A_1187 = arith.constant 49 : i32
      %broadcast_in_dim3A_1188 = vector.broadcast %broadcast_in_dim3A_1187 : i32 to vector<16xi32>
      %gather3A_1189 = tpu.vector_load_idx %arg27[%broadcast_in_dim3A_1188] : memref<64xf32, #tpu.memory_space<vmem>>[vector<16xi32>], vector<16xf32>,
      %mul3A_1190 = arith.mulf %parallel_loop3A_1186#0, %gather3A_1189 : vector<16xf32>
      %add3A_1191 = arith.addf %mul3A_1190, %mul3A_1190 : vector<16xf32>
      %exp3A = math.exp %add3A_1191 : vector<16xf32>
      %add3A_1192 = arith.constant 1.000000e+00 : f32
      %add3A_1193 = vector.broadcast %add3A_1192 : f32 to vector<16xf32>
      %add3A_1194 = arith.addf %exp3A, %add3A_1193 : vector<16xf32>
      %div3A_1195 = arith.constant 2.000000e+00 : f32
      %div3A_1196 = vector.broadcast %div3A_1195 : f32 to vector<16xf32>
      %div3A_1197 = arith.divf %div3A_1196, %add3A_1194 : vector<16xf32>
      %sub3A_1198 = arith.constant 1.000000e+00 : f32
      %sub3A_1199 = vector.broadcast %sub3A_1198 : f32 to vector<16xf32>
      %sub3A_1200 = arith.subf %sub3A_1199, %div3A_1197 : vector<16xf32>
      %swap3A_1201 = arith.constant 3136 : index
      %swap3A_1202 = tpu.vector_load %arg24[%swap3A_1201] {strides = array<i32>} : memref<3200xf32, #tpu.memory_space<vmem>>, vector<16xf32>,
      tpu.vector_store %arg24[%swap3A_1201], %sub3A_1200 {strides = array<i32>} : memref<3200xf32, #tpu.memory_space<vmem>>, vector<16xf32>,
      %mul3A_1203 = arith.mulf %parallel_loop3A_1186#1, %gather3A_1189 : vector<16xf32>
      %add3A_1204 = arith.addf %mul3A_1203, %mul3A_1203 : vector<16xf32>
      %exp3A_1205 = math.exp %add3A_1204 : vector<16xf32>
      %add3A_1206 = arith.constant 1.000000e+00 : f32
      %add3A_1207 = vector.broadcast %add3A_1206 : f32 to vector<16xf32>
      %add3A_1208 = arith.addf %exp3A_1205, %add3A_1207 : vector<16xf32>
      %div3A_1209 = arith.constant 2.000000e+00 : f32
      %div3A_1210 = vector.broadcast %div3A_1209 : f32 to vector<16xf32>
      %div3A_1211 = arith.divf %div3A_1210, %add3A_1208 : vector<16xf32>
      %sub3A_1212 = arith.constant 1.000000e+00 : f32
      %sub3A_1213 = vector.broadcast %sub3A_1212 : f32 to vector<16xf32>
      %sub3A_1214 = arith.subf %sub3A_1213, %div3A_1211 : vector<16xf32>
      %swap3A_1215 = arith.constant 3152 : index
      %swap3A_1216 = tpu.vector_load %arg24[%swap3A_1215] {strides = array<i32>} : memref<3200xf32, #tpu.memory_space<vmem>>, vector<16xf32>,
      tpu.vector_store %arg24[%swap3A_1215], %sub3A_1214 {strides = array<i32>} : memref<3200xf32, #tpu.memory_space<vmem>>, vector<16xf32>,
      %mul3A_1217 = arith.mulf %parallel_loop3A_1186#2, %gather3A_1189 : vector<16xf32>
      %add3A_1218 = arith.addf %mul3A_1217, %mul3A_1217 : vector<16xf32>
      %exp3A_1219 = math.exp %add3A_1218 : vector<16xf32>
      %add3A_1220 = arith.constant 1.000000e+00 : f32
      %add3A_1221 = vector.broadcast %add3A_1220 : f32 to vector<16xf32>
      %add3A_1222 = arith.addf %exp3A_1219, %add3A_1221 : vector<16xf32>
      %div3A_1223 = arith.constant 2.000000e+00 : f32
      %div3A_1224 = vector.broadcast %div3A_1223 : f32 to vector<16xf32>
      %div3A_1225 = arith.divf %div3A_1224, %add3A_1222 : vector<16xf32>
      %sub3A_1226 = arith.constant 1.000000e+00 : f32
      %sub3A_1227 = vector.broadcast %sub3A_1226 : f32 to vector<16xf32>
      %sub3A_1228 = arith.subf %sub3A_1227, %div3A_1225 : vector<16xf32>
      %swap3A_1229 = arith.constant 3168 : index
      %swap3A_1230 = tpu.vector_load %arg24[%swap3A_1229] {strides = array<i32>} : memref<3200xf32, #tpu.memory_space<vmem>>, vector<16xf32>,
      tpu.vector_store %arg24[%swap3A_1229], %sub3A_1228 {strides = array<i32>} : memref<3200xf32, #tpu.memory_space<vmem>>, vector<16xf32>,
      %mul3A_1231 = arith.mulf %parallel_loop3A_1186#3, %gather3A_1189 : vector<16xf32>
      %add3A_1232 = arith.addf %mul3A_1231, %mul3A_1231 : vector<16xf32>
      %exp3A_1233 = math.exp %add3A_1232 : vector<16xf32>
      %add3A_1234 = arith.constant 1.000000e+00 : f32
      %add3A_1235 = vector.broadcast %add3A_1234 : f32 to vector<16xf32>
      %add3A_1236 = arith.addf %exp3A_1233, %add3A_1235 : vector<16xf32>
      %div3A_1237 = arith.constant 2.000000e+00 : f32
      %div3A_1238 = vector.broadcast %div3A_1237 : f32 to vector<16xf32>
      %div3A_1239 = arith.divf %div3A_1238, %add3A_1236 : vector<16xf32>
      %sub3A_1240 = arith.constant 1.000000e+00 : f32
      %sub3A_1241 = vector.broadcast %sub3A_1240 : f32 to vector<16xf32>
      %sub3A_1242 = arith.subf %sub3A_1241, %div3A_1239 : vector<16xf32>
      %swap3A_1243 = arith.constant 3184 : index
      %swap3A_1244 = tpu.vector_load %arg24[%swap3A_1243] {strides = array<i32>} : memref<3200xf32, #tpu.memory_space<vmem>>, vector<16xf32>,
      tpu.vector_store %arg24[%swap3A_1243], %sub3A_1242 {strides = array<i32>} : memref<3200xf32, #tpu.memory_space<vmem>>, vector<16xf32>,
      %add3A_1245 = arith.addi %mul3A_2, %mul3A_643 : i32
      %mul3A_1246 = arith.constant 3200 : i32
      %mul3A_1247 = arith.muli %add3A_1245, %mul3A_1246 : i32
      "tpu.region"() ({
        %run_scoped3A = tpu.sem_alloc : memref<!tpu.dma_semaphore, #tpu.memory_space<semaphore_mem>>
        %dma_start3A_1868 = tpu.memref_slice %arg4[%mul3A_1247] : memref<3276800xf32, #tpu.memory_space<hbm>> -> memref<3200xf32, #tpu.memory_space<hbm>>
        %dma_start3A_1869 = tpu.memref_slice %arg4[%mul3A_1247] : memref<3276800xf32, #tpu.memory_space<hbm>> -> memref<3200xf32, #tpu.memory_space<hbm>>
        tpu.enqueue_dma source(%arg24 : memref<3200xf32, #tpu.memory_space<vmem>>) target(%dma_start3A_1869 : memref<3200xf32, #tpu.memory_space<hbm>>) target_semaphore(%run_scoped3A : memref<!tpu.dma_semaphore, #tpu.memory_space<semaphore_mem>>)
        %dma_wait3A_1870 = tpu.memref_slice %arg4[%mul3A_1247] : memref<3276800xf32, #tpu.memory_space<hbm>> -> memref<3200xf32, #tpu.memory_space<hbm>>
        %dma_wait3A_1871 = tpu.memref_slice %arg4[%mul3A_1247] : memref<3276800xf32, #tpu.memory_space<hbm>> -> memref<3200xf32, #tpu.memory_space<hbm>>
        tpu.wait_dma2 semaphore(%run_scoped3A : memref<!tpu.dma_semaphore, #tpu.memory_space<semaphore_mem>>) src(%arg24 : memref<3200xf32, #tpu.memory_space<vmem>>) dst(%dma_wait3A_1871 : memref<3200xf32, #tpu.memory_space<hbm>>)
        tpu.yield
      }) : () -> ()
      %mul3A_1248 = arith.constant 2 : i32
      %mul3A_1249 = arith.muli %mul3A_1248, %scan3A_640 : i32
      %add3A_1250 = arith.constant 1 : i32
      %add3A_1251 = arith.addi %mul3A_1249, %add3A_1250 : i32
      %add3A_1252 = arith.constant 0 : i32
      %add3A_1253 = vector.broadcast %add3A_1252 : i32 to vector<16xi32>
      %add3A_1254 = arith.addi %iota3A, %add3A_1253 : vector<16xi32>
      %mul3A_1255 = arith.constant 4 : i32
      %mul3A_1256 = vector.broadcast %mul3A_1255 : i32 to vector<16xi32>
      %mul3A_1257 = arith.muli %add3A_1254, %mul3A_1256 : vector<16xi32>
      %shift_right_logical3A_1258 = arith.constant 7 : i32
      %shift_right_logical3A_1259 = vector.broadcast %shift_right_logical3A_1258 : i32 to vector<16xi32>
      %shift_right_logical3A_1260 = arith.shrui %mul3A_1257, %shift_right_logical3A_1259 : vector<16xi32>
      %and3A_1261 = arith.constant 127 : i32
      %and3A_1262 = vector.broadcast %and3A_1261 : i32 to vector<16xi32>
      %and3A_1263 = arith.andi %mul3A_1257, %and3A_1262 : vector<16xi32>
      %gather3A_1264 = tpu.vector_load_idx %arg25[%shift_right_logical3A_1260, %and3A_1263] : memref<2x128xf32, #tpu.memory_space<vmem>>[vector<16xi32>, vector<16xi32>], vector<16xf32>,
      %add3A_1265 = arith.constant 1 : i32
      %add3A_1266 = vector.broadcast %add3A_1265 : i32 to vector<16xi32>
      %add3A_1267 = arith.addi %mul3A_1257, %add3A_1266 : vector<16xi32>
      %shift_right_logical3A_1268 = arith.constant 7 : i32
      %shift_right_logical3A_1269 = vector.broadcast %shift_right_logical3A_1268 : i32 to vector<16xi32>
      %shift_right_logical3A_1270 = arith.shrui %add3A_1267, %shift_right_logical3A_1269 : vector<16xi32>
      %and3A_1271 = arith.constant 127 : i32
      %and3A_1272 = vector.broadcast %and3A_1271 : i32 to vector<16xi32>
      %and3A_1273 = arith.andi %add3A_1267, %and3A_1272 : vector<16xi32>
      %gather3A_1274 = tpu.vector_load_idx %arg25[%shift_right_logical3A_1270, %and3A_1273] : memref<2x128xf32, #tpu.memory_space<vmem>>[vector<16xi32>, vector<16xi32>], vector<16xf32>,
      %add3A_1275 = arith.addf %gather3A_1264, %gather3A_1274 : vector<16xf32>
      %add3A_1276 = arith.constant 2 : i32
      %add3A_1277 = vector.broadcast %add3A_1276 : i32 to vector<16xi32>
      %add3A_1278 = arith.addi %mul3A_1257, %add3A_1277 : vector<16xi32>
      %shift_right_logical3A_1279 = arith.constant 7 : i32
      %shift_right_logical3A_1280 = vector.broadcast %shift_right_logical3A_1279 : i32 to vector<16xi32>
      %shift_right_logical3A_1281 = arith.shrui %add3A_1278, %shift_right_logical3A_1280 : vector<16xi32>
      %and3A_1282 = arith.constant 127 : i32
      %and3A_1283 = vector.broadcast %and3A_1282 : i32 to vector<16xi32>
      %and3A_1284 = arith.andi %add3A_1278, %and3A_1283 : vector<16xi32>
      %gather3A_1285 = tpu.vector_load_idx %arg25[%shift_right_logical3A_1281, %and3A_1284] : memref<2x128xf32, #tpu.memory_space<vmem>>[vector<16xi32>, vector<16xi32>], vector<16xf32>,
      %add3A_1286 = arith.addf %add3A_1275, %gather3A_1285 : vector<16xf32>
      %add3A_1287 = arith.constant 3 : i32
      %add3A_1288 = vector.broadcast %add3A_1287 : i32 to vector<16xi32>
      %add3A_1289 = arith.addi %mul3A_1257, %add3A_1288 : vector<16xi32>
      %shift_right_logical3A_1290 = arith.constant 7 : i32
      %shift_right_logical3A_1291 = vector.broadcast %shift_right_logical3A_1290 : i32 to vector<16xi32>
      %shift_right_logical3A_1292 = arith.shrui %add3A_1289, %shift_right_logical3A_1291 : vector<16xi32>
      %and3A_1293 = arith.constant 127 : i32
      %and3A_1294 = vector.broadcast %and3A_1293 : i32 to vector<16xi32>
      %and3A_1295 = arith.andi %add3A_1289, %and3A_1294 : vector<16xi32>
      %gather3A_1296 = tpu.vector_load_idx %arg25[%shift_right_logical3A_1292, %and3A_1295] : memref<2x128xf32, #tpu.memory_space<vmem>>[vector<16xi32>, vector<16xi32>], vector<16xf32>,
      %add3A_1297 = arith.addf %add3A_1286, %gather3A_1296 : vector<16xf32>
      %swap3A_1298 = arith.constant 0 : index
      %swap3A_1299 = tpu.vector_load %arg26[%swap3A_1298] {strides = array<i32>} : memref<64xf32, #tpu.memory_space<vmem>>, vector<16xf32>,
      tpu.vector_store %arg26[%swap3A_1298], %add3A_1297 {strides = array<i32>} : memref<64xf32, #tpu.memory_space<vmem>>, vector<16xf32>,
      %gt3A_1300 = arith.constant 0.000000e+00 : f32
      %gt3A_1301 = vector.broadcast %gt3A_1300 : f32 to vector<16xf32>
      %gt3A_1302 = arith.cmpf ogt, %add3A_1297, %gt3A_1301 : vector<16xf32>
      %max3A_1303 = arith.constant 1.000000e+00 : f32
      %max3A_1304 = vector.broadcast %max3A_1303 : f32 to vector<16xf32>
      %max3A_1305 = arith.maximumf %add3A_1297, %max3A_1304 : vector<16xf32>
      %div3A_1306 = arith.constant 1.000000e+00 : f32
      %div3A_1307 = vector.broadcast %div3A_1306 : f32 to vector<16xf32>
      %div3A_1308 = arith.divf %div3A_1307, %max3A_1305 : vector<16xf32>
      %jit3A_1309 = arith.constant 0.000000e+00 : f32
      %broadcast_in_dim3A_1310 = vector.broadcast %jit3A_1309 : f32 to vector<16xf32>
      %select_n3A_1311 = arith.select %gt3A_1302, %div3A_1308, %broadcast_in_dim3A_1310 : vector<16xi1>, vector<16xf32>
      %swap3A_1312 = arith.constant 0 : index
      %swap3A_1313 = tpu.vector_load %arg27[%swap3A_1312] {strides = array<i32>} : memref<64xf32, #tpu.memory_space<vmem>>, vector<16xf32>,
      tpu.vector_store %arg27[%swap3A_1312], %select_n3A_1311 {strides = array<i32>} : memref<64xf32, #tpu.memory_space<vmem>>, vector<16xf32>,
      %add3A_1314 = arith.constant 16 : i32
      %add3A_1315 = vector.broadcast %add3A_1314 : i32 to vector<16xi32>
      %add3A_1316 = arith.addi %iota3A, %add3A_1315 : vector<16xi32>
      %mul3A_1317 = arith.constant 4 : i32
      %mul3A_1318 = vector.broadcast %mul3A_1317 : i32 to vector<16xi32>
      %mul3A_1319 = arith.muli %add3A_1316, %mul3A_1318 : vector<16xi32>
      %shift_right_logical3A_1320 = arith.constant 7 : i32
      %shift_right_logical3A_1321 = vector.broadcast %shift_right_logical3A_1320 : i32 to vector<16xi32>
      %shift_right_logical3A_1322 = arith.shrui %mul3A_1319, %shift_right_logical3A_1321 : vector<16xi32>
      %and3A_1323 = arith.constant 127 : i32
      %and3A_1324 = vector.broadcast %and3A_1323 : i32 to vector<16xi32>
      %and3A_1325 = arith.andi %mul3A_1319, %and3A_1324 : vector<16xi32>
      %gather3A_1326 = tpu.vector_load_idx %arg25[%shift_right_logical3A_1322, %and3A_1325] : memref<2x128xf32, #tpu.memory_space<vmem>>[vector<16xi32>, vector<16xi32>], vector<16xf32>,
      %add3A_1327 = arith.constant 1 : i32
      %add3A_1328 = vector.broadcast %add3A_1327 : i32 to vector<16xi32>
      %add3A_1329 = arith.addi %mul3A_1319, %add3A_1328 : vector<16xi32>
      %shift_right_logical3A_1330 = arith.constant 7 : i32
      %shift_right_logical3A_1331 = vector.broadcast %shift_right_logical3A_1330 : i32 to vector<16xi32>
      %shift_right_logical3A_1332 = arith.shrui %add3A_1329, %shift_right_logical3A_1331 : vector<16xi32>
      %and3A_1333 = arith.constant 127 : i32
      %and3A_1334 = vector.broadcast %and3A_1333 : i32 to vector<16xi32>
      %and3A_1335 = arith.andi %add3A_1329, %and3A_1334 : vector<16xi32>
      %gather3A_1336 = tpu.vector_load_idx %arg25[%shift_right_logical3A_1332, %and3A_1335] : memref<2x128xf32, #tpu.memory_space<vmem>>[vector<16xi32>, vector<16xi32>], vector<16xf32>,
      %add3A_1337 = arith.addf %gather3A_1326, %gather3A_1336 : vector<16xf32>
      %add3A_1338 = arith.constant 2 : i32
      %add3A_1339 = vector.broadcast %add3A_1338 : i32 to vector<16xi32>
      %add3A_1340 = arith.addi %mul3A_1319, %add3A_1339 : vector<16xi32>
      %shift_right_logical3A_1341 = arith.constant 7 : i32
      %shift_right_logical3A_1342 = vector.broadcast %shift_right_logical3A_1341 : i32 to vector<16xi32>
      %shift_right_logical3A_1343 = arith.shrui %add3A_1340, %shift_right_logical3A_1342 : vector<16xi32>
      %and3A_1344 = arith.constant 127 : i32
      %and3A_1345 = vector.broadcast %and3A_1344 : i32 to vector<16xi32>
      %and3A_1346 = arith.andi %add3A_1340, %and3A_1345 : vector<16xi32>
      %gather3A_1347 = tpu.vector_load_idx %arg25[%shift_right_logical3A_1343, %and3A_1346] : memref<2x128xf32, #tpu.memory_space<vmem>>[vector<16xi32>, vector<16xi32>], vector<16xf32>,
      %add3A_1348 = arith.addf %add3A_1337, %gather3A_1347 : vector<16xf32>
      %add3A_1349 = arith.constant 3 : i32
      %add3A_1350 = vector.broadcast %add3A_1349 : i32 to vector<16xi32>
      %add3A_1351 = arith.addi %mul3A_1319, %add3A_1350 : vector<16xi32>
      %shift_right_logical3A_1352 = arith.constant 7 : i32
      %shift_right_logical3A_1353 = vector.broadcast %shift_right_logical3A_1352 : i32 to vector<16xi32>
      %shift_right_logical3A_1354 = arith.shrui %add3A_1351, %shift_right_logical3A_1353 : vector<16xi32>
      %and3A_1355 = arith.constant 127 : i32
      %and3A_1356 = vector.broadcast %and3A_1355 : i32 to vector<16xi32>
      %and3A_1357 = arith.andi %add3A_1351, %and3A_1356 : vector<16xi32>
      %gather3A_1358 = tpu.vector_load_idx %arg25[%shift_right_logical3A_1354, %and3A_1357] : memref<2x128xf32, #tpu.memory_space<vmem>>[vector<16xi32>, vector<16xi32>], vector<16xf32>,
      %add3A_1359 = arith.addf %add3A_1348, %gather3A_1358 : vector<16xf32>
      %swap3A_1360 = arith.constant 16 : index
      %swap3A_1361 = tpu.vector_load %arg26[%swap3A_1360] {strides = array<i32>} : memref<64xf32, #tpu.memory_space<vmem>>, vector<16xf32>,
      tpu.vector_store %arg26[%swap3A_1360], %add3A_1359 {strides = array<i32>} : memref<64xf32, #tpu.memory_space<vmem>>, vector<16xf32>,
      %gt3A_1362 = arith.constant 0.000000e+00 : f32
      %gt3A_1363 = vector.broadcast %gt3A_1362 : f32 to vector<16xf32>
      %gt3A_1364 = arith.cmpf ogt, %add3A_1359, %gt3A_1363 : vector<16xf32>
      %max3A_1365 = arith.constant 1.000000e+00 : f32
      %max3A_1366 = vector.broadcast %max3A_1365 : f32 to vector<16xf32>
      %max3A_1367 = arith.maximumf %add3A_1359, %max3A_1366 : vector<16xf32>
      %div3A_1368 = arith.constant 1.000000e+00 : f32
      %div3A_1369 = vector.broadcast %div3A_1368 : f32 to vector<16xf32>
      %div3A_1370 = arith.divf %div3A_1369, %max3A_1367 : vector<16xf32>
      %jit3A_1371 = arith.constant 0.000000e+00 : f32
      %broadcast_in_dim3A_1372 = vector.broadcast %jit3A_1371 : f32 to vector<16xf32>
      %select_n3A_1373 = arith.select %gt3A_1364, %div3A_1370, %broadcast_in_dim3A_1372 : vector<16xi1>, vector<16xf32>
      %swap3A_1374 = arith.constant 16 : index
      %swap3A_1375 = tpu.vector_load %arg27[%swap3A_1374] {strides = array<i32>} : memref<64xf32, #tpu.memory_space<vmem>>, vector<16xf32>,
      tpu.vector_store %arg27[%swap3A_1374], %select_n3A_1373 {strides = array<i32>} : memref<64xf32, #tpu.memory_space<vmem>>, vector<16xf32>,
      %add3A_1376 = arith.constant 32 : i32
      %add3A_1377 = vector.broadcast %add3A_1376 : i32 to vector<16xi32>
      %add3A_1378 = arith.addi %iota3A, %add3A_1377 : vector<16xi32>
      %mul3A_1379 = arith.constant 4 : i32
      %mul3A_1380 = vector.broadcast %mul3A_1379 : i32 to vector<16xi32>
      %mul3A_1381 = arith.muli %add3A_1378, %mul3A_1380 : vector<16xi32>
      %shift_right_logical3A_1382 = arith.constant 7 : i32
      %shift_right_logical3A_1383 = vector.broadcast %shift_right_logical3A_1382 : i32 to vector<16xi32>
      %shift_right_logical3A_1384 = arith.shrui %mul3A_1381, %shift_right_logical3A_1383 : vector<16xi32>
      %and3A_1385 = arith.constant 127 : i32
      %and3A_1386 = vector.broadcast %and3A_1385 : i32 to vector<16xi32>
      %and3A_1387 = arith.andi %mul3A_1381, %and3A_1386 : vector<16xi32>
      %gather3A_1388 = tpu.vector_load_idx %arg25[%shift_right_logical3A_1384, %and3A_1387] : memref<2x128xf32, #tpu.memory_space<vmem>>[vector<16xi32>, vector<16xi32>], vector<16xf32>,
      %add3A_1389 = arith.constant 1 : i32
      %add3A_1390 = vector.broadcast %add3A_1389 : i32 to vector<16xi32>
      %add3A_1391 = arith.addi %mul3A_1381, %add3A_1390 : vector<16xi32>
      %shift_right_logical3A_1392 = arith.constant 7 : i32
      %shift_right_logical3A_1393 = vector.broadcast %shift_right_logical3A_1392 : i32 to vector<16xi32>
      %shift_right_logical3A_1394 = arith.shrui %add3A_1391, %shift_right_logical3A_1393 : vector<16xi32>
      %and3A_1395 = arith.constant 127 : i32
      %and3A_1396 = vector.broadcast %and3A_1395 : i32 to vector<16xi32>
      %and3A_1397 = arith.andi %add3A_1391, %and3A_1396 : vector<16xi32>
      %gather3A_1398 = tpu.vector_load_idx %arg25[%shift_right_logical3A_1394, %and3A_1397] : memref<2x128xf32, #tpu.memory_space<vmem>>[vector<16xi32>, vector<16xi32>], vector<16xf32>,
      %add3A_1399 = arith.addf %gather3A_1388, %gather3A_1398 : vector<16xf32>
      %add3A_1400 = arith.constant 2 : i32
      %add3A_1401 = vector.broadcast %add3A_1400 : i32 to vector<16xi32>
      %add3A_1402 = arith.addi %mul3A_1381, %add3A_1401 : vector<16xi32>
      %shift_right_logical3A_1403 = arith.constant 7 : i32
      %shift_right_logical3A_1404 = vector.broadcast %shift_right_logical3A_1403 : i32 to vector<16xi32>
      %shift_right_logical3A_1405 = arith.shrui %add3A_1402, %shift_right_logical3A_1404 : vector<16xi32>
      %and3A_1406 = arith.constant 127 : i32
      %and3A_1407 = vector.broadcast %and3A_1406 : i32 to vector<16xi32>
      %and3A_1408 = arith.andi %add3A_1402, %and3A_1407 : vector<16xi32>
      %gather3A_1409 = tpu.vector_load_idx %arg25[%shift_right_logical3A_1405, %and3A_1408] : memref<2x128xf32, #tpu.memory_space<vmem>>[vector<16xi32>, vector<16xi32>], vector<16xf32>,
      %add3A_1410 = arith.addf %add3A_1399, %gather3A_1409 : vector<16xf32>
      %add3A_1411 = arith.constant 3 : i32
      %add3A_1412 = vector.broadcast %add3A_1411 : i32 to vector<16xi32>
      %add3A_1413 = arith.addi %mul3A_1381, %add3A_1412 : vector<16xi32>
      %shift_right_logical3A_1414 = arith.constant 7 : i32
      %shift_right_logical3A_1415 = vector.broadcast %shift_right_logical3A_1414 : i32 to vector<16xi32>
      %shift_right_logical3A_1416 = arith.shrui %add3A_1413, %shift_right_logical3A_1415 : vector<16xi32>
      %and3A_1417 = arith.constant 127 : i32
      %and3A_1418 = vector.broadcast %and3A_1417 : i32 to vector<16xi32>
      %and3A_1419 = arith.andi %add3A_1413, %and3A_1418 : vector<16xi32>
      %gather3A_1420 = tpu.vector_load_idx %arg25[%shift_right_logical3A_1416, %and3A_1419] : memref<2x128xf32, #tpu.memory_space<vmem>>[vector<16xi32>, vector<16xi32>], vector<16xf32>,
      %add3A_1421 = arith.addf %add3A_1410, %gather3A_1420 : vector<16xf32>
      %swap3A_1422 = arith.constant 32 : index
      %swap3A_1423 = tpu.vector_load %arg26[%swap3A_1422] {strides = array<i32>} : memref<64xf32, #tpu.memory_space<vmem>>, vector<16xf32>,
      tpu.vector_store %arg26[%swap3A_1422], %add3A_1421 {strides = array<i32>} : memref<64xf32, #tpu.memory_space<vmem>>, vector<16xf32>,
      %gt3A_1424 = arith.constant 0.000000e+00 : f32
      %gt3A_1425 = vector.broadcast %gt3A_1424 : f32 to vector<16xf32>
      %gt3A_1426 = arith.cmpf ogt, %add3A_1421, %gt3A_1425 : vector<16xf32>
      %max3A_1427 = arith.constant 1.000000e+00 : f32
      %max3A_1428 = vector.broadcast %max3A_1427 : f32 to vector<16xf32>
      %max3A_1429 = arith.maximumf %add3A_1421, %max3A_1428 : vector<16xf32>
      %div3A_1430 = arith.constant 1.000000e+00 : f32
      %div3A_1431 = vector.broadcast %div3A_1430 : f32 to vector<16xf32>
      %div3A_1432 = arith.divf %div3A_1431, %max3A_1429 : vector<16xf32>
      %jit3A_1433 = arith.constant 0.000000e+00 : f32
      %broadcast_in_dim3A_1434 = vector.broadcast %jit3A_1433 : f32 to vector<16xf32>
      %select_n3A_1435 = arith.select %gt3A_1426, %div3A_1432, %broadcast_in_dim3A_1434 : vector<16xi1>, vector<16xf32>
      %swap3A_1436 = arith.constant 32 : index
      %swap3A_1437 = tpu.vector_load %arg27[%swap3A_1436] {strides = array<i32>} : memref<64xf32, #tpu.memory_space<vmem>>, vector<16xf32>,
      tpu.vector_store %arg27[%swap3A_1436], %select_n3A_1435 {strides = array<i32>} : memref<64xf32, #tpu.memory_space<vmem>>, vector<16xf32>,
      %add3A_1438 = arith.constant 48 : i32
      %add3A_1439 = vector.broadcast %add3A_1438 : i32 to vector<16xi32>
      %add3A_1440 = arith.addi %iota3A, %add3A_1439 : vector<16xi32>
      %mul3A_1441 = arith.constant 4 : i32
      %mul3A_1442 = vector.broadcast %mul3A_1441 : i32 to vector<16xi32>
      %mul3A_1443 = arith.muli %add3A_1440, %mul3A_1442 : vector<16xi32>
      %shift_right_logical3A_1444 = arith.constant 7 : i32
      %shift_right_logical3A_1445 = vector.broadcast %shift_right_logical3A_1444 : i32 to vector<16xi32>
      %shift_right_logical3A_1446 = arith.shrui %mul3A_1443, %shift_right_logical3A_1445 : vector<16xi32>
      %and3A_1447 = arith.constant 127 : i32
      %and3A_1448 = vector.broadcast %and3A_1447 : i32 to vector<16xi32>
      %and3A_1449 = arith.andi %mul3A_1443, %and3A_1448 : vector<16xi32>
      %gather3A_1450 = tpu.vector_load_idx %arg25[%shift_right_logical3A_1446, %and3A_1449] : memref<2x128xf32, #tpu.memory_space<vmem>>[vector<16xi32>, vector<16xi32>], vector<16xf32>,
      %add3A_1451 = arith.constant 1 : i32
      %add3A_1452 = vector.broadcast %add3A_1451 : i32 to vector<16xi32>
      %add3A_1453 = arith.addi %mul3A_1443, %add3A_1452 : vector<16xi32>
      %shift_right_logical3A_1454 = arith.constant 7 : i32
      %shift_right_logical3A_1455 = vector.broadcast %shift_right_logical3A_1454 : i32 to vector<16xi32>
      %shift_right_logical3A_1456 = arith.shrui %add3A_1453, %shift_right_logical3A_1455 : vector<16xi32>
      %and3A_1457 = arith.constant 127 : i32
      %and3A_1458 = vector.broadcast %and3A_1457 : i32 to vector<16xi32>
      %and3A_1459 = arith.andi %add3A_1453, %and3A_1458 : vector<16xi32>
      %gather3A_1460 = tpu.vector_load_idx %arg25[%shift_right_logical3A_1456, %and3A_1459] : memref<2x128xf32, #tpu.memory_space<vmem>>[vector<16xi32>, vector<16xi32>], vector<16xf32>,
      %add3A_1461 = arith.addf %gather3A_1450, %gather3A_1460 : vector<16xf32>
      %add3A_1462 = arith.constant 2 : i32
      %add3A_1463 = vector.broadcast %add3A_1462 : i32 to vector<16xi32>
      %add3A_1464 = arith.addi %mul3A_1443, %add3A_1463 : vector<16xi32>
      %shift_right_logical3A_1465 = arith.constant 7 : i32
      %shift_right_logical3A_1466 = vector.broadcast %shift_right_logical3A_1465 : i32 to vector<16xi32>
      %shift_right_logical3A_1467 = arith.shrui %add3A_1464, %shift_right_logical3A_1466 : vector<16xi32>
      %and3A_1468 = arith.constant 127 : i32
      %and3A_1469 = vector.broadcast %and3A_1468 : i32 to vector<16xi32>
      %and3A_1470 = arith.andi %add3A_1464, %and3A_1469 : vector<16xi32>
      %gather3A_1471 = tpu.vector_load_idx %arg25[%shift_right_logical3A_1467, %and3A_1470] : memref<2x128xf32, #tpu.memory_space<vmem>>[vector<16xi32>, vector<16xi32>], vector<16xf32>,
      %add3A_1472 = arith.addf %add3A_1461, %gather3A_1471 : vector<16xf32>
      %add3A_1473 = arith.constant 3 : i32
      %add3A_1474 = vector.broadcast %add3A_1473 : i32 to vector<16xi32>
      %add3A_1475 = arith.addi %mul3A_1443, %add3A_1474 : vector<16xi32>
      %shift_right_logical3A_1476 = arith.constant 7 : i32
      %shift_right_logical3A_1477 = vector.broadcast %shift_right_logical3A_1476 : i32 to vector<16xi32>
      %shift_right_logical3A_1478 = arith.shrui %add3A_1475, %shift_right_logical3A_1477 : vector<16xi32>
      %and3A_1479 = arith.constant 127 : i32
      %and3A_1480 = vector.broadcast %and3A_1479 : i32 to vector<16xi32>
      %and3A_1481 = arith.andi %add3A_1475, %and3A_1480 : vector<16xi32>
      %gather3A_1482 = tpu.vector_load_idx %arg25[%shift_right_logical3A_1478, %and3A_1481] : memref<2x128xf32, #tpu.memory_space<vmem>>[vector<16xi32>, vector<16xi32>], vector<16xf32>,
      %add3A_1483 = arith.addf %add3A_1472, %gather3A_1482 : vector<16xf32>
      %swap3A_1484 = arith.constant 48 : index
      %swap3A_1485 = tpu.vector_load %arg26[%swap3A_1484] {strides = array<i32>} : memref<64xf32, #tpu.memory_space<vmem>>, vector<16xf32>,
      tpu.vector_store %arg26[%swap3A_1484], %add3A_1483 {strides = array<i32>} : memref<64xf32, #tpu.memory_space<vmem>>, vector<16xf32>,
      %gt3A_1486 = arith.constant 0.000000e+00 : f32
      %gt3A_1487 = vector.broadcast %gt3A_1486 : f32 to vector<16xf32>
      %gt3A_1488 = arith.cmpf ogt, %add3A_1483, %gt3A_1487 : vector<16xf32>
      %max3A_1489 = arith.constant 1.000000e+00 : f32
      %max3A_1490 = vector.broadcast %max3A_1489 : f32 to vector<16xf32>
      %max3A_1491 = arith.maximumf %add3A_1483, %max3A_1490 : vector<16xf32>
      %div3A_1492 = arith.constant 1.000000e+00 : f32
      %div3A_1493 = vector.broadcast %div3A_1492 : f32 to vector<16xf32>
      %div3A_1494 = arith.divf %div3A_1493, %max3A_1491 : vector<16xf32>
      %jit3A_1495 = arith.constant 0.000000e+00 : f32
      %broadcast_in_dim3A_1496 = vector.broadcast %jit3A_1495 : f32 to vector<16xf32>
      %select_n3A_1497 = arith.select %gt3A_1488, %div3A_1494, %broadcast_in_dim3A_1496 : vector<16xi1>, vector<16xf32>
      %swap3A_1498 = arith.constant 48 : index
      %swap3A_1499 = tpu.vector_load %arg27[%swap3A_1498] {strides = array<i32>} : memref<64xf32, #tpu.memory_space<vmem>>, vector<16xf32>,
      tpu.vector_store %arg27[%swap3A_1498], %select_n3A_1497 {strides = array<i32>} : memref<64xf32, #tpu.memory_space<vmem>>, vector<16xf32>,
      %dma_wait3A_1500 = arith.constant 0 : i32
      %dma_wait3A_1501 = arith.constant 0 : i32
      %dma_wait3A_1502 = tpu.memref_slice %arg21[%dma_wait3A_1500, %dma_wait3A_1501] : memref<208x64xf32, #tpu.memory_space<vmem>> -> memref<112x64xf32, #tpu.memory_space<vmem>>
      %dma_wait3A_1503 = arith.constant 0 : i32
      %dma_wait3A_1504 = arith.constant 0 : i32
      %dma_wait3A_1505 = tpu.memref_slice %arg3[%dma_wait3A_1503, %dma_wait3A_1504] : memref<299997x64xf32, #tpu.memory_space<hbm>> -> memref<299997x64xf32, #tpu.memory_space<hbm>>
      tpu.wait_indirect_dma semaphore(%arg30 : memref<!tpu.dma_semaphore, #tpu.memory_space<semaphore_mem>>) src(%dma_wait3A_1505 : memref<299997x64xf32, #tpu.memory_space<hbm>>) dst(%dma_wait3A_1502 : memref<112x64xf32, #tpu.memory_space<vmem>>)
      %dma_wait3A_1506 = arith.constant 112 : i32
      %dma_wait3A_1507 = arith.constant 0 : i32
      %dma_wait3A_1508 = tpu.memref_slice %arg21[%dma_wait3A_1506, %dma_wait3A_1507] : memref<208x64xf32, #tpu.memory_space<vmem>> -> memref<96x64xf32, #tpu.memory_space<vmem>>
      %dma_wait3A_1509 = arith.constant 0 : i32
      %dma_wait3A_1510 = arith.constant 0 : i32
      %dma_wait3A_1511 = tpu.memref_slice %arg3[%dma_wait3A_1509, %dma_wait3A_1510] : memref<299997x64xf32, #tpu.memory_space<hbm>> -> memref<299997x64xf32, #tpu.memory_space<hbm>>
      tpu.wait_indirect_dma semaphore(%arg30 : memref<!tpu.dma_semaphore, #tpu.memory_space<semaphore_mem>>) src(%dma_wait3A_1511 : memref<299997x64xf32, #tpu.memory_space<hbm>>) dst(%dma_wait3A_1508 : memref<96x64xf32, #tpu.memory_space<vmem>>)
      %dma_wait3A_1512 = arith.constant 0 : i32
      %dma_wait3A_1513 = arith.constant 0 : i32
      %dma_wait3A_1514 = tpu.memref_slice %arg22[%dma_wait3A_1512, %dma_wait3A_1513] : memref<208x64xf32, #tpu.memory_space<vmem>> -> memref<112x64xf32, #tpu.memory_space<vmem>>
      %dma_wait3A_1515 = arith.constant 0 : i32
      %dma_wait3A_1516 = arith.constant 0 : i32
      %dma_wait3A_1517 = tpu.memref_slice %arg3[%dma_wait3A_1515, %dma_wait3A_1516] : memref<299997x64xf32, #tpu.memory_space<hbm>> -> memref<299997x64xf32, #tpu.memory_space<hbm>>
      tpu.wait_indirect_dma semaphore(%arg30 : memref<!tpu.dma_semaphore, #tpu.memory_space<semaphore_mem>>) src(%dma_wait3A_1517 : memref<299997x64xf32, #tpu.memory_space<hbm>>) dst(%dma_wait3A_1514 : memref<112x64xf32, #tpu.memory_space<vmem>>)
      %dma_wait3A_1518 = arith.constant 112 : i32
      %dma_wait3A_1519 = arith.constant 0 : i32
      %dma_wait3A_1520 = tpu.memref_slice %arg22[%dma_wait3A_1518, %dma_wait3A_1519] : memref<208x64xf32, #tpu.memory_space<vmem>> -> memref<96x64xf32, #tpu.memory_space<vmem>>
      %dma_wait3A_1521 = arith.constant 0 : i32
      %dma_wait3A_1522 = arith.constant 0 : i32
      %dma_wait3A_1523 = tpu.memref_slice %arg3[%dma_wait3A_1521, %dma_wait3A_1522] : memref<299997x64xf32, #tpu.memory_space<hbm>> -> memref<299997x64xf32, #tpu.memory_space<hbm>>
      tpu.wait_indirect_dma semaphore(%arg30 : memref<!tpu.dma_semaphore, #tpu.memory_space<semaphore_mem>>) src(%dma_wait3A_1523 : memref<299997x64xf32, #tpu.memory_space<hbm>>) dst(%dma_wait3A_1520 : memref<96x64xf32, #tpu.memory_space<vmem>>)
      %dma_wait3A_1524 = arith.constant 0 : i32
      %dma_wait3A_1525 = arith.constant 0 : i32
      %dma_wait3A_1526 = tpu.memref_slice %arg23[%dma_wait3A_1524, %dma_wait3A_1525] : memref<208x64xf32, #tpu.memory_space<vmem>> -> memref<112x64xf32, #tpu.memory_space<vmem>>
      %dma_wait3A_1527 = arith.constant 0 : i32
      %dma_wait3A_1528 = arith.constant 0 : i32
      %dma_wait3A_1529 = tpu.memref_slice %arg3[%dma_wait3A_1527, %dma_wait3A_1528] : memref<299997x64xf32, #tpu.memory_space<hbm>> -> memref<299997x64xf32, #tpu.memory_space<hbm>>
      tpu.wait_indirect_dma semaphore(%arg30 : memref<!tpu.dma_semaphore, #tpu.memory_space<semaphore_mem>>) src(%dma_wait3A_1529 : memref<299997x64xf32, #tpu.memory_space<hbm>>) dst(%dma_wait3A_1526 : memref<112x64xf32, #tpu.memory_space<vmem>>)
      %dma_wait3A_1530 = arith.constant 112 : i32
      %dma_wait3A_1531 = arith.constant 0 : i32
      %dma_wait3A_1532 = tpu.memref_slice %arg23[%dma_wait3A_1530, %dma_wait3A_1531] : memref<208x64xf32, #tpu.memory_space<vmem>> -> memref<96x64xf32, #tpu.memory_space<vmem>>
      %dma_wait3A_1533 = arith.constant 0 : i32
      %dma_wait3A_1534 = arith.constant 0 : i32
      %dma_wait3A_1535 = tpu.memref_slice %arg3[%dma_wait3A_1533, %dma_wait3A_1534] : memref<299997x64xf32, #tpu.memory_space<hbm>> -> memref<299997x64xf32, #tpu.memory_space<hbm>>
      tpu.wait_indirect_dma semaphore(%arg30 : memref<!tpu.dma_semaphore, #tpu.memory_space<semaphore_mem>>) src(%dma_wait3A_1535 : memref<299997x64xf32, #tpu.memory_space<hbm>>) dst(%dma_wait3A_1532 : memref<96x64xf32, #tpu.memory_space<vmem>>)
      %add3A_1536 = arith.constant 1 : i32
      %add3A_1537 = arith.addi %add3A_1251, %add3A_1536 : i32
      %lt3A_1538 = arith.constant 32 : i32
      %lt3A_1539 = arith.cmpi slt, %add3A_1537, %lt3A_1538 : i32
      %convert_element_type3A_1540 = arith.extui %lt3A_1539 : i1 to i32
      %cond3A_1541 = arith.constant 0 : i32
      %cond3A_1542 = arith.cmpi ne, %convert_element_type3A_1540, %cond3A_1541 : i32
      scf.if %cond3A_1542 {
        %add3A_1868 = arith.constant 1 : i32
        %add3A_1869 = arith.addi %add3A_1251, %add3A_1868 : i32
        %mul3A_1870 = arith.constant 200 : i32
        %mul3A_1871 = arith.muli %add3A_1869, %mul3A_1870 : i32
        %add3A_1872 = arith.constant 0 : i32
        %add3A_1873 = arith.addi %mul3A_1871, %add3A_1872 : i32
        %get3A_1874 = arith.index_cast %add3A_1873 : i32 to index
        %get3A_1875 = tpu.vector_load %arg5[%get3A_1874] {strides = array<i32>} : memref<6416xi32, #tpu.memory_space<vmem>>, vector<16xi32>,
        %mul3A_1876 = arith.constant 3 : i32
        %mul3A_1877 = vector.broadcast %mul3A_1876 : i32 to vector<16xi32>
        %mul3A_1878 = arith.muli %get3A_1875, %mul3A_1877 : vector<16xi32>
        %sub3A_1879 = arith.constant 3 : i32
        %sub3A_1880 = vector.broadcast %sub3A_1879 : i32 to vector<16xi32>
        %sub3A_1881 = arith.subi %mul3A_1878, %sub3A_1880 : vector<16xi32>
        %jit3A_1882 = arith.constant 0 : i32
        %jit3A_1883 = arith.constant 299994 : i32
        %max3A_1884 = vector.broadcast %jit3A_1882 : i32 to vector<16xi32>
        %max3A_1885 = arith.maxsi %max3A_1884, %sub3A_1881 : vector<16xi32>
        %min3A_1886 = vector.broadcast %jit3A_1883 : i32 to vector<16xi32>
        %min3A_1887 = arith.minsi %min3A_1886, %max3A_1885 : vector<16xi32>
        %add3A_1888 = arith.constant 0 : i32
        %add3A_1889 = vector.broadcast %add3A_1888 : i32 to vector<16xi32>
        %add3A_1890 = arith.addi %min3A_1887, %add3A_1889 : vector<16xi32>
        %swap3A_1891 = arith.constant 0 : index
        %swap3A_1892 = tpu.vector_load %arg6[%swap3A_1891] {strides = array<i32>} : memref<112xi32, #tpu.memory_space<vmem>>, vector<16xi32>,
        tpu.vector_store %arg6[%swap3A_1891], %add3A_1890 {strides = array<i32>} : memref<112xi32, #tpu.memory_space<vmem>>, vector<16xi32>,
        %add3A_1893 = arith.constant 1 : i32
        %add3A_1894 = vector.broadcast %add3A_1893 : i32 to vector<16xi32>
        %add3A_1895 = arith.addi %min3A_1887, %add3A_1894 : vector<16xi32>
        %swap3A_1896 = arith.constant 0 : index
        %swap3A_1897 = tpu.vector_load %arg8[%swap3A_1896] {strides = array<i32>} : memref<112xi32, #tpu.memory_space<vmem>>, vector<16xi32>,
        tpu.vector_store %arg8[%swap3A_1896], %add3A_1895 {strides = array<i32>} : memref<112xi32, #tpu.memory_space<vmem>>, vector<16xi32>,
        %add3A_1898 = arith.constant 2 : i32
        %add3A_1899 = vector.broadcast %add3A_1898 : i32 to vector<16xi32>
        %add3A_1900 = arith.addi %min3A_1887, %add3A_1899 : vector<16xi32>
        %swap3A_1901 = arith.constant 0 : index
        %swap3A_1902 = tpu.vector_load %arg10[%swap3A_1901] {strides = array<i32>} : memref<112xi32, #tpu.memory_space<vmem>>, vector<16xi32>,
        tpu.vector_store %arg10[%swap3A_1901], %add3A_1900 {strides = array<i32>} : memref<112xi32, #tpu.memory_space<vmem>>, vector<16xi32>,
        %ne3A_1903 = arith.constant 0 : i32
        %ne3A_1904 = vector.broadcast %ne3A_1903 : i32 to vector<16xi32>
        %ne3A_1905 = arith.cmpi ne, %get3A_1875, %ne3A_1904 : vector<16xi32>
        %jit3A_1906 = arith.constant 1.000000e+00 : f32
        %jit3A_1907 = arith.constant 0.000000e+00 : f32
        %broadcast_in_dim3A_1908 = vector.broadcast %jit3A_1906 : f32 to vector<16xf32>
        %broadcast_in_dim3A_1909 = vector.broadcast %jit3A_1907 : f32 to vector<16xf32>
        %select_n3A_1910 = arith.select %ne3A_1905, %broadcast_in_dim3A_1908, %broadcast_in_dim3A_1909 : vector<16xi1>, vector<16xf32>
        %swap3A_1911 = arith.constant 0 : i32
        %swap3A_1912 = arith.index_cast %swap3A_1911 : i32 to index
        %swap3A_1913 = arith.constant 0 : index
        %swap3A_1914 = tpu.vector_load %arg25[%swap3A_1912, %swap3A_1913] {strides = array<i32>} : memref<2x128xf32, #tpu.memory_space<vmem>>, vector<16xf32>,
        tpu.vector_store %arg25[%swap3A_1912, %swap3A_1913], %select_n3A_1910 {strides = array<i32>} : memref<2x128xf32, #tpu.memory_space<vmem>>, vector<16xf32>,
        %add3A_1915 = arith.constant 16 : i32
        %add3A_1916 = arith.addi %mul3A_1871, %add3A_1915 : i32
        %get3A_1917 = arith.index_cast %add3A_1916 : i32 to index
        %get3A_1918 = tpu.vector_load %arg5[%get3A_1917] {strides = array<i32>} : memref<6416xi32, #tpu.memory_space<vmem>>, vector<16xi32>,
        %mul3A_1919 = arith.constant 3 : i32
        %mul3A_1920 = vector.broadcast %mul3A_1919 : i32 to vector<16xi32>
        %mul3A_1921 = arith.muli %get3A_1918, %mul3A_1920 : vector<16xi32>
        %sub3A_1922 = arith.constant 3 : i32
        %sub3A_1923 = vector.broadcast %sub3A_1922 : i32 to vector<16xi32>
        %sub3A_1924 = arith.subi %mul3A_1921, %sub3A_1923 : vector<16xi32>
        %jit3A_1925 = arith.constant 0 : i32
        %jit3A_1926 = arith.constant 299994 : i32
        %max3A_1927 = vector.broadcast %jit3A_1925 : i32 to vector<16xi32>
        %max3A_1928 = arith.maxsi %max3A_1927, %sub3A_1924 : vector<16xi32>
        %min3A_1929 = vector.broadcast %jit3A_1926 : i32 to vector<16xi32>
        %min3A_1930 = arith.minsi %min3A_1929, %max3A_1928 : vector<16xi32>
        %add3A_1931 = arith.constant 0 : i32
        %add3A_1932 = vector.broadcast %add3A_1931 : i32 to vector<16xi32>
        %add3A_1933 = arith.addi %min3A_1930, %add3A_1932 : vector<16xi32>
        %swap3A_1934 = arith.constant 16 : index
        %swap3A_1935 = tpu.vector_load %arg6[%swap3A_1934] {strides = array<i32>} : memref<112xi32, #tpu.memory_space<vmem>>, vector<16xi32>,
        tpu.vector_store %arg6[%swap3A_1934], %add3A_1933 {strides = array<i32>} : memref<112xi32, #tpu.memory_space<vmem>>, vector<16xi32>,
        %add3A_1936 = arith.constant 1 : i32
        %add3A_1937 = vector.broadcast %add3A_1936 : i32 to vector<16xi32>
        %add3A_1938 = arith.addi %min3A_1930, %add3A_1937 : vector<16xi32>
        %swap3A_1939 = arith.constant 16 : index
        %swap3A_1940 = tpu.vector_load %arg8[%swap3A_1939] {strides = array<i32>} : memref<112xi32, #tpu.memory_space<vmem>>, vector<16xi32>,
        tpu.vector_store %arg8[%swap3A_1939], %add3A_1938 {strides = array<i32>} : memref<112xi32, #tpu.memory_space<vmem>>, vector<16xi32>,
        %add3A_1941 = arith.constant 2 : i32
        %add3A_1942 = vector.broadcast %add3A_1941 : i32 to vector<16xi32>
        %add3A_1943 = arith.addi %min3A_1930, %add3A_1942 : vector<16xi32>
        %swap3A_1944 = arith.constant 16 : index
        %swap3A_1945 = tpu.vector_load %arg10[%swap3A_1944] {strides = array<i32>} : memref<112xi32, #tpu.memory_space<vmem>>, vector<16xi32>,
        tpu.vector_store %arg10[%swap3A_1944], %add3A_1943 {strides = array<i32>} : memref<112xi32, #tpu.memory_space<vmem>>, vector<16xi32>,
        %ne3A_1946 = arith.constant 0 : i32
        %ne3A_1947 = vector.broadcast %ne3A_1946 : i32 to vector<16xi32>
        %ne3A_1948 = arith.cmpi ne, %get3A_1918, %ne3A_1947 : vector<16xi32>
        %jit3A_1949 = arith.constant 1.000000e+00 : f32
        %jit3A_1950 = arith.constant 0.000000e+00 : f32
        %broadcast_in_dim3A_1951 = vector.broadcast %jit3A_1949 : f32 to vector<16xf32>
        %broadcast_in_dim3A_1952 = vector.broadcast %jit3A_1950 : f32 to vector<16xf32>
        %select_n3A_1953 = arith.select %ne3A_1948, %broadcast_in_dim3A_1951, %broadcast_in_dim3A_1952 : vector<16xi1>, vector<16xf32>
        %swap3A_1954 = arith.constant 0 : i32
        %swap3A_1955 = arith.index_cast %swap3A_1954 : i32 to index
        %swap3A_1956 = arith.constant 16 : index
        %swap3A_1957 = tpu.vector_load %arg25[%swap3A_1955, %swap3A_1956] {strides = array<i32>} : memref<2x128xf32, #tpu.memory_space<vmem>>, vector<16xf32>,
        tpu.vector_store %arg25[%swap3A_1955, %swap3A_1956], %select_n3A_1953 {strides = array<i32>} : memref<2x128xf32, #tpu.memory_space<vmem>>, vector<16xf32>,
        %add3A_1958 = arith.constant 32 : i32
        %add3A_1959 = arith.addi %mul3A_1871, %add3A_1958 : i32
        %get3A_1960 = arith.index_cast %add3A_1959 : i32 to index
        %get3A_1961 = tpu.vector_load %arg5[%get3A_1960] {strides = array<i32>} : memref<6416xi32, #tpu.memory_space<vmem>>, vector<16xi32>,
        %mul3A_1962 = arith.constant 3 : i32
        %mul3A_1963 = vector.broadcast %mul3A_1962 : i32 to vector<16xi32>
        %mul3A_1964 = arith.muli %get3A_1961, %mul3A_1963 : vector<16xi32>
        %sub3A_1965 = arith.constant 3 : i32
        %sub3A_1966 = vector.broadcast %sub3A_1965 : i32 to vector<16xi32>
        %sub3A_1967 = arith.subi %mul3A_1964, %sub3A_1966 : vector<16xi32>
        %jit3A_1968 = arith.constant 0 : i32
        %jit3A_1969 = arith.constant 299994 : i32
        %max3A_1970 = vector.broadcast %jit3A_1968 : i32 to vector<16xi32>
        %max3A_1971 = arith.maxsi %max3A_1970, %sub3A_1967 : vector<16xi32>
        %min3A_1972 = vector.broadcast %jit3A_1969 : i32 to vector<16xi32>
        %min3A_1973 = arith.minsi %min3A_1972, %max3A_1971 : vector<16xi32>
        %add3A_1974 = arith.constant 0 : i32
        %add3A_1975 = vector.broadcast %add3A_1974 : i32 to vector<16xi32>
        %add3A_1976 = arith.addi %min3A_1973, %add3A_1975 : vector<16xi32>
        %swap3A_1977 = arith.constant 32 : index
        %swap3A_1978 = tpu.vector_load %arg6[%swap3A_1977] {strides = array<i32>} : memref<112xi32, #tpu.memory_space<vmem>>, vector<16xi32>,
        tpu.vector_store %arg6[%swap3A_1977], %add3A_1976 {strides = array<i32>} : memref<112xi32, #tpu.memory_space<vmem>>, vector<16xi32>,
        %add3A_1979 = arith.constant 1 : i32
        %add3A_1980 = vector.broadcast %add3A_1979 : i32 to vector<16xi32>
        %add3A_1981 = arith.addi %min3A_1973, %add3A_1980 : vector<16xi32>
        %swap3A_1982 = arith.constant 32 : index
        %swap3A_1983 = tpu.vector_load %arg8[%swap3A_1982] {strides = array<i32>} : memref<112xi32, #tpu.memory_space<vmem>>, vector<16xi32>,
        tpu.vector_store %arg8[%swap3A_1982], %add3A_1981 {strides = array<i32>} : memref<112xi32, #tpu.memory_space<vmem>>, vector<16xi32>,
        %add3A_1984 = arith.constant 2 : i32
        %add3A_1985 = vector.broadcast %add3A_1984 : i32 to vector<16xi32>
        %add3A_1986 = arith.addi %min3A_1973, %add3A_1985 : vector<16xi32>
        %swap3A_1987 = arith.constant 32 : index
        %swap3A_1988 = tpu.vector_load %arg10[%swap3A_1987] {strides = array<i32>} : memref<112xi32, #tpu.memory_space<vmem>>, vector<16xi32>,
        tpu.vector_store %arg10[%swap3A_1987], %add3A_1986 {strides = array<i32>} : memref<112xi32, #tpu.memory_space<vmem>>, vector<16xi32>,
        %ne3A_1989 = arith.constant 0 : i32
        %ne3A_1990 = vector.broadcast %ne3A_1989 : i32 to vector<16xi32>
        %ne3A_1991 = arith.cmpi ne, %get3A_1961, %ne3A_1990 : vector<16xi32>
        %jit3A_1992 = arith.constant 1.000000e+00 : f32
        %jit3A_1993 = arith.constant 0.000000e+00 : f32
        %broadcast_in_dim3A_1994 = vector.broadcast %jit3A_1992 : f32 to vector<16xf32>
        %broadcast_in_dim3A_1995 = vector.broadcast %jit3A_1993 : f32 to vector<16xf32>
        %select_n3A_1996 = arith.select %ne3A_1991, %broadcast_in_dim3A_1994, %broadcast_in_dim3A_1995 : vector<16xi1>, vector<16xf32>
        %swap3A_1997 = arith.constant 0 : i32
        %swap3A_1998 = arith.index_cast %swap3A_1997 : i32 to index
        %swap3A_1999 = arith.constant 32 : index
        %swap3A_2000 = tpu.vector_load %arg25[%swap3A_1998, %swap3A_1999] {strides = array<i32>} : memref<2x128xf32, #tpu.memory_space<vmem>>, vector<16xf32>,
        tpu.vector_store %arg25[%swap3A_1998, %swap3A_1999], %select_n3A_1996 {strides = array<i32>} : memref<2x128xf32, #tpu.memory_space<vmem>>, vector<16xf32>,
        %add3A_2001 = arith.constant 48 : i32
        %add3A_2002 = arith.addi %mul3A_1871, %add3A_2001 : i32
        %get3A_2003 = arith.index_cast %add3A_2002 : i32 to index
        %get3A_2004 = tpu.vector_load %arg5[%get3A_2003] {strides = array<i32>} : memref<6416xi32, #tpu.memory_space<vmem>>, vector<16xi32>,
        %mul3A_2005 = arith.constant 3 : i32
        %mul3A_2006 = vector.broadcast %mul3A_2005 : i32 to vector<16xi32>
        %mul3A_2007 = arith.muli %get3A_2004, %mul3A_2006 : vector<16xi32>
        %sub3A_2008 = arith.constant 3 : i32
        %sub3A_2009 = vector.broadcast %sub3A_2008 : i32 to vector<16xi32>
        %sub3A_2010 = arith.subi %mul3A_2007, %sub3A_2009 : vector<16xi32>
        %jit3A_2011 = arith.constant 0 : i32
        %jit3A_2012 = arith.constant 299994 : i32
        %max3A_2013 = vector.broadcast %jit3A_2011 : i32 to vector<16xi32>
        %max3A_2014 = arith.maxsi %max3A_2013, %sub3A_2010 : vector<16xi32>
        %min3A_2015 = vector.broadcast %jit3A_2012 : i32 to vector<16xi32>
        %min3A_2016 = arith.minsi %min3A_2015, %max3A_2014 : vector<16xi32>
        %add3A_2017 = arith.constant 0 : i32
        %add3A_2018 = vector.broadcast %add3A_2017 : i32 to vector<16xi32>
        %add3A_2019 = arith.addi %min3A_2016, %add3A_2018 : vector<16xi32>
        %swap3A_2020 = arith.constant 48 : index
        %swap3A_2021 = tpu.vector_load %arg6[%swap3A_2020] {strides = array<i32>} : memref<112xi32, #tpu.memory_space<vmem>>, vector<16xi32>,
        tpu.vector_store %arg6[%swap3A_2020], %add3A_2019 {strides = array<i32>} : memref<112xi32, #tpu.memory_space<vmem>>, vector<16xi32>,
        %add3A_2022 = arith.constant 1 : i32
        %add3A_2023 = vector.broadcast %add3A_2022 : i32 to vector<16xi32>
        %add3A_2024 = arith.addi %min3A_2016, %add3A_2023 : vector<16xi32>
        %swap3A_2025 = arith.constant 48 : index
        %swap3A_2026 = tpu.vector_load %arg8[%swap3A_2025] {strides = array<i32>} : memref<112xi32, #tpu.memory_space<vmem>>, vector<16xi32>,
        tpu.vector_store %arg8[%swap3A_2025], %add3A_2024 {strides = array<i32>} : memref<112xi32, #tpu.memory_space<vmem>>, vector<16xi32>,
        %add3A_2027 = arith.constant 2 : i32
        %add3A_2028 = vector.broadcast %add3A_2027 : i32 to vector<16xi32>
        %add3A_2029 = arith.addi %min3A_2016, %add3A_2028 : vector<16xi32>
        %swap3A_2030 = arith.constant 48 : index
        %swap3A_2031 = tpu.vector_load %arg10[%swap3A_2030] {strides = array<i32>} : memref<112xi32, #tpu.memory_space<vmem>>, vector<16xi32>,
        tpu.vector_store %arg10[%swap3A_2030], %add3A_2029 {strides = array<i32>} : memref<112xi32, #tpu.memory_space<vmem>>, vector<16xi32>,
        %ne3A_2032 = arith.constant 0 : i32
        %ne3A_2033 = vector.broadcast %ne3A_2032 : i32 to vector<16xi32>
        %ne3A_2034 = arith.cmpi ne, %get3A_2004, %ne3A_2033 : vector<16xi32>
        %jit3A_2035 = arith.constant 1.000000e+00 : f32
        %jit3A_2036 = arith.constant 0.000000e+00 : f32
        %broadcast_in_dim3A_2037 = vector.broadcast %jit3A_2035 : f32 to vector<16xf32>
        %broadcast_in_dim3A_2038 = vector.broadcast %jit3A_2036 : f32 to vector<16xf32>
        %select_n3A_2039 = arith.select %ne3A_2034, %broadcast_in_dim3A_2037, %broadcast_in_dim3A_2038 : vector<16xi1>, vector<16xf32>
        %swap3A_2040 = arith.constant 0 : i32
        %swap3A_2041 = arith.index_cast %swap3A_2040 : i32 to index
        %swap3A_2042 = arith.constant 48 : index
        %swap3A_2043 = tpu.vector_load %arg25[%swap3A_2041, %swap3A_2042] {strides = array<i32>} : memref<2x128xf32, #tpu.memory_space<vmem>>, vector<16xf32>,
        tpu.vector_store %arg25[%swap3A_2041, %swap3A_2042], %select_n3A_2039 {strides = array<i32>} : memref<2x128xf32, #tpu.memory_space<vmem>>, vector<16xf32>,
        %add3A_2044 = arith.constant 64 : i32
        %add3A_2045 = arith.addi %mul3A_1871, %add3A_2044 : i32
        %get3A_2046 = arith.index_cast %add3A_2045 : i32 to index
        %get3A_2047 = tpu.vector_load %arg5[%get3A_2046] {strides = array<i32>} : memref<6416xi32, #tpu.memory_space<vmem>>, vector<16xi32>,
        %mul3A_2048 = arith.constant 3 : i32
        %mul3A_2049 = vector.broadcast %mul3A_2048 : i32 to vector<16xi32>
        %mul3A_2050 = arith.muli %get3A_2047, %mul3A_2049 : vector<16xi32>
        %sub3A_2051 = arith.constant 3 : i32
        %sub3A_2052 = vector.broadcast %sub3A_2051 : i32 to vector<16xi32>
        %sub3A_2053 = arith.subi %mul3A_2050, %sub3A_2052 : vector<16xi32>
        %jit3A_2054 = arith.constant 0 : i32
        %jit3A_2055 = arith.constant 299994 : i32
        %max3A_2056 = vector.broadcast %jit3A_2054 : i32 to vector<16xi32>
        %max3A_2057 = arith.maxsi %max3A_2056, %sub3A_2053 : vector<16xi32>
        %min3A_2058 = vector.broadcast %jit3A_2055 : i32 to vector<16xi32>
        %min3A_2059 = arith.minsi %min3A_2058, %max3A_2057 : vector<16xi32>
        %add3A_2060 = arith.constant 0 : i32
        %add3A_2061 = vector.broadcast %add3A_2060 : i32 to vector<16xi32>
        %add3A_2062 = arith.addi %min3A_2059, %add3A_2061 : vector<16xi32>
        %swap3A_2063 = arith.constant 64 : index
        %swap3A_2064 = tpu.vector_load %arg6[%swap3A_2063] {strides = array<i32>} : memref<112xi32, #tpu.memory_space<vmem>>, vector<16xi32>,
        tpu.vector_store %arg6[%swap3A_2063], %add3A_2062 {strides = array<i32>} : memref<112xi32, #tpu.memory_space<vmem>>, vector<16xi32>,
        %add3A_2065 = arith.constant 1 : i32
        %add3A_2066 = vector.broadcast %add3A_2065 : i32 to vector<16xi32>
        %add3A_2067 = arith.addi %min3A_2059, %add3A_2066 : vector<16xi32>
        %swap3A_2068 = arith.constant 64 : index
        %swap3A_2069 = tpu.vector_load %arg8[%swap3A_2068] {strides = array<i32>} : memref<112xi32, #tpu.memory_space<vmem>>, vector<16xi32>,
        tpu.vector_store %arg8[%swap3A_2068], %add3A_2067 {strides = array<i32>} : memref<112xi32, #tpu.memory_space<vmem>>, vector<16xi32>,
        %add3A_2070 = arith.constant 2 : i32
        %add3A_2071 = vector.broadcast %add3A_2070 : i32 to vector<16xi32>
        %add3A_2072 = arith.addi %min3A_2059, %add3A_2071 : vector<16xi32>
        %swap3A_2073 = arith.constant 64 : index
        %swap3A_2074 = tpu.vector_load %arg10[%swap3A_2073] {strides = array<i32>} : memref<112xi32, #tpu.memory_space<vmem>>, vector<16xi32>,
        tpu.vector_store %arg10[%swap3A_2073], %add3A_2072 {strides = array<i32>} : memref<112xi32, #tpu.memory_space<vmem>>, vector<16xi32>,
        %ne3A_2075 = arith.constant 0 : i32
        %ne3A_2076 = vector.broadcast %ne3A_2075 : i32 to vector<16xi32>
        %ne3A_2077 = arith.cmpi ne, %get3A_2047, %ne3A_2076 : vector<16xi32>
        %jit3A_2078 = arith.constant 1.000000e+00 : f32
        %jit3A_2079 = arith.constant 0.000000e+00 : f32
        %broadcast_in_dim3A_2080 = vector.broadcast %jit3A_2078 : f32 to vector<16xf32>
        %broadcast_in_dim3A_2081 = vector.broadcast %jit3A_2079 : f32 to vector<16xf32>
        %select_n3A_2082 = arith.select %ne3A_2077, %broadcast_in_dim3A_2080, %broadcast_in_dim3A_2081 : vector<16xi1>, vector<16xf32>
        %swap3A_2083 = arith.constant 0 : i32
        %swap3A_2084 = arith.index_cast %swap3A_2083 : i32 to index
        %swap3A_2085 = arith.constant 64 : index
        %swap3A_2086 = tpu.vector_load %arg25[%swap3A_2084, %swap3A_2085] {strides = array<i32>} : memref<2x128xf32, #tpu.memory_space<vmem>>, vector<16xf32>,
        tpu.vector_store %arg25[%swap3A_2084, %swap3A_2085], %select_n3A_2082 {strides = array<i32>} : memref<2x128xf32, #tpu.memory_space<vmem>>, vector<16xf32>,
        %add3A_2087 = arith.constant 80 : i32
        %add3A_2088 = arith.addi %mul3A_1871, %add3A_2087 : i32
        %get3A_2089 = arith.index_cast %add3A_2088 : i32 to index
        %get3A_2090 = tpu.vector_load %arg5[%get3A_2089] {strides = array<i32>} : memref<6416xi32, #tpu.memory_space<vmem>>, vector<16xi32>,
        %mul3A_2091 = arith.constant 3 : i32
        %mul3A_2092 = vector.broadcast %mul3A_2091 : i32 to vector<16xi32>
        %mul3A_2093 = arith.muli %get3A_2090, %mul3A_2092 : vector<16xi32>
        %sub3A_2094 = arith.constant 3 : i32
        %sub3A_2095 = vector.broadcast %sub3A_2094 : i32 to vector<16xi32>
        %sub3A_2096 = arith.subi %mul3A_2093, %sub3A_2095 : vector<16xi32>
        %jit3A_2097 = arith.constant 0 : i32
        %jit3A_2098 = arith.constant 299994 : i32
        %max3A_2099 = vector.broadcast %jit3A_2097 : i32 to vector<16xi32>
        %max3A_2100 = arith.maxsi %max3A_2099, %sub3A_2096 : vector<16xi32>
        %min3A_2101 = vector.broadcast %jit3A_2098 : i32 to vector<16xi32>
        %min3A_2102 = arith.minsi %min3A_2101, %max3A_2100 : vector<16xi32>
        %add3A_2103 = arith.constant 0 : i32
        %add3A_2104 = vector.broadcast %add3A_2103 : i32 to vector<16xi32>
        %add3A_2105 = arith.addi %min3A_2102, %add3A_2104 : vector<16xi32>
        %swap3A_2106 = arith.constant 80 : index
        %swap3A_2107 = tpu.vector_load %arg6[%swap3A_2106] {strides = array<i32>} : memref<112xi32, #tpu.memory_space<vmem>>, vector<16xi32>,
        tpu.vector_store %arg6[%swap3A_2106], %add3A_2105 {strides = array<i32>} : memref<112xi32, #tpu.memory_space<vmem>>, vector<16xi32>,
        %add3A_2108 = arith.constant 1 : i32
        %add3A_2109 = vector.broadcast %add3A_2108 : i32 to vector<16xi32>
        %add3A_2110 = arith.addi %min3A_2102, %add3A_2109 : vector<16xi32>
        %swap3A_2111 = arith.constant 80 : index
        %swap3A_2112 = tpu.vector_load %arg8[%swap3A_2111] {strides = array<i32>} : memref<112xi32, #tpu.memory_space<vmem>>, vector<16xi32>,
        tpu.vector_store %arg8[%swap3A_2111], %add3A_2110 {strides = array<i32>} : memref<112xi32, #tpu.memory_space<vmem>>, vector<16xi32>,
        %add3A_2113 = arith.constant 2 : i32
        %add3A_2114 = vector.broadcast %add3A_2113 : i32 to vector<16xi32>
        %add3A_2115 = arith.addi %min3A_2102, %add3A_2114 : vector<16xi32>
        %swap3A_2116 = arith.constant 80 : index
        %swap3A_2117 = tpu.vector_load %arg10[%swap3A_2116] {strides = array<i32>} : memref<112xi32, #tpu.memory_space<vmem>>, vector<16xi32>,
        tpu.vector_store %arg10[%swap3A_2116], %add3A_2115 {strides = array<i32>} : memref<112xi32, #tpu.memory_space<vmem>>, vector<16xi32>,
        %ne3A_2118 = arith.constant 0 : i32
        %ne3A_2119 = vector.broadcast %ne3A_2118 : i32 to vector<16xi32>
        %ne3A_2120 = arith.cmpi ne, %get3A_2090, %ne3A_2119 : vector<16xi32>
        %jit3A_2121 = arith.constant 1.000000e+00 : f32
        %jit3A_2122 = arith.constant 0.000000e+00 : f32
        %broadcast_in_dim3A_2123 = vector.broadcast %jit3A_2121 : f32 to vector<16xf32>
        %broadcast_in_dim3A_2124 = vector.broadcast %jit3A_2122 : f32 to vector<16xf32>
        %select_n3A_2125 = arith.select %ne3A_2120, %broadcast_in_dim3A_2123, %broadcast_in_dim3A_2124 : vector<16xi1>, vector<16xf32>
        %swap3A_2126 = arith.constant 0 : i32
        %swap3A_2127 = arith.index_cast %swap3A_2126 : i32 to index
        %swap3A_2128 = arith.constant 80 : index
        %swap3A_2129 = tpu.vector_load %arg25[%swap3A_2127, %swap3A_2128] {strides = array<i32>} : memref<2x128xf32, #tpu.memory_space<vmem>>, vector<16xf32>,
        tpu.vector_store %arg25[%swap3A_2127, %swap3A_2128], %select_n3A_2125 {strides = array<i32>} : memref<2x128xf32, #tpu.memory_space<vmem>>, vector<16xf32>,
        %add3A_2130 = arith.constant 96 : i32
        %add3A_2131 = arith.addi %mul3A_1871, %add3A_2130 : i32
        %get3A_2132 = arith.index_cast %add3A_2131 : i32 to index
        %get3A_2133 = tpu.vector_load %arg5[%get3A_2132] {strides = array<i32>} : memref<6416xi32, #tpu.memory_space<vmem>>, vector<16xi32>,
        %mul3A_2134 = arith.constant 3 : i32
        %mul3A_2135 = vector.broadcast %mul3A_2134 : i32 to vector<16xi32>
        %mul3A_2136 = arith.muli %get3A_2133, %mul3A_2135 : vector<16xi32>
        %sub3A_2137 = arith.constant 3 : i32
        %sub3A_2138 = vector.broadcast %sub3A_2137 : i32 to vector<16xi32>
        %sub3A_2139 = arith.subi %mul3A_2136, %sub3A_2138 : vector<16xi32>
        %jit3A_2140 = arith.constant 0 : i32
        %jit3A_2141 = arith.constant 299994 : i32
        %max3A_2142 = vector.broadcast %jit3A_2140 : i32 to vector<16xi32>
        %max3A_2143 = arith.maxsi %max3A_2142, %sub3A_2139 : vector<16xi32>
        %min3A_2144 = vector.broadcast %jit3A_2141 : i32 to vector<16xi32>
        %min3A_2145 = arith.minsi %min3A_2144, %max3A_2143 : vector<16xi32>
        %add3A_2146 = arith.constant 0 : i32
        %add3A_2147 = vector.broadcast %add3A_2146 : i32 to vector<16xi32>
        %add3A_2148 = arith.addi %min3A_2145, %add3A_2147 : vector<16xi32>
        %swap3A_2149 = arith.constant 96 : index
        %swap3A_2150 = tpu.vector_load %arg6[%swap3A_2149] {strides = array<i32>} : memref<112xi32, #tpu.memory_space<vmem>>, vector<16xi32>,
        tpu.vector_store %arg6[%swap3A_2149], %add3A_2148 {strides = array<i32>} : memref<112xi32, #tpu.memory_space<vmem>>, vector<16xi32>,
        %add3A_2151 = arith.constant 1 : i32
        %add3A_2152 = vector.broadcast %add3A_2151 : i32 to vector<16xi32>
        %add3A_2153 = arith.addi %min3A_2145, %add3A_2152 : vector<16xi32>
        %swap3A_2154 = arith.constant 96 : index
        %swap3A_2155 = tpu.vector_load %arg8[%swap3A_2154] {strides = array<i32>} : memref<112xi32, #tpu.memory_space<vmem>>, vector<16xi32>,
        tpu.vector_store %arg8[%swap3A_2154], %add3A_2153 {strides = array<i32>} : memref<112xi32, #tpu.memory_space<vmem>>, vector<16xi32>,
        %add3A_2156 = arith.constant 2 : i32
        %add3A_2157 = vector.broadcast %add3A_2156 : i32 to vector<16xi32>
        %add3A_2158 = arith.addi %min3A_2145, %add3A_2157 : vector<16xi32>
        %swap3A_2159 = arith.constant 96 : index
        %swap3A_2160 = tpu.vector_load %arg10[%swap3A_2159] {strides = array<i32>} : memref<112xi32, #tpu.memory_space<vmem>>, vector<16xi32>,
        tpu.vector_store %arg10[%swap3A_2159], %add3A_2158 {strides = array<i32>} : memref<112xi32, #tpu.memory_space<vmem>>, vector<16xi32>,
        %ne3A_2161 = arith.constant 0 : i32
        %ne3A_2162 = vector.broadcast %ne3A_2161 : i32 to vector<16xi32>
        %ne3A_2163 = arith.cmpi ne, %get3A_2133, %ne3A_2162 : vector<16xi32>
        %jit3A_2164 = arith.constant 1.000000e+00 : f32
        %jit3A_2165 = arith.constant 0.000000e+00 : f32
        %broadcast_in_dim3A_2166 = vector.broadcast %jit3A_2164 : f32 to vector<16xf32>
        %broadcast_in_dim3A_2167 = vector.broadcast %jit3A_2165 : f32 to vector<16xf32>
        %select_n3A_2168 = arith.select %ne3A_2163, %broadcast_in_dim3A_2166, %broadcast_in_dim3A_2167 : vector<16xi1>, vector<16xf32>
        %swap3A_2169 = arith.constant 0 : i32
        %swap3A_2170 = arith.index_cast %swap3A_2169 : i32 to index
        %swap3A_2171 = arith.constant 96 : index
        %swap3A_2172 = tpu.vector_load %arg25[%swap3A_2170, %swap3A_2171] {strides = array<i32>} : memref<2x128xf32, #tpu.memory_space<vmem>>, vector<16xf32>,
        tpu.vector_store %arg25[%swap3A_2170, %swap3A_2171], %select_n3A_2168 {strides = array<i32>} : memref<2x128xf32, #tpu.memory_space<vmem>>, vector<16xf32>,
        %add3A_2173 = arith.constant 112 : i32
        %add3A_2174 = arith.addi %mul3A_1871, %add3A_2173 : i32
        %get3A_2175 = arith.index_cast %add3A_2174 : i32 to index
        %get3A_2176 = tpu.vector_load %arg5[%get3A_2175] {strides = array<i32>} : memref<6416xi32, #tpu.memory_space<vmem>>, vector<16xi32>,
        %mul3A_2177 = arith.constant 3 : i32
        %mul3A_2178 = vector.broadcast %mul3A_2177 : i32 to vector<16xi32>
        %mul3A_2179 = arith.muli %get3A_2176, %mul3A_2178 : vector<16xi32>
        %sub3A_2180 = arith.constant 3 : i32
        %sub3A_2181 = vector.broadcast %sub3A_2180 : i32 to vector<16xi32>
        %sub3A_2182 = arith.subi %mul3A_2179, %sub3A_2181 : vector<16xi32>
        %jit3A_2183 = arith.constant 0 : i32
        %jit3A_2184 = arith.constant 299994 : i32
        %max3A_2185 = vector.broadcast %jit3A_2183 : i32 to vector<16xi32>
        %max3A_2186 = arith.maxsi %max3A_2185, %sub3A_2182 : vector<16xi32>
        %min3A_2187 = vector.broadcast %jit3A_2184 : i32 to vector<16xi32>
        %min3A_2188 = arith.minsi %min3A_2187, %max3A_2186 : vector<16xi32>
        %add3A_2189 = arith.constant 0 : i32
        %add3A_2190 = vector.broadcast %add3A_2189 : i32 to vector<16xi32>
        %add3A_2191 = arith.addi %min3A_2188, %add3A_2190 : vector<16xi32>
        %swap3A_2192 = arith.constant 0 : index
        %swap3A_2193 = tpu.vector_load %arg7[%swap3A_2192] {strides = array<i32>} : memref<96xi32, #tpu.memory_space<vmem>>, vector<16xi32>,
        tpu.vector_store %arg7[%swap3A_2192], %add3A_2191 {strides = array<i32>} : memref<96xi32, #tpu.memory_space<vmem>>, vector<16xi32>,
        %add3A_2194 = arith.constant 1 : i32
        %add3A_2195 = vector.broadcast %add3A_2194 : i32 to vector<16xi32>
        %add3A_2196 = arith.addi %min3A_2188, %add3A_2195 : vector<16xi32>
        %swap3A_2197 = arith.constant 0 : index
        %swap3A_2198 = tpu.vector_load %arg9[%swap3A_2197] {strides = array<i32>} : memref<96xi32, #tpu.memory_space<vmem>>, vector<16xi32>,
        tpu.vector_store %arg9[%swap3A_2197], %add3A_2196 {strides = array<i32>} : memref<96xi32, #tpu.memory_space<vmem>>, vector<16xi32>,
        %add3A_2199 = arith.constant 2 : i32
        %add3A_2200 = vector.broadcast %add3A_2199 : i32 to vector<16xi32>
        %add3A_2201 = arith.addi %min3A_2188, %add3A_2200 : vector<16xi32>
        %swap3A_2202 = arith.constant 0 : index
        %swap3A_2203 = tpu.vector_load %arg11[%swap3A_2202] {strides = array<i32>} : memref<96xi32, #tpu.memory_space<vmem>>, vector<16xi32>,
        tpu.vector_store %arg11[%swap3A_2202], %add3A_2201 {strides = array<i32>} : memref<96xi32, #tpu.memory_space<vmem>>, vector<16xi32>,
        %ne3A_2204 = arith.constant 0 : i32
        %ne3A_2205 = vector.broadcast %ne3A_2204 : i32 to vector<16xi32>
        %ne3A_2206 = arith.cmpi ne, %get3A_2176, %ne3A_2205 : vector<16xi32>
        %jit3A_2207 = arith.constant 1.000000e+00 : f32
        %jit3A_2208 = arith.constant 0.000000e+00 : f32
        %broadcast_in_dim3A_2209 = vector.broadcast %jit3A_2207 : f32 to vector<16xf32>
        %broadcast_in_dim3A_2210 = vector.broadcast %jit3A_2208 : f32 to vector<16xf32>
        %select_n3A_2211 = arith.select %ne3A_2206, %broadcast_in_dim3A_2209, %broadcast_in_dim3A_2210 : vector<16xi1>, vector<16xf32>
        %swap3A_2212 = arith.constant 0 : i32
        %swap3A_2213 = arith.index_cast %swap3A_2212 : i32 to index
        %swap3A_2214 = arith.constant 112 : index
        %swap3A_2215 = tpu.vector_load %arg25[%swap3A_2213, %swap3A_2214] {strides = array<i32>} : memref<2x128xf32, #tpu.memory_space<vmem>>, vector<16xf32>,
        tpu.vector_store %arg25[%swap3A_2213, %swap3A_2214], %select_n3A_2211 {strides = array<i32>} : memref<2x128xf32, #tpu.memory_space<vmem>>, vector<16xf32>,
        %add3A_2216 = arith.constant 128 : i32
        %add3A_2217 = arith.addi %mul3A_1871, %add3A_2216 : i32
        %get3A_2218 = arith.index_cast %add3A_2217 : i32 to index
        %get3A_2219 = tpu.vector_load %arg5[%get3A_2218] {strides = array<i32>} : memref<6416xi32, #tpu.memory_space<vmem>>, vector<16xi32>,
        %mul3A_2220 = arith.constant 3 : i32
        %mul3A_2221 = vector.broadcast %mul3A_2220 : i32 to vector<16xi32>
        %mul3A_2222 = arith.muli %get3A_2219, %mul3A_2221 : vector<16xi32>
        %sub3A_2223 = arith.constant 3 : i32
        %sub3A_2224 = vector.broadcast %sub3A_2223 : i32 to vector<16xi32>
        %sub3A_2225 = arith.subi %mul3A_2222, %sub3A_2224 : vector<16xi32>
        %jit3A_2226 = arith.constant 0 : i32
        %jit3A_2227 = arith.constant 299994 : i32
        %max3A_2228 = vector.broadcast %jit3A_2226 : i32 to vector<16xi32>
        %max3A_2229 = arith.maxsi %max3A_2228, %sub3A_2225 : vector<16xi32>
        %min3A_2230 = vector.broadcast %jit3A_2227 : i32 to vector<16xi32>
        %min3A_2231 = arith.minsi %min3A_2230, %max3A_2229 : vector<16xi32>
        %add3A_2232 = arith.constant 0 : i32
        %add3A_2233 = vector.broadcast %add3A_2232 : i32 to vector<16xi32>
        %add3A_2234 = arith.addi %min3A_2231, %add3A_2233 : vector<16xi32>
        %swap3A_2235 = arith.constant 16 : index
        %swap3A_2236 = tpu.vector_load %arg7[%swap3A_2235] {strides = array<i32>} : memref<96xi32, #tpu.memory_space<vmem>>, vector<16xi32>,
        tpu.vector_store %arg7[%swap3A_2235], %add3A_2234 {strides = array<i32>} : memref<96xi32, #tpu.memory_space<vmem>>, vector<16xi32>,
        %add3A_2237 = arith.constant 1 : i32
        %add3A_2238 = vector.broadcast %add3A_2237 : i32 to vector<16xi32>
        %add3A_2239 = arith.addi %min3A_2231, %add3A_2238 : vector<16xi32>
        %swap3A_2240 = arith.constant 16 : index
        %swap3A_2241 = tpu.vector_load %arg9[%swap3A_2240] {strides = array<i32>} : memref<96xi32, #tpu.memory_space<vmem>>, vector<16xi32>,
        tpu.vector_store %arg9[%swap3A_2240], %add3A_2239 {strides = array<i32>} : memref<96xi32, #tpu.memory_space<vmem>>, vector<16xi32>,
        %add3A_2242 = arith.constant 2 : i32
        %add3A_2243 = vector.broadcast %add3A_2242 : i32 to vector<16xi32>
        %add3A_2244 = arith.addi %min3A_2231, %add3A_2243 : vector<16xi32>
        %swap3A_2245 = arith.constant 16 : index
        %swap3A_2246 = tpu.vector_load %arg11[%swap3A_2245] {strides = array<i32>} : memref<96xi32, #tpu.memory_space<vmem>>, vector<16xi32>,
        tpu.vector_store %arg11[%swap3A_2245], %add3A_2244 {strides = array<i32>} : memref<96xi32, #tpu.memory_space<vmem>>, vector<16xi32>,
        %ne3A_2247 = arith.constant 0 : i32
        %ne3A_2248 = vector.broadcast %ne3A_2247 : i32 to vector<16xi32>
        %ne3A_2249 = arith.cmpi ne, %get3A_2219, %ne3A_2248 : vector<16xi32>
        %jit3A_2250 = arith.constant 1.000000e+00 : f32
        %jit3A_2251 = arith.constant 0.000000e+00 : f32
        %broadcast_in_dim3A_2252 = vector.broadcast %jit3A_2250 : f32 to vector<16xf32>
        %broadcast_in_dim3A_2253 = vector.broadcast %jit3A_2251 : f32 to vector<16xf32>
        %select_n3A_2254 = arith.select %ne3A_2249, %broadcast_in_dim3A_2252, %broadcast_in_dim3A_2253 : vector<16xi1>, vector<16xf32>
        %swap3A_2255 = arith.constant 1 : i32
        %swap3A_2256 = arith.index_cast %swap3A_2255 : i32 to index
        %swap3A_2257 = arith.constant 0 : index
        %swap3A_2258 = tpu.vector_load %arg25[%swap3A_2256, %swap3A_2257] {strides = array<i32>} : memref<2x128xf32, #tpu.memory_space<vmem>>, vector<16xf32>,
        tpu.vector_store %arg25[%swap3A_2256, %swap3A_2257], %select_n3A_2254 {strides = array<i32>} : memref<2x128xf32, #tpu.memory_space<vmem>>, vector<16xf32>,
        %add3A_2259 = arith.constant 144 : i32
        %add3A_2260 = arith.addi %mul3A_1871, %add3A_2259 : i32
        %get3A_2261 = arith.index_cast %add3A_2260 : i32 to index
        %get3A_2262 = tpu.vector_load %arg5[%get3A_2261] {strides = array<i32>} : memref<6416xi32, #tpu.memory_space<vmem>>, vector<16xi32>,
        %mul3A_2263 = arith.constant 3 : i32
        %mul3A_2264 = vector.broadcast %mul3A_2263 : i32 to vector<16xi32>
        %mul3A_2265 = arith.muli %get3A_2262, %mul3A_2264 : vector<16xi32>
        %sub3A_2266 = arith.constant 3 : i32
        %sub3A_2267 = vector.broadcast %sub3A_2266 : i32 to vector<16xi32>
        %sub3A_2268 = arith.subi %mul3A_2265, %sub3A_2267 : vector<16xi32>
        %jit3A_2269 = arith.constant 0 : i32
        %jit3A_2270 = arith.constant 299994 : i32
        %max3A_2271 = vector.broadcast %jit3A_2269 : i32 to vector<16xi32>
        %max3A_2272 = arith.maxsi %max3A_2271, %sub3A_2268 : vector<16xi32>
        %min3A_2273 = vector.broadcast %jit3A_2270 : i32 to vector<16xi32>
        %min3A_2274 = arith.minsi %min3A_2273, %max3A_2272 : vector<16xi32>
        %add3A_2275 = arith.constant 0 : i32
        %add3A_2276 = vector.broadcast %add3A_2275 : i32 to vector<16xi32>
        %add3A_2277 = arith.addi %min3A_2274, %add3A_2276 : vector<16xi32>
        %swap3A_2278 = arith.constant 32 : index
        %swap3A_2279 = tpu.vector_load %arg7[%swap3A_2278] {strides = array<i32>} : memref<96xi32, #tpu.memory_space<vmem>>, vector<16xi32>,
        tpu.vector_store %arg7[%swap3A_2278], %add3A_2277 {strides = array<i32>} : memref<96xi32, #tpu.memory_space<vmem>>, vector<16xi32>,
        %add3A_2280 = arith.constant 1 : i32
        %add3A_2281 = vector.broadcast %add3A_2280 : i32 to vector<16xi32>
        %add3A_2282 = arith.addi %min3A_2274, %add3A_2281 : vector<16xi32>
        %swap3A_2283 = arith.constant 32 : index
        %swap3A_2284 = tpu.vector_load %arg9[%swap3A_2283] {strides = array<i32>} : memref<96xi32, #tpu.memory_space<vmem>>, vector<16xi32>,
        tpu.vector_store %arg9[%swap3A_2283], %add3A_2282 {strides = array<i32>} : memref<96xi32, #tpu.memory_space<vmem>>, vector<16xi32>,
        %add3A_2285 = arith.constant 2 : i32
        %add3A_2286 = vector.broadcast %add3A_2285 : i32 to vector<16xi32>
        %add3A_2287 = arith.addi %min3A_2274, %add3A_2286 : vector<16xi32>
        %swap3A_2288 = arith.constant 32 : index
        %swap3A_2289 = tpu.vector_load %arg11[%swap3A_2288] {strides = array<i32>} : memref<96xi32, #tpu.memory_space<vmem>>, vector<16xi32>,
        tpu.vector_store %arg11[%swap3A_2288], %add3A_2287 {strides = array<i32>} : memref<96xi32, #tpu.memory_space<vmem>>, vector<16xi32>,
        %ne3A_2290 = arith.constant 0 : i32
        %ne3A_2291 = vector.broadcast %ne3A_2290 : i32 to vector<16xi32>
        %ne3A_2292 = arith.cmpi ne, %get3A_2262, %ne3A_2291 : vector<16xi32>
        %jit3A_2293 = arith.constant 1.000000e+00 : f32
        %jit3A_2294 = arith.constant 0.000000e+00 : f32
        %broadcast_in_dim3A_2295 = vector.broadcast %jit3A_2293 : f32 to vector<16xf32>
        %broadcast_in_dim3A_2296 = vector.broadcast %jit3A_2294 : f32 to vector<16xf32>
        %select_n3A_2297 = arith.select %ne3A_2292, %broadcast_in_dim3A_2295, %broadcast_in_dim3A_2296 : vector<16xi1>, vector<16xf32>
        %swap3A_2298 = arith.constant 1 : i32
        %swap3A_2299 = arith.index_cast %swap3A_2298 : i32 to index
        %swap3A_2300 = arith.constant 16 : index
        %swap3A_2301 = tpu.vector_load %arg25[%swap3A_2299, %swap3A_2300] {strides = array<i32>} : memref<2x128xf32, #tpu.memory_space<vmem>>, vector<16xf32>,
        tpu.vector_store %arg25[%swap3A_2299, %swap3A_2300], %select_n3A_2297 {strides = array<i32>} : memref<2x128xf32, #tpu.memory_space<vmem>>, vector<16xf32>,
        %add3A_2302 = arith.constant 160 : i32
        %add3A_2303 = arith.addi %mul3A_1871, %add3A_2302 : i32
        %get3A_2304 = arith.index_cast %add3A_2303 : i32 to index
        %get3A_2305 = tpu.vector_load %arg5[%get3A_2304] {strides = array<i32>} : memref<6416xi32, #tpu.memory_space<vmem>>, vector<16xi32>,
        %mul3A_2306 = arith.constant 3 : i32
        %mul3A_2307 = vector.broadcast %mul3A_2306 : i32 to vector<16xi32>
        %mul3A_2308 = arith.muli %get3A_2305, %mul3A_2307 : vector<16xi32>
        %sub3A_2309 = arith.constant 3 : i32
        %sub3A_2310 = vector.broadcast %sub3A_2309 : i32 to vector<16xi32>
        %sub3A_2311 = arith.subi %mul3A_2308, %sub3A_2310 : vector<16xi32>
        %jit3A_2312 = arith.constant 0 : i32
        %jit3A_2313 = arith.constant 299994 : i32
        %max3A_2314 = vector.broadcast %jit3A_2312 : i32 to vector<16xi32>
        %max3A_2315 = arith.maxsi %max3A_2314, %sub3A_2311 : vector<16xi32>
        %min3A_2316 = vector.broadcast %jit3A_2313 : i32 to vector<16xi32>
        %min3A_2317 = arith.minsi %min3A_2316, %max3A_2315 : vector<16xi32>
        %add3A_2318 = arith.constant 0 : i32
        %add3A_2319 = vector.broadcast %add3A_2318 : i32 to vector<16xi32>
        %add3A_2320 = arith.addi %min3A_2317, %add3A_2319 : vector<16xi32>
        %swap3A_2321 = arith.constant 48 : index
        %swap3A_2322 = tpu.vector_load %arg7[%swap3A_2321] {strides = array<i32>} : memref<96xi32, #tpu.memory_space<vmem>>, vector<16xi32>,
        tpu.vector_store %arg7[%swap3A_2321], %add3A_2320 {strides = array<i32>} : memref<96xi32, #tpu.memory_space<vmem>>, vector<16xi32>,
        %add3A_2323 = arith.constant 1 : i32
        %add3A_2324 = vector.broadcast %add3A_2323 : i32 to vector<16xi32>
        %add3A_2325 = arith.addi %min3A_2317, %add3A_2324 : vector<16xi32>
        %swap3A_2326 = arith.constant 48 : index
        %swap3A_2327 = tpu.vector_load %arg9[%swap3A_2326] {strides = array<i32>} : memref<96xi32, #tpu.memory_space<vmem>>, vector<16xi32>,
        tpu.vector_store %arg9[%swap3A_2326], %add3A_2325 {strides = array<i32>} : memref<96xi32, #tpu.memory_space<vmem>>, vector<16xi32>,
        %add3A_2328 = arith.constant 2 : i32
        %add3A_2329 = vector.broadcast %add3A_2328 : i32 to vector<16xi32>
        %add3A_2330 = arith.addi %min3A_2317, %add3A_2329 : vector<16xi32>
        %swap3A_2331 = arith.constant 48 : index
        %swap3A_2332 = tpu.vector_load %arg11[%swap3A_2331] {strides = array<i32>} : memref<96xi32, #tpu.memory_space<vmem>>, vector<16xi32>,
        tpu.vector_store %arg11[%swap3A_2331], %add3A_2330 {strides = array<i32>} : memref<96xi32, #tpu.memory_space<vmem>>, vector<16xi32>,
        %ne3A_2333 = arith.constant 0 : i32
        %ne3A_2334 = vector.broadcast %ne3A_2333 : i32 to vector<16xi32>
        %ne3A_2335 = arith.cmpi ne, %get3A_2305, %ne3A_2334 : vector<16xi32>
        %jit3A_2336 = arith.constant 1.000000e+00 : f32
        %jit3A_2337 = arith.constant 0.000000e+00 : f32
        %broadcast_in_dim3A_2338 = vector.broadcast %jit3A_2336 : f32 to vector<16xf32>
        %broadcast_in_dim3A_2339 = vector.broadcast %jit3A_2337 : f32 to vector<16xf32>
        %select_n3A_2340 = arith.select %ne3A_2335, %broadcast_in_dim3A_2338, %broadcast_in_dim3A_2339 : vector<16xi1>, vector<16xf32>
        %swap3A_2341 = arith.constant 1 : i32
        %swap3A_2342 = arith.index_cast %swap3A_2341 : i32 to index
        %swap3A_2343 = arith.constant 32 : index
        %swap3A_2344 = tpu.vector_load %arg25[%swap3A_2342, %swap3A_2343] {strides = array<i32>} : memref<2x128xf32, #tpu.memory_space<vmem>>, vector<16xf32>,
        tpu.vector_store %arg25[%swap3A_2342, %swap3A_2343], %select_n3A_2340 {strides = array<i32>} : memref<2x128xf32, #tpu.memory_space<vmem>>, vector<16xf32>,
        %add3A_2345 = arith.constant 176 : i32
        %add3A_2346 = arith.addi %mul3A_1871, %add3A_2345 : i32
        %get3A_2347 = arith.index_cast %add3A_2346 : i32 to index
        %get3A_2348 = tpu.vector_load %arg5[%get3A_2347] {strides = array<i32>} : memref<6416xi32, #tpu.memory_space<vmem>>, vector<16xi32>,
        %mul3A_2349 = arith.constant 3 : i32
        %mul3A_2350 = vector.broadcast %mul3A_2349 : i32 to vector<16xi32>
        %mul3A_2351 = arith.muli %get3A_2348, %mul3A_2350 : vector<16xi32>
        %sub3A_2352 = arith.constant 3 : i32
        %sub3A_2353 = vector.broadcast %sub3A_2352 : i32 to vector<16xi32>
        %sub3A_2354 = arith.subi %mul3A_2351, %sub3A_2353 : vector<16xi32>
        %jit3A_2355 = arith.constant 0 : i32
        %jit3A_2356 = arith.constant 299994 : i32
        %max3A_2357 = vector.broadcast %jit3A_2355 : i32 to vector<16xi32>
        %max3A_2358 = arith.maxsi %max3A_2357, %sub3A_2354 : vector<16xi32>
        %min3A_2359 = vector.broadcast %jit3A_2356 : i32 to vector<16xi32>
        %min3A_2360 = arith.minsi %min3A_2359, %max3A_2358 : vector<16xi32>
        %add3A_2361 = arith.constant 0 : i32
        %add3A_2362 = vector.broadcast %add3A_2361 : i32 to vector<16xi32>
        %add3A_2363 = arith.addi %min3A_2360, %add3A_2362 : vector<16xi32>
        %swap3A_2364 = arith.constant 64 : index
        %swap3A_2365 = tpu.vector_load %arg7[%swap3A_2364] {strides = array<i32>} : memref<96xi32, #tpu.memory_space<vmem>>, vector<16xi32>,
        tpu.vector_store %arg7[%swap3A_2364], %add3A_2363 {strides = array<i32>} : memref<96xi32, #tpu.memory_space<vmem>>, vector<16xi32>,
        %add3A_2366 = arith.constant 1 : i32
        %add3A_2367 = vector.broadcast %add3A_2366 : i32 to vector<16xi32>
        %add3A_2368 = arith.addi %min3A_2360, %add3A_2367 : vector<16xi32>
        %swap3A_2369 = arith.constant 64 : index
        %swap3A_2370 = tpu.vector_load %arg9[%swap3A_2369] {strides = array<i32>} : memref<96xi32, #tpu.memory_space<vmem>>, vector<16xi32>,
        tpu.vector_store %arg9[%swap3A_2369], %add3A_2368 {strides = array<i32>} : memref<96xi32, #tpu.memory_space<vmem>>, vector<16xi32>,
        %add3A_2371 = arith.constant 2 : i32
        %add3A_2372 = vector.broadcast %add3A_2371 : i32 to vector<16xi32>
        %add3A_2373 = arith.addi %min3A_2360, %add3A_2372 : vector<16xi32>
        %swap3A_2374 = arith.constant 64 : index
        %swap3A_2375 = tpu.vector_load %arg11[%swap3A_2374] {strides = array<i32>} : memref<96xi32, #tpu.memory_space<vmem>>, vector<16xi32>,
        tpu.vector_store %arg11[%swap3A_2374], %add3A_2373 {strides = array<i32>} : memref<96xi32, #tpu.memory_space<vmem>>, vector<16xi32>,
        %ne3A_2376 = arith.constant 0 : i32
        %ne3A_2377 = vector.broadcast %ne3A_2376 : i32 to vector<16xi32>
        %ne3A_2378 = arith.cmpi ne, %get3A_2348, %ne3A_2377 : vector<16xi32>
        %jit3A_2379 = arith.constant 1.000000e+00 : f32
        %jit3A_2380 = arith.constant 0.000000e+00 : f32
        %broadcast_in_dim3A_2381 = vector.broadcast %jit3A_2379 : f32 to vector<16xf32>
        %broadcast_in_dim3A_2382 = vector.broadcast %jit3A_2380 : f32 to vector<16xf32>
        %select_n3A_2383 = arith.select %ne3A_2378, %broadcast_in_dim3A_2381, %broadcast_in_dim3A_2382 : vector<16xi1>, vector<16xf32>
        %swap3A_2384 = arith.constant 1 : i32
        %swap3A_2385 = arith.index_cast %swap3A_2384 : i32 to index
        %swap3A_2386 = arith.constant 48 : index
        %swap3A_2387 = tpu.vector_load %arg25[%swap3A_2385, %swap3A_2386] {strides = array<i32>} : memref<2x128xf32, #tpu.memory_space<vmem>>, vector<16xf32>,
        tpu.vector_store %arg25[%swap3A_2385, %swap3A_2386], %select_n3A_2383 {strides = array<i32>} : memref<2x128xf32, #tpu.memory_space<vmem>>, vector<16xf32>,
        %add3A_2388 = arith.constant 192 : i32
        %add3A_2389 = arith.addi %mul3A_1871, %add3A_2388 : i32
        %get3A_2390 = arith.index_cast %add3A_2389 : i32 to index
        %get3A_2391 = tpu.vector_load %arg5[%get3A_2390] {strides = array<i32>} : memref<6416xi32, #tpu.memory_space<vmem>>, vector<16xi32>,
        %mul3A_2392 = arith.constant 3 : i32
        %mul3A_2393 = vector.broadcast %mul3A_2392 : i32 to vector<16xi32>
        %mul3A_2394 = arith.muli %get3A_2391, %mul3A_2393 : vector<16xi32>
        %sub3A_2395 = arith.constant 3 : i32
        %sub3A_2396 = vector.broadcast %sub3A_2395 : i32 to vector<16xi32>
        %sub3A_2397 = arith.subi %mul3A_2394, %sub3A_2396 : vector<16xi32>
        %jit3A_2398 = arith.constant 0 : i32
        %jit3A_2399 = arith.constant 299994 : i32
        %max3A_2400 = vector.broadcast %jit3A_2398 : i32 to vector<16xi32>
        %max3A_2401 = arith.maxsi %max3A_2400, %sub3A_2397 : vector<16xi32>
        %min3A_2402 = vector.broadcast %jit3A_2399 : i32 to vector<16xi32>
        %min3A_2403 = arith.minsi %min3A_2402, %max3A_2401 : vector<16xi32>
        %add3A_2404 = arith.constant 0 : i32
        %add3A_2405 = vector.broadcast %add3A_2404 : i32 to vector<16xi32>
        %add3A_2406 = arith.addi %min3A_2403, %add3A_2405 : vector<16xi32>
        %swap3A_2407 = arith.constant 80 : index
        %swap3A_2408 = tpu.vector_load %arg7[%swap3A_2407] {strides = array<i32>} : memref<96xi32, #tpu.memory_space<vmem>>, vector<16xi32>,
        tpu.vector_store %arg7[%swap3A_2407], %add3A_2406 {strides = array<i32>} : memref<96xi32, #tpu.memory_space<vmem>>, vector<16xi32>,
        %add3A_2409 = arith.constant 1 : i32
        %add3A_2410 = vector.broadcast %add3A_2409 : i32 to vector<16xi32>
        %add3A_2411 = arith.addi %min3A_2403, %add3A_2410 : vector<16xi32>
        %swap3A_2412 = arith.constant 80 : index
        %swap3A_2413 = tpu.vector_load %arg9[%swap3A_2412] {strides = array<i32>} : memref<96xi32, #tpu.memory_space<vmem>>, vector<16xi32>,
        tpu.vector_store %arg9[%swap3A_2412], %add3A_2411 {strides = array<i32>} : memref<96xi32, #tpu.memory_space<vmem>>, vector<16xi32>,
        %add3A_2414 = arith.constant 2 : i32
        %add3A_2415 = vector.broadcast %add3A_2414 : i32 to vector<16xi32>
        %add3A_2416 = arith.addi %min3A_2403, %add3A_2415 : vector<16xi32>
        %swap3A_2417 = arith.constant 80 : index
        %swap3A_2418 = tpu.vector_load %arg11[%swap3A_2417] {strides = array<i32>} : memref<96xi32, #tpu.memory_space<vmem>>, vector<16xi32>,
        tpu.vector_store %arg11[%swap3A_2417], %add3A_2416 {strides = array<i32>} : memref<96xi32, #tpu.memory_space<vmem>>, vector<16xi32>,
        %ne3A_2419 = arith.constant 0 : i32
        %ne3A_2420 = vector.broadcast %ne3A_2419 : i32 to vector<16xi32>
        %ne3A_2421 = arith.cmpi ne, %get3A_2391, %ne3A_2420 : vector<16xi32>
        %jit3A_2422 = arith.constant 1.000000e+00 : f32
        %jit3A_2423 = arith.constant 0.000000e+00 : f32
        %broadcast_in_dim3A_2424 = vector.broadcast %jit3A_2422 : f32 to vector<16xf32>
        %broadcast_in_dim3A_2425 = vector.broadcast %jit3A_2423 : f32 to vector<16xf32>
        %select_n3A_2426 = arith.select %ne3A_2421, %broadcast_in_dim3A_2424, %broadcast_in_dim3A_2425 : vector<16xi1>, vector<16xf32>
        %swap3A_2427 = arith.constant 1 : i32
        %swap3A_2428 = arith.index_cast %swap3A_2427 : i32 to index
        %swap3A_2429 = arith.constant 64 : index
        %swap3A_2430 = tpu.vector_load %arg25[%swap3A_2428, %swap3A_2429] {strides = array<i32>} : memref<2x128xf32, #tpu.memory_space<vmem>>, vector<16xf32>,
        tpu.vector_store %arg25[%swap3A_2428, %swap3A_2429], %select_n3A_2426 {strides = array<i32>} : memref<2x128xf32, #tpu.memory_space<vmem>>, vector<16xf32>,
        %dma_start3A_2431 = arith.constant 0 : i32
        %dma_start3A_2432 = arith.constant 0 : i32
        %dma_start3A_2433 = tpu.memref_slice %arg18[%dma_start3A_2431, %dma_start3A_2432] : memref<208x64xf32, #tpu.memory_space<vmem>> -> memref<112x64xf32, #tpu.memory_space<vmem>>
        %dma_start3A_2434 = arith.constant 0 : i32
        %dma_start3A_2435 = arith.constant 0 : i32
        %dma_start3A_2436 = tpu.memref_slice %arg3[%dma_start3A_2434, %dma_start3A_2435] : memref<299997x64xf32, #tpu.memory_space<hbm>> -> memref<299997x64xf32, #tpu.memory_space<hbm>>
        tpu.enqueue_indirect_dma source(%dma_start3A_2436 : memref<299997x64xf32, #tpu.memory_space<hbm>>) target(%dma_start3A_2433 : memref<112x64xf32, #tpu.memory_space<vmem>>) offsets(%arg6 : memref<112xi32, #tpu.memory_space<vmem>>) semaphore(%arg29 : memref<!tpu.dma_semaphore, #tpu.memory_space<semaphore_mem>>)
        %dma_start3A_2437 = arith.constant 112 : i32
        %dma_start3A_2438 = arith.constant 0 : i32
        %dma_start3A_2439 = tpu.memref_slice %arg18[%dma_start3A_2437, %dma_start3A_2438] : memref<208x64xf32, #tpu.memory_space<vmem>> -> memref<96x64xf32, #tpu.memory_space<vmem>>
        %dma_start3A_2440 = arith.constant 0 : i32
        %dma_start3A_2441 = arith.constant 0 : i32
        %dma_start3A_2442 = tpu.memref_slice %arg3[%dma_start3A_2440, %dma_start3A_2441] : memref<299997x64xf32, #tpu.memory_space<hbm>> -> memref<299997x64xf32, #tpu.memory_space<hbm>>
        tpu.enqueue_indirect_dma source(%dma_start3A_2442 : memref<299997x64xf32, #tpu.memory_space<hbm>>) target(%dma_start3A_2439 : memref<96x64xf32, #tpu.memory_space<vmem>>) offsets(%arg7 : memref<96xi32, #tpu.memory_space<vmem>>) semaphore(%arg29 : memref<!tpu.dma_semaphore, #tpu.memory_space<semaphore_mem>>)
        %dma_start3A_2443 = arith.constant 0 : i32
        %dma_start3A_2444 = arith.constant 0 : i32
        %dma_start3A_2445 = tpu.memref_slice %arg19[%dma_start3A_2443, %dma_start3A_2444] : memref<208x64xf32, #tpu.memory_space<vmem>> -> memref<112x64xf32, #tpu.memory_space<vmem>>
        %dma_start3A_2446 = arith.constant 0 : i32
        %dma_start3A_2447 = arith.constant 0 : i32
        %dma_start3A_2448 = tpu.memref_slice %arg3[%dma_start3A_2446, %dma_start3A_2447] : memref<299997x64xf32, #tpu.memory_space<hbm>> -> memref<299997x64xf32, #tpu.memory_space<hbm>>
        tpu.enqueue_indirect_dma source(%dma_start3A_2448 : memref<299997x64xf32, #tpu.memory_space<hbm>>) target(%dma_start3A_2445 : memref<112x64xf32, #tpu.memory_space<vmem>>) offsets(%arg8 : memref<112xi32, #tpu.memory_space<vmem>>) semaphore(%arg29 : memref<!tpu.dma_semaphore, #tpu.memory_space<semaphore_mem>>)
        %dma_start3A_2449 = arith.constant 112 : i32
        %dma_start3A_2450 = arith.constant 0 : i32
        %dma_start3A_2451 = tpu.memref_slice %arg19[%dma_start3A_2449, %dma_start3A_2450] : memref<208x64xf32, #tpu.memory_space<vmem>> -> memref<96x64xf32, #tpu.memory_space<vmem>>
        %dma_start3A_2452 = arith.constant 0 : i32
        %dma_start3A_2453 = arith.constant 0 : i32
        %dma_start3A_2454 = tpu.memref_slice %arg3[%dma_start3A_2452, %dma_start3A_2453] : memref<299997x64xf32, #tpu.memory_space<hbm>> -> memref<299997x64xf32, #tpu.memory_space<hbm>>
        tpu.enqueue_indirect_dma source(%dma_start3A_2454 : memref<299997x64xf32, #tpu.memory_space<hbm>>) target(%dma_start3A_2451 : memref<96x64xf32, #tpu.memory_space<vmem>>) offsets(%arg9 : memref<96xi32, #tpu.memory_space<vmem>>) semaphore(%arg29 : memref<!tpu.dma_semaphore, #tpu.memory_space<semaphore_mem>>)
        %dma_start3A_2455 = arith.constant 0 : i32
        %dma_start3A_2456 = arith.constant 0 : i32
        %dma_start3A_2457 = tpu.memref_slice %arg20[%dma_start3A_2455, %dma_start3A_2456] : memref<208x64xf32, #tpu.memory_space<vmem>> -> memref<112x64xf32, #tpu.memory_space<vmem>>
        %dma_start3A_2458 = arith.constant 0 : i32
        %dma_start3A_2459 = arith.constant 0 : i32
        %dma_start3A_2460 = tpu.memref_slice %arg3[%dma_start3A_2458, %dma_start3A_2459] : memref<299997x64xf32, #tpu.memory_space<hbm>> -> memref<299997x64xf32, #tpu.memory_space<hbm>>
        tpu.enqueue_indirect_dma source(%dma_start3A_2460 : memref<299997x64xf32, #tpu.memory_space<hbm>>) target(%dma_start3A_2457 : memref<112x64xf32, #tpu.memory_space<vmem>>) offsets(%arg10 : memref<112xi32, #tpu.memory_space<vmem>>) semaphore(%arg29 : memref<!tpu.dma_semaphore, #tpu.memory_space<semaphore_mem>>)
        %dma_start3A_2461 = arith.constant 112 : i32
        %dma_start3A_2462 = arith.constant 0 : i32
        %dma_start3A_2463 = tpu.memref_slice %arg20[%dma_start3A_2461, %dma_start3A_2462] : memref<208x64xf32, #tpu.memory_space<vmem>> -> memref<96x64xf32, #tpu.memory_space<vmem>>
        %dma_start3A_2464 = arith.constant 0 : i32
        %dma_start3A_2465 = arith.constant 0 : i32
        %dma_start3A_2466 = tpu.memref_slice %arg3[%dma_start3A_2464, %dma_start3A_2465] : memref<299997x64xf32, #tpu.memory_space<hbm>> -> memref<299997x64xf32, #tpu.memory_space<hbm>>
        tpu.enqueue_indirect_dma source(%dma_start3A_2466 : memref<299997x64xf32, #tpu.memory_space<hbm>>) target(%dma_start3A_2463 : memref<96x64xf32, #tpu.memory_space<vmem>>) offsets(%arg11 : memref<96xi32, #tpu.memory_space<vmem>>) semaphore(%arg29 : memref<!tpu.dma_semaphore, #tpu.memory_space<semaphore_mem>>)
      } else {
      }
      %broadcast_in_dim3A_1543 = arith.constant 0 : i32
      %broadcast_in_dim3A_1544 = vector.broadcast %broadcast_in_dim3A_1543 : i32 to vector<16xi32>
      %gather3A_1545 = tpu.vector_load_idx %arg26[%broadcast_in_dim3A_1544] : memref<64xf32, #tpu.memory_space<vmem>>[vector<16xi32>], vector<16xf32>,
      %sub3A_1546 = arith.constant 4.000000e+00 : f32
      %sub3A_1547 = vector.broadcast %sub3A_1546 : f32 to vector<16xf32>
      %sub3A_1548 = arith.subf %sub3A_1547, %gather3A_1545 : vector<16xf32>
      %get3A_1549 = arith.constant 0 : i32
      %get3A_1550 = arith.index_cast %get3A_1549 : i32 to index
      %get3A_1551 = arith.constant 0 : index
      %get3A_1552 = tpu.vector_load %arg21[%get3A_1550, %get3A_1551] {strides = array<i32>} : memref<208x64xf32, #tpu.memory_space<vmem>>, vector<16xf32>,
      %get3A_1553 = arith.constant 1 : i32
      %get3A_1554 = arith.index_cast %get3A_1553 : i32 to index
      %get3A_1555 = arith.constant 0 : index
      %get3A_1556 = tpu.vector_load %arg21[%get3A_1554, %get3A_1555] {strides = array<i32>} : memref<208x64xf32, #tpu.memory_space<vmem>>, vector<16xf32>,
      %add3A_1557 = arith.addf %get3A_1552, %get3A_1556 : vector<16xf32>
      %get3A_1558 = arith.constant 2 : i32
      %get3A_1559 = arith.index_cast %get3A_1558 : i32 to index
      %get3A_1560 = arith.constant 0 : index
      %get3A_1561 = tpu.vector_load %arg21[%get3A_1559, %get3A_1560] {strides = array<i32>} : memref<208x64xf32, #tpu.memory_space<vmem>>, vector<16xf32>,
      %add3A_1562 = arith.addf %add3A_1557, %get3A_1561 : vector<16xf32>
      %get3A_1563 = arith.constant 3 : i32
      %get3A_1564 = arith.index_cast %get3A_1563 : i32 to index
      %get3A_1565 = arith.constant 0 : index
      %get3A_1566 = tpu.vector_load %arg21[%get3A_1564, %get3A_1565] {strides = array<i32>} : memref<208x64xf32, #tpu.memory_space<vmem>>, vector<16xf32>,
      %add3A_1567 = arith.addf %add3A_1562, %get3A_1566 : vector<16xf32>
      %mul3A_1568 = arith.mulf %sub3A_1548, %get3A_11 : vector<16xf32>
      %sub3A_1569 = arith.subf %add3A_1567, %mul3A_1568 : vector<16xf32>
      %get3A_1570 = arith.constant 0 : i32
      %get3A_1571 = arith.index_cast %get3A_1570 : i32 to index
      %get3A_1572 = arith.constant 16 : index
      %get3A_1573 = tpu.vector_load %arg21[%get3A_1571, %get3A_1572] {strides = array<i32>} : memref<208x64xf32, #tpu.memory_space<vmem>>, vector<16xf32>,
      %get3A_1574 = arith.constant 1 : i32
      %get3A_1575 = arith.index_cast %get3A_1574 : i32 to index
      %get3A_1576 = arith.constant 16 : index
      %get3A_1577 = tpu.vector_load %arg21[%get3A_1575, %get3A_1576] {strides = array<i32>} : memref<208x64xf32, #tpu.memory_space<vmem>>, vector<16xf32>,
      %add3A_1578 = arith.addf %get3A_1573, %get3A_1577 : vector<16xf32>
      %get3A_1579 = arith.constant 2 : i32
      %get3A_1580 = arith.index_cast %get3A_1579 : i32 to index
      %get3A_1581 = arith.constant 16 : index
      %get3A_1582 = tpu.vector_load %arg21[%get3A_1580, %get3A_1581] {strides = array<i32>} : memref<208x64xf32, #tpu.memory_space<vmem>>, vector<16xf32>,
      %add3A_1583 = arith.addf %add3A_1578, %get3A_1582 : vector<16xf32>
      %get3A_1584 = arith.constant 3 : i32
      %get3A_1585 = arith.index_cast %get3A_1584 : i32 to index
      %get3A_1586 = arith.constant 16 : index
      %get3A_1587 = tpu.vector_load %arg21[%get3A_1585, %get3A_1586] {strides = array<i32>} : memref<208x64xf32, #tpu.memory_space<vmem>>, vector<16xf32>,
      %add3A_1588 = arith.addf %add3A_1583, %get3A_1587 : vector<16xf32>
      %mul3A_1589 = arith.mulf %sub3A_1548, %get3A_15 : vector<16xf32>
      %sub3A_1590 = arith.subf %add3A_1588, %mul3A_1589 : vector<16xf32>
      %get3A_1591 = arith.constant 0 : i32
      %get3A_1592 = arith.index_cast %get3A_1591 : i32 to index
      %get3A_1593 = arith.constant 32 : index
      %get3A_1594 = tpu.vector_load %arg21[%get3A_1592, %get3A_1593] {strides = array<i32>} : memref<208x64xf32, #tpu.memory_space<vmem>>, vector<16xf32>,
      %get3A_1595 = arith.constant 1 : i32
      %get3A_1596 = arith.index_cast %get3A_1595 : i32 to index
      %get3A_1597 = arith.constant 32 : index
      %get3A_1598 = tpu.vector_load %arg21[%get3A_1596, %get3A_1597] {strides = array<i32>} : memref<208x64xf32, #tpu.memory_space<vmem>>, vector<16xf32>,
      %add3A_1599 = arith.addf %get3A_1594, %get3A_1598 : vector<16xf32>
      %get3A_1600 = arith.constant 2 : i32
      %get3A_1601 = arith.index_cast %get3A_1600 : i32 to index
      %get3A_1602 = arith.constant 32 : index
      %get3A_1603 = tpu.vector_load %arg21[%get3A_1601, %get3A_1602] {strides = array<i32>} : memref<208x64xf32, #tpu.memory_space<vmem>>, vector<16xf32>,
      %add3A_1604 = arith.addf %add3A_1599, %get3A_1603 : vector<16xf32>
      %get3A_1605 = arith.constant 3 : i32
      %get3A_1606 = arith.index_cast %get3A_1605 : i32 to index
      %get3A_1607 = arith.constant 32 : index
      %get3A_1608 = tpu.vector_load %arg21[%get3A_1606, %get3A_1607] {strides = array<i32>} : memref<208x64xf32, #tpu.memory_space<vmem>>, vector<16xf32>,
      %add3A_1609 = arith.addf %add3A_1604, %get3A_1608 : vector<16xf32>
      %mul3A_1610 = arith.mulf %sub3A_1548, %get3A_19 : vector<16xf32>
      %sub3A_1611 = arith.subf %add3A_1609, %mul3A_1610 : vector<16xf32>
      %get3A_1612 = arith.constant 0 : i32
      %get3A_1613 = arith.index_cast %get3A_1612 : i32 to index
      %get3A_1614 = arith.constant 48 : index
      %get3A_1615 = tpu.vector_load %arg21[%get3A_1613, %get3A_1614] {strides = array<i32>} : memref<208x64xf32, #tpu.memory_space<vmem>>, vector<16xf32>,
      %get3A_1616 = arith.constant 1 : i32
      %get3A_1617 = arith.index_cast %get3A_1616 : i32 to index
      %get3A_1618 = arith.constant 48 : index
      %get3A_1619 = tpu.vector_load %arg21[%get3A_1617, %get3A_1618] {strides = array<i32>} : memref<208x64xf32, #tpu.memory_space<vmem>>, vector<16xf32>,
      %add3A_1620 = arith.addf %get3A_1615, %get3A_1619 : vector<16xf32>
      %get3A_1621 = arith.constant 2 : i32
      %get3A_1622 = arith.index_cast %get3A_1621 : i32 to index
      %get3A_1623 = arith.constant 48 : index
      %get3A_1624 = tpu.vector_load %arg21[%get3A_1622, %get3A_1623] {strides = array<i32>} : memref<208x64xf32, #tpu.memory_space<vmem>>, vector<16xf32>,
      %add3A_1625 = arith.addf %add3A_1620, %get3A_1624 : vector<16xf32>
      %get3A_1626 = arith.constant 3 : i32
      %get3A_1627 = arith.index_cast %get3A_1626 : i32 to index
      %get3A_1628 = arith.constant 48 : index
      %get3A_1629 = tpu.vector_load %arg21[%get3A_1627, %get3A_1628] {strides = array<i32>} : memref<208x64xf32, #tpu.memory_space<vmem>>, vector<16xf32>,
      %add3A_1630 = arith.addf %add3A_1625, %get3A_1629 : vector<16xf32>
      %mul3A_1631 = arith.mulf %sub3A_1548, %get3A_23 : vector<16xf32>
      %sub3A_1632 = arith.subf %add3A_1630, %mul3A_1631 : vector<16xf32>
      %get3A_1633 = arith.constant 0 : i32
      %get3A_1634 = arith.index_cast %get3A_1633 : i32 to index
      %get3A_1635 = arith.constant 0 : index
      %get3A_1636 = tpu.vector_load %arg22[%get3A_1634, %get3A_1635] {strides = array<i32>} : memref<208x64xf32, #tpu.memory_space<vmem>>, vector<16xf32>,
      %get3A_1637 = arith.constant 1 : i32
      %get3A_1638 = arith.index_cast %get3A_1637 : i32 to index
      %get3A_1639 = arith.constant 0 : index
      %get3A_1640 = tpu.vector_load %arg22[%get3A_1638, %get3A_1639] {strides = array<i32>} : memref<208x64xf32, #tpu.memory_space<vmem>>, vector<16xf32>,
      %add3A_1641 = arith.addf %get3A_1636, %get3A_1640 : vector<16xf32>
      %get3A_1642 = arith.constant 2 : i32
      %get3A_1643 = arith.index_cast %get3A_1642 : i32 to index
      %get3A_1644 = arith.constant 0 : index
      %get3A_1645 = tpu.vector_load %arg22[%get3A_1643, %get3A_1644] {strides = array<i32>} : memref<208x64xf32, #tpu.memory_space<vmem>>, vector<16xf32>,
      %add3A_1646 = arith.addf %add3A_1641, %get3A_1645 : vector<16xf32>
      %get3A_1647 = arith.constant 3 : i32
      %get3A_1648 = arith.index_cast %get3A_1647 : i32 to index
      %get3A_1649 = arith.constant 0 : index
      %get3A_1650 = tpu.vector_load %arg22[%get3A_1648, %get3A_1649] {strides = array<i32>} : memref<208x64xf32, #tpu.memory_space<vmem>>, vector<16xf32>,
      %add3A_1651 = arith.addf %add3A_1646, %get3A_1650 : vector<16xf32>
      %mul3A_1652 = arith.mulf %sub3A_1548, %get3A_27 : vector<16xf32>
      %sub3A_1653 = arith.subf %add3A_1651, %mul3A_1652 : vector<16xf32>
      %get3A_1654 = arith.constant 0 : i32
      %get3A_1655 = arith.index_cast %get3A_1654 : i32 to index
      %get3A_1656 = arith.constant 16 : index
      %get3A_1657 = tpu.vector_load %arg22[%get3A_1655, %get3A_1656] {strides = array<i32>} : memref<208x64xf32, #tpu.memory_space<vmem>>, vector<16xf32>,
      %get3A_1658 = arith.constant 1 : i32
      %get3A_1659 = arith.index_cast %get3A_1658 : i32 to index
      %get3A_1660 = arith.constant 16 : index
      %get3A_1661 = tpu.vector_load %arg22[%get3A_1659, %get3A_1660] {strides = array<i32>} : memref<208x64xf32, #tpu.memory_space<vmem>>, vector<16xf32>,
      %add3A_1662 = arith.addf %get3A_1657, %get3A_1661 : vector<16xf32>
      %get3A_1663 = arith.constant 2 : i32
      %get3A_1664 = arith.index_cast %get3A_1663 : i32 to index
      %get3A_1665 = arith.constant 16 : index
      %get3A_1666 = tpu.vector_load %arg22[%get3A_1664, %get3A_1665] {strides = array<i32>} : memref<208x64xf32, #tpu.memory_space<vmem>>, vector<16xf32>,
      %add3A_1667 = arith.addf %add3A_1662, %get3A_1666 : vector<16xf32>
      %get3A_1668 = arith.constant 3 : i32
      %get3A_1669 = arith.index_cast %get3A_1668 : i32 to index
      %get3A_1670 = arith.constant 16 : index
      %get3A_1671 = tpu.vector_load %arg22[%get3A_1669, %get3A_1670] {strides = array<i32>} : memref<208x64xf32, #tpu.memory_space<vmem>>, vector<16xf32>,
      %add3A_1672 = arith.addf %add3A_1667, %get3A_1671 : vector<16xf32>
      %mul3A_1673 = arith.mulf %sub3A_1548, %get3A_31 : vector<16xf32>
      %sub3A_1674 = arith.subf %add3A_1672, %mul3A_1673 : vector<16xf32>
      %get3A_1675 = arith.constant 0 : i32
      %get3A_1676 = arith.index_cast %get3A_1675 : i32 to index
      %get3A_1677 = arith.constant 32 : index
      %get3A_1678 = tpu.vector_load %arg22[%get3A_1676, %get3A_1677] {strides = array<i32>} : memref<208x64xf32, #tpu.memory_space<vmem>>, vector<16xf32>,
      %get3A_1679 = arith.constant 1 : i32
      %get3A_1680 = arith.index_cast %get3A_1679 : i32 to index
      %get3A_1681 = arith.constant 32 : index
      %get3A_1682 = tpu.vector_load %arg22[%get3A_1680, %get3A_1681] {strides = array<i32>} : memref<208x64xf32, #tpu.memory_space<vmem>>, vector<16xf32>,
      %add3A_1683 = arith.addf %get3A_1678, %get3A_1682 : vector<16xf32>
      %get3A_1684 = arith.constant 2 : i32
      %get3A_1685 = arith.index_cast %get3A_1684 : i32 to index
      %get3A_1686 = arith.constant 32 : index
      %get3A_1687 = tpu.vector_load %arg22[%get3A_1685, %get3A_1686] {strides = array<i32>} : memref<208x64xf32, #tpu.memory_space<vmem>>, vector<16xf32>,
      %add3A_1688 = arith.addf %add3A_1683, %get3A_1687 : vector<16xf32>
      %get3A_1689 = arith.constant 3 : i32
      %get3A_1690 = arith.index_cast %get3A_1689 : i32 to index
      %get3A_1691 = arith.constant 32 : index
      %get3A_1692 = tpu.vector_load %arg22[%get3A_1690, %get3A_1691] {strides = array<i32>} : memref<208x64xf32, #tpu.memory_space<vmem>>, vector<16xf32>,
      %add3A_1693 = arith.addf %add3A_1688, %get3A_1692 : vector<16xf32>
      %mul3A_1694 = arith.mulf %sub3A_1548, %get3A_35 : vector<16xf32>
      %sub3A_1695 = arith.subf %add3A_1693, %mul3A_1694 : vector<16xf32>
      %get3A_1696 = arith.constant 0 : i32
      %get3A_1697 = arith.index_cast %get3A_1696 : i32 to index
      %get3A_1698 = arith.constant 48 : index
      %get3A_1699 = tpu.vector_load %arg22[%get3A_1697, %get3A_1698] {strides = array<i32>} : memref<208x64xf32, #tpu.memory_space<vmem>>, vector<16xf32>,
      %get3A_1700 = arith.constant 1 : i32
      %get3A_1701 = arith.index_cast %get3A_1700 : i32 to index
      %get3A_1702 = arith.constant 48 : index
      %get3A_1703 = tpu.vector_load %arg22[%get3A_1701, %get3A_1702] {strides = array<i32>} : memref<208x64xf32, #tpu.memory_space<vmem>>, vector<16xf32>,
      %add3A_1704 = arith.addf %get3A_1699, %get3A_1703 : vector<16xf32>
      %get3A_1705 = arith.constant 2 : i32
      %get3A_1706 = arith.index_cast %get3A_1705 : i32 to index
      %get3A_1707 = arith.constant 48 : index
      %get3A_1708 = tpu.vector_load %arg22[%get3A_1706, %get3A_1707] {strides = array<i32>} : memref<208x64xf32, #tpu.memory_space<vmem>>, vector<16xf32>,
      %add3A_1709 = arith.addf %add3A_1704, %get3A_1708 : vector<16xf32>
      %get3A_1710 = arith.constant 3 : i32
      %get3A_1711 = arith.index_cast %get3A_1710 : i32 to index
      %get3A_1712 = arith.constant 48 : index
      %get3A_1713 = tpu.vector_load %arg22[%get3A_1711, %get3A_1712] {strides = array<i32>} : memref<208x64xf32, #tpu.memory_space<vmem>>, vector<16xf32>,
      %add3A_1714 = arith.addf %add3A_1709, %get3A_1713 : vector<16xf32>
      %mul3A_1715 = arith.mulf %sub3A_1548, %get3A_39 : vector<16xf32>
      %sub3A_1716 = arith.subf %add3A_1714, %mul3A_1715 : vector<16xf32>
      %get3A_1717 = arith.constant 0 : i32
      %get3A_1718 = arith.index_cast %get3A_1717 : i32 to index
      %get3A_1719 = arith.constant 0 : index
      %get3A_1720 = tpu.vector_load %arg23[%get3A_1718, %get3A_1719] {strides = array<i32>} : memref<208x64xf32, #tpu.memory_space<vmem>>, vector<16xf32>,
      %get3A_1721 = arith.constant 1 : i32
      %get3A_1722 = arith.index_cast %get3A_1721 : i32 to index
      %get3A_1723 = arith.constant 0 : index
      %get3A_1724 = tpu.vector_load %arg23[%get3A_1722, %get3A_1723] {strides = array<i32>} : memref<208x64xf32, #tpu.memory_space<vmem>>, vector<16xf32>,
      %add3A_1725 = arith.addf %get3A_1720, %get3A_1724 : vector<16xf32>
      %get3A_1726 = arith.constant 2 : i32
      %get3A_1727 = arith.index_cast %get3A_1726 : i32 to index
      %get3A_1728 = arith.constant 0 : index
      %get3A_1729 = tpu.vector_load %arg23[%get3A_1727, %get3A_1728] {strides = array<i32>} : memref<208x64xf32, #tpu.memory_space<vmem>>, vector<16xf32>,
      %add3A_1730 = arith.addf %add3A_1725, %get3A_1729 : vector<16xf32>
      %get3A_1731 = arith.constant 3 : i32
      %get3A_1732 = arith.index_cast %get3A_1731 : i32 to index
      %get3A_1733 = arith.constant 0 : index
      %get3A_1734 = tpu.vector_load %arg23[%get3A_1732, %get3A_1733] {strides = array<i32>} : memref<208x64xf32, #tpu.memory_space<vmem>>, vector<16xf32>,
      %add3A_1735 = arith.addf %add3A_1730, %get3A_1734 : vector<16xf32>
      %mul3A_1736 = arith.mulf %sub3A_1548, %get3A_43 : vector<16xf32>
      %sub3A_1737 = arith.subf %add3A_1735, %mul3A_1736 : vector<16xf32>
      %get3A_1738 = arith.constant 0 : i32
      %get3A_1739 = arith.index_cast %get3A_1738 : i32 to index
      %get3A_1740 = arith.constant 16 : index
      %get3A_1741 = tpu.vector_load %arg23[%get3A_1739, %get3A_1740] {strides = array<i32>} : memref<208x64xf32, #tpu.memory_space<vmem>>, vector<16xf32>,
      %get3A_1742 = arith.constant 1 : i32
      %get3A_1743 = arith.index_cast %get3A_1742 : i32 to index
      %get3A_1744 = arith.constant 16 : index
      %get3A_1745 = tpu.vector_load %arg23[%get3A_1743, %get3A_1744] {strides = array<i32>} : memref<208x64xf32, #tpu.memory_space<vmem>>, vector<16xf32>,
      %add3A_1746 = arith.addf %get3A_1741, %get3A_1745 : vector<16xf32>
      %get3A_1747 = arith.constant 2 : i32
      %get3A_1748 = arith.index_cast %get3A_1747 : i32 to index
      %get3A_1749 = arith.constant 16 : index
      %get3A_1750 = tpu.vector_load %arg23[%get3A_1748, %get3A_1749] {strides = array<i32>} : memref<208x64xf32, #tpu.memory_space<vmem>>, vector<16xf32>,
      %add3A_1751 = arith.addf %add3A_1746, %get3A_1750 : vector<16xf32>
      %get3A_1752 = arith.constant 3 : i32
      %get3A_1753 = arith.index_cast %get3A_1752 : i32 to index
      %get3A_1754 = arith.constant 16 : index
      %get3A_1755 = tpu.vector_load %arg23[%get3A_1753, %get3A_1754] {strides = array<i32>} : memref<208x64xf32, #tpu.memory_space<vmem>>, vector<16xf32>,
      %add3A_1756 = arith.addf %add3A_1751, %get3A_1755 : vector<16xf32>
      %mul3A_1757 = arith.mulf %sub3A_1548, %get3A_47 : vector<16xf32>
      %sub3A_1758 = arith.subf %add3A_1756, %mul3A_1757 : vector<16xf32>
      %get3A_1759 = arith.constant 0 : i32
      %get3A_1760 = arith.index_cast %get3A_1759 : i32 to index
      %get3A_1761 = arith.constant 32 : index
      %get3A_1762 = tpu.vector_load %arg23[%get3A_1760, %get3A_1761] {strides = array<i32>} : memref<208x64xf32, #tpu.memory_space<vmem>>, vector<16xf32>,
      %get3A_1763 = arith.constant 1 : i32
      %get3A_1764 = arith.index_cast %get3A_1763 : i32 to index
      %get3A_1765 = arith.constant 32 : index
      %get3A_1766 = tpu.vector_load %arg23[%get3A_1764, %get3A_1765] {strides = array<i32>} : memref<208x64xf32, #tpu.memory_space<vmem>>, vector<16xf32>,
      %add3A_1767 = arith.addf %get3A_1762, %get3A_1766 : vector<16xf32>
      %get3A_1768 = arith.constant 2 : i32
      %get3A_1769 = arith.index_cast %get3A_1768 : i32 to index
      %get3A_1770 = arith.constant 32 : index
      %get3A_1771 = tpu.vector_load %arg23[%get3A_1769, %get3A_1770] {strides = array<i32>} : memref<208x64xf32, #tpu.memory_space<vmem>>, vector<16xf32>,
      %add3A_1772 = arith.addf %add3A_1767, %get3A_1771 : vector<16xf32>
      %get3A_1773 = arith.constant 3 : i32
      %get3A_1774 = arith.index_cast %get3A_1773 : i32 to index
      %get3A_1775 = arith.constant 32 : index
      %get3A_1776 = tpu.vector_load %arg23[%get3A_1774, %get3A_1775] {strides = array<i32>} : memref<208x64xf32, #tpu.memory_space<vmem>>, vector<16xf32>,
      %add3A_1777 = arith.addf %add3A_1772, %get3A_1776 : vector<16xf32>
      %mul3A_1778 = arith.mulf %sub3A_1548, %get3A_51 : vector<16xf32>
      %sub3A_1779 = arith.subf %add3A_1777, %mul3A_1778 : vector<16xf32>
      %get3A_1780 = arith.constant 0 : i32
      %get3A_1781 = arith.index_cast %get3A_1780 : i32 to index
      %get3A_1782 = arith.constant 48 : index
      %get3A_1783 = tpu.vector_load %arg23[%get3A_1781, %get3A_1782] {strides = array<i32>} : memref<208x64xf32, #tpu.memory_space<vmem>>, vector<16xf32>,
      %get3A_1784 = arith.constant 1 : i32
      %get3A_1785 = arith.index_cast %get3A_1784 : i32 to index
      %get3A_1786 = arith.constant 48 : index
      %get3A_1787 = tpu.vector_load %arg23[%get3A_1785, %get3A_1786] {strides = array<i32>} : memref<208x64xf32, #tpu.memory_space<vmem>>, vector<16xf32>,
      %add3A_1788 = arith.addf %get3A_1783, %get3A_1787 : vector<16xf32>
      %get3A_1789 = arith.constant 2 : i32
      %get3A_1790 = arith.index_cast %get3A_1789 : i32 to index
      %get3A_1791 = arith.constant 48 : index
      %get3A_1792 = tpu.vector_load %arg23[%get3A_1790, %get3A_1791] {strides = array<i32>} : memref<208x64xf32, #tpu.memory_space<vmem>>, vector<16xf32>,
      %add3A_1793 = arith.addf %add3A_1788, %get3A_1792 : vector<16xf32>
      %get3A_1794 = arith.constant 3 : i32
      %get3A_1795 = arith.index_cast %get3A_1794 : i32 to index
      %get3A_1796 = arith.constant 48 : index
      %get3A_1797 = tpu.vector_load %arg23[%get3A_1795, %get3A_1796] {strides = array<i32>} : memref<208x64xf32, #tpu.memory_space<vmem>>, vector<16xf32>,
      %add3A_1798 = arith.addf %add3A_1793, %get3A_1797 : vector<16xf32>
      %mul3A_1799 = arith.mulf %sub3A_1548, %get3A_55 : vector<16xf32>
      %sub3A_1800 = arith.subf %add3A_1798, %mul3A_1799 : vector<16xf32>
      %parallel_loop3A_1801 = arith.constant 1 : i32
      %parallel_loop3A_1802 = arith.constant 50 : i32
      %parallel_loop3A_1803 = arith.constant 1 : i32
      %parallel_loop3A_1804:8 = scf.for %parallel_loop3A_1868 = %parallel_loop3A_1801 to %parallel_loop3A_1802 step %parallel_loop3A_1803 iter_args(%parallel_loop3A_1869 = %sub3A_1653, %parallel_loop3A_1870 = %sub3A_1674, %parallel_loop3A_1871 = %sub3A_1695, %parallel_loop3A_1872 = %sub3A_1716, %parallel_loop3A_1873 = %sub3A_1569, %parallel_loop3A_1874 = %sub3A_1590, %parallel_loop3A_1875 = %sub3A_1611, %parallel_loop3A_1876 = %sub3A_1632) -> (vector<16xf32>, vector<16xf32>, vector<16xf32>, vector<16xf32>, vector<16xf32>, vector<16xf32>, vector<16xf32>, vector<16xf32>)  : i32 {
        %parallel_loop3A_1877 = vector.broadcast %parallel_loop3A_1868 : i32 to vector<16xi32>
        %parallel_loop3A_1878 = tpu.vector_load_idx %arg26[%parallel_loop3A_1877] : memref<64xf32, #tpu.memory_space<vmem>>[vector<16xi32>], vector<16xf32>,
        %parallel_loop3A_1879 = arith.constant 4.000000e+00 : f32
        %parallel_loop3A_1880 = vector.broadcast %parallel_loop3A_1879 : f32 to vector<16xf32>
        %parallel_loop3A_1881 = arith.subf %parallel_loop3A_1880, %parallel_loop3A_1878 : vector<16xf32>
        %parallel_loop3A_1882 = arith.constant 4 : i32
        %parallel_loop3A_1883 = arith.muli %parallel_loop3A_1882, %parallel_loop3A_1868 : i32
        %parallel_loop3A_1884 = arith.index_cast %parallel_loop3A_1883 : i32 to index
        %parallel_loop3A_1885 = arith.constant 0 : index
        %parallel_loop3A_1886 = tpu.vector_load %arg21[%parallel_loop3A_1884, %parallel_loop3A_1885] {strides = array<i32>} : memref<208x64xf32, #tpu.memory_space<vmem>>, vector<16xf32>,
        %parallel_loop3A_1887 = arith.constant 4 : i32
        %parallel_loop3A_1888 = arith.muli %parallel_loop3A_1887, %parallel_loop3A_1868 : i32
        %parallel_loop3A_1889 = arith.constant 1 : i32
        %parallel_loop3A_1890 = arith.addi %parallel_loop3A_1888, %parallel_loop3A_1889 : i32
        %parallel_loop3A_1891 = arith.index_cast %parallel_loop3A_1890 : i32 to index
        %parallel_loop3A_1892 = arith.constant 0 : index
        %parallel_loop3A_1893 = tpu.vector_load %arg21[%parallel_loop3A_1891, %parallel_loop3A_1892] {strides = array<i32>} : memref<208x64xf32, #tpu.memory_space<vmem>>, vector<16xf32>,
        %parallel_loop3A_1894 = arith.addf %parallel_loop3A_1886, %parallel_loop3A_1893 : vector<16xf32>
        %parallel_loop3A_1895 = arith.constant 4 : i32
        %parallel_loop3A_1896 = arith.muli %parallel_loop3A_1895, %parallel_loop3A_1868 : i32
        %parallel_loop3A_1897 = arith.constant 2 : i32
        %parallel_loop3A_1898 = arith.addi %parallel_loop3A_1896, %parallel_loop3A_1897 : i32
        %parallel_loop3A_1899 = arith.index_cast %parallel_loop3A_1898 : i32 to index
        %parallel_loop3A_1900 = arith.constant 0 : index
        %parallel_loop3A_1901 = tpu.vector_load %arg21[%parallel_loop3A_1899, %parallel_loop3A_1900] {strides = array<i32>} : memref<208x64xf32, #tpu.memory_space<vmem>>, vector<16xf32>,
        %parallel_loop3A_1902 = arith.addf %parallel_loop3A_1894, %parallel_loop3A_1901 : vector<16xf32>
        %parallel_loop3A_1903 = arith.constant 4 : i32
        %parallel_loop3A_1904 = arith.muli %parallel_loop3A_1903, %parallel_loop3A_1868 : i32
        %parallel_loop3A_1905 = arith.constant 3 : i32
        %parallel_loop3A_1906 = arith.addi %parallel_loop3A_1904, %parallel_loop3A_1905 : i32
        %parallel_loop3A_1907 = arith.index_cast %parallel_loop3A_1906 : i32 to index
        %parallel_loop3A_1908 = arith.constant 0 : index
        %parallel_loop3A_1909 = tpu.vector_load %arg21[%parallel_loop3A_1907, %parallel_loop3A_1908] {strides = array<i32>} : memref<208x64xf32, #tpu.memory_space<vmem>>, vector<16xf32>,
        %parallel_loop3A_1910 = arith.addf %parallel_loop3A_1902, %parallel_loop3A_1909 : vector<16xf32>
        %parallel_loop3A_1911 = arith.mulf %parallel_loop3A_1881, %get3A_11 : vector<16xf32>
        %parallel_loop3A_1912 = arith.subf %parallel_loop3A_1910, %parallel_loop3A_1911 : vector<16xf32>
        %parallel_loop3A_1913 = arith.constant 4 : i32
        %parallel_loop3A_1914 = arith.muli %parallel_loop3A_1913, %parallel_loop3A_1868 : i32
        %parallel_loop3A_1915 = arith.index_cast %parallel_loop3A_1914 : i32 to index
        %parallel_loop3A_1916 = arith.constant 16 : index
        %parallel_loop3A_1917 = tpu.vector_load %arg21[%parallel_loop3A_1915, %parallel_loop3A_1916] {strides = array<i32>} : memref<208x64xf32, #tpu.memory_space<vmem>>, vector<16xf32>,
        %parallel_loop3A_1918 = arith.constant 4 : i32
        %parallel_loop3A_1919 = arith.muli %parallel_loop3A_1918, %parallel_loop3A_1868 : i32
        %parallel_loop3A_1920 = arith.constant 1 : i32
        %parallel_loop3A_1921 = arith.addi %parallel_loop3A_1919, %parallel_loop3A_1920 : i32
        %parallel_loop3A_1922 = arith.index_cast %parallel_loop3A_1921 : i32 to index
        %parallel_loop3A_1923 = arith.constant 16 : index
        %parallel_loop3A_1924 = tpu.vector_load %arg21[%parallel_loop3A_1922, %parallel_loop3A_1923] {strides = array<i32>} : memref<208x64xf32, #tpu.memory_space<vmem>>, vector<16xf32>,
        %parallel_loop3A_1925 = arith.addf %parallel_loop3A_1917, %parallel_loop3A_1924 : vector<16xf32>
        %parallel_loop3A_1926 = arith.constant 4 : i32
        %parallel_loop3A_1927 = arith.muli %parallel_loop3A_1926, %parallel_loop3A_1868 : i32
        %parallel_loop3A_1928 = arith.constant 2 : i32
        %parallel_loop3A_1929 = arith.addi %parallel_loop3A_1927, %parallel_loop3A_1928 : i32
        %parallel_loop3A_1930 = arith.index_cast %parallel_loop3A_1929 : i32 to index
        %parallel_loop3A_1931 = arith.constant 16 : index
        %parallel_loop3A_1932 = tpu.vector_load %arg21[%parallel_loop3A_1930, %parallel_loop3A_1931] {strides = array<i32>} : memref<208x64xf32, #tpu.memory_space<vmem>>, vector<16xf32>,
        %parallel_loop3A_1933 = arith.addf %parallel_loop3A_1925, %parallel_loop3A_1932 : vector<16xf32>
        %parallel_loop3A_1934 = arith.constant 4 : i32
        %parallel_loop3A_1935 = arith.muli %parallel_loop3A_1934, %parallel_loop3A_1868 : i32
        %parallel_loop3A_1936 = arith.constant 3 : i32
        %parallel_loop3A_1937 = arith.addi %parallel_loop3A_1935, %parallel_loop3A_1936 : i32
        %parallel_loop3A_1938 = arith.index_cast %parallel_loop3A_1937 : i32 to index
        %parallel_loop3A_1939 = arith.constant 16 : index
        %parallel_loop3A_1940 = tpu.vector_load %arg21[%parallel_loop3A_1938, %parallel_loop3A_1939] {strides = array<i32>} : memref<208x64xf32, #tpu.memory_space<vmem>>, vector<16xf32>,
        %parallel_loop3A_1941 = arith.addf %parallel_loop3A_1933, %parallel_loop3A_1940 : vector<16xf32>
        %parallel_loop3A_1942 = arith.mulf %parallel_loop3A_1881, %get3A_15 : vector<16xf32>
        %parallel_loop3A_1943 = arith.subf %parallel_loop3A_1941, %parallel_loop3A_1942 : vector<16xf32>
        %parallel_loop3A_1944 = arith.constant 4 : i32
        %parallel_loop3A_1945 = arith.muli %parallel_loop3A_1944, %parallel_loop3A_1868 : i32
        %parallel_loop3A_1946 = arith.index_cast %parallel_loop3A_1945 : i32 to index
        %parallel_loop3A_1947 = arith.constant 32 : index
        %parallel_loop3A_1948 = tpu.vector_load %arg21[%parallel_loop3A_1946, %parallel_loop3A_1947] {strides = array<i32>} : memref<208x64xf32, #tpu.memory_space<vmem>>, vector<16xf32>,
        %parallel_loop3A_1949 = arith.constant 4 : i32
        %parallel_loop3A_1950 = arith.muli %parallel_loop3A_1949, %parallel_loop3A_1868 : i32
        %parallel_loop3A_1951 = arith.constant 1 : i32
        %parallel_loop3A_1952 = arith.addi %parallel_loop3A_1950, %parallel_loop3A_1951 : i32
        %parallel_loop3A_1953 = arith.index_cast %parallel_loop3A_1952 : i32 to index
        %parallel_loop3A_1954 = arith.constant 32 : index
        %parallel_loop3A_1955 = tpu.vector_load %arg21[%parallel_loop3A_1953, %parallel_loop3A_1954] {strides = array<i32>} : memref<208x64xf32, #tpu.memory_space<vmem>>, vector<16xf32>,
        %parallel_loop3A_1956 = arith.addf %parallel_loop3A_1948, %parallel_loop3A_1955 : vector<16xf32>
        %parallel_loop3A_1957 = arith.constant 4 : i32
        %parallel_loop3A_1958 = arith.muli %parallel_loop3A_1957, %parallel_loop3A_1868 : i32
        %parallel_loop3A_1959 = arith.constant 2 : i32
        %parallel_loop3A_1960 = arith.addi %parallel_loop3A_1958, %parallel_loop3A_1959 : i32
        %parallel_loop3A_1961 = arith.index_cast %parallel_loop3A_1960 : i32 to index
        %parallel_loop3A_1962 = arith.constant 32 : index
        %parallel_loop3A_1963 = tpu.vector_load %arg21[%parallel_loop3A_1961, %parallel_loop3A_1962] {strides = array<i32>} : memref<208x64xf32, #tpu.memory_space<vmem>>, vector<16xf32>,
        %parallel_loop3A_1964 = arith.addf %parallel_loop3A_1956, %parallel_loop3A_1963 : vector<16xf32>
        %parallel_loop3A_1965 = arith.constant 4 : i32
        %parallel_loop3A_1966 = arith.muli %parallel_loop3A_1965, %parallel_loop3A_1868 : i32
        %parallel_loop3A_1967 = arith.constant 3 : i32
        %parallel_loop3A_1968 = arith.addi %parallel_loop3A_1966, %parallel_loop3A_1967 : i32
        %parallel_loop3A_1969 = arith.index_cast %parallel_loop3A_1968 : i32 to index
        %parallel_loop3A_1970 = arith.constant 32 : index
        %parallel_loop3A_1971 = tpu.vector_load %arg21[%parallel_loop3A_1969, %parallel_loop3A_1970] {strides = array<i32>} : memref<208x64xf32, #tpu.memory_space<vmem>>, vector<16xf32>,
        %parallel_loop3A_1972 = arith.addf %parallel_loop3A_1964, %parallel_loop3A_1971 : vector<16xf32>
        %parallel_loop3A_1973 = arith.mulf %parallel_loop3A_1881, %get3A_19 : vector<16xf32>
        %parallel_loop3A_1974 = arith.subf %parallel_loop3A_1972, %parallel_loop3A_1973 : vector<16xf32>
        %parallel_loop3A_1975 = arith.constant 4 : i32
        %parallel_loop3A_1976 = arith.muli %parallel_loop3A_1975, %parallel_loop3A_1868 : i32
        %parallel_loop3A_1977 = arith.index_cast %parallel_loop3A_1976 : i32 to index
        %parallel_loop3A_1978 = arith.constant 48 : index
        %parallel_loop3A_1979 = tpu.vector_load %arg21[%parallel_loop3A_1977, %parallel_loop3A_1978] {strides = array<i32>} : memref<208x64xf32, #tpu.memory_space<vmem>>, vector<16xf32>,
        %parallel_loop3A_1980 = arith.constant 4 : i32
        %parallel_loop3A_1981 = arith.muli %parallel_loop3A_1980, %parallel_loop3A_1868 : i32
        %parallel_loop3A_1982 = arith.constant 1 : i32
        %parallel_loop3A_1983 = arith.addi %parallel_loop3A_1981, %parallel_loop3A_1982 : i32
        %parallel_loop3A_1984 = arith.index_cast %parallel_loop3A_1983 : i32 to index
        %parallel_loop3A_1985 = arith.constant 48 : index
        %parallel_loop3A_1986 = tpu.vector_load %arg21[%parallel_loop3A_1984, %parallel_loop3A_1985] {strides = array<i32>} : memref<208x64xf32, #tpu.memory_space<vmem>>, vector<16xf32>,
        %parallel_loop3A_1987 = arith.addf %parallel_loop3A_1979, %parallel_loop3A_1986 : vector<16xf32>
        %parallel_loop3A_1988 = arith.constant 4 : i32
        %parallel_loop3A_1989 = arith.muli %parallel_loop3A_1988, %parallel_loop3A_1868 : i32
        %parallel_loop3A_1990 = arith.constant 2 : i32
        %parallel_loop3A_1991 = arith.addi %parallel_loop3A_1989, %parallel_loop3A_1990 : i32
        %parallel_loop3A_1992 = arith.index_cast %parallel_loop3A_1991 : i32 to index
        %parallel_loop3A_1993 = arith.constant 48 : index
        %parallel_loop3A_1994 = tpu.vector_load %arg21[%parallel_loop3A_1992, %parallel_loop3A_1993] {strides = array<i32>} : memref<208x64xf32, #tpu.memory_space<vmem>>, vector<16xf32>,
        %parallel_loop3A_1995 = arith.addf %parallel_loop3A_1987, %parallel_loop3A_1994 : vector<16xf32>
        %parallel_loop3A_1996 = arith.constant 4 : i32
        %parallel_loop3A_1997 = arith.muli %parallel_loop3A_1996, %parallel_loop3A_1868 : i32
        %parallel_loop3A_1998 = arith.constant 3 : i32
        %parallel_loop3A_1999 = arith.addi %parallel_loop3A_1997, %parallel_loop3A_1998 : i32
        %parallel_loop3A_2000 = arith.index_cast %parallel_loop3A_1999 : i32 to index
        %parallel_loop3A_2001 = arith.constant 48 : index
        %parallel_loop3A_2002 = tpu.vector_load %arg21[%parallel_loop3A_2000, %parallel_loop3A_2001] {strides = array<i32>} : memref<208x64xf32, #tpu.memory_space<vmem>>, vector<16xf32>,
        %parallel_loop3A_2003 = arith.addf %parallel_loop3A_1995, %parallel_loop3A_2002 : vector<16xf32>
        %parallel_loop3A_2004 = arith.mulf %parallel_loop3A_1881, %get3A_23 : vector<16xf32>
        %parallel_loop3A_2005 = arith.subf %parallel_loop3A_2003, %parallel_loop3A_2004 : vector<16xf32>
        %parallel_loop3A_2006 = arith.constant 4 : i32
        %parallel_loop3A_2007 = arith.muli %parallel_loop3A_2006, %parallel_loop3A_1868 : i32
        %parallel_loop3A_2008 = arith.index_cast %parallel_loop3A_2007 : i32 to index
        %parallel_loop3A_2009 = arith.constant 0 : index
        %parallel_loop3A_2010 = tpu.vector_load %arg22[%parallel_loop3A_2008, %parallel_loop3A_2009] {strides = array<i32>} : memref<208x64xf32, #tpu.memory_space<vmem>>, vector<16xf32>,
        %parallel_loop3A_2011 = arith.constant 4 : i32
        %parallel_loop3A_2012 = arith.muli %parallel_loop3A_2011, %parallel_loop3A_1868 : i32
        %parallel_loop3A_2013 = arith.constant 1 : i32
        %parallel_loop3A_2014 = arith.addi %parallel_loop3A_2012, %parallel_loop3A_2013 : i32
        %parallel_loop3A_2015 = arith.index_cast %parallel_loop3A_2014 : i32 to index
        %parallel_loop3A_2016 = arith.constant 0 : index
        %parallel_loop3A_2017 = tpu.vector_load %arg22[%parallel_loop3A_2015, %parallel_loop3A_2016] {strides = array<i32>} : memref<208x64xf32, #tpu.memory_space<vmem>>, vector<16xf32>,
        %parallel_loop3A_2018 = arith.addf %parallel_loop3A_2010, %parallel_loop3A_2017 : vector<16xf32>
        %parallel_loop3A_2019 = arith.constant 4 : i32
        %parallel_loop3A_2020 = arith.muli %parallel_loop3A_2019, %parallel_loop3A_1868 : i32
        %parallel_loop3A_2021 = arith.constant 2 : i32
        %parallel_loop3A_2022 = arith.addi %parallel_loop3A_2020, %parallel_loop3A_2021 : i32
        %parallel_loop3A_2023 = arith.index_cast %parallel_loop3A_2022 : i32 to index
        %parallel_loop3A_2024 = arith.constant 0 : index
        %parallel_loop3A_2025 = tpu.vector_load %arg22[%parallel_loop3A_2023, %parallel_loop3A_2024] {strides = array<i32>} : memref<208x64xf32, #tpu.memory_space<vmem>>, vector<16xf32>,
        %parallel_loop3A_2026 = arith.addf %parallel_loop3A_2018, %parallel_loop3A_2025 : vector<16xf32>
        %parallel_loop3A_2027 = arith.constant 4 : i32
        %parallel_loop3A_2028 = arith.muli %parallel_loop3A_2027, %parallel_loop3A_1868 : i32
        %parallel_loop3A_2029 = arith.constant 3 : i32
        %parallel_loop3A_2030 = arith.addi %parallel_loop3A_2028, %parallel_loop3A_2029 : i32
        %parallel_loop3A_2031 = arith.index_cast %parallel_loop3A_2030 : i32 to index
        %parallel_loop3A_2032 = arith.constant 0 : index
        %parallel_loop3A_2033 = tpu.vector_load %arg22[%parallel_loop3A_2031, %parallel_loop3A_2032] {strides = array<i32>} : memref<208x64xf32, #tpu.memory_space<vmem>>, vector<16xf32>,
        %parallel_loop3A_2034 = arith.addf %parallel_loop3A_2026, %parallel_loop3A_2033 : vector<16xf32>
        %parallel_loop3A_2035 = arith.mulf %parallel_loop3A_1881, %get3A_27 : vector<16xf32>
        %parallel_loop3A_2036 = arith.subf %parallel_loop3A_2034, %parallel_loop3A_2035 : vector<16xf32>
        %parallel_loop3A_2037 = arith.constant 4 : i32
        %parallel_loop3A_2038 = arith.muli %parallel_loop3A_2037, %parallel_loop3A_1868 : i32
        %parallel_loop3A_2039 = arith.index_cast %parallel_loop3A_2038 : i32 to index
        %parallel_loop3A_2040 = arith.constant 16 : index
        %parallel_loop3A_2041 = tpu.vector_load %arg22[%parallel_loop3A_2039, %parallel_loop3A_2040] {strides = array<i32>} : memref<208x64xf32, #tpu.memory_space<vmem>>, vector<16xf32>,
        %parallel_loop3A_2042 = arith.constant 4 : i32
        %parallel_loop3A_2043 = arith.muli %parallel_loop3A_2042, %parallel_loop3A_1868 : i32
        %parallel_loop3A_2044 = arith.constant 1 : i32
        %parallel_loop3A_2045 = arith.addi %parallel_loop3A_2043, %parallel_loop3A_2044 : i32
        %parallel_loop3A_2046 = arith.index_cast %parallel_loop3A_2045 : i32 to index
        %parallel_loop3A_2047 = arith.constant 16 : index
        %parallel_loop3A_2048 = tpu.vector_load %arg22[%parallel_loop3A_2046, %parallel_loop3A_2047] {strides = array<i32>} : memref<208x64xf32, #tpu.memory_space<vmem>>, vector<16xf32>,
        %parallel_loop3A_2049 = arith.addf %parallel_loop3A_2041, %parallel_loop3A_2048 : vector<16xf32>
        %parallel_loop3A_2050 = arith.constant 4 : i32
        %parallel_loop3A_2051 = arith.muli %parallel_loop3A_2050, %parallel_loop3A_1868 : i32
        %parallel_loop3A_2052 = arith.constant 2 : i32
        %parallel_loop3A_2053 = arith.addi %parallel_loop3A_2051, %parallel_loop3A_2052 : i32
        %parallel_loop3A_2054 = arith.index_cast %parallel_loop3A_2053 : i32 to index
        %parallel_loop3A_2055 = arith.constant 16 : index
        %parallel_loop3A_2056 = tpu.vector_load %arg22[%parallel_loop3A_2054, %parallel_loop3A_2055] {strides = array<i32>} : memref<208x64xf32, #tpu.memory_space<vmem>>, vector<16xf32>,
        %parallel_loop3A_2057 = arith.addf %parallel_loop3A_2049, %parallel_loop3A_2056 : vector<16xf32>
        %parallel_loop3A_2058 = arith.constant 4 : i32
        %parallel_loop3A_2059 = arith.muli %parallel_loop3A_2058, %parallel_loop3A_1868 : i32
        %parallel_loop3A_2060 = arith.constant 3 : i32
        %parallel_loop3A_2061 = arith.addi %parallel_loop3A_2059, %parallel_loop3A_2060 : i32
        %parallel_loop3A_2062 = arith.index_cast %parallel_loop3A_2061 : i32 to index
        %parallel_loop3A_2063 = arith.constant 16 : index
        %parallel_loop3A_2064 = tpu.vector_load %arg22[%parallel_loop3A_2062, %parallel_loop3A_2063] {strides = array<i32>} : memref<208x64xf32, #tpu.memory_space<vmem>>, vector<16xf32>,
        %parallel_loop3A_2065 = arith.addf %parallel_loop3A_2057, %parallel_loop3A_2064 : vector<16xf32>
        %parallel_loop3A_2066 = arith.mulf %parallel_loop3A_1881, %get3A_31 : vector<16xf32>
        %parallel_loop3A_2067 = arith.subf %parallel_loop3A_2065, %parallel_loop3A_2066 : vector<16xf32>
        %parallel_loop3A_2068 = arith.constant 4 : i32
        %parallel_loop3A_2069 = arith.muli %parallel_loop3A_2068, %parallel_loop3A_1868 : i32
        %parallel_loop3A_2070 = arith.index_cast %parallel_loop3A_2069 : i32 to index
        %parallel_loop3A_2071 = arith.constant 32 : index
        %parallel_loop3A_2072 = tpu.vector_load %arg22[%parallel_loop3A_2070, %parallel_loop3A_2071] {strides = array<i32>} : memref<208x64xf32, #tpu.memory_space<vmem>>, vector<16xf32>,
        %parallel_loop3A_2073 = arith.constant 4 : i32
        %parallel_loop3A_2074 = arith.muli %parallel_loop3A_2073, %parallel_loop3A_1868 : i32
        %parallel_loop3A_2075 = arith.constant 1 : i32
        %parallel_loop3A_2076 = arith.addi %parallel_loop3A_2074, %parallel_loop3A_2075 : i32
        %parallel_loop3A_2077 = arith.index_cast %parallel_loop3A_2076 : i32 to index
        %parallel_loop3A_2078 = arith.constant 32 : index
        %parallel_loop3A_2079 = tpu.vector_load %arg22[%parallel_loop3A_2077, %parallel_loop3A_2078] {strides = array<i32>} : memref<208x64xf32, #tpu.memory_space<vmem>>, vector<16xf32>,
        %parallel_loop3A_2080 = arith.addf %parallel_loop3A_2072, %parallel_loop3A_2079 : vector<16xf32>
        %parallel_loop3A_2081 = arith.constant 4 : i32
        %parallel_loop3A_2082 = arith.muli %parallel_loop3A_2081, %parallel_loop3A_1868 : i32
        %parallel_loop3A_2083 = arith.constant 2 : i32
        %parallel_loop3A_2084 = arith.addi %parallel_loop3A_2082, %parallel_loop3A_2083 : i32
        %parallel_loop3A_2085 = arith.index_cast %parallel_loop3A_2084 : i32 to index
        %parallel_loop3A_2086 = arith.constant 32 : index
        %parallel_loop3A_2087 = tpu.vector_load %arg22[%parallel_loop3A_2085, %parallel_loop3A_2086] {strides = array<i32>} : memref<208x64xf32, #tpu.memory_space<vmem>>, vector<16xf32>,
        %parallel_loop3A_2088 = arith.addf %parallel_loop3A_2080, %parallel_loop3A_2087 : vector<16xf32>
        %parallel_loop3A_2089 = arith.constant 4 : i32
        %parallel_loop3A_2090 = arith.muli %parallel_loop3A_2089, %parallel_loop3A_1868 : i32
        %parallel_loop3A_2091 = arith.constant 3 : i32
        %parallel_loop3A_2092 = arith.addi %parallel_loop3A_2090, %parallel_loop3A_2091 : i32
        %parallel_loop3A_2093 = arith.index_cast %parallel_loop3A_2092 : i32 to index
        %parallel_loop3A_2094 = arith.constant 32 : index
        %parallel_loop3A_2095 = tpu.vector_load %arg22[%parallel_loop3A_2093, %parallel_loop3A_2094] {strides = array<i32>} : memref<208x64xf32, #tpu.memory_space<vmem>>, vector<16xf32>,
        %parallel_loop3A_2096 = arith.addf %parallel_loop3A_2088, %parallel_loop3A_2095 : vector<16xf32>
        %parallel_loop3A_2097 = arith.mulf %parallel_loop3A_1881, %get3A_35 : vector<16xf32>
        %parallel_loop3A_2098 = arith.subf %parallel_loop3A_2096, %parallel_loop3A_2097 : vector<16xf32>
        %parallel_loop3A_2099 = arith.constant 4 : i32
        %parallel_loop3A_2100 = arith.muli %parallel_loop3A_2099, %parallel_loop3A_1868 : i32
        %parallel_loop3A_2101 = arith.index_cast %parallel_loop3A_2100 : i32 to index
        %parallel_loop3A_2102 = arith.constant 48 : index
        %parallel_loop3A_2103 = tpu.vector_load %arg22[%parallel_loop3A_2101, %parallel_loop3A_2102] {strides = array<i32>} : memref<208x64xf32, #tpu.memory_space<vmem>>, vector<16xf32>,
        %parallel_loop3A_2104 = arith.constant 4 : i32
        %parallel_loop3A_2105 = arith.muli %parallel_loop3A_2104, %parallel_loop3A_1868 : i32
        %parallel_loop3A_2106 = arith.constant 1 : i32
        %parallel_loop3A_2107 = arith.addi %parallel_loop3A_2105, %parallel_loop3A_2106 : i32
        %parallel_loop3A_2108 = arith.index_cast %parallel_loop3A_2107 : i32 to index
        %parallel_loop3A_2109 = arith.constant 48 : index
        %parallel_loop3A_2110 = tpu.vector_load %arg22[%parallel_loop3A_2108, %parallel_loop3A_2109] {strides = array<i32>} : memref<208x64xf32, #tpu.memory_space<vmem>>, vector<16xf32>,
        %parallel_loop3A_2111 = arith.addf %parallel_loop3A_2103, %parallel_loop3A_2110 : vector<16xf32>
        %parallel_loop3A_2112 = arith.constant 4 : i32
        %parallel_loop3A_2113 = arith.muli %parallel_loop3A_2112, %parallel_loop3A_1868 : i32
        %parallel_loop3A_2114 = arith.constant 2 : i32
        %parallel_loop3A_2115 = arith.addi %parallel_loop3A_2113, %parallel_loop3A_2114 : i32
        %parallel_loop3A_2116 = arith.index_cast %parallel_loop3A_2115 : i32 to index
        %parallel_loop3A_2117 = arith.constant 48 : index
        %parallel_loop3A_2118 = tpu.vector_load %arg22[%parallel_loop3A_2116, %parallel_loop3A_2117] {strides = array<i32>} : memref<208x64xf32, #tpu.memory_space<vmem>>, vector<16xf32>,
        %parallel_loop3A_2119 = arith.addf %parallel_loop3A_2111, %parallel_loop3A_2118 : vector<16xf32>
        %parallel_loop3A_2120 = arith.constant 4 : i32
        %parallel_loop3A_2121 = arith.muli %parallel_loop3A_2120, %parallel_loop3A_1868 : i32
        %parallel_loop3A_2122 = arith.constant 3 : i32
        %parallel_loop3A_2123 = arith.addi %parallel_loop3A_2121, %parallel_loop3A_2122 : i32
        %parallel_loop3A_2124 = arith.index_cast %parallel_loop3A_2123 : i32 to index
        %parallel_loop3A_2125 = arith.constant 48 : index
        %parallel_loop3A_2126 = tpu.vector_load %arg22[%parallel_loop3A_2124, %parallel_loop3A_2125] {strides = array<i32>} : memref<208x64xf32, #tpu.memory_space<vmem>>, vector<16xf32>,
        %parallel_loop3A_2127 = arith.addf %parallel_loop3A_2119, %parallel_loop3A_2126 : vector<16xf32>
        %parallel_loop3A_2128 = arith.mulf %parallel_loop3A_1881, %get3A_39 : vector<16xf32>
        %parallel_loop3A_2129 = arith.subf %parallel_loop3A_2127, %parallel_loop3A_2128 : vector<16xf32>
        %parallel_loop3A_2130 = arith.constant 4 : i32
        %parallel_loop3A_2131 = arith.muli %parallel_loop3A_2130, %parallel_loop3A_1868 : i32
        %parallel_loop3A_2132 = arith.index_cast %parallel_loop3A_2131 : i32 to index
        %parallel_loop3A_2133 = arith.constant 0 : index
        %parallel_loop3A_2134 = tpu.vector_load %arg23[%parallel_loop3A_2132, %parallel_loop3A_2133] {strides = array<i32>} : memref<208x64xf32, #tpu.memory_space<vmem>>, vector<16xf32>,
        %parallel_loop3A_2135 = arith.constant 4 : i32
        %parallel_loop3A_2136 = arith.muli %parallel_loop3A_2135, %parallel_loop3A_1868 : i32
        %parallel_loop3A_2137 = arith.constant 1 : i32
        %parallel_loop3A_2138 = arith.addi %parallel_loop3A_2136, %parallel_loop3A_2137 : i32
        %parallel_loop3A_2139 = arith.index_cast %parallel_loop3A_2138 : i32 to index
        %parallel_loop3A_2140 = arith.constant 0 : index
        %parallel_loop3A_2141 = tpu.vector_load %arg23[%parallel_loop3A_2139, %parallel_loop3A_2140] {strides = array<i32>} : memref<208x64xf32, #tpu.memory_space<vmem>>, vector<16xf32>,
        %parallel_loop3A_2142 = arith.addf %parallel_loop3A_2134, %parallel_loop3A_2141 : vector<16xf32>
        %parallel_loop3A_2143 = arith.constant 4 : i32
        %parallel_loop3A_2144 = arith.muli %parallel_loop3A_2143, %parallel_loop3A_1868 : i32
        %parallel_loop3A_2145 = arith.constant 2 : i32
        %parallel_loop3A_2146 = arith.addi %parallel_loop3A_2144, %parallel_loop3A_2145 : i32
        %parallel_loop3A_2147 = arith.index_cast %parallel_loop3A_2146 : i32 to index
        %parallel_loop3A_2148 = arith.constant 0 : index
        %parallel_loop3A_2149 = tpu.vector_load %arg23[%parallel_loop3A_2147, %parallel_loop3A_2148] {strides = array<i32>} : memref<208x64xf32, #tpu.memory_space<vmem>>, vector<16xf32>,
        %parallel_loop3A_2150 = arith.addf %parallel_loop3A_2142, %parallel_loop3A_2149 : vector<16xf32>
        %parallel_loop3A_2151 = arith.constant 4 : i32
        %parallel_loop3A_2152 = arith.muli %parallel_loop3A_2151, %parallel_loop3A_1868 : i32
        %parallel_loop3A_2153 = arith.constant 3 : i32
        %parallel_loop3A_2154 = arith.addi %parallel_loop3A_2152, %parallel_loop3A_2153 : i32
        %parallel_loop3A_2155 = arith.index_cast %parallel_loop3A_2154 : i32 to index
        %parallel_loop3A_2156 = arith.constant 0 : index
        %parallel_loop3A_2157 = tpu.vector_load %arg23[%parallel_loop3A_2155, %parallel_loop3A_2156] {strides = array<i32>} : memref<208x64xf32, #tpu.memory_space<vmem>>, vector<16xf32>,
        %parallel_loop3A_2158 = arith.addf %parallel_loop3A_2150, %parallel_loop3A_2157 : vector<16xf32>
        %parallel_loop3A_2159 = arith.mulf %parallel_loop3A_1881, %get3A_43 : vector<16xf32>
        %parallel_loop3A_2160 = arith.subf %parallel_loop3A_2158, %parallel_loop3A_2159 : vector<16xf32>
        %parallel_loop3A_2161 = arith.constant 4 : i32
        %parallel_loop3A_2162 = arith.muli %parallel_loop3A_2161, %parallel_loop3A_1868 : i32
        %parallel_loop3A_2163 = arith.index_cast %parallel_loop3A_2162 : i32 to index
        %parallel_loop3A_2164 = arith.constant 16 : index
        %parallel_loop3A_2165 = tpu.vector_load %arg23[%parallel_loop3A_2163, %parallel_loop3A_2164] {strides = array<i32>} : memref<208x64xf32, #tpu.memory_space<vmem>>, vector<16xf32>,
        %parallel_loop3A_2166 = arith.constant 4 : i32
        %parallel_loop3A_2167 = arith.muli %parallel_loop3A_2166, %parallel_loop3A_1868 : i32
        %parallel_loop3A_2168 = arith.constant 1 : i32
        %parallel_loop3A_2169 = arith.addi %parallel_loop3A_2167, %parallel_loop3A_2168 : i32
        %parallel_loop3A_2170 = arith.index_cast %parallel_loop3A_2169 : i32 to index
        %parallel_loop3A_2171 = arith.constant 16 : index
        %parallel_loop3A_2172 = tpu.vector_load %arg23[%parallel_loop3A_2170, %parallel_loop3A_2171] {strides = array<i32>} : memref<208x64xf32, #tpu.memory_space<vmem>>, vector<16xf32>,
        %parallel_loop3A_2173 = arith.addf %parallel_loop3A_2165, %parallel_loop3A_2172 : vector<16xf32>
        %parallel_loop3A_2174 = arith.constant 4 : i32
        %parallel_loop3A_2175 = arith.muli %parallel_loop3A_2174, %parallel_loop3A_1868 : i32
        %parallel_loop3A_2176 = arith.constant 2 : i32
        %parallel_loop3A_2177 = arith.addi %parallel_loop3A_2175, %parallel_loop3A_2176 : i32
        %parallel_loop3A_2178 = arith.index_cast %parallel_loop3A_2177 : i32 to index
        %parallel_loop3A_2179 = arith.constant 16 : index
        %parallel_loop3A_2180 = tpu.vector_load %arg23[%parallel_loop3A_2178, %parallel_loop3A_2179] {strides = array<i32>} : memref<208x64xf32, #tpu.memory_space<vmem>>, vector<16xf32>,
        %parallel_loop3A_2181 = arith.addf %parallel_loop3A_2173, %parallel_loop3A_2180 : vector<16xf32>
        %parallel_loop3A_2182 = arith.constant 4 : i32
        %parallel_loop3A_2183 = arith.muli %parallel_loop3A_2182, %parallel_loop3A_1868 : i32
        %parallel_loop3A_2184 = arith.constant 3 : i32
        %parallel_loop3A_2185 = arith.addi %parallel_loop3A_2183, %parallel_loop3A_2184 : i32
        %parallel_loop3A_2186 = arith.index_cast %parallel_loop3A_2185 : i32 to index
        %parallel_loop3A_2187 = arith.constant 16 : index
        %parallel_loop3A_2188 = tpu.vector_load %arg23[%parallel_loop3A_2186, %parallel_loop3A_2187] {strides = array<i32>} : memref<208x64xf32, #tpu.memory_space<vmem>>, vector<16xf32>,
        %parallel_loop3A_2189 = arith.addf %parallel_loop3A_2181, %parallel_loop3A_2188 : vector<16xf32>
        %parallel_loop3A_2190 = arith.mulf %parallel_loop3A_1881, %get3A_47 : vector<16xf32>
        %parallel_loop3A_2191 = arith.subf %parallel_loop3A_2189, %parallel_loop3A_2190 : vector<16xf32>
        %parallel_loop3A_2192 = arith.constant 4 : i32
        %parallel_loop3A_2193 = arith.muli %parallel_loop3A_2192, %parallel_loop3A_1868 : i32
        %parallel_loop3A_2194 = arith.index_cast %parallel_loop3A_2193 : i32 to index
        %parallel_loop3A_2195 = arith.constant 32 : index
        %parallel_loop3A_2196 = tpu.vector_load %arg23[%parallel_loop3A_2194, %parallel_loop3A_2195] {strides = array<i32>} : memref<208x64xf32, #tpu.memory_space<vmem>>, vector<16xf32>,
        %parallel_loop3A_2197 = arith.constant 4 : i32
        %parallel_loop3A_2198 = arith.muli %parallel_loop3A_2197, %parallel_loop3A_1868 : i32
        %parallel_loop3A_2199 = arith.constant 1 : i32
        %parallel_loop3A_2200 = arith.addi %parallel_loop3A_2198, %parallel_loop3A_2199 : i32
        %parallel_loop3A_2201 = arith.index_cast %parallel_loop3A_2200 : i32 to index
        %parallel_loop3A_2202 = arith.constant 32 : index
        %parallel_loop3A_2203 = tpu.vector_load %arg23[%parallel_loop3A_2201, %parallel_loop3A_2202] {strides = array<i32>} : memref<208x64xf32, #tpu.memory_space<vmem>>, vector<16xf32>,
        %parallel_loop3A_2204 = arith.addf %parallel_loop3A_2196, %parallel_loop3A_2203 : vector<16xf32>
        %parallel_loop3A_2205 = arith.constant 4 : i32
        %parallel_loop3A_2206 = arith.muli %parallel_loop3A_2205, %parallel_loop3A_1868 : i32
        %parallel_loop3A_2207 = arith.constant 2 : i32
        %parallel_loop3A_2208 = arith.addi %parallel_loop3A_2206, %parallel_loop3A_2207 : i32
        %parallel_loop3A_2209 = arith.index_cast %parallel_loop3A_2208 : i32 to index
        %parallel_loop3A_2210 = arith.constant 32 : index
        %parallel_loop3A_2211 = tpu.vector_load %arg23[%parallel_loop3A_2209, %parallel_loop3A_2210] {strides = array<i32>} : memref<208x64xf32, #tpu.memory_space<vmem>>, vector<16xf32>,
        %parallel_loop3A_2212 = arith.addf %parallel_loop3A_2204, %parallel_loop3A_2211 : vector<16xf32>
        %parallel_loop3A_2213 = arith.constant 4 : i32
        %parallel_loop3A_2214 = arith.muli %parallel_loop3A_2213, %parallel_loop3A_1868 : i32
        %parallel_loop3A_2215 = arith.constant 3 : i32
        %parallel_loop3A_2216 = arith.addi %parallel_loop3A_2214, %parallel_loop3A_2215 : i32
        %parallel_loop3A_2217 = arith.index_cast %parallel_loop3A_2216 : i32 to index
        %parallel_loop3A_2218 = arith.constant 32 : index
        %parallel_loop3A_2219 = tpu.vector_load %arg23[%parallel_loop3A_2217, %parallel_loop3A_2218] {strides = array<i32>} : memref<208x64xf32, #tpu.memory_space<vmem>>, vector<16xf32>,
        %parallel_loop3A_2220 = arith.addf %parallel_loop3A_2212, %parallel_loop3A_2219 : vector<16xf32>
        %parallel_loop3A_2221 = arith.mulf %parallel_loop3A_1881, %get3A_51 : vector<16xf32>
        %parallel_loop3A_2222 = arith.subf %parallel_loop3A_2220, %parallel_loop3A_2221 : vector<16xf32>
        %parallel_loop3A_2223 = arith.constant 4 : i32
        %parallel_loop3A_2224 = arith.muli %parallel_loop3A_2223, %parallel_loop3A_1868 : i32
        %parallel_loop3A_2225 = arith.index_cast %parallel_loop3A_2224 : i32 to index
        %parallel_loop3A_2226 = arith.constant 48 : index
        %parallel_loop3A_2227 = tpu.vector_load %arg23[%parallel_loop3A_2225, %parallel_loop3A_2226] {strides = array<i32>} : memref<208x64xf32, #tpu.memory_space<vmem>>, vector<16xf32>,
        %parallel_loop3A_2228 = arith.constant 4 : i32
        %parallel_loop3A_2229 = arith.muli %parallel_loop3A_2228, %parallel_loop3A_1868 : i32
        %parallel_loop3A_2230 = arith.constant 1 : i32
        %parallel_loop3A_2231 = arith.addi %parallel_loop3A_2229, %parallel_loop3A_2230 : i32
        %parallel_loop3A_2232 = arith.index_cast %parallel_loop3A_2231 : i32 to index
        %parallel_loop3A_2233 = arith.constant 48 : index
        %parallel_loop3A_2234 = tpu.vector_load %arg23[%parallel_loop3A_2232, %parallel_loop3A_2233] {strides = array<i32>} : memref<208x64xf32, #tpu.memory_space<vmem>>, vector<16xf32>,
        %parallel_loop3A_2235 = arith.addf %parallel_loop3A_2227, %parallel_loop3A_2234 : vector<16xf32>
        %parallel_loop3A_2236 = arith.constant 4 : i32
        %parallel_loop3A_2237 = arith.muli %parallel_loop3A_2236, %parallel_loop3A_1868 : i32
        %parallel_loop3A_2238 = arith.constant 2 : i32
        %parallel_loop3A_2239 = arith.addi %parallel_loop3A_2237, %parallel_loop3A_2238 : i32
        %parallel_loop3A_2240 = arith.index_cast %parallel_loop3A_2239 : i32 to index
        %parallel_loop3A_2241 = arith.constant 48 : index
        %parallel_loop3A_2242 = tpu.vector_load %arg23[%parallel_loop3A_2240, %parallel_loop3A_2241] {strides = array<i32>} : memref<208x64xf32, #tpu.memory_space<vmem>>, vector<16xf32>,
        %parallel_loop3A_2243 = arith.addf %parallel_loop3A_2235, %parallel_loop3A_2242 : vector<16xf32>
        %parallel_loop3A_2244 = arith.constant 4 : i32
        %parallel_loop3A_2245 = arith.muli %parallel_loop3A_2244, %parallel_loop3A_1868 : i32
        %parallel_loop3A_2246 = arith.constant 3 : i32
        %parallel_loop3A_2247 = arith.addi %parallel_loop3A_2245, %parallel_loop3A_2246 : i32
        %parallel_loop3A_2248 = arith.index_cast %parallel_loop3A_2247 : i32 to index
        %parallel_loop3A_2249 = arith.constant 48 : index
        %parallel_loop3A_2250 = tpu.vector_load %arg23[%parallel_loop3A_2248, %parallel_loop3A_2249] {strides = array<i32>} : memref<208x64xf32, #tpu.memory_space<vmem>>, vector<16xf32>,
        %parallel_loop3A_2251 = arith.addf %parallel_loop3A_2243, %parallel_loop3A_2250 : vector<16xf32>
        %parallel_loop3A_2252 = arith.mulf %parallel_loop3A_1881, %get3A_55 : vector<16xf32>
        %parallel_loop3A_2253 = arith.subf %parallel_loop3A_2251, %parallel_loop3A_2252 : vector<16xf32>
        %parallel_loop3A_2254 = arith.constant 1 : i32
        %parallel_loop3A_2255 = arith.subi %parallel_loop3A_1868, %parallel_loop3A_2254 : i32
        %parallel_loop3A_2256 = arith.addf %parallel_loop3A_1869, %parallel_loop3A_2160 : vector<16xf32>
        %parallel_loop3A_2257 = arith.addf %parallel_loop3A_1870, %parallel_loop3A_2191 : vector<16xf32>
        %parallel_loop3A_2258 = arith.addf %parallel_loop3A_1871, %parallel_loop3A_2222 : vector<16xf32>
        %parallel_loop3A_2259 = arith.addf %parallel_loop3A_1872, %parallel_loop3A_2253 : vector<16xf32>
        %parallel_loop3A_2260 = vector.broadcast %parallel_loop3A_2255 : i32 to vector<16xi32>
        %parallel_loop3A_2261 = tpu.vector_load_idx %arg27[%parallel_loop3A_2260] : memref<64xf32, #tpu.memory_space<vmem>>[vector<16xi32>], vector<16xf32>,
        %parallel_loop3A_2262 = arith.mulf %parallel_loop3A_2256, %parallel_loop3A_2261 : vector<16xf32>
        %parallel_loop3A_2263 = arith.addf %parallel_loop3A_2262, %parallel_loop3A_2262 : vector<16xf32>
        %parallel_loop3A_2264 = math.exp %parallel_loop3A_2263 : vector<16xf32>
        %parallel_loop3A_2265 = arith.constant 1.000000e+00 : f32
        %parallel_loop3A_2266 = vector.broadcast %parallel_loop3A_2265 : f32 to vector<16xf32>
        %parallel_loop3A_2267 = arith.addf %parallel_loop3A_2264, %parallel_loop3A_2266 : vector<16xf32>
        %parallel_loop3A_2268 = arith.constant 2.000000e+00 : f32
        %parallel_loop3A_2269 = vector.broadcast %parallel_loop3A_2268 : f32 to vector<16xf32>
        %parallel_loop3A_2270 = arith.divf %parallel_loop3A_2269, %parallel_loop3A_2267 : vector<16xf32>
        %parallel_loop3A_2271 = arith.constant 1.000000e+00 : f32
        %parallel_loop3A_2272 = vector.broadcast %parallel_loop3A_2271 : f32 to vector<16xf32>
        %parallel_loop3A_2273 = arith.subf %parallel_loop3A_2272, %parallel_loop3A_2270 : vector<16xf32>
        %parallel_loop3A_2274 = arith.constant 64 : i32
        %parallel_loop3A_2275 = arith.muli %parallel_loop3A_2255, %parallel_loop3A_2274 : i32
        %parallel_loop3A_2276 = arith.constant 0 : i32
        %parallel_loop3A_2277 = arith.addi %parallel_loop3A_2275, %parallel_loop3A_2276 : i32
        %parallel_loop3A_2278 = arith.index_cast %parallel_loop3A_2277 : i32 to index
        %parallel_loop3A_2279 = tpu.vector_load %arg24[%parallel_loop3A_2278] {strides = array<i32>} : memref<3200xf32, #tpu.memory_space<vmem>>, vector<16xf32>,
        tpu.vector_store %arg24[%parallel_loop3A_2278], %parallel_loop3A_2273 {strides = array<i32>} : memref<3200xf32, #tpu.memory_space<vmem>>, vector<16xf32>,
        %parallel_loop3A_2280 = arith.mulf %parallel_loop3A_2257, %parallel_loop3A_2261 : vector<16xf32>
        %parallel_loop3A_2281 = arith.addf %parallel_loop3A_2280, %parallel_loop3A_2280 : vector<16xf32>
        %parallel_loop3A_2282 = math.exp %parallel_loop3A_2281 : vector<16xf32>
        %parallel_loop3A_2283 = arith.constant 1.000000e+00 : f32
        %parallel_loop3A_2284 = vector.broadcast %parallel_loop3A_2283 : f32 to vector<16xf32>
        %parallel_loop3A_2285 = arith.addf %parallel_loop3A_2282, %parallel_loop3A_2284 : vector<16xf32>
        %parallel_loop3A_2286 = arith.constant 2.000000e+00 : f32
        %parallel_loop3A_2287 = vector.broadcast %parallel_loop3A_2286 : f32 to vector<16xf32>
        %parallel_loop3A_2288 = arith.divf %parallel_loop3A_2287, %parallel_loop3A_2285 : vector<16xf32>
        %parallel_loop3A_2289 = arith.constant 1.000000e+00 : f32
        %parallel_loop3A_2290 = vector.broadcast %parallel_loop3A_2289 : f32 to vector<16xf32>
        %parallel_loop3A_2291 = arith.subf %parallel_loop3A_2290, %parallel_loop3A_2288 : vector<16xf32>
        %parallel_loop3A_2292 = arith.constant 64 : i32
        %parallel_loop3A_2293 = arith.muli %parallel_loop3A_2255, %parallel_loop3A_2292 : i32
        %parallel_loop3A_2294 = arith.constant 16 : i32
        %parallel_loop3A_2295 = arith.addi %parallel_loop3A_2293, %parallel_loop3A_2294 : i32
        %parallel_loop3A_2296 = arith.index_cast %parallel_loop3A_2295 : i32 to index
        %parallel_loop3A_2297 = tpu.vector_load %arg24[%parallel_loop3A_2296] {strides = array<i32>} : memref<3200xf32, #tpu.memory_space<vmem>>, vector<16xf32>,
        tpu.vector_store %arg24[%parallel_loop3A_2296], %parallel_loop3A_2291 {strides = array<i32>} : memref<3200xf32, #tpu.memory_space<vmem>>, vector<16xf32>,
        %parallel_loop3A_2298 = arith.mulf %parallel_loop3A_2258, %parallel_loop3A_2261 : vector<16xf32>
        %parallel_loop3A_2299 = arith.addf %parallel_loop3A_2298, %parallel_loop3A_2298 : vector<16xf32>
        %parallel_loop3A_2300 = math.exp %parallel_loop3A_2299 : vector<16xf32>
        %parallel_loop3A_2301 = arith.constant 1.000000e+00 : f32
        %parallel_loop3A_2302 = vector.broadcast %parallel_loop3A_2301 : f32 to vector<16xf32>
        %parallel_loop3A_2303 = arith.addf %parallel_loop3A_2300, %parallel_loop3A_2302 : vector<16xf32>
        %parallel_loop3A_2304 = arith.constant 2.000000e+00 : f32
        %parallel_loop3A_2305 = vector.broadcast %parallel_loop3A_2304 : f32 to vector<16xf32>
        %parallel_loop3A_2306 = arith.divf %parallel_loop3A_2305, %parallel_loop3A_2303 : vector<16xf32>
        %parallel_loop3A_2307 = arith.constant 1.000000e+00 : f32
        %parallel_loop3A_2308 = vector.broadcast %parallel_loop3A_2307 : f32 to vector<16xf32>
        %parallel_loop3A_2309 = arith.subf %parallel_loop3A_2308, %parallel_loop3A_2306 : vector<16xf32>
        %parallel_loop3A_2310 = arith.constant 64 : i32
        %parallel_loop3A_2311 = arith.muli %parallel_loop3A_2255, %parallel_loop3A_2310 : i32
        %parallel_loop3A_2312 = arith.constant 32 : i32
        %parallel_loop3A_2313 = arith.addi %parallel_loop3A_2311, %parallel_loop3A_2312 : i32
        %parallel_loop3A_2314 = arith.index_cast %parallel_loop3A_2313 : i32 to index
        %parallel_loop3A_2315 = tpu.vector_load %arg24[%parallel_loop3A_2314] {strides = array<i32>} : memref<3200xf32, #tpu.memory_space<vmem>>, vector<16xf32>,
        tpu.vector_store %arg24[%parallel_loop3A_2314], %parallel_loop3A_2309 {strides = array<i32>} : memref<3200xf32, #tpu.memory_space<vmem>>, vector<16xf32>,
        %parallel_loop3A_2316 = arith.mulf %parallel_loop3A_2259, %parallel_loop3A_2261 : vector<16xf32>
        %parallel_loop3A_2317 = arith.addf %parallel_loop3A_2316, %parallel_loop3A_2316 : vector<16xf32>
        %parallel_loop3A_2318 = math.exp %parallel_loop3A_2317 : vector<16xf32>
        %parallel_loop3A_2319 = arith.constant 1.000000e+00 : f32
        %parallel_loop3A_2320 = vector.broadcast %parallel_loop3A_2319 : f32 to vector<16xf32>
        %parallel_loop3A_2321 = arith.addf %parallel_loop3A_2318, %parallel_loop3A_2320 : vector<16xf32>
        %parallel_loop3A_2322 = arith.constant 2.000000e+00 : f32
        %parallel_loop3A_2323 = vector.broadcast %parallel_loop3A_2322 : f32 to vector<16xf32>
        %parallel_loop3A_2324 = arith.divf %parallel_loop3A_2323, %parallel_loop3A_2321 : vector<16xf32>
        %parallel_loop3A_2325 = arith.constant 1.000000e+00 : f32
        %parallel_loop3A_2326 = vector.broadcast %parallel_loop3A_2325 : f32 to vector<16xf32>
        %parallel_loop3A_2327 = arith.subf %parallel_loop3A_2326, %parallel_loop3A_2324 : vector<16xf32>
        %parallel_loop3A_2328 = arith.constant 64 : i32
        %parallel_loop3A_2329 = arith.muli %parallel_loop3A_2255, %parallel_loop3A_2328 : i32
        %parallel_loop3A_2330 = arith.constant 48 : i32
        %parallel_loop3A_2331 = arith.addi %parallel_loop3A_2329, %parallel_loop3A_2330 : i32
        %parallel_loop3A_2332 = arith.index_cast %parallel_loop3A_2331 : i32 to index
        %parallel_loop3A_2333 = tpu.vector_load %arg24[%parallel_loop3A_2332] {strides = array<i32>} : memref<3200xf32, #tpu.memory_space<vmem>>, vector<16xf32>,
        tpu.vector_store %arg24[%parallel_loop3A_2332], %parallel_loop3A_2327 {strides = array<i32>} : memref<3200xf32, #tpu.memory_space<vmem>>, vector<16xf32>,
        %parallel_loop3A_2334 = arith.addf %parallel_loop3A_1873, %parallel_loop3A_2036 : vector<16xf32>
        %parallel_loop3A_2335 = arith.addf %parallel_loop3A_1874, %parallel_loop3A_2067 : vector<16xf32>
        %parallel_loop3A_2336 = arith.addf %parallel_loop3A_1875, %parallel_loop3A_2098 : vector<16xf32>
        %parallel_loop3A_2337 = arith.addf %parallel_loop3A_1876, %parallel_loop3A_2129 : vector<16xf32>
        scf.yield %parallel_loop3A_2334, %parallel_loop3A_2335, %parallel_loop3A_2336, %parallel_loop3A_2337, %parallel_loop3A_1912, %parallel_loop3A_1943, %parallel_loop3A_1974, %parallel_loop3A_2005 : vector<16xf32>, vector<16xf32>, vector<16xf32>, vector<16xf32>, vector<16xf32>, vector<16xf32>, vector<16xf32>, vector<16xf32>
      } {sc.loop_unroll_factor = 2 : i64, sc.parallel_access}
      %broadcast_in_dim3A_1805 = arith.constant 49 : i32
      %broadcast_in_dim3A_1806 = vector.broadcast %broadcast_in_dim3A_1805 : i32 to vector<16xi32>
      %gather3A_1807 = tpu.vector_load_idx %arg27[%broadcast_in_dim3A_1806] : memref<64xf32, #tpu.memory_space<vmem>>[vector<16xi32>], vector<16xf32>,
      %mul3A_1808 = arith.mulf %parallel_loop3A_1804#0, %gather3A_1807 : vector<16xf32>
      %add3A_1809 = arith.addf %mul3A_1808, %mul3A_1808 : vector<16xf32>
      %exp3A_1810 = math.exp %add3A_1809 : vector<16xf32>
      %add3A_1811 = arith.constant 1.000000e+00 : f32
      %add3A_1812 = vector.broadcast %add3A_1811 : f32 to vector<16xf32>
      %add3A_1813 = arith.addf %exp3A_1810, %add3A_1812 : vector<16xf32>
      %div3A_1814 = arith.constant 2.000000e+00 : f32
      %div3A_1815 = vector.broadcast %div3A_1814 : f32 to vector<16xf32>
      %div3A_1816 = arith.divf %div3A_1815, %add3A_1813 : vector<16xf32>
      %sub3A_1817 = arith.constant 1.000000e+00 : f32
      %sub3A_1818 = vector.broadcast %sub3A_1817 : f32 to vector<16xf32>
      %sub3A_1819 = arith.subf %sub3A_1818, %div3A_1816 : vector<16xf32>
      %swap3A_1820 = arith.constant 3136 : index
      %swap3A_1821 = tpu.vector_load %arg24[%swap3A_1820] {strides = array<i32>} : memref<3200xf32, #tpu.memory_space<vmem>>, vector<16xf32>,
      tpu.vector_store %arg24[%swap3A_1820], %sub3A_1819 {strides = array<i32>} : memref<3200xf32, #tpu.memory_space<vmem>>, vector<16xf32>,
      %mul3A_1822 = arith.mulf %parallel_loop3A_1804#1, %gather3A_1807 : vector<16xf32>
      %add3A_1823 = arith.addf %mul3A_1822, %mul3A_1822 : vector<16xf32>
      %exp3A_1824 = math.exp %add3A_1823 : vector<16xf32>
      %add3A_1825 = arith.constant 1.000000e+00 : f32
      %add3A_1826 = vector.broadcast %add3A_1825 : f32 to vector<16xf32>
      %add3A_1827 = arith.addf %exp3A_1824, %add3A_1826 : vector<16xf32>
      %div3A_1828 = arith.constant 2.000000e+00 : f32
      %div3A_1829 = vector.broadcast %div3A_1828 : f32 to vector<16xf32>
      %div3A_1830 = arith.divf %div3A_1829, %add3A_1827 : vector<16xf32>
      %sub3A_1831 = arith.constant 1.000000e+00 : f32
      %sub3A_1832 = vector.broadcast %sub3A_1831 : f32 to vector<16xf32>
      %sub3A_1833 = arith.subf %sub3A_1832, %div3A_1830 : vector<16xf32>
      %swap3A_1834 = arith.constant 3152 : index
      %swap3A_1835 = tpu.vector_load %arg24[%swap3A_1834] {strides = array<i32>} : memref<3200xf32, #tpu.memory_space<vmem>>, vector<16xf32>,
      tpu.vector_store %arg24[%swap3A_1834], %sub3A_1833 {strides = array<i32>} : memref<3200xf32, #tpu.memory_space<vmem>>, vector<16xf32>,
      %mul3A_1836 = arith.mulf %parallel_loop3A_1804#2, %gather3A_1807 : vector<16xf32>
      %add3A_1837 = arith.addf %mul3A_1836, %mul3A_1836 : vector<16xf32>
      %exp3A_1838 = math.exp %add3A_1837 : vector<16xf32>
      %add3A_1839 = arith.constant 1.000000e+00 : f32
      %add3A_1840 = vector.broadcast %add3A_1839 : f32 to vector<16xf32>
      %add3A_1841 = arith.addf %exp3A_1838, %add3A_1840 : vector<16xf32>
      %div3A_1842 = arith.constant 2.000000e+00 : f32
      %div3A_1843 = vector.broadcast %div3A_1842 : f32 to vector<16xf32>
      %div3A_1844 = arith.divf %div3A_1843, %add3A_1841 : vector<16xf32>
      %sub3A_1845 = arith.constant 1.000000e+00 : f32
      %sub3A_1846 = vector.broadcast %sub3A_1845 : f32 to vector<16xf32>
      %sub3A_1847 = arith.subf %sub3A_1846, %div3A_1844 : vector<16xf32>
      %swap3A_1848 = arith.constant 3168 : index
      %swap3A_1849 = tpu.vector_load %arg24[%swap3A_1848] {strides = array<i32>} : memref<3200xf32, #tpu.memory_space<vmem>>, vector<16xf32>,
      tpu.vector_store %arg24[%swap3A_1848], %sub3A_1847 {strides = array<i32>} : memref<3200xf32, #tpu.memory_space<vmem>>, vector<16xf32>,
      %mul3A_1850 = arith.mulf %parallel_loop3A_1804#3, %gather3A_1807 : vector<16xf32>
      %add3A_1851 = arith.addf %mul3A_1850, %mul3A_1850 : vector<16xf32>
      %exp3A_1852 = math.exp %add3A_1851 : vector<16xf32>
      %add3A_1853 = arith.constant 1.000000e+00 : f32
      %add3A_1854 = vector.broadcast %add3A_1853 : f32 to vector<16xf32>
      %add3A_1855 = arith.addf %exp3A_1852, %add3A_1854 : vector<16xf32>
      %div3A_1856 = arith.constant 2.000000e+00 : f32
      %div3A_1857 = vector.broadcast %div3A_1856 : f32 to vector<16xf32>
      %div3A_1858 = arith.divf %div3A_1857, %add3A_1855 : vector<16xf32>
      %sub3A_1859 = arith.constant 1.000000e+00 : f32
      %sub3A_1860 = vector.broadcast %sub3A_1859 : f32 to vector<16xf32>
      %sub3A_1861 = arith.subf %sub3A_1860, %div3A_1858 : vector<16xf32>
      %swap3A_1862 = arith.constant 3184 : index
      %swap3A_1863 = tpu.vector_load %arg24[%swap3A_1862] {strides = array<i32>} : memref<3200xf32, #tpu.memory_space<vmem>>, vector<16xf32>,
      tpu.vector_store %arg24[%swap3A_1862], %sub3A_1861 {strides = array<i32>} : memref<3200xf32, #tpu.memory_space<vmem>>, vector<16xf32>,
      %add3A_1864 = arith.addi %mul3A_2, %add3A_1251 : i32
      %mul3A_1865 = arith.constant 3200 : i32
      %mul3A_1866 = arith.muli %add3A_1864, %mul3A_1865 : i32
      "tpu.region"() ({
        %run_scoped3A = tpu.sem_alloc : memref<!tpu.dma_semaphore, #tpu.memory_space<semaphore_mem>>
        %dma_start3A_1868 = tpu.memref_slice %arg4[%mul3A_1866] : memref<3276800xf32, #tpu.memory_space<hbm>> -> memref<3200xf32, #tpu.memory_space<hbm>>
        %dma_start3A_1869 = tpu.memref_slice %arg4[%mul3A_1866] : memref<3276800xf32, #tpu.memory_space<hbm>> -> memref<3200xf32, #tpu.memory_space<hbm>>
        tpu.enqueue_dma source(%arg24 : memref<3200xf32, #tpu.memory_space<vmem>>) target(%dma_start3A_1869 : memref<3200xf32, #tpu.memory_space<hbm>>) target_semaphore(%run_scoped3A : memref<!tpu.dma_semaphore, #tpu.memory_space<semaphore_mem>>)
        %dma_wait3A_1870 = tpu.memref_slice %arg4[%mul3A_1866] : memref<3276800xf32, #tpu.memory_space<hbm>> -> memref<3200xf32, #tpu.memory_space<hbm>>
        %dma_wait3A_1871 = tpu.memref_slice %arg4[%mul3A_1866] : memref<3276800xf32, #tpu.memory_space<hbm>> -> memref<3200xf32, #tpu.memory_space<hbm>>
        tpu.wait_dma2 semaphore(%run_scoped3A : memref<!tpu.dma_semaphore, #tpu.memory_space<semaphore_mem>>) src(%arg24 : memref<3200xf32, #tpu.memory_space<vmem>>) dst(%dma_wait3A_1871 : memref<3200xf32, #tpu.memory_space<hbm>>)
        tpu.yield
      }) : () -> ()
      %scan3A_1867 = arith.constant 0 : i32
      scf.yield %scan3A_1867 : i32
    }
    %scan3A_639 = arith.constant 16 : i32
    return
  }
}

</mosaic_0001>

<sc_bundles>
// kernel: kernel.3.cloned.1.call-start
scs
__scs_entry_jumppad:
0x0: {  	(pc) =	sbr.rel $0x88, $3  }
0x1: {  	(tag) =	ssettag $0x0;
	lr =	simm.s32 $0x1  }
0x2: {  	[smem:$0x3F9F] =	sst lr;
	_ =	strace $0xD0000000  }
0x3: {  	_ = 	snop  }
0x4: {  	_ = 	snop  }
0x5: {  	_ = 	snop  }
0x6: {  	_ = 	snop  }
0x7: {  	_ = 	snop  }
__scs_overlays_trampoline_lowered:
0x8: {  	[smem:$0x3FAE] =	sst s0  }
0x9: {  	[smem:$0x3FAF] =	sst s1  }
0xa: {  	[smem:$0x3FB0] =	sst s2  }
0xb: {  	[smem:$0x3FB1] =	sst s3  }
0xc: {  	[smem:$0x3FB2] =	sst s4  }
0xd: {  	[smem:$0x3FB3] =	sst s5  }
0xe: {  	[smem:$0x3FB4] =	sst s6  }
0xf: {  	[smem:$0x3FB5] =	sst s7  }
0x10: {  	[smem:$0x3FB6] =	sst s8  }
0x11: {  	[smem:$0x3FB7] =	sst s9;
	s0 =	simm.s32 @!p0 $0x0  }
0x12: {  	s1 =	sld [smem:$0x3F9D];
	s0 =	simm.s32 @p0 $0x1  }
0x13: {  	[smem:$0x3FB8] =	sst s0;
	s0 =	simm.s32 @!p1 $0x0  }
0x14: {  	s2 =	sld [smem:$0x3F9C];
	s0 =	simm.s32 @p1 $0x1  }
0x15: {  	[smem:$0x3FB9] =	sst s0;
	s0 =	simm.s32 @!p2 $0x0  }
0x16: {  	s3 =	sld [smem:$0x3FDB];
	s0 =	simm.s32 @p2 $0x1  }
0x17: {  	s4 =	simm.s32 $0x1BF5;
	[smem:$0x3FBB] =	sst s0  }
0x18: {  	s0 =	sld [smem:$0x3F9E];
	_ =	swait.ge [sflag:s4], $0x0  }
0x19: {  	s7 =	sld [smem:$0x3F9F]  }
0x1a: {  	s8 =	sadd.s32 $0xFFFFE003, lr  }
0x1b: {  	s9 =	sadd.s32 $0xFFFFFEF7, lr;
	s5 =	simm.s32 $0xFFFFFFFF;
	p2 =	slt.u32 s8, $0xFFFFF086  }
0x1c: {  	p1 =	slt.u32 s9, $0xF7A;
	s5 =	simm.s32 @!p2 $0x0  }
0x1d: {  	s5 =	simm.s32 @p1 $0x1;
	p0 =	seq.s32 s7, s2  }
0x1e: {  	s7 =	smul.u32 @!p0 $0xF7A, s2;
	p2 =	seq.s32 @!p0 s5, $0x0  }
0x1f: {  	s9 =	smul.u32 $0xF7A, s1;
	s8 =	simm.s32 @!p0 $0x1BF5;
	p2 =	por !p2, p0  }
0x20: {  	[sflag:s8] =	ssyncset.s32 @!p0 $0xFFFFF086;
	s6 =	sadd.s32 @!p0 s3, s7;
	s7 =	simm.s32 @!p0 $0x108  }
0x21: {  	s3 =	sadd.s32 s3, s9;
	s6 =	sadd.s32 @!p0 $0x88, s6;
	s7 =	simm.s32 @p2 $0x1082  }
0x22: {  	[simem:s7], [sflag:s8] =	dma.local @!p0 [hbm:s6], $0xF7A  }
0x23: {  	s9 =	sor.u32 $0xD0000000, s2;
	s6 =	simm.s32 $0x108;
	_ =	swait.ge @!p0 [sflag:s8], $0x0  }
0x24: {  	s3 =	sadd.s32 $0x88, s3;
	s6 =	simm.s32 @!p1 $0x1082;
	[sflag:s4] =	ssyncset.s32 $0xFFFFF086  }
0x25: {  	[simem:s6], [sflag:s4] =	dma.local [hbm:s3], $0xF7A  }
0x26: {  	[smem:$0x3F9F] =	sst s1;
	(tag) =	ssettag s2;
	_ =	strace s9  }
0x27: {  	s1 =	sld [smem:$0x3FAF]  }
0x28: {  	s2 =	sld [smem:$0x3FB0]  }
0x29: {  	s4 =	sld [smem:$0x3FB2]  }
0x2a: {  	p0 =	seq.s32 s5, $0x0;
	s5 =	sld [smem:$0x3FB3]  }
0x2b: {  	s6 =	sld [smem:$0x3FB4]  }
0x2c: {  	s7 =	sld [smem:$0x3FB5]  }
0x2d: {  	s3 =	simm.s32 $0x108;
	s8 =	sld [smem:$0x3FB6]  }
0x2e: {  	s3 =	simm.s32 @!p0 $0x1082;
	s9 =	sld [smem:$0x3FB7]  }
0x2f: {  	lr =	sadd.s32 s0, s3;
	s0 =	sld [smem:$0x3FAE]  }
0x30: {  	s3 =	sld [smem:$0x3FB1]  }
0x31: {  	[smem:$0x3FBA] =	sst s10  }
0x32: {  	s10 =	sld [smem:$0x3FB8];
	_ =	sdelay $0x3  }
0x33: {  	p0 =	seq.s32 s10, $0x1;
	s10 =	sld [smem:$0x3FBA];
	_ =	sdelay $0x3  }
0x34: {  	[smem:$0x3FBA] =	sst s10  }
0x35: {  	s10 =	sld [smem:$0x3FB9];
	_ =	sdelay $0x3  }
0x36: {  	p1 =	seq.s32 s10, $0x1;
	s10 =	sld [smem:$0x3FBA];
	_ =	sdelay $0x3  }
0x37: {  	[smem:$0x3FBA] =	sst s10  }
0x38: {  	s10 =	sld [smem:$0x3FBB]  }
0x39: {  	_ = 	snop;
	(pc) =	sbr.ind lr, $3  }
0x3a: {  	_ = 	snop  }
0x3b: {  	_ = 	snop  }
0x3c: {  	p2 =	seq.s32 s10, $0x1;
	s10 =	sld [smem:$0x3FBA]  }
0x3d: {  	_ =	shalt  }
0x3e: {  	_ =	shalt  }
0x3f: {  	_ =	shalt  }
0x40: {  	_ =	shalt  }
0x41: {  	_ =	shalt  }
0x42: {  	_ =	shalt  }
0x43: {  	_ =	shalt  }
0x44: {  	_ =	shalt  }
0x45: {  	_ =	shalt  }
0x46: {  	_ =	shalt  }
0x47: {  	_ =	shalt  }
0x48: {  	_ =	shalt  }
0x49: {  	_ =	shalt  }
0x4a: {  	_ =	shalt  }
0x4b: {  	_ =	shalt  }
0x4c: {  	_ =	shalt  }
0x4d: {  	_ =	shalt  }
0x4e: {  	_ =	shalt  }
0x4f: {  	_ =	shalt  }
0x50: {  	_ =	shalt  }
0x51: {  	_ =	shalt  }
0x52: {  	_ =	shalt  }
0x53: {  	_ =	shalt  }
0x54: {  	_ =	shalt  }
0x55: {  	_ =	shalt  }
0x56: {  	_ =	shalt  }
0x57: {  	_ =	shalt  }
0x58: {  	_ =	shalt  }
0x59: {  	_ =	shalt  }
0x5a: {  	_ =	shalt  }
0x5b: {  	_ =	shalt  }
0x5c: {  	_ =	shalt  }
0x5d: {  	_ =	shalt  }
0x5e: {  	_ =	shalt  }
0x5f: {  	_ =	shalt  }
0x60: {  	_ =	shalt  }
0x61: {  	_ =	shalt  }
0x62: {  	_ =	shalt  }
0x63: {  	_ =	shalt  }
0x64: {  	_ =	shalt  }
0x65: {  	_ =	shalt  }
0x66: {  	_ =	shalt  }
0x67: {  	_ =	shalt  }
0x68: {  	_ =	shalt  }
0x69: {  	_ =	shalt  }
0x6a: {  	_ =	shalt  }
0x6b: {  	_ =	shalt  }
0x6c: {  	_ =	shalt  }
0x6d: {  	_ =	shalt  }
0x6e: {  	_ =	shalt  }
0x6f: {  	_ =	shalt  }
0x70: {  	_ =	shalt  }
0x71: {  	_ =	shalt  }
0x72: {  	_ =	shalt  }
0x73: {  	_ =	shalt  }
0x74: {  	_ =	shalt  }
0x75: {  	_ =	shalt  }
0x76: {  	_ =	shalt  }
0x77: {  	_ =	shalt  }
0x78: {  	_ =	shalt  }
0x79: {  	_ =	shalt  }
0x7a: {  	_ =	shalt  }
0x7b: {  	_ =	shalt  }
0x7c: {  	_ =	shalt  }
0x7d: {  	_ =	shalt  }
0x7e: {  	_ =	shalt  }
0x7f: {  	_ =	shalt  }
0x80: {  	_ =	shalt  }
0x81: {  	_ =	shalt  }
0x82: {  	_ =	shalt  }
0x83: {  	_ =	shalt  }
0x84: {  	_ =	shalt  }
0x85: {  	_ =	shalt  }
0x86: {  	_ =	shalt  }
0x87: {  	_ =	shalt  }
.Lfunc_end0:
.L_simem_size_0:
called_computation_lowered:
.L_overlay_start_0:
0x88: {  	s2 =	sld [smem:$0x3FD9]  }
0x89: {  	s3 =	sld [smem:$0x3FFE];
	_ =	sdelay $0x1  }
0x8a: {  	s1 =	srdreg.scid  }
0x8b: {  	s0 =	sand.u32 $0x1, s1  }
0x8c: {  	s17 =	sshll.u32 s0, $0xA;
	s2 =	sadd.s32 s3, s2  }
0x8d: {  	s2 =	sadd.s32 s2, s17  }
0x8e: {  	[smem:$0x3FC6] =	sst s2  }
0x8f: {  	_ = 	snop  }
0x90: {  	s2 =	sld [smem:$0x3FD0];
	(tm) =	ssettm $0x1  }
0x91: {  	s18 =	sld [smem:$0x3FFB];
	_ =	sdelay $0x3  }
0x92: {  	_ =	strace s18  }
0x93: {  	s3 =	sld [smem:$0x3FFC];
	_ =	sdelay $0x3  }
0x94: {  	_ =	strace s3  }
0x95: {  	s3 =	sld [smem:$0x3FFD];
	_ =	sdelay $0x3  }
0x96: {  	_ =	strace s3  }
0x97: {  	_ =	strace $0x8FFFFFFF  }
0x98: {  	s19 =	sld [smem:$0x3FDB];
	_ =	sdelay $0x1  }
0x99: {  	s4 =	simm.s32 $_scs_section_size  }
0x9a: {  	s5 =	simm.s32 $_size__tile_overlayer_lowered;
	s6 =	simm.s32 $_tile_overlayer_lowered  }
0x9b: {  	s22 =	simm.s32 $0x1BFF;
	s21 =	sshll.u32 s6, $0x1;
	s3 =	sadd.s32 s4, s19  }
0x9c: {  	s7 =	simm.s32 $0x0;
	s20 =	sshll.u32 s5, $0x1;
	s5 =	sadd.s32 s21, s3  }
0x9d: {  	[timem:s7], [sflag:s22] =	dma.local [hbm:s5], s20  }
0x9e: {  	_ =	swait.ge [sflag:s22], s20  }
0x9f: {  	s4 =	ssub.s32 $0x0, s20;
	[sflag:s22] =	ssyncset.done $0x0  }
0xa0: {  	[sflag:s22] =	ssyncadd.s32 s4;
	_ =	sdelay $0x1  }
0xa1: {  	s23 =	simm.s32 $0x1B8B  }
0xa2: {  	_ =	swait.ge [sflag:s23], $0x1  }
0xa3: {  	[sflag:s23] =	ssyncset.done $0x0  }
0xa4: {  	s25 =	simm.s32 $0x1B8E;
	s24 =	sld [smem:$0x3FFE];
	[sflag:s23] =	ssyncadd.s32 $0xFFFFFFFF  }
0xa5: {  	s26 =	simm.s32 $execute0_lowered;
	[smem:$0x3FD2] =	sst s25  }
0xa6: {  	s5 =	sshll.u32 s26, $0x1;
	_ =	strace $0x80000046;
	[dreg:$0x1] =	wrdreg $0xFFFFFFFF  }
0xa7: {  	s28 =	simm.s32 $_size_execute0_lowered;
	s3 =	sadd.s32 s3, s5;
	[dreg:$0x0] =	wrdreg $0x0  }
0xa8: {  	s5 =	sshll.u32 s28, $0x1;
	[dreg:$0x2] =	wrdreg s3  }
0xa9: {  	[dreg:$0x3] =	wrdreg s5  }
0xaa: {  	[dreg:$0x4] =	wrdreg $0xC0  }
0xab: {  	_ =	task [dreg:s7], $0x5FFFF  }
0xac: {  	[dreg:$0x1] =	wrdreg $0xFFFFFFFF  }
0xad: {  	[dreg:$0x0] =	wrdreg $0x60  }
0xae: {  	[dreg:$0x2] =	wrdreg s24  }
0xaf: {  	[dreg:$0x3] =	wrdreg s2  }
0xb0: {  	[dreg:$0x4] =	wrdreg $0x9  }
0xb1: {  	_ =	task.clear_ibuf [dreg:s7], $0x5FFFF;
	_ =	strace $0x90000046  }
0xb2: {  	s29 =	simm.s32 $0x9;
	_ =	strace $0x80000048  }
0xb3: {  	_ =	swait.ge [sflag:s29], $0x1  }
0xb4: {  	[sflag:s29] =	ssyncadd.s32 $0xFFFFFFFF  }
0xb5: {  	_ =	strace $0x90000048  }
0xb6: {  	_ =	sfence  }
0xb7: {  	s30 =	sld [smem:$0x0];
	_ =	sdelay $0x2  }
0xb8: {  	s31 =	sshll.u32 s1, $0xD;
	s1 =	sshrl.u32 s1, $0x2  }
0xb9: {  	s3 =	sand.u32 $0x4000, s31;
	s1 =	sadd.s32 s1, s30  }
0xba: {  	s0 =	sor.u32 s3, s0;
	s1 =	sshll.u32 s1, $0x11  }
0xbb: {  	s0 =	sor.u32 s1, s0  }
0xbc: {  	s0 =	sadd.s32 $0x8F2B, s0  }
0xbd: {  	[sflag:s0] =	ssyncadd.remote.s32 $0x1  }
0xbe: {  	_ =	sfence.sel $0xFFFF  }
0xbf: {  	[dreg:$0x0] =	wrdreg $0xFFFFFFFF;
	(pc) =	sbr.abs _section_cstart, $3  }
0xc0: {  	[dreg:$0x1] =	wrdreg $0xFFFFFFFF  }
0xc1: {  	_ =	task.clear_ibuf [dreg:s7], $0x2FFFF;
	_ =	strace $0x9FFFFFFF  }
0xc2: {  	(tm) =	ssettm $0x7FFFFFFF  }
0xc3: {  	_ =	shalt  }
tec
execute0_lowered:
.L_overlay_start_1:
0x0: {  	(tag) =	ssettag $0x1  }
0x1: {  	s0 =	srdreg.scid;
	s2 =	stileid.u32;
	v0 =	vlaneseq.u32  }
0x2: {  	s0 =	sand.u32 $0x1, s0;
	s3 =	sshll.u32 s2, $0x1;
	v3 =	vmul.u32 $0x4, v0  }
0x3: {  	s1 =	rddreg [dreg:$0x0];
	s5 =	sor.u32 s0, s3;
	s3 =	simm.s32 $0x0  }
0x4: {  	[smem:$0x7FF] =	sst s3;
	v0 =	vor.u32 $0x1, v3  }
0x5: {  	s2 =	rddreg [dreg:$0x1];
	_ =	strace $0x80000047;
	[tilespmem:$0x1FF50] =	vst v0  }
0x6: {  	s8 =	simm.s32 $0x3;
	v0 =	vor.u32 $0x2, v3;
	[tilespmem:$0x1FFF0] =	vst v3  }
0x7: {  	s10 =	simm.s32 $0x70;
	s13 =	simm.s32 $0x60;
	s24 =	simm.s32 $0x16270;
	[tilespmem:$0x1FF60] =	vst v0;
	v0 =	vor.u32 $0x3, v3  }
0x8: {  	s30 =	simm.s32 $0x1C50;
	s31 =	simm.s32 $0xEDF0;
	s9 =	simm.s32 $0x1D20;
	[tilespmem:$0x1FF70] =	vst v0;
	v0 =	vor.u32 $0x40, v3  }
0x9: {  	s11 =	simm.s32 $0x13DF0;
	s12 =	simm.s32 $0x16370;
	s14 =	simm.s32 $0x163B0;
	[tilespmem:$0x1FF80] =	vst v0;
	v0 =	vor.u32 $0x41, v3  }
0xa: {  	s15 =	simm.s32 $0x155F0;
	s16 =	simm.s32 $0x2;
	s0 =	ssub.s32 $0x2, s0;
	[tilespmem:$0x1FF90] =	vst v0;
	v0 =	vor.u32 $0x42, v3  }
0xb: {  	s18 =	simm.s32 $0x0;
	s4 =	smul.u32 $0x320, s5;
	s7 =	sshrl.u32 s0, $0x1;
	[tilespmem:$0x1FFA0] =	vst v0;
	v0 =	vor.u32 $0x43, v3  }
0xc: {  	s5 =	sshll.u32 s5, $0x5;
	s0 =	ssub.s32 s0, s7;
	s7 =	simm.s32 $0x1D90;
	[tilespmem:$0x1FFB0] =	vst v0;
	v0 =	vor.u32 $0x80, v3  }
0xd: {  	s6 =	sadd.s32 s4, s1;
	s4 =	sadd.s32 $0x494400, s1;
	s0 =	smax.u32 s0, $0x1;
	[tilespmem:$0x1FFC0] =	vst v0;
	v0 =	vor.u32 $0x81, v3  }
0xe: {  	s1 =	simm.s32 $0x1CC0;
	s29 =	sadd.s32 $0x600, s6;
	[dreg:$0x4] =	wrdreg s0;
	[tilespmem:$0x1FFD0] =	vst v0;
	v0 =	vor.u32 $0x82, v3  }
0xf: {  	s0 =	simm.s32 $0x109F0;
	s6 =	simm.s32 $0x121F0;
	[dreg:$0x3] =	wrdreg s29;
	[tilespmem:$0x1FFE0] =	vst v0  }
.LBB2_1:
0x10: {  	[dreg:$0x5] =	wrdreg s18  }
0x11: {  	s17 =	rddreg [dreg:$0x3]  }
0x12: {  	[tilespmem:s3], [sflag:$0x3] =	stream.linear.gather [hbm4b:s17+s3], $0x1900, $0x38;
	[tilespmem:$0x164B0] =	vst v63  }
0x13: {  	_ =	swait.ge [sflag:s8], $0x1900  }
0x14: {  	[sflag:s8] =	ssyncset.done $0x0  }
0x15: {  	v0 =	vimm.s32 $0x0;
	[sflag:s8] =	ssyncadd.s32 $0xFFFFE700  }
0x16: {  	s26 =	simm.s32 $0x163F0;
	[tilespmem:$0x1900] =	vst v0  }
0x17: {  	[tilespmem:s26], [sflag:$0x3] =	stream.linear.gather [hbm4b:s4+s3], $0xC0, $0x38;
	[tilespmem:$0x164B0] =	vst v63  }
0x18: {  	_ =	swait.ge [sflag:s8], $0xC0  }
0x19: {  	[sflag:s8] =	ssyncset.done $0x0  }
0x1a: {  	[sflag:s8] =	ssyncadd.s32 $0xFFFFFF40  }
0x1b: {  	v1 =	vld [tilespmem:$0x0]  }
0x1c: {  	v2 =	vld [tilespmem:$0x10]  }
0x1d: {  	v0 =	vimm.f32 $0.0e+00;
	v63 =	vld [tilespmem:$0x16420]  }
0x1e: {  	[tilespmem:$0x16330] =	vst v0;
	v22 =	vld [tilespmem:$0x163F0]  }
0x1f: {  	[tilespmem:$0x16340] =	vst v0;
	v23 =	vld [tilespmem:$0x16400]  }
0x20: {  	[tilespmem:$0x16350] =	vst v0;
	v24 =	vld [tilespmem:$0x16410]  }
0x21: {  	[tilespmem:$0x16360] =	vst v0;
	v61 =	vld [tilespmem:$0x16430];
	v4 =	vmul.u32 $0x3, v1  }
0x22: {  	[tilespmem:$0x1FEA0] =	vst v63  }
0x23: {  	v5 =	vld [tilespmem:$0x20];
	[tilespmem:$0x1FED0] =	vst v22;
	v4 =	vadd.s32 $0xFFFFFFFD, v4  }
0x24: {  	[tilespmem:$0x1FEE0] =	vst v23;
	vm0 =	vgt.s32 v4, $0x0  }
0x25: {  	v6 =	vmul.u32 $0x3, v2;
	[tilespmem:$0x1FEF0] =	vst v24;
	v4 =	vnsel vm0, $0x0, v4  }
0x26: {  	v0 =	vimm.f32 $1.000000000e+00;
	[tilespmem:$0x1FF00] =	vst v61;
	v4 =	vmin.u32 v4, $0x493DA  }
0x27: {  	vm4 =	veq.s32 v1, $0x0;
	v6 =	vadd.s32 $0xFFFFFFFD, v6;
	[tilespmem:$0x1910] =	vst v4;
	v7 =	vadd.s32 $0x1, v4  }
0x28: {  	v1 =	vld [tilespmem:$0x30];
	v40 =	vmul.u32 $0x3, v5;
	vm1 =	vgt.s32 v6, $0x0;
	v4 =	vadd.s32 $0x2, v4;
	[tilespmem:$0x19E0] =	vst v7  }
0x29: {  	vm5 =	veq.s32 v2, $0x0;
	v2 =	vld [tilespmem:$0x40];
	v6 =	vnsel vm1, $0x0, v6;
	[tilespmem:$0x1AB0] =	vst v4;
	v4 =	vsel vm4, $0x0, v0  }
0x2a: {  	[tilespmem:$0x16270] =	vst v4;
	v4 =	vmin.u32 v6, $0x493DA  }
0x2b: {  	v7 =	vadd.s32 $0xFFFFFFFD, v40;
	[tilespmem:$0x1920] =	vst v4;
	v6 =	vadd.s32 $0x1, v4  }
0x2c: {  	vm6 =	vgt.s32 v7, $0x0;
	v4 =	vadd.s32 $0x2, v4;
	[tilespmem:$0x19F0] =	vst v6  }
0x2d: {  	v42 =	vmul.u32 $0x3, v1;
	v41 =	vnsel vm6, $0x0, v7;
	[tilespmem:$0x1AC0] =	vst v4;
	v4 =	vsel vm5, $0x0, v0  }
0x2e: {  	vm7 =	veq.s32 v5, $0x0;
	v5 =	vld [tilespmem:$0x50];
	v44 =	vmul.u32 $0x3, v2;
	[tilespmem:$0x16280] =	vst v4;
	v4 =	vmin.u32 v41, $0x493DA  }
0x2f: {  	vm11 =	veq.s32 v2, $0x0;
	v2 =	vld [tilespmem:$0x70];
	v7 =	vadd.s32 $0xFFFFFFFD, v42;
	[tilespmem:$0x1930] =	vst v4;
	v6 =	vadd.s32 $0x1, v4  }
0x30: {  	vm8 =	vgt.s32 v7, $0x0;
	v4 =	vadd.s32 $0x2, v4;
	[tilespmem:$0x1A00] =	vst v6  }
0x31: {  	v43 =	vnsel vm8, $0x0, v7;
	[tilespmem:$0x1AD0] =	vst v4;
	v4 =	vsel vm7, $0x0, v0  }
0x32: {  	vm9 =	veq.s32 v1, $0x0;
	v1 =	vld [tilespmem:$0x60];
	[tilespmem:$0x16290] =	vst v4;
	v4 =	vmin.u32 v43, $0x493DA  }
0x33: {  	v46 =	vmul.u32 $0x3, v5;
	v7 =	vadd.s32 $0xFFFFFFFD, v44;
	[tilespmem:$0x1940] =	vst v4;
	v6 =	vadd.s32 $0x1, v4  }
0x34: {  	v50 =	vmul.u32 $0x3, v2;
	vm10 =	vgt.s32 v7, $0x0;
	v4 =	vadd.s32 $0x2, v4;
	[tilespmem:$0x1A10] =	vst v6  }
0x35: {  	vm5 =	veq.s32 v2, $0x0;
	v2 =	vld [tilespmem:$0xA0];
	v45 =	vnsel vm10, $0x0, v7;
	[tilespmem:$0x1AE0] =	vst v4;
	v4 =	vsel vm9, $0x0, v0  }
0x36: {  	[tilespmem:$0x162A0] =	vst v4;
	v4 =	vmin.u32 v45, $0x493DA  }
0x37: {  	v48 =	vmul.u32 $0x3, v1;
	v7 =	vadd.s32 $0xFFFFFFFD, v46;
	[tilespmem:$0x1950] =	vst v4;
	v6 =	vadd.s32 $0x1, v4  }
0x38: {  	vm15 =	veq.s32 v1, $0x0;
	v1 =	vld [tilespmem:$0x90];
	vm12 =	vgt.s32 v7, $0x0;
	v4 =	vadd.s32 $0x2, v4;
	[tilespmem:$0x1A20] =	vst v6  }
0x39: {  	v47 =	vnsel vm12, $0x0, v7;
	[tilespmem:$0x1AF0] =	vst v4;
	v4 =	vsel vm11, $0x0, v0  }
0x3a: {  	vm11 =	veq.s32 v2, $0x0;
	[tilespmem:$0x162B0] =	vst v4;
	v4 =	vmin.u32 v47, $0x493DA  }
0x3b: {  	v56 =	vmul.u32 $0x3, v2;
	v2 =	vsel vm11, $0x0, v0;
	[tilespmem:$0x1960] =	vst v4  }
0x3c: {  	vm13 =	veq.s32 v5, $0x0;
	v7 =	vadd.s32 $0xFFFFFFFD, v48;
	v6 =	vadd.s32 $0x1, v4;
	[tilespmem:$0x16310] =	vst v2  }
0x3d: {  	v5 =	vld [tilespmem:$0x80];
	v54 =	vmul.u32 $0x3, v1;
	vm14 =	vgt.s32 v7, $0x0;
	v4 =	vadd.s32 $0x2, v4;
	[tilespmem:$0x1A30] =	vst v6  }
0x3e: {  	vm9 =	veq.s32 v1, $0x0;
	v1 =	vld [tilespmem:$0xC0];
	v49 =	vnsel vm14, $0x0, v7;
	[tilespmem:$0x1B00] =	vst v4;
	v4 =	vsel vm13, $0x0, v0  }
0x3f: {  	[tilespmem:$0x162C0] =	vst v4;
	v4 =	vmin.u32 v49, $0x493DA  }
0x40: {  	v7 =	vadd.s32 $0xFFFFFFFD, v50;
	[tilespmem:$0x1970] =	vst v4;
	v6 =	vadd.s32 $0x1, v4  }
0x41: {  	vm4 =	vgt.s32 v7, $0x0;
	v4 =	vadd.s32 $0x2, v4;
	[tilespmem:$0x1A40] =	vst v6  }
0x42: {  	v51 =	vnsel vm4, $0x0, v7;
	[tilespmem:$0x1B10] =	vst v4;
	v4 =	vsel vm15, $0x0, v0  }
0x43: {  	v52 =	vmul.u32 $0x3, v5;
	vm15 =	veq.s32 v1, $0x0;
	[tilespmem:$0x162D0] =	vst v4;
	v4 =	vmin.u32 v51, $0x493DA  }
0x44: {  	v59 =	vmul.u32 $0x3, v1;
	v1 =	vsel vm15, $0x0, v0;
	[tilespmem:$0x1980] =	vst v4  }
0x45: {  	v7 =	vadd.s32 $0xFFFFFFFD, v52;
	v6 =	vadd.s32 $0x1, v4;
	[tilespmem:$0x16330] =	vst v1  }
0x46: {  	vm6 =	vgt.s32 v7, $0x0;
	v4 =	vadd.s32 $0x2, v4;
	[tilespmem:$0x1A50] =	vst v6  }
0x47: {  	v53 =	vnsel vm6, $0x0, v7;
	[tilespmem:$0x1B20] =	vst v4;
	v4 =	vsel vm5, $0x0, v0  }
0x48: {  	[tilespmem:$0x162E0] =	vst v4;
	v4 =	vmin.u32 v53, $0x493DA  }
0x49: {  	vm7 =	veq.s32 v5, $0x0;
	v5 =	vld [tilespmem:$0xB0];
	v7 =	vadd.s32 $0xFFFFFFFD, v54;
	[tilespmem:$0x1990] =	vst v4;
	v6 =	vadd.s32 $0x1, v4  }
0x4a: {  	vm8 =	vgt.s32 v7, $0x0;
	v4 =	vadd.s32 $0x2, v4;
	[tilespmem:$0x1A60] =	vst v6  }
0x4b: {  	v55 =	vnsel vm8, $0x0, v7;
	[tilespmem:$0x1B30] =	vst v4;
	v4 =	vsel vm7, $0x0, v0  }
0x4c: {  	[tilespmem:$0x162F0] =	vst v4;
	v4 =	vmin.u32 v55, $0x493DA  }
0x4d: {  	v7 =	vadd.s32 $0xFFFFFFFD, v56;
	[tilespmem:$0x19A0] =	vst v4;
	v6 =	vadd.s32 $0x1, v4  }
0x4e: {  	v58 =	vmul.u32 $0x3, v5;
	vm10 =	vgt.s32 v7, $0x0;
	v4 =	vadd.s32 $0x2, v4;
	[tilespmem:$0x1A70] =	vst v6  }
0x4f: {  	v57 =	vnsel vm10, $0x0, v7;
	[tilespmem:$0x1B40] =	vst v4;
	v4 =	vsel vm9, $0x0, v0  }
0x50: {  	v7 =	vadd.s32 $0xFFFFFFFD, v58;
	[tilespmem:$0x16300] =	vst v4;
	v4 =	vmin.u32 v57, $0x493DA  }
0x51: {  	vm12 =	vgt.s32 v7, $0x0;
	[tilespmem:$0x19B0] =	vst v4;
	v6 =	vadd.s32 $0x1, v4;
	v4 =	vadd.s32 $0x2, v4  }
0x52: {  	[tilespmem:$0x1B50] =	vst v4;
	v4 =	vnsel vm12, $0x0, v7  }
0x53: {  	[tilespmem:$0x1A80] =	vst v6;
	v2 =	vmin.u32 v4, $0x493DA  }
0x54: {  	v6 =	vadd.s32 $0xFFFFFFFD, v59;
	[tilespmem:$0x19C0] =	vst v2;
	v4 =	vadd.s32 $0x1, v2  }
0x55: {  	v62 =	vld [tilespmem:$0x16440];
	vm13 =	veq.s32 v5, $0x0;
	vm14 =	vgt.s32 v6, $0x0;
	v2 =	vadd.s32 $0x2, v2;
	[tilespmem:$0x1A90] =	vst v4  }
0x56: {  	v5 =	vld [tilespmem:$0x16450];
	v4 =	vsel vm13, $0x0, v0;
	[tilespmem:$0x1B60] =	vst v2;
	v2 =	vnsel vm14, $0x0, v6  }
0x57: {  	v27 =	vld [tilespmem:$0x16470];
	[tilespmem:$0x16320] =	vst v4;
	v2 =	vmin.u32 v2, $0x493DA  }
0x58: {  	v25 =	vld [tilespmem:$0x16490];
	[tilespmem:$0x19D0] =	vst v2;
	v4 =	vadd.s32 $0x1, v2  }
0x59: {  	v20 =	vld [tilespmem:$0x164A0];
	v2 =	vadd.s32 $0x2, v2;
	[tilespmem:$0x1AA0] =	vst v4  }
0x5a: {  	s28 =	simm.s32 $0x1910;
	s29 =	simm.s32 $0x1DF0;
	v63 =	vld [tilespmem:$0x16480];
	[tilespmem:$0x1B70] =	vst v2  }
0x5b: {  	[tilespmem:$0x1FEB0] =	vst v5;
	v5 =	vld [tilespmem:$0x16460];
	[tilespmem:s29], [sflag:$0x1] =	stream.indirect.gather [hbm4b:s4+s10], $0x40, s28, s10, $0xb8  }
0x5c: {  	s18 =	simm.s32 $0x1980;
	s19 =	simm.s32 $0x39F0;
	[tilespmem:$0x1FF10] =	vst v62  }
0x5d: {  	[tilespmem:s19], [sflag:$0x1] =	stream.indirect.gather [hbm4b:s4+s13], $0x40, s18, s13, $0xb8;
	[tilespmem:$0x164B0] =	vst v63  }
0x5e: {  	s20 =	simm.s32 $0x19E0;
	s21 =	simm.s32 $0x51F0;
	[tilespmem:$0x1FF20] =	vst v27  }
0x5f: {  	[tilespmem:s21], [sflag:$0x1] =	stream.indirect.gather [hbm4b:s4+s10], $0x40, s20, s10, $0xb8;
	[tilespmem:$0x164B0] =	vst v63  }
0x60: {  	s22 =	simm.s32 $0x1A50;
	s23 =	simm.s32 $0x6DF0;
	[tilespmem:$0x1FF40] =	vst v25  }
0x61: {  	[tilespmem:s23], [sflag:$0x1] =	stream.indirect.gather [hbm4b:s4+s13], $0x40, s22, s13, $0xb8;
	[tilespmem:$0x164B0] =	vst v63  }
0x62: {  	s25 =	simm.s32 $0x1AB0;
	s26 =	simm.s32 $0x85F0;
	[tilespmem:$0x1FF30] =	vst v63  }
0x63: {  	[tilespmem:s26], [sflag:$0x1] =	stream.indirect.gather [hbm4b:s4+s10], $0x40, s25, s10, $0xb8;
	[tilespmem:$0x164B0] =	vst v63  }
0x64: {  	s17 =	simm.s32 $0x0;
	[tilespmem:$0x1FEC0] =	vst v5;
	s28 =	simm.s32 $0x1B20;
	s29 =	simm.s32 $0xA1F0  }
0x65: {  	[tilespmem:s29], [sflag:$0x1] =	stream.indirect.gather [hbm4b:s4+s13], $0x40, s28, s13, $0xb8;
	[tilespmem:$0x164B0] =	vst v63  }
.LBB2_2:
0x66: {  	v0 =	vld [tilespmem:$0x1FF50];
	_ =	sdelay $0x7  }
0x67: {  	v2 =	vld.idx.msk [tilespmem:v0+s24+$0x0], $0xffff  }
0x68: {  	v0 =	vld [tilespmem:$0x1FF60];
	_ =	sdelay $0x7  }
0x69: {  	v4 =	vld.idx.msk [tilespmem:v0+s24+$0x0], $0xffff  }
0x6a: {  	v0 =	vld [tilespmem:$0x1FF70];
	_ =	sdelay $0x3  }
0x6b: {  	v1 =	vld.idx.msk [tilespmem:v3+s24+$0x0], $0xffff;
	_ =	sdelay $0x3  }
0x6c: {  	v5 =	vld.idx.msk [tilespmem:v0+s24+$0x0], $0xffff  }
0x6d: {  	v1 =	vadd.f32 v2, v1;
	_ =	sdelay $0x1  }
0x6e: {  	v1 =	vadd.f32 v4, v1;
	_ =	sdelay $0x1  }
0x6f: {  	v1 =	vadd.f32 v5, v1;
	_ =	sdelay $0x1  }
0x70: {  	v2 =	vmax.f32 v1, $1.000000000e+00  }
0x71: {  	(erf) = vrcp.f32 v2;
	_ =	sdelay $0x3  }
0x72: {  	v0 =	vld [tilespmem:$0x1FF80];
	_ =	sdelay $0x4  }
0x73: {  	vm0 =	vgt.f32 v1, $0.0e+00;
	v2 =	vpop (erf)  }
0x74: {  	[tilespmem:$0x16370] =	vst v1;
	v1 =	vnsel vm0, $0x0, v2  }
0x75: {  	[tilespmem:$0x163B0] =	vst v1  }
0x76: {  	v1 =	vld.idx.msk [tilespmem:v0+s24+$0x0], $0xffff  }
0x77: {  	v0 =	vld [tilespmem:$0x1FF90];
	_ =	sdelay $0x7  }
0x78: {  	v2 =	vld.idx.msk [tilespmem:v0+s24+$0x0], $0xffff  }
0x79: {  	v0 =	vld [tilespmem:$0x1FFA0];
	_ =	sdelay $0x7  }
0x7a: {  	v4 =	vld.idx.msk [tilespmem:v0+s24+$0x0], $0xffff  }
0x7b: {  	v0 =	vld [tilespmem:$0x1FFB0];
	_ =	sdelay $0x7  }
0x7c: {  	v5 =	vld.idx.msk [tilespmem:v0+s24+$0x0], $0xffff  }
0x7d: {  	v1 =	vadd.f32 v2, v1;
	_ =	sdelay $0x1  }
0x7e: {  	v1 =	vadd.f32 v4, v1;
	_ =	sdelay $0x1  }
0x7f: {  	v1 =	vadd.f32 v5, v1;
	_ =	sdelay $0x1  }
0x80: {  	v2 =	vmax.f32 v1, $1.000000000e+00  }
0x81: {  	(erf) = vrcp.f32 v2;
	_ =	sdelay $0x3  }
0x82: {  	v0 =	vld [tilespmem:$0x1FFC0];
	_ =	sdelay $0x4  }
0x83: {  	vm11 =	vgt.f32 v1, $0.0e+00;
	v2 =	vpop (erf)  }
0x84: {  	[tilespmem:$0x16380] =	vst v1;
	v1 =	vnsel vm11, $0x0, v2  }
0x85: {  	[tilespmem:$0x163C0] =	vst v1  }
0x86: {  	v1 =	vld.idx.msk [tilespmem:v0+s24+$0x0], $0xffff  }
0x87: {  	v0 =	vld [tilespmem:$0x1FFD0];
	_ =	sdelay $0x7  }
0x88: {  	v2 =	vld.idx.msk [tilespmem:v0+s24+$0x0], $0xffff  }
0x89: {  	v0 =	vld [tilespmem:$0x1FFE0];
	_ =	sdelay $0x4  }
0x8a: {  	v5 =	vor.u32 $0x83, v3;
	_ =	sdelay $0x2  }
0x8b: {  	v4 =	vld.idx.msk [tilespmem:v0+s24+$0x0], $0xffff;
	_ =	sdelay $0x1  }
0x8c: {  	[tilespmem:$0x1FD40] =	vst v5;
	v5 =	vld.idx.msk [tilespmem:v5+s24+$0x0], $0xffff  }
0x8d: {  	v1 =	vadd.f32 v2, v1;
	_ =	sdelay $0x1  }
0x8e: {  	v1 =	vadd.f32 v4, v1;
	_ =	sdelay $0x1  }
0x8f: {  	v1 =	vadd.f32 v5, v1;
	_ =	sdelay $0x1  }
0x90: {  	v2 =	vmax.f32 v1, $1.000000000e+00  }
0x91: {  	(erf) = vrcp.f32 v2;
	_ =	sdelay $0x6  }
0x92: {  	v0 =	vor.u32 $0xC0, v3  }
0x93: {  	v4 =	vor.u32 $0xC1, v3  }
0x94: {  	vm12 =	vgt.f32 v1, $0.0e+00;
	v2 =	vpop (erf)  }
0x95: {  	v5 =	vor.u32 $0xC2, v3;
	[tilespmem:$0x16390] =	vst v1;
	v1 =	vnsel vm12, $0x0, v2  }
0x96: {  	[tilespmem:$0x163D0] =	vst v1  }
0x97: {  	[tilespmem:$0x1FD50] =	vst v0;
	v1 =	vld.idx.msk [tilespmem:v0+s24+$0x0], $0xffff;
	v0 =	vor.u32 $0xC3, v3  }
0x98: {  	v2 =	vld.idx.msk [tilespmem:v4+s24+$0x0], $0xffff;
	_ =	sdelay $0x1  }
0x99: {  	[tilespmem:$0x1FD60] =	vst v4;
	v4 =	vld.idx.msk [tilespmem:v5+s24+$0x0], $0xffff;
	_ =	sdelay $0x1  }
0x9a: {  	[tilespmem:$0x1FD70] =	vst v5;
	v5 =	vld.idx.msk [tilespmem:v0+s24+$0x0], $0xffff  }
0x9b: {  	v1 =	vadd.f32 v2, v1;
	_ =	sdelay $0x1  }
0x9c: {  	v1 =	vadd.f32 v4, v1;
	_ =	sdelay $0x1  }
0x9d: {  	v1 =	vadd.f32 v5, v1;
	_ =	sdelay $0x1  }
0x9e: {  	v2 =	vmax.f32 v1, $1.000000000e+00  }
0x9f: {  	(erf) = vrcp.f32 v2;
	_ =	sdelay $0x8  }
0xa0: {  	[tilespmem:$0x1FD80] =	vst v0;
	vm13 =	vgt.f32 v1, $0.0e+00;
	v2 =	vpop (erf)  }
0xa1: {  	[tilespmem:$0x163A0] =	vst v1;
	v1 =	vnsel vm13, $0x0, v2  }
0xa2: {  	s19 =	simm.s32 $0x1;
	[tilespmem:$0x163E0] =	vst v1  }
0xa3: {  	_ =	swait.ge [sflag:s19], $0x1C00  }
0xa4: {  	[sflag:s19] =	ssyncset.done $0x0  }
0xa5: {  	[sflag:s19] =	ssyncadd.s32 $0xFFFFE400  }
0xa6: {  	_ =	swait.ge [sflag:s19], $0x1800  }
0xa7: {  	[sflag:s19] =	ssyncset.done $0x0  }
0xa8: {  	[sflag:s19] =	ssyncadd.s32 $0xFFFFE800  }
0xa9: {  	_ =	swait.ge [sflag:s19], $0x1C00  }
0xaa: {  	[sflag:s19] =	ssyncset.done $0x0  }
0xab: {  	[sflag:s19] =	ssyncadd.s32 $0xFFFFE400  }
0xac: {  	_ =	swait.ge [sflag:s19], $0x1800  }
0xad: {  	[sflag:s19] =	ssyncset.done $0x0  }
0xae: {  	[sflag:s19] =	ssyncadd.s32 $0xFFFFE800  }
0xaf: {  	_ =	swait.ge [sflag:s19], $0x1C00  }
0xb0: {  	[sflag:s19] =	ssyncset.done $0x0  }
0xb1: {  	s18 =	sshllo.u32 s17, $0x1;
	[sflag:s19] =	ssyncadd.s32 $0xFFFFE400  }
0xb2: {  	s20 =	smul.u32 $0x320, s18;
	_ =	swait.ge [sflag:s19], $0x1800  }
0xb3: {  	[sflag:s19] =	ssyncset.done $0x0  }
0xb4: {  	s20 =	sshra.s32 s20, $0x2;
	[sflag:s19] =	ssyncadd.s32 $0xFFFFE800  }
0xb5: {  	v1 =	vld [tilespmem:s20+$0x0];
	_ =	sdelay $0x4  }
0xb6: {  	v2 =	vmul.u32 $0x3, v1;
	_ =	sdelay $0x1  }
0xb7: {  	v2 =	vadd.s32 $0xFFFFFFFD, v2  }
0xb8: {  	v0 =	vimm.f32 $1.000000000e+00;
	vm15 =	veq.s32 v1, $0x0;
	vm14 =	vgt.s32 v2, $0x0  }
0xb9: {  	v1 =	vsel vm15, $0x0, v0;
	v2 =	vnsel vm14, $0x0, v2  }
0xba: {  	[tilespmem:$0x16270] =	vst v1;
	v2 =	vmin.u32 v2, $0x493DA  }
0xbb: {  	[tilespmem:$0x1B80] =	vst v2;
	v4 =	vadd.s32 $0x1, v2  }
0xbc: {  	v2 =	vadd.s32 $0x2, v2;
	[tilespmem:$0x1C50] =	vst v4  }
0xbd: {  	[tilespmem:$0x1D20] =	vst v2  }
0xbe: {  	v1 =	vld [tilespmem:s20+$0x10];
	_ =	sdelay $0x4  }
0xbf: {  	v2 =	vmul.u32 $0x3, v1;
	_ =	sdelay $0x1  }
0xc0: {  	v2 =	vadd.s32 $0xFFFFFFFD, v2  }
0xc1: {  	vm5 =	veq.s32 v1, $0x0;
	vm4 =	vgt.s32 v2, $0x0  }
0xc2: {  	v1 =	vsel vm5, $0x0, v0;
	v2 =	vnsel vm4, $0x0, v2  }
0xc3: {  	[tilespmem:$0x16280] =	vst v1;
	v2 =	vmin.u32 v2, $0x493DA  }
0xc4: {  	[tilespmem:$0x1B90] =	vst v2;
	v4 =	vadd.s32 $0x1, v2  }
0xc5: {  	v2 =	vadd.s32 $0x2, v2;
	[tilespmem:$0x1C60] =	vst v4  }
0xc6: {  	[tilespmem:$0x1D30] =	vst v2  }
0xc7: {  	v1 =	vld [tilespmem:s20+$0x20];
	_ =	sdelay $0x4  }
0xc8: {  	v2 =	vmul.u32 $0x3, v1;
	_ =	sdelay $0x1  }
0xc9: {  	v2 =	vadd.s32 $0xFFFFFFFD, v2  }
0xca: {  	vm7 =	veq.s32 v1, $0x0;
	vm6 =	vgt.s32 v2, $0x0  }
0xcb: {  	v1 =	vsel vm7, $0x0, v0;
	v2 =	vnsel vm6, $0x0, v2  }
0xcc: {  	[tilespmem:$0x16290] =	vst v1;
	v2 =	vmin.u32 v2, $0x493DA  }
0xcd: {  	[tilespmem:$0x1BA0] =	vst v2;
	v4 =	vadd.s32 $0x1, v2  }
0xce: {  	v2 =	vadd.s32 $0x2, v2;
	[tilespmem:$0x1C70] =	vst v4  }
0xcf: {  	[tilespmem:$0x1D40] =	vst v2  }
0xd0: {  	v1 =	vld [tilespmem:s20+$0x30];
	_ =	sdelay $0x4  }
0xd1: {  	v2 =	vmul.u32 $0x3, v1;
	_ =	sdelay $0x1  }
0xd2: {  	v2 =	vadd.s32 $0xFFFFFFFD, v2  }
0xd3: {  	vm9 =	veq.s32 v1, $0x0;
	vm8 =	vgt.s32 v2, $0x0  }
0xd4: {  	v1 =	vsel vm9, $0x0, v0;
	v2 =	vnsel vm8, $0x0, v2  }
0xd5: {  	[tilespmem:$0x162A0] =	vst v1;
	v2 =	vmin.u32 v2, $0x493DA  }
0xd6: {  	[tilespmem:$0x1BB0] =	vst v2;
	v4 =	vadd.s32 $0x1, v2  }
0xd7: {  	v2 =	vadd.s32 $0x2, v2;
	[tilespmem:$0x1C80] =	vst v4  }
0xd8: {  	[tilespmem:$0x1D50] =	vst v2  }
0xd9: {  	v1 =	vld [tilespmem:s20+$0x40];
	_ =	sdelay $0x4  }
0xda: {  	v2 =	vmul.u32 $0x3, v1;
	_ =	sdelay $0x1  }
0xdb: {  	v2 =	vadd.s32 $0xFFFFFFFD, v2  }
0xdc: {  	vm11 =	veq.s32 v1, $0x0;
	vm10 =	vgt.s32 v2, $0x0  }
0xdd: {  	v1 =	vsel vm11, $0x0, v0;
	v2 =	vnsel vm10, $0x0, v2  }
0xde: {  	[tilespmem:$0x162B0] =	vst v1;
	v2 =	vmin.u32 v2, $0x493DA  }
0xdf: {  	[tilespmem:$0x1BC0] =	vst v2;
	v4 =	vadd.s32 $0x1, v2  }
0xe0: {  	v2 =	vadd.s32 $0x2, v2;
	[tilespmem:$0x1C90] =	vst v4  }
0xe1: {  	[tilespmem:$0x1D60] =	vst v2  }
0xe2: {  	v1 =	vld [tilespmem:s20+$0x50];
	_ =	sdelay $0x4  }
0xe3: {  	v2 =	vmul.u32 $0x3, v1;
	_ =	sdelay $0x1  }
0xe4: {  	v2 =	vadd.s32 $0xFFFFFFFD, v2  }
0xe5: {  	vm13 =	veq.s32 v1, $0x0;
	vm12 =	vgt.s32 v2, $0x0  }
0xe6: {  	v1 =	vsel vm13, $0x0, v0;
	v2 =	vnsel vm12, $0x0, v2  }
0xe7: {  	[tilespmem:$0x162C0] =	vst v1;
	v2 =	vmin.u32 v2, $0x493DA  }
0xe8: {  	[tilespmem:$0x1BD0] =	vst v2;
	v4 =	vadd.s32 $0x1, v2  }
0xe9: {  	v2 =	vadd.s32 $0x2, v2;
	[tilespmem:$0x1CA0] =	vst v4  }
0xea: {  	[tilespmem:$0x1D70] =	vst v2  }
0xeb: {  	v1 =	vld [tilespmem:s20+$0x60];
	_ =	sdelay $0x4  }
0xec: {  	v2 =	vmul.u32 $0x3, v1;
	_ =	sdelay $0x1  }
0xed: {  	v2 =	vadd.s32 $0xFFFFFFFD, v2  }
0xee: {  	vm15 =	veq.s32 v1, $0x0;
	vm14 =	vgt.s32 v2, $0x0  }
0xef: {  	v1 =	vsel vm15, $0x0, v0;
	v2 =	vnsel vm14, $0x0, v2  }
0xf0: {  	[tilespmem:$0x162D0] =	vst v1;
	v2 =	vmin.u32 v2, $0x493DA  }
0xf1: {  	[tilespmem:$0x1BE0] =	vst v2;
	v4 =	vadd.s32 $0x1, v2  }
0xf2: {  	v2 =	vadd.s32 $0x2, v2;
	[tilespmem:$0x1CB0] =	vst v4  }
0xf3: {  	[tilespmem:$0x1D80] =	vst v2  }
0xf4: {  	v1 =	vld [tilespmem:s20+$0x70];
	_ =	sdelay $0x4  }
0xf5: {  	v2 =	vmul.u32 $0x3, v1;
	_ =	sdelay $0x1  }
0xf6: {  	v2 =	vadd.s32 $0xFFFFFFFD, v2  }
0xf7: {  	vm5 =	veq.s32 v1, $0x0;
	vm4 =	vgt.s32 v2, $0x0  }
0xf8: {  	v1 =	vsel vm5, $0x0, v0;
	v2 =	vnsel vm4, $0x0, v2  }
0xf9: {  	[tilespmem:$0x162E0] =	vst v1;
	v2 =	vmin.u32 v2, $0x493DA  }
0xfa: {  	[tilespmem:$0x1BF0] =	vst v2;
	v4 =	vadd.s32 $0x1, v2  }
0xfb: {  	v2 =	vadd.s32 $0x2, v2;
	[tilespmem:$0x1CC0] =	vst v4  }
0xfc: {  	[tilespmem:$0x1D90] =	vst v2  }
0xfd: {  	v1 =	vld [tilespmem:s20+$0x80];
	_ =	sdelay $0x4  }
0xfe: {  	v2 =	vmul.u32 $0x3, v1;
	_ =	sdelay $0x1  }
0xff: {  	v2 =	vadd.s32 $0xFFFFFFFD, v2  }
0x100: {  	vm7 =	veq.s32 v1, $0x0;
	vm6 =	vgt.s32 v2, $0x0  }
0x101: {  	v1 =	vsel vm7, $0x0, v0;
	v2 =	vnsel vm6, $0x0, v2  }
0x102: {  	[tilespmem:$0x162F0] =	vst v1;
	v2 =	vmin.u32 v2, $0x493DA  }
0x103: {  	[tilespmem:$0x1C00] =	vst v2;
	v4 =	vadd.s32 $0x1, v2  }
0x104: {  	v2 =	vadd.s32 $0x2, v2;
	[tilespmem:$0x1CD0] =	vst v4  }
0x105: {  	[tilespmem:$0x1DA0] =	vst v2  }
0x106: {  	v1 =	vld [tilespmem:s20+$0x90];
	_ =	sdelay $0x4  }
0x107: {  	v2 =	vmul.u32 $0x3, v1;
	_ =	sdelay $0x1  }
0x108: {  	v2 =	vadd.s32 $0xFFFFFFFD, v2  }
0x109: {  	vm9 =	veq.s32 v1, $0x0;
	vm8 =	vgt.s32 v2, $0x0  }
0x10a: {  	v1 =	vsel vm9, $0x0, v0;
	v2 =	vnsel vm8, $0x0, v2  }
0x10b: {  	[tilespmem:$0x16300] =	vst v1;
	v2 =	vmin.u32 v2, $0x493DA  }
0x10c: {  	[tilespmem:$0x1C10] =	vst v2;
	v4 =	vadd.s32 $0x1, v2  }
0x10d: {  	v2 =	vadd.s32 $0x2, v2;
	[tilespmem:$0x1CE0] =	vst v4  }
0x10e: {  	[tilespmem:$0x1DB0] =	vst v2  }
0x10f: {  	v1 =	vld [tilespmem:s20+$0xA0];
	_ =	sdelay $0x4  }
0x110: {  	v2 =	vmul.u32 $0x3, v1;
	_ =	sdelay $0x1  }
0x111: {  	v2 =	vadd.s32 $0xFFFFFFFD, v2  }
0x112: {  	vm11 =	veq.s32 v1, $0x0;
	vm10 =	vgt.s32 v2, $0x0  }
0x113: {  	v1 =	vsel vm11, $0x0, v0;
	v2 =	vnsel vm10, $0x0, v2  }
0x114: {  	[tilespmem:$0x16310] =	vst v1;
	v2 =	vmin.u32 v2, $0x493DA  }
0x115: {  	[tilespmem:$0x1C20] =	vst v2;
	v4 =	vadd.s32 $0x1, v2  }
0x116: {  	v2 =	vadd.s32 $0x2, v2;
	[tilespmem:$0x1CF0] =	vst v4  }
0x117: {  	[tilespmem:$0x1DC0] =	vst v2  }
0x118: {  	v1 =	vld [tilespmem:s20+$0xB0];
	_ =	sdelay $0x4  }
0x119: {  	v2 =	vmul.u32 $0x3, v1;
	_ =	sdelay $0x1  }
0x11a: {  	v2 =	vadd.s32 $0xFFFFFFFD, v2  }
0x11b: {  	vm13 =	veq.s32 v1, $0x0;
	vm12 =	vgt.s32 v2, $0x0  }
0x11c: {  	v1 =	vsel vm13, $0x0, v0;
	v2 =	vnsel vm12, $0x0, v2  }
0x11d: {  	[tilespmem:$0x16320] =	vst v1;
	v2 =	vmin.u32 v2, $0x493DA  }
0x11e: {  	[tilespmem:$0x1C30] =	vst v2;
	v4 =	vadd.s32 $0x1, v2  }
0x11f: {  	v2 =	vadd.s32 $0x2, v2;
	[tilespmem:$0x1D00] =	vst v4  }
0x120: {  	[tilespmem:$0x1DD0] =	vst v2  }
0x121: {  	v1 =	vld [tilespmem:s20+$0xC0];
	_ =	sdelay $0x4  }
0x122: {  	v2 =	vmul.u32 $0x3, v1;
	_ =	sdelay $0x1  }
0x123: {  	v2 =	vadd.s32 $0xFFFFFFFD, v2  }
0x124: {  	vm15 =	veq.s32 v1, $0x0;
	vm14 =	vgt.s32 v2, $0x0  }
0x125: {  	v1 =	vsel vm15, $0x0, v0;
	v2 =	vnsel vm14, $0x0, v2  }
0x126: {  	[tilespmem:$0x16330] =	vst v1;
	v2 =	vmin.u32 v2, $0x493DA  }
0x127: {  	[tilespmem:$0x1C40] =	vst v2;
	v4 =	vadd.s32 $0x1, v2  }
0x128: {  	v2 =	vadd.s32 $0x2, v2;
	[tilespmem:$0x1D10] =	vst v4  }
0x129: {  	s26 =	simm.s32 $0x1B80;
	s21 =	simm.s32 $0xB9F0;
	[tilespmem:$0x1DE0] =	vst v2  }
0x12a: {  	[tilespmem:s21], [sflag:$0x2] =	stream.indirect.gather [hbm4b:s4+s10], $0x40, s26, s10, $0xb8;
	[tilespmem:$0x164B0] =	vst v63  }
0x12b: {  	s22 =	simm.s32 $0xD5F0;
	s21 =	simm.s32 $0x1BF0  }
0x12c: {  	[tilespmem:s22], [sflag:$0x2] =	stream.indirect.gather [hbm4b:s4+s13], $0x40, s21, s13, $0xb8;
	[tilespmem:$0x164B0] =	vst v63  }
0x12d: {  	_ = 	snop  }
0x12e: {  	[tilespmem:s31], [sflag:$0x2] =	stream.indirect.gather [hbm4b:s4+s10], $0x40, s30, s10, $0xb8;
	[tilespmem:$0x164B0] =	vst v63  }
0x12f: {  	_ = 	snop  }
0x130: {  	[tilespmem:s0], [sflag:$0x2] =	stream.indirect.gather [hbm4b:s4+s13], $0x40, s1, s13, $0xb8;
	[tilespmem:$0x164B0] =	vst v63  }
0x131: {  	_ = 	snop  }
0x132: {  	[tilespmem:s6], [sflag:$0x2] =	stream.indirect.gather [hbm4b:s4+s10], $0x40, s9, s10, $0xb8;
	[tilespmem:$0x164B0] =	vst v63  }
0x133: {  	s20 =	simm.s32 $0x1F70  }
0x134: {  	[tilespmem:s11], [sflag:$0x2] =	stream.indirect.gather [hbm4b:s4+s13], $0x40, s7, s13, $0xb8;
	[tilespmem:$0x164B0] =	vst v63  }
0x135: {  	v0 =	vld [tilespmem:s20+$0x140];
	_ =	sdelay $0x4  }
0x136: {  	s23 =	simm.s32 $0x5370;
	v4 =	vmov s19;
	[tilespmem:$0x1FDB0] =	vst v0  }
0x137: {  	s25 =	simm.s32 $0x8770;
	v19 =	vmov v62;
	v62 =	vld [tilespmem:s23+$0x30]  }
0x138: {  	v21 =	vmov v63;
	s22 =	simm.s32 $0x2;
	v63 =	vld [tilespmem:s25+$0xB0]  }
0x139: {  	v5 =	vmov s22;
	v12 =	vld [tilespmem:s23+$0xFFFFFFB0]  }
0x13a: {  	v13 =	vld [tilespmem:s23+$0xFFFFFFF0]  }
0x13b: {  	v14 =	vld.idx.msk [tilespmem:v4+s12+$0x0], $0xffff  }
0x13c: {  	v0 =	vld [tilespmem:s20+$0x150]  }
0x13d: {  	v28 =	vld [tilespmem:s25+$0xF0]  }
0x13e: {  	v29 =	vld.idx.msk [tilespmem:v5+s12+$0x0], $0xffff  }
0x13f: {  	v30 =	vld [tilespmem:s25+$0x130]  }
0x140: {  	v31 =	vld [tilespmem:s23+$0x70]  }
0x141: {  	v56 =	vld [tilespmem:s25+$0x170];
	[tilespmem:$0x1FDC0] =	vst v0  }
0x142: {  	v0 =	vld [tilespmem:s20+$0x160];
	_ =	sdelay $0x4  }
0x143: {  	[tilespmem:$0x1FDE0] =	vst v0  }
0x144: {  	v0 =	vld [tilespmem:s20+$0x100];
	_ =	sdelay $0x4  }
0x145: {  	v37 =	vld [tilespmem:s20+$0x170];
	[tilespmem:$0x1FD90] =	vst v0  }
0x146: {  	v0 =	vld [tilespmem:s20+$0x110];
	_ =	sdelay $0x4  }
0x147: {  	[tilespmem:$0x1FDA0] =	vst v0  }
0x148: {  	v0 =	vld [tilespmem:s20+$0x120];
	_ =	sdelay $0x4  }
0x149: {  	v36 =	vld.idx.msk [tilespmem:v4+s14+$0x0], $0xffff;
	[tilespmem:$0x1FDD0] =	vst v0  }
0x14a: {  	v0 =	vld [tilespmem:s23+$0x140];
	_ =	sdelay $0x1  }
0x14b: {  	v17 =	vld [tilespmem:$0x1FEC0]  }
0x14c: {  	v18 =	vld [tilespmem:$0x1FEB0]  }
0x14d: {  	v1 =	vld.msk [tilespmem:s12+$0x0], $0xffff  }
0x14e: {  	v38 =	vld [tilespmem:s20+$0x130];
	[tilespmem:$0x1FE10] =	vst v0  }
0x14f: {  	v0 =	vld [tilespmem:s23+$0x150]  }
0x150: {  	v2 =	vld [tilespmem:$0x1DF0]  }
0x151: {  	v6 =	vld [tilespmem:$0x1E30]  }
0x152: {  	v7 =	vld [tilespmem:$0x1E70]  }
0x153: {  	v8 =	vld [tilespmem:$0x1EB0]  }
0x154: {  	v9 =	vld [tilespmem:$0x1E00];
	[tilespmem:$0x1FE40] =	vst v0  }
0x155: {  	v0 =	vld [tilespmem:s23+$0x160]  }
0x156: {  	v10 =	vld [tilespmem:$0x1E40]  }
0x157: {  	v11 =	vld [tilespmem:$0x1E80]  }
0x158: {  	v33 =	vld [tilespmem:$0x1EC0]  }
0x159: {  	v34 =	vld [tilespmem:$0x1E10]  }
0x15a: {  	v35 =	vld [tilespmem:$0x1E50];
	[tilespmem:$0x1FE50] =	vst v0  }
0x15b: {  	v0 =	vld [tilespmem:s23+$0x170]  }
0x15c: {  	v39 =	vld [tilespmem:$0x1E90]  }
0x15d: {  	v40 =	vld [tilespmem:$0x1ED0]  }
0x15e: {  	v41 =	vld [tilespmem:$0x1E20]  }
0x15f: {  	v42 =	vld [tilespmem:$0x1E60]  }
0x160: {  	v43 =	vld [tilespmem:$0x1EA0];
	[tilespmem:$0x1FE70] =	vst v0  }
0x161: {  	v5 =	vld [tilespmem:s20+$0x80]  }
0x162: {  	v16 =	vld [tilespmem:s23+$0x100]  }
0x163: {  	v4 =	vld [tilespmem:s20+$0xC0]  }
0x164: {  	v3 =	vld [tilespmem:s20+$0x90]  }
0x165: {  	v0 =	vld [tilespmem:s20+$0xD0]  }
0x166: {  	v32 =	vld [tilespmem:s20+$0xA0]  }
0x167: {  	v15 =	vld [tilespmem:s20+$0xE0];
	[tilespmem:$0x1FDF0] =	vst v16  }
0x168: {  	v16 =	vld [tilespmem:s23+$0x110]  }
0x169: {  	v44 =	vld [tilespmem:$0x1EE0]  }
0x16a: {  	v45 =	vld [tilespmem:$0x51F0]  }
0x16b: {  	v46 =	vld [tilespmem:$0x5230]  }
0x16c: {  	v47 =	vld [tilespmem:$0x5270]  }
0x16d: {  	v48 =	vld [tilespmem:$0x52B0];
	[tilespmem:$0x1FE20] =	vst v16  }
0x16e: {  	v16 =	vld [tilespmem:s23+$0x120]  }
0x16f: {  	v49 =	vld [tilespmem:$0x5200]  }
0x170: {  	v50 =	vld [tilespmem:$0x5240]  }
0x171: {  	v51 =	vld [tilespmem:$0x5280]  }
0x172: {  	v52 =	vld [tilespmem:$0x52C0];
	v9 =	vadd.f32 v10, v9  }
0x173: {  	v53 =	vld [tilespmem:$0x5210];
	v2 =	vadd.f32 v6, v2;
	[tilespmem:$0x1FE30] =	vst v16  }
0x174: {  	v9 =	vadd.f32 v11, v9;
	v16 =	vld [tilespmem:s23+$0x130]  }
0x175: {  	v54 =	vld [tilespmem:$0x5250];
	v49 =	vadd.f32 v50, v49;
	v2 =	vadd.f32 v7, v2  }
0x176: {  	v55 =	vld [tilespmem:$0x5290];
	v9 =	vadd.f32 v33, v9;
	v33 =	vadd.f32 v42, v41  }
0x177: {  	v26 =	vmov v61;
	v61 =	vld [tilespmem:$0x52D0];
	v2 =	vadd.f32 v8, v2;
	v8 =	vadd.f32 v35, v34  }
0x178: {  	v57 =	vld [tilespmem:$0x5220];
	v7 =	vsub.f32 $4.000000000e+00, v1;
	v33 =	vadd.f32 v43, v33  }
0x179: {  	v58 =	vld [tilespmem:$0x5260];
	v42 =	vadd.f32 v39, v8;
	v39 =	vadd.f32 v46, v45;
	[tilespmem:$0x1FE60] =	vst v16  }
0x17a: {  	v12 =	vadd.f32 v13, v12;
	v33 =	vadd.f32 v44, v33;
	v1 =	vld [tilespmem:s23+$0x90]  }
0x17b: {  	v59 =	vld [tilespmem:$0x52A0];
	v44 =	vadd.f32 v47, v39;
	v47 =	vadd.f32 v51, v49  }
0x17c: {  	v12 =	vadd.f32 v62, v12;
	v16 =	vld [tilespmem:$0x1FEA0]  }
0x17d: {  	v60 =	vld [tilespmem:$0x52E0];
	v49 =	vadd.f32 v52, v47;
	v47 =	vsub.f32 $4.000000000e+00, v14  }
0x17e: {  	v34 =	vmul.f32 v7, v22;
	v6 =	vld [tilespmem:s23+$0x80]  }
0x17f: {  	v41 =	vmul.f32 v7, v23;
	v12 =	vadd.f32 v31, v12;
	v62 =	vmul.f32 v47, v17;
	v10 =	vld [tilespmem:s23+$0xC0];
	[tilespmem:$0x1FE00] =	vst v1  }
0x180: {  	v2 =	vsub.f32 v2, v34;
	v34 =	vadd.f32 v40, v42;
	v40 =	vmul.f32 v7, v24;
	v11 =	vld [tilespmem:s23+$0xD0]  }
0x181: {  	v12 =	vsub.f32 v12, v62;
	v50 =	vmul.f32 v7, v16;
	v35 =	vld [tilespmem:s23+$0xA0]  }
0x182: {  	v1 =	vld [tilespmem:s23+$0xE0];
	[tilespmem:$0x1FE80] =	vst v2;
	v2 =	vsub.f32 v9, v41;
	v41 =	vsub.f32 v34, v40  }
0x183: {  	v33 =	vsub.f32 v33, v50;
	v34 =	vadd.f32 v48, v44;
	v48 =	vmul.f32 v7, v26;
	v62 =	vld [tilespmem:$0x1FE00]  }
0x184: {  	v40 =	vadd.f32 v54, v53;
	v50 =	vadd.f32 v58, v57;
	v57 =	vmul.f32 v7, v19;
	v8 =	vld [tilespmem:s23+$0xB0]  }
0x185: {  	v39 =	vsub.f32 v34, v48;
	v48 =	vld [tilespmem:$0x1FDA0]  }
0x186: {  	[tilespmem:$0x1FE90] =	vst v2;
	v58 =	vadd.f32 v55, v40;
	v40 =	vsub.f32 v49, v57;
	v49 =	vld [tilespmem:$0x1FDB0]  }
0x187: {  	v2 =	vld [tilespmem:s23+$0xF0]  }
0x188: {  	v45 =	vld [tilespmem:s25+$0x140]  }
0x189: {  	v46 =	vld [tilespmem:s25+$0x150]  }
0x18a: {  	v9 =	vld [tilespmem:s25+$0x160]  }
0x18b: {  	v51 =	vld [tilespmem:s25+$0x100]  }
0x18c: {  	v53 =	vld [tilespmem:s25+$0x110]  }
0x18d: {  	v54 =	vld [tilespmem:s25+$0x120]  }
0x18e: {  	v52 =	vld [tilespmem:s25+$0x80]  }
0x18f: {  	v55 =	vld [tilespmem:s25+$0xC0]  }
0x190: {  	v13 =	vld [tilespmem:s25+$0x90]  }
0x191: {  	v28 =	vadd.f32 v28, v63;
	v57 =	vld [tilespmem:s25+$0xD0]  }
0x192: {  	v14 =	vld [tilespmem:s25+$0xA0]  }
0x193: {  	v28 =	vadd.f32 v30, v28;
	v30 =	vld [tilespmem:s25+$0xE0]  }
0x194: {  	v44 =	vsub.f32 $4.000000000e+00, v29;
	v29 =	vld [tilespmem:s23+$0xFFFFFF80]  }
0x195: {  	v28 =	vadd.f32 v56, v28;
	v56 =	vld [tilespmem:s23+$0xFFFFFF90]  }
0x196: {  	v0 =	vadd.f32 v0, v3;
	v3 =	vld [tilespmem:s23+$0xFFFFFFD0]  }
0x197: {  	v31 =	vld [tilespmem:s23+$0xFFFFFFE0]  }
0x198: {  	v4 =	vadd.f32 v4, v5;
	v15 =	vadd.f32 v15, v32;
	v63 =	vmul.f32 v44, v20;
	v32 =	vld [tilespmem:s20+$0xFFFFFF80]  }
0x199: {  	v6 =	vadd.f32 v10, v6;
	v59 =	vadd.f32 v59, v50;
	v10 =	vld [tilespmem:s20+$0xFFFFFF90]  }
0x19a: {  	v5 =	vadd.f32 v12, v33;
	v12 =	vsub.f32 v28, v63;
	v28 =	vld [tilespmem:s23+$0xFFFFFFA0]  }
0x19b: {  	v34 =	vadd.f32 v61, v58;
	v58 =	vld [tilespmem:s20+$0xFFFFFFC0]  }
0x19c: {  	v60 =	vadd.f32 v60, v59;
	v59 =	vld [tilespmem:s20+$0xFFFFFFE0]  }
0x19d: {  	v61 =	vmul.f32 v7, v18;
	v7 =	vmul.f32 v7, v17;
	v63 =	vld [tilespmem:$0x1FE20]  }
0x19e: {  	v11 =	vadd.f32 v11, v62;
	v62 =	vld [tilespmem:$0x1FE60]  }
0x19f: {  	v43 =	vsub.f32 v60, v7;
	v7 =	vld [tilespmem:s23+$0xFFFFFFC0]  }
0x1a0: {  	v42 =	vsub.f32 v34, v61;
	v34 =	vld [tilespmem:$0x1FD90]  }
0x1a1: {  	v60 =	vld [tilespmem:$0x1FDC0]  }
0x1a2: {  	v61 =	vld [tilespmem:$0x1FDD0]  }
0x1a3: {  	v2 =	vadd.f32 v2, v8;
	v8 =	vld [tilespmem:$0x1FE40]  }
0x1a4: {  	v0 =	vadd.f32 v48, v0;
	v13 =	vadd.f32 v57, v13;
	v57 =	vld [tilespmem:s25+$0xFFFFFFD0]  }
0x1a5: {  	v3 =	vadd.f32 v3, v56;
	v56 =	vld [tilespmem:s23+$0x50];
	v4 =	vadd.f32 v34, v4  }
0x1a6: {  	v5 =	vadd.f32 v12, v5;
	v12 =	vmul.f32 v44, v22;
	v0 =	vadd.f32 v60, v0;
	v60 =	vld [tilespmem:$0x1FE30]  }
0x1a7: {  	v11 =	vadd.f32 v63, v11;
	v63 =	vmul.f32 v44, v17;
	v17 =	vld [tilespmem:$0x1FE70];
	v4 =	vadd.f32 v49, v4  }
0x1a8: {  	v5 =	vmul.f32 v5, v36;
	v15 =	vadd.f32 v61, v15;
	v61 =	vld [tilespmem:$0x1FE50]  }
0x1a9: {  	v1 =	vadd.f32 v1, v35;
	v34 =	vsub.f32 v4, v12;
	v4 =	vld [tilespmem:$0x1FDE0]  }
0x1aa: {  	v50 =	vmul.f32 v44, v23;
	v5 =	vadd.f32 v5, v5;
	v13 =	vadd.f32 v53, v13;
	v53 =	vld [tilespmem:s25+$0xFFFFFFF0]  }
0x1ab: {  	v7 =	vadd.f32 v7, v29;
	v29 =	vld [tilespmem:s25+$0xFFFFFFB0];
	v1 =	vadd.f32 v60, v1  }
0x1ac: {  	v2 =	vadd.f32 v62, v2;
	v5 =	vmul.f32 $1.442695020e+00, v5;
	v33 =	vsub.f32 v0, v50;
	v0 =	vld [tilespmem:s20+$0xFFFFFFD0]  }
0x1ad: {  	v8 =	vadd.f32 v8, v11;
	v11 =	vld [tilespmem:s23+$0x10];
	v50 =	vmul.f32 v44, v18;
	v1 =	vadd.f32 v61, v1  }
0x1ae: {  	v2 =	vadd.f32 v17, v2;
	(erf) = vpow2.f32 v5;
	v5 =	vld [tilespmem:s25+$0xFFFFFFA0];
	v4 =	vadd.f32 v4, v15  }
0x1af: {  	v12 =	vmul.f32 v44, v24;
	v15 =	vld [tilespmem:$0x1FDF0];
	v50 =	vsub.f32 v1, v50;
	v1 =	vadd.f32 v55, v52  }
0x1b0: {  	v60 =	vld [tilespmem:s20+$0xFFFFFFF0];
	v52 =	vsub.f32 v2, v63;
	v2 =	vadd.f32 v30, v14  }
0x1b1: {  	v35 =	vsub.f32 v4, v12;
	v12 =	vld [tilespmem:$0x1FE10];
	v1 =	vadd.f32 v51, v1  }
0x1b2: {  	v61 =	vld [tilespmem:s23+$0x20];
	v2 =	vadd.f32 v54, v2  }
0x1b3: {  	v55 =	vld [tilespmem:s25+$0xFFFFFF90];
	v14 =	vmul.f32 v44, v27;
	v1 =	vadd.f32 v45, v1  }
0x1b4: {  	v30 =	vld [tilespmem:s25+$0xFFFFFFE0];
	v54 =	vmul.f32 v44, v25;
	v2 =	vadd.f32 v9, v2;
	v6 =	vadd.f32 v15, v6  }
0x1b5: {  	v13 =	vadd.f32 v46, v13;
	v9 =	vld [tilespmem:s20+$0x0];
	v1 =	vsub.f32 v1, v14;
	v14 =	vmul.f32 v44, v21  }
0x1b6: {  	v4 =	vmul.f32 v44, v26;
	v15 =	vld [tilespmem:s20+$0xFFFFFFA0];
	v63 =	vsub.f32 v2, v54;
	v6 =	vadd.f32 v12, v6  }
0x1b7: {  	v2 =	vadd.f32 v58, v32;
	v58 =	vld [tilespmem:s25+$0x0];
	v62 =	vsub.f32 v13, v14  }
0x1b8: {  	v13 =	vadd.f32 v31, v28;
	v28 =	vld [tilespmem:s20+$0x20];
	v48 =	vsub.f32 v6, v4;
	v6 =	vmul.f32 v44, v19  }
0x1b9: {  	v4 =	vld [tilespmem:s23+$0x0]  }
0x1ba: {  	v49 =	vsub.f32 v8, v6;
	v6 =	vld [tilespmem:s25+$0xFFFFFF80]  }
0x1bb: {  	v0 =	vadd.f32 v0, v10;
	v10 =	vadd.f32 v59, v15;
	v8 =	vld [tilespmem:s25+$0xFFFFFFC0]  }
0x1bc: {  	v14 =	vld [tilespmem:s20+$0x10]  }
0x1bd: {  	v10 =	vadd.f32 v28, v10;
	v28 =	vld [tilespmem:s25+$0x20]  }
0x1be: {  	v3 =	vadd.f32 v11, v3;
	v11 =	vpop (erf);
	v4 =	vadd.f32 v4, v7;
	v7 =	vld [tilespmem:s23+$0x40]  }
0x1bf: {  	v11 =	vadd.f32 $1.000000000e+00, v11;
	v12 =	vld [tilespmem:s20+$0xFFFFFFB0]  }
0x1c0: {  	v5 =	vadd.f32 v30, v5;
	v6 =	vadd.f32 v8, v6;
	v8 =	vld [tilespmem:s23+$0x60]  }
0x1c1: {  	(erf) = vrcp.f32 v11;
	v11 =	vadd.f32 v53, v29;
	v15 =	vld [tilespmem:s20+$0x30];
	v13 =	vadd.f32 v61, v13  }
0x1c2: {  	v30 =	vadd.f32 v58, v6;
	v6 =	vadd.f32 v28, v5;
	v5 =	vld [tilespmem:$0x1FE80]  }
0x1c3: {  	v29 =	vld [tilespmem:s25+$0x30];
	v0 =	vadd.f32 v14, v0;
	v14 =	vmul.f32 v47, v26;
	v4 =	vadd.f32 v7, v4  }
0x1c4: {  	v2 =	vadd.f32 v9, v2;
	v9 =	vld [tilespmem:s25+$0x10];
	v12 =	vadd.f32 v60, v12  }
0x1c5: {  	v8 =	vadd.f32 v8, v13;
	v13 =	vld [tilespmem:s20+$0x40];
	v4 =	vsub.f32 v4, v14  }
0x1c6: {  	v57 =	vadd.f32 v57, v55;
	v14 =	vld [tilespmem:s20+$0x50]  }
0x1c7: {  	v12 =	vadd.f32 v15, v12;
	v15 =	vmul.f32 v47, v18;
	v4 =	vadd.f32 v4, v5;
	v5 =	vld [tilespmem:$0x1FE90]  }
0x1c8: {  	v46 =	vld [tilespmem:s20+$0xF0];
	v3 =	vadd.f32 v56, v3;
	v56 =	vmul.f32 v47, v25;
	v7 =	vmul.f32 v47, v19  }
0x1c9: {  	v55 =	vmul.f32 v47, v21;
	v59 =	vld [tilespmem:s20+$0x60];
	v32 =	vadd.f32 v9, v57;
	v8 =	vsub.f32 v8, v15  }
0x1ca: {  	v54 =	vmul.f32 v47, v27;
	v28 =	vld [tilespmem:s20+$0x70];
	v3 =	vsub.f32 v3, v7;
	v7 =	vadd.f32 v29, v11  }
0x1cb: {  	v45 =	vld [tilespmem:s20+$0xB0];
	v15 =	vmul.f32 v47, v22;
	v4 =	vadd.f32 v1, v4;
	v2 =	vadd.f32 v13, v2  }
0x1cc: {  	s26 =	simm.s32 $0x0;
	v9 =	vmul.f32 v47, v23;
	v29 =	vld [tilespmem:s25+$0x50];
	v0 =	vadd.f32 v14, v0;
	v61 =	vadd.f32 v3, v5  }
0x1cd: {  	s23 =	simm.s32 $0x5570;
	v11 =	vmov s26;
	v13 =	vld [tilespmem:s25+$0x40];
	v5 =	vadd.f32 v8, v41;
	v8 =	vpop (erf);
	v15 =	vsub.f32 v2, v15  }
0x1ce: {  	v51 =	vld [tilespmem:s23+$0x30];
	v3 =	vmul.f32 v47, v24;
	v2 =	vadd.f32 v59, v10;
	v1 =	vadd.f32 v8, v8  }
0x1cf: {  	v14 =	vmul.f32 v47, v16;
	v59 =	vsub.f32 v0, v9;
	v0 =	vadd.f32 v28, v12;
	v9 =	vld [tilespmem:s25+$0x70]  }
0x1d0: {  	v57 =	vmul.f32 v47, v20;
	s20 =	simm.s32 $0x2170;
	v8 =	vld [tilespmem:s25+$0x60];
	s25 =	simm.s32 $0x3;
	v60 =	vsub.f32 v2, v3;
	v3 =	vsub.f32 $1.000000000e+00, v1  }
0x1d1: {  	s29 =	simm.s32 $0x4;
	s28 =	simm.s32 $0x5;
	s22 =	simm.s32 $0x15630;
	v41 =	vld [tilespmem:s20+$0x140];
	v2 =	vmul.f32 v36, v4;
	v4 =	vsub.f32 v0, v14;
	v58 =	vmov s25  }
0x1d2: {  	s19 =	sshll.u32 s17, $0x1;
	s21 =	simm.s32 $0x15630;
	s26 =	simm.s32 $0x8970;
	v1 =	vld.idx.msk [tilespmem:v11+s14+$0x0], $0xffff;
	v10 =	vadd.f32 v13, v30;
	v11 =	vadd.f32 v29, v32;
	[tilespmem:s22+$0x30] =	vst v3  }
.LBB2_3:
0x1d3: {  	_ =	sdelay $0x1  }
0x1d4: {  	v3 =	vld [tilespmem:s26+$0xB0]  }
0x1d5: {  	v13 =	vld.idx.msk [tilespmem:v58+s12+$0x0], $0xffff  }
0x1d6: {  	v12 =	vadd.f32 v48, v15;
	v15 =	vld [tilespmem:s26+$0xF0]  }
0x1d7: {  	v30 =	vld [tilespmem:s26+$0x130]  }
0x1d8: {  	v31 =	vld [tilespmem:s20+$0x150]  }
0x1d9: {  	v17 =	vld [tilespmem:$0x1FEC0]  }
0x1da: {  	v29 =	vadd.f32 v62, v61;
	v5 =	vadd.f32 v63, v5;
	v16 =	vld [tilespmem:$0x1FEA0]  }
0x1db: {  	v0 =	vmov s29;
	v19 =	vld [tilespmem:$0x1FF00];
	v10 =	vsub.f32 v10, v54;
	v11 =	vsub.f32 v11, v55  }
0x1dc: {  	v14 =	vadd.f32 v49, v59;
	v6 =	vadd.f32 v8, v6;
	v8 =	vld [tilespmem:s23+$0xFFFFFFB0]  }
0x1dd: {  	v28 =	vadd.f32 v50, v60;
	v7 =	vadd.f32 v9, v7;
	v9 =	vld [tilespmem:s23+$0xFFFFFFF0]  }
0x1de: {  	v18 =	vld [tilespmem:$0x1FF10];
	v4 =	vadd.f32 v52, v4;
	v10 =	vadd.f32 v10, v39  }
0x1df: {  	v32 =	vld [tilespmem:s20+$0x110];
	v11 =	vadd.f32 v11, v40;
	v6 =	vsub.f32 v6, v56  }
0x1e0: {  	v0 =	vld.idx.msk [tilespmem:v0+s12+$0x0], $0xffff;
	v13 =	vsub.f32 $4.000000000e+00, v13;
	v3 =	vadd.f32 v15, v3  }
0x1e1: {  	v39 =	vmovc v12;
	v40 =	vmov v14;
	v12 =	vld [tilespmem:s23+$0x70];
	v7 =	vsub.f32 v7, v57;
	v14 =	vadd.f32 v6, v42  }
0x1e2: {  	v10 =	vmul.f32 v1, v10;
	v42 =	vmovc v28;
	v28 =	vadd.f32 v46, v45;
	v8 =	vadd.f32 v9, v8;
	v9 =	vld [tilespmem:s26+$0x170]  }
0x1e3: {  	v7 =	vadd.f32 v7, v43;
	v6 =	vmul.f32 v36, v29;
	v29 =	vmul.f32 v36, v5;
	v36 =	vld.idx.msk [tilespmem:v58+s14+$0x0], $0xffff  }
0x1e4: {  	v11 =	vmul.f32 v1, v11;
	v43 =	vmovc v4;
	v45 =	vld [tilespmem:s20+$0x80];
	v5 =	vadd.f32 v38, v28;
	v4 =	vadd.f32 v51, v8  }
0x1e5: {  	v55 =	vmul.f32 v44, v16;
	v3 =	vadd.f32 v30, v3;
	v46 =	vld [tilespmem:s20+$0xC0];
	v0 =	vsub.f32 $4.000000000e+00, v0  }
0x1e6: {  	v15 =	vmul.f32 v13, v17;
	v28 =	vld [tilespmem:s20+$0x170];
	v5 =	vadd.f32 v37, v5;
	v4 =	vadd.f32 v12, v4  }
0x1e7: {  	v60 =	vmul.f32 v13, v19;
	v38 =	vld [tilespmem:s20+$0x130];
	v30 =	vadd.f32 v6, v6;
	v44 =	vmovc v0;
	v3 =	vadd.f32 v9, v3  }
0x1e8: {  	v6 =	vld [tilespmem:s23+$0x160];
	v5 =	vsub.f32 v5, v55;
	v0 =	vsub.f32 v4, v15;
	v4 =	vmul.f32 v44, v20  }
0x1e9: {  	v59 =	vmul.f32 v13, v18;
	v53 =	vmul.f32 v13, v23;
	v8 =	vld [tilespmem:s20+$0x160]  }
0x1ea: {  	v47 =	vmul.f32 v13, v16;
	v15 =	vld [tilespmem:$0x1FEB0];
	v0 =	vadd.f32 v0, v5;
	v3 =	vsub.f32 v3, v4  }
0x1eb: {  	v54 =	vmul.f32 v13, v27;
	v56 =	vmul.f32 v13, v25;
	v12 =	vld [tilespmem:s20+$0x100]  }
0x1ec: {  	v57 =	vmul.f32 v13, v20;
	v49 =	vmul.f32 v44, v18;
	v18 =	vld [tilespmem:s20+$0x90];
	v0 =	vadd.f32 v3, v0  }
0x1ed: {  	v58 =	vmul.f32 v13, v22;
	v48 =	vmul.f32 v44, v19;
	v19 =	vld [tilespmem:s20+$0xD0]  }
0x1ee: {  	v26 =	vmov v20;
	v51 =	vmul.f32 v13, v24;
	v20 =	vld [tilespmem:s20+$0xE0];
	v0 =	vmul.f32 v0, v36  }
0x1ef: {  	v55 =	vmul.f32 v13, v21;
	v61 =	vmul.f32 v13, v15;
	v13 =	vld [tilespmem:s20+$0xA0]  }
0x1f0: {  	v2 =	vadd.f32 v2, v2;
	v9 =	vld [tilespmem:s20+$0x120];
	v0 =	vadd.f32 v0, v0  }
0x1f1: {  	v10 =	vadd.f32 v10, v10;
	v11 =	vadd.f32 v11, v11;
	v37 =	vmov v28;
	v28 =	vld [tilespmem:s23+$0x140]  }
0x1f2: {  	v2 =	vmul.f32 $1.442695020e+00, v2;
	v5 =	vld [tilespmem:s23+$0x150];
	v0 =	vmul.f32 $1.442695020e+00, v0  }
0x1f3: {  	v10 =	vmul.f32 $1.442695020e+00, v10;
	v11 =	vmul.f32 $1.442695020e+00, v11;
	v4 =	vld [tilespmem:s23+$0x170]  }
0x1f4: {  	v16 =	vmul.f32 v44, v23;
	v13 =	vadd.f32 v20, v13;
	v20 =	vld [tilespmem:s23+$0x120];
	(erf) = vpow2.f32 v0  }
0x1f5: {  	v3 =	vadd.f32 v29, v29;
	v0 =	vmul.f32 v1, v14;
	v14 =	vadd.f32 v46, v45;
	v45 =	vld [tilespmem:s20+$0xB0]  }
0x1f6: {  	v29 =	vmul.f32 v44, v22;
	v1 =	vmul.f32 v7, v1;
	v46 =	vld [tilespmem:s20+$0xF0];
	v9 =	vadd.f32 v9, v13  }
0x1f7: {  	v7 =	vmul.f32 $1.442695020e+00, v30;
	v13 =	vld [tilespmem:s23+$0x80];
	v12 =	vadd.f32 v12, v14;
	v14 =	vadd.f32 v19, v18  }
0x1f8: {  	v3 =	vmul.f32 $1.442695020e+00, v3;
	(erf) = vpow2.f32 v2;
	v18 =	vld [tilespmem:s23+$0x100]  }
0x1f9: {  	v0 =	vadd.f32 v0, v0;
	v19 =	vld [tilespmem:s23+$0x110];
	(erf) = vpow2.f32 v7;
	v14 =	vadd.f32 v32, v14  }
0x1fa: {  	v1 =	vadd.f32 v1, v1;
	(erf) = vpow2.f32 v3;
	v3 =	vld [tilespmem:s23+$0xC0];
	v2 =	vadd.f32 v41, v12  }
0x1fb: {  	v0 =	vmul.f32 $1.442695020e+00, v0;
	(erf) = vpow2.f32 v10;
	v10 =	vld [tilespmem:s23+$0xE0];
	v7 =	vadd.f32 v31, v14  }
0x1fc: {  	v30 =	vmul.f32 $1.442695020e+00, v1;
	v1 =	vsub.f32 v2, v29;
	v2 =	vadd.f32 v8, v9;
	v9 =	vld [tilespmem:s23+$0xD0]  }
0x1fd: {  	v41 =	vsub.f32 v7, v16;
	v7 =	vld [tilespmem:s23+$0x90];
	v8 =	vpop (erf);
	(erf) = vpow2.f32 v11  }
0x1fe: {  	v52 =	vmul.f32 v44, v17;
	v8 =	vadd.f32 $1.000000000e+00, v8;
	(erf) = vpow2.f32 v0;
	v0 =	vld [tilespmem:s23+$0xA0]  }
0x1ff: {  	v17 =	vmul.f32 v44, v24;
	v3 =	vadd.f32 v3, v13;
	v11 =	vld [tilespmem:s23+$0xF0];
	(erf) = vpow2.f32 v30  }
0x200: {  	(erf) = vrcp.f32 v8;
	v8 =	vld [tilespmem:s23+$0xB0]  }
0x201: {  	v12 =	vld [tilespmem:s23+$0x130];
	v2 =	vsub.f32 v2, v17;
	v13 =	vpop (erf);
	v3 =	vadd.f32 v18, v3  }
0x202: {  	v16 =	vld [tilespmem:s26+$0x150];
	v14 =	vpop (erf);
	v29 =	vadd.f32 $1.000000000e+00, v13;
	v7 =	vadd.f32 v9, v7  }
0x203: {  	v14 =	vadd.f32 $1.000000000e+00, v14;
	v9 =	vld [tilespmem:s26+$0x140];
	v0 =	vadd.f32 v10, v0  }
0x204: {  	v3 =	vadd.f32 v28, v3;
	v30 =	vadd.f32 v19, v7;
	v10 =	vld [tilespmem:s26+$0x160]  }
0x205: {  	v17 =	vpop (erf);
	v19 =	vld [tilespmem:s26+$0x100];
	v0 =	vadd.f32 v20, v0;
	v8 =	vadd.f32 v11, v8  }
0x206: {  	v18 =	vpop (erf);
	v48 =	vsub.f32 v3, v48;
	v11 =	vld [tilespmem:s26+$0x110];
	v3 =	vadd.f32 v5, v30  }
0x207: {  	v50 =	vmul.f32 v44, v15;
	v28 =	vpop (erf);
	v0 =	vadd.f32 v6, v0;
	v6 =	vadd.f32 v12, v8;
	v8 =	vld [tilespmem:s26+$0x80]  }
0x208: {  	v17 =	vadd.f32 $1.000000000e+00, v17;
	(erf) = vrcp.f32 v29;
	v13 =	vpop (erf);
	v49 =	vsub.f32 v3, v49;
	v3 =	vld [tilespmem:s26+$0xC0]  }
0x209: {  	(erf) = vrcp.f32 v14;
	v14 =	vadd.f32 $1.000000000e+00, v18;
	v20 =	vadd.f32 $1.000000000e+00, v13;
	v13 =	vld [tilespmem:s23+$0xFFFFFF80]  }
0x20a: {  	v7 =	vpop (erf);
	(erf) = vrcp.f32 v17;
	v50 =	vsub.f32 v0, v50;
	v0 =	vadd.f32 v4, v6;
	v4 =	vld [tilespmem:s26+$0x90]  }
0x20b: {  	v12 =	vpop (erf);
	v6 =	vld [tilespmem:s26+$0xD0]  }
0x20c: {  	(erf) = vrcp.f32 v14;
	v14 =	vld [tilespmem:s23+$0xFFFFFFC0];
	v12 =	vadd.f32 v12, v12  }
0x20d: {  	v18 =	vld [tilespmem:s26+$0xE0];
	v17 =	vadd.f32 $1.000000000e+00, v28  }
0x20e: {  	v52 =	vsub.f32 v0, v52;
	v0 =	vld [tilespmem:s26+$0xA0];
	v12 =	vsub.f32 $1.000000000e+00, v12  }
0x20f: {  	v5 =	vld [tilespmem:s26+$0x120];
	v3 =	vadd.f32 v3, v8  }
0x210: {  	v7 =	vadd.f32 $1.000000000e+00, v7;
	(erf) = vrcp.f32 v17;
	v17 =	vld [tilespmem:s23+$0xFFFFFF90];
	v4 =	vadd.f32 v6, v4  }
0x211: {  	s22 =	sadd.s32 $0x80, s22;
	v3 =	vadd.f32 v19, v3;
	v19 =	vld [tilespmem:s23+$0xFFFFFFA0];
	v13 =	vadd.f32 v14, v13;
	v8 =	vpop (erf);
	(erf) = vrcp.f32 v20  }
0x212: {  	[tilespmem:s22+$0x30] =	vst v12;
	v8 =	vadd.f32 v8, v8;
	v12 =	vpop (erf);
	(erf) = vrcp.f32 v7;
	v7 =	vld [tilespmem:s23+$0xFFFFFFD0];
	v11 =	vadd.f32 v11, v4  }
0x213: {  	v0 =	vadd.f32 v18, v0;
	v18 =	vld [tilespmem:s23+$0xFFFFFFE0];
	v3 =	vadd.f32 v9, v3;
	v6 =	vpop (erf)  }
0x214: {  	v15 =	vmul.f32 v44, v27;
	v9 =	vld [tilespmem:s20+$0xFFFFFF80];
	v12 =	vadd.f32 v12, v12;
	v6 =	vadd.f32 v6, v6  }
0x215: {  	v8 =	vsub.f32 $1.000000000e+00, v8;
	v0 =	vadd.f32 v5, v0;
	v5 =	vld [tilespmem:s20+$0xFFFFFFC0]  }
0x216: {  	v62 =	vmul.f32 v44, v21;
	v4 =	vsub.f32 v3, v15;
	v3 =	vadd.f32 v16, v11;
	v11 =	vld [tilespmem:s20+$0xFFFFFFD0]  }
0x217: {  	v63 =	vmul.f32 v44, v25;
	v12 =	vsub.f32 $1.000000000e+00, v12;
	[tilespmem:s21+$0x0] =	vst v8;
	v8 =	vld [tilespmem:s20+$0xFFFFFF90];
	v16 =	vadd.f32 v10, v0  }
0x218: {  	v14 =	vld [tilespmem:s20+$0xFFFFFFA0];
	v62 =	vsub.f32 v3, v62;
	v6 =	vsub.f32 $1.000000000e+00, v6  }
0x219: {  	v10 =	vpop (erf);
	v7 =	vadd.f32 v7, v17;
	v63 =	vsub.f32 v16, v63;
	v16 =	vld [tilespmem:s20+$0xFFFFFFE0]  }
0x21a: {  	v3 =	vadd.f32 v10, v10;
	v10 =	vpop (erf);
	v15 =	vadd.f32 v18, v19;
	v18 =	vld [tilespmem:s20+$0xFFFFFFF0]  }
0x21b: {  	v10 =	vadd.f32 v10, v10;
	v5 =	vadd.f32 v5, v9;
	v9 =	vld [tilespmem:s20+$0xFFFFFFB0]  }
0x21c: {  	v3 =	vsub.f32 $1.000000000e+00, v3;
	v0 =	vpop (erf);
	v8 =	vadd.f32 v11, v8;
	v11 =	vld [tilespmem:s23+$0x0]  }
0x21d: {  	v19 =	vld [tilespmem:s23+$0x10];
	[tilespmem:s21+$0x10] =	vst v12;
	v10 =	vsub.f32 $1.000000000e+00, v10;
	v0 =	vadd.f32 v0, v0;
	v17 =	vpop (erf)  }
0x21e: {  	[tilespmem:s21+$0x20] =	vst v6;
	v17 =	vadd.f32 v17, v17;
	v12 =	vadd.f32 v16, v14;
	v14 =	vld [tilespmem:s23+$0x20]  }
0x21f: {  	v6 =	vld [tilespmem:s26+$0xFFFFFF80];
	v0 =	vsub.f32 $1.000000000e+00, v0;
	[tilespmem:s21+$0xFFFFFFC0] =	vst v3  }
0x220: {  	v16 =	vsub.f32 $1.000000000e+00, v17;
	v3 =	vadd.f32 v18, v9;
	v9 =	vld [tilespmem:s26+$0xFFFFFFC0];
	[tilespmem:s21+$0xFFFFFFD0] =	vst v10  }
0x221: {  	v10 =	vadd.f32 v11, v13;
	v11 =	vld [tilespmem:s26+$0xFFFFFF90];
	[tilespmem:s21+$0xFFFFFFE0] =	vst v0  }
0x222: {  	v0 =	vadd.f32 v19, v7;
	v7 =	vld [tilespmem:s26+$0xFFFFFFD0];
	[tilespmem:s21+$0xFFFFFFF0] =	vst v16  }
0x223: {  	v13 =	vadd.f32 v14, v15;
	v14 =	vld [tilespmem:s26+$0xFFFFFFA0]  }
0x224: {  	v15 =	vld [tilespmem:s26+$0xFFFFFFE0]  }
0x225: {  	v16 =	vld [tilespmem:s26+$0xFFFFFFF0]  }
0x226: {  	v17 =	vld [tilespmem:s20+$0x0]  }
0x227: {  	v18 =	vld [tilespmem:s20+$0x20]  }
0x228: {  	v6 =	vadd.f32 v9, v6;
	v9 =	vld [tilespmem:s26+$0xFFFFFFB0]  }
0x229: {  	v19 =	vld [tilespmem:s23+$0x40]  }
0x22a: {  	v29 =	vld [tilespmem:s20+$0x70]  }
0x22b: {  	v7 =	vadd.f32 v7, v11;
	v11 =	vld [tilespmem:s20+$0x10]  }
0x22c: {  	v14 =	vadd.f32 v15, v14;
	v15 =	vld [tilespmem:s20+$0x30]  }
0x22d: {  	v9 =	vadd.f32 v16, v9;
	v16 =	vld [tilespmem:s23+$0x50]  }
0x22e: {  	v5 =	vadd.f32 v17, v5;
	v17 =	vld [tilespmem:s26+$0x0]  }
0x22f: {  	v12 =	vadd.f32 v18, v12;
	v10 =	vadd.f32 v19, v10;
	v18 =	vld [tilespmem:s26+$0x20]  }
0x230: {  	v8 =	vadd.f32 v11, v8;
	v11 =	vld [tilespmem:s23+$0x60]  }
0x231: {  	v10 =	vsub.f32 v10, v60;
	v3 =	vadd.f32 v15, v3;
	v15 =	vld [tilespmem:s26+$0x10]  }
0x232: {  	v0 =	vadd.f32 v16, v0;
	v16 =	vld [tilespmem:s26+$0x30]  }
0x233: {  	v19 =	vld [tilespmem:s20+$0x40];
	v10 =	vadd.f32 v10, v34  }
0x234: {  	v20 =	vld [tilespmem:s20+$0x60];
	v17 =	vadd.f32 v17, v6;
	v6 =	vadd.f32 v18, v14  }
0x235: {  	v18 =	vld [tilespmem:s26+$0x40];
	v3 =	vadd.f32 v29, v3;
	v11 =	vadd.f32 v11, v13  }
0x236: {  	v0 =	vsub.f32 v0, v59;
	v13 =	vld [tilespmem:s20+$0x50];
	v28 =	vadd.f32 v15, v7  }
0x237: {  	s29 =	sadd.s32 $0xFFFFFFFF, s25;
	v11 =	vsub.f32 v11, v61;
	v7 =	vadd.f32 v16, v9  }
0x238: {  	p0 =	slt.u32 s28, $0x2F;
	v14 =	vmov s29;
	v61 =	vadd.f32 v0, v33;
	v0 =	vadd.f32 v19, v5;
	v16 =	vld [tilespmem:s26+$0x50]  }
.Ltmp0:
0x239: {  	s20 =	sadd.s32 $0x200, s20;
	v9 =	vld [tilespmem:s26+$0x70];
	v5 =	vadd.f32 v11, v35;
	v35 =	vmov v2;
	v2 =	vadd.f32 v4, v10;
	(pc) =	sbr.rel @p0 .LBB2_3-.Ltmp0, $4  }
0x23a: {  	v33 =	vmov v41;
	v41 =	vld [tilespmem:s20+$0x140];
	v15 =	vsub.f32 v0, v58;
	v0 =	vadd.f32 v20, v12  }
0x23b: {  	v34 =	vmov v1;
	s23 =	sadd.s32 $0x200, s23;
	v10 =	vadd.f32 v18, v17;
	v1 =	vadd.f32 v13, v8;
	v8 =	vld [tilespmem:s26+$0x60]  }
0x23c: {  	s25 =	smov.u32 s28;
	s21 =	smov.u32 s22;
	v20 =	vmovc v26;
	v58 =	vmov s28;
	v4 =	vsub.f32 v3, v47;
	v60 =	vsub.f32 v0, v51;
	v51 =	vld [tilespmem:s23+$0x30]  }
0x23d: {  	s29 =	sadd.s32 $0x1, s25;
	s28 =	sadd.s32 $0x2, s28;
	s26 =	sadd.s32 $0x200, s26;
	v2 =	vmul.f32 v36, v2;
	v59 =	vsub.f32 v1, v53;
	v1 =	vld.idx.msk [tilespmem:v14+s14+$0x0], $0xffff;
	v11 =	vadd.f32 v16, v28  }
0x23e: {  	v3 =	vld [tilespmem:s26+$0xB0]  }
0x23f: {  	v16 =	vld [tilespmem:s26+$0xF0]  }
0x240: {  	v12 =	vld [tilespmem:s23+$0xFFFFFFB0]  }
0x241: {  	v17 =	vld [tilespmem:s26+$0x130]  }
0x242: {  	v13 =	vld [tilespmem:s23+$0xFFFFFFF0];
	_ =	sdelay $0x1  }
0x243: {  	v0 =	vmov s29;
	v14 =	vld.idx.msk [tilespmem:v58+s12+$0x0], $0xffff;
	v3 =	vadd.f32 v16, v3  }
0x244: {  	v19 =	vadd.f32 v46, v45;
	v45 =	vld [tilespmem:$0x1FEA0]  }
0x245: {  	v31 =	vadd.f32 v17, v3;
	v17 =	vld [tilespmem:s20+$0x160]  }
0x246: {  	v18 =	vld [tilespmem:s23+$0x70];
	v12 =	vadd.f32 v13, v12  }
0x247: {  	v46 =	vld [tilespmem:$0x1FEC0]  }
0x248: {  	v0 =	vld.idx.msk [tilespmem:v0+s12+$0x0], $0xffff;
	v12 =	vadd.f32 v51, v12;
	v51 =	vadd.f32 v38, v19  }
0x249: {  	v13 =	vld [tilespmem:s26+$0x170]  }
0x24a: {  	v37 =	vadd.f32 v37, v51;
	v51 =	vmul.f32 v44, v45;
	v44 =	vld [tilespmem:s20+$0x150];
	[tilespmem:$0x1FD20] =	vst v17  }
0x24b: {  	v19 =	vld [tilespmem:s20+$0x170];
	_ =	sdelay $0x1  }
0x24c: {  	v53 =	vsub.f32 $4.000000000e+00, v14;
	_ =	sdelay $0x1  }
0x24d: {  	v30 =	vmul.f32 v53, v46;
	v32 =	vadd.f32 v18, v12;
	v38 =	vsub.f32 $4.000000000e+00, v0  }
0x24e: {  	v0 =	vadd.f32 v13, v31;
	v58 =	vld.idx.msk [tilespmem:v58+s14+$0x0], $0xffff;
	[tilespmem:$0x1FD30] =	vst v19  }
0x24f: {  	v3 =	vsub.f32 v32, v30;
	v12 =	vsub.f32 v37, v51;
	v18 =	vmul.f32 v38, v20;
	v32 =	vld [tilespmem:s20+$0x120]  }
0x250: {  	v37 =	vadd.f32 v62, v61  }
0x251: {  	v3 =	vadd.f32 v3, v12;
	v0 =	vsub.f32 v0, v18  }
0x252: {  	v30 =	vsub.f32 v10, v54;
	v10 =	vmul.f32 v36, v37;
	v37 =	vld [tilespmem:$0x1FF00]  }
0x253: {  	v0 =	vadd.f32 v0, v3;
	v51 =	vld [tilespmem:s20+$0x100]  }
0x254: {  	v47 =	vld [tilespmem:s20+$0x110];
	[tilespmem:$0x1FD10] =	vst v32  }
0x255: {  	v7 =	vadd.f32 v9, v7;
	v0 =	vmul.f32 v0, v58;
	v9 =	vld [tilespmem:s26+$0x140]  }
0x256: {  	v31 =	vsub.f32 v11, v55;
	v11 =	vld [tilespmem:s26+$0x150]  }
0x257: {  	v0 =	vadd.f32 v0, v0;
	v12 =	vld [tilespmem:s26+$0x160]  }
0x258: {  	v13 =	vld [tilespmem:s26+$0x100]  }
0x259: {  	v6 =	vadd.f32 v8, v6;
	v0 =	vmul.f32 $1.442695020e+00, v0;
	v14 =	vld [tilespmem:s26+$0x110]  }
0x25a: {  	v2 =	vadd.f32 v2, v2;
	v7 =	vsub.f32 v7, v57;
	v16 =	vld [tilespmem:s26+$0x120]  }
0x25b: {  	v6 =	vsub.f32 v6, v56;
	v10 =	vadd.f32 v10, v10;
	(erf) = vpow2.f32 v0;
	v0 =	vld [tilespmem:s26+$0x80]  }
0x25c: {  	v2 =	vmul.f32 $1.442695020e+00, v2;
	v17 =	vld [tilespmem:s26+$0xC0]  }
0x25d: {  	v7 =	vadd.f32 v7, v43;
	v6 =	vadd.f32 v6, v42;
	v42 =	vmul.f32 $1.442695020e+00, v10;
	v10 =	vld [tilespmem:s26+$0x90]  }
0x25e: {  	(erf) = vpow2.f32 v2;
	v2 =	vld [tilespmem:s26+$0xD0]  }
0x25f: {  	v8 =	vadd.f32 v31, v40;
	v40 =	vmul.f32 v7, v1;
	v7 =	vld [tilespmem:s26+$0xA0]  }
0x260: {  	v5 =	vadd.f32 v63, v5;
	v18 =	vld [tilespmem:s23+$0xFFFFFFD0]  }
0x261: {  	v61 =	vmov v20;
	v3 =	vadd.f32 v30, v39;
	v20 =	vld [tilespmem:s23+$0xFFFFFFE0]  }
0x262: {  	v5 =	vmul.f32 v36, v5;
	v29 =	vld [tilespmem:s23+$0x0]  }
0x263: {  	v6 =	vmul.f32 v1, v6;
	v3 =	vmul.f32 v1, v3;
	v36 =	vld [tilespmem:s23+$0x10]  }
0x264: {  	v5 =	vadd.f32 v5, v5;
	v8 =	vmul.f32 v1, v8;
	v1 =	vadd.f32 v40, v40;
	v40 =	vld [tilespmem:s23+$0x20]  }
0x265: {  	v6 =	vadd.f32 v6, v6;
	v3 =	vadd.f32 v3, v3;
	v56 =	vld [tilespmem:s26+$0xFFFFFFC0]  }
0x266: {  	v5 =	vmul.f32 $1.442695020e+00, v5;
	v31 =	vadd.f32 v50, v60;
	v8 =	vadd.f32 v8, v8;
	v50 =	vld [tilespmem:s23+$0x50]  }
0x267: {  	v30 =	vadd.f32 v49, v59;
	v3 =	vmul.f32 $1.442695020e+00, v3;
	v49 =	vld [tilespmem:s26+$0x20];
	(erf) = vpow2.f32 v42  }
0x268: {  	v8 =	vmul.f32 $1.442695020e+00, v8;
	(erf) = vpow2.f32 v5;
	v5 =	vld [tilespmem:s26+$0xE0]  }
0x269: {  	v6 =	vmul.f32 $1.442695020e+00, v6;
	(erf) = vpow2.f32 v3;
	v3 =	vld [tilespmem:s23+$0xFFFFFF80]  }
0x26a: {  	(erf) = vpow2.f32 v8;
	v8 =	vld [tilespmem:s23+$0xFFFFFFC0]  }
0x26b: {  	(erf) = vpow2.f32 v6;
	v6 =	vld [tilespmem:s23+$0xFFFFFF90];
	v0 =	vadd.f32 v17, v0  }
0x26c: {  	v15 =	vadd.f32 v48, v15;
	v1 =	vmul.f32 $1.442695020e+00, v1;
	v17 =	vld [tilespmem:s26+$0xFFFFFF90];
	v2 =	vadd.f32 v2, v10  }
0x26d: {  	v4 =	vadd.f32 v52, v4;
	v10 =	vld [tilespmem:s26+$0xFFFFFFD0];
	v0 =	vadd.f32 v13, v0  }
0x26e: {  	(erf) = vpow2.f32 v1;
	v1 =	vld [tilespmem:s23+$0xFFFFFFA0];
	v5 =	vadd.f32 v5, v7;
	v2 =	vadd.f32 v14, v2;
	v43 =	vpop (erf)  }
0x26f: {  	v7 =	vld [tilespmem:s26+$0xFFFFFFA0];
	v19 =	vadd.f32 $1.000000000e+00, v43;
	v0 =	vadd.f32 v9, v0  }
0x270: {  	v14 =	vld [tilespmem:s26+$0xFFFFFFE0];
	v28 =	vpop (erf);
	v5 =	vadd.f32 v16, v5;
	v3 =	vadd.f32 v8, v3  }
0x271: {  	v60 =	vmul.f32 v38, v27;
	v43 =	vld [tilespmem:s26+$0xFFFFFF80];
	v2 =	vadd.f32 v11, v2;
	v28 =	vadd.f32 $1.000000000e+00, v28  }
0x272: {  	v62 =	vmul.f32 v38, v21;
	v9 =	vld [tilespmem:s26+$0xFFFFFFB0];
	v32 =	vpop (erf);
	v6 =	vadd.f32 v18, v6;
	v10 =	vadd.f32 v10, v17  }
0x273: {  	v8 =	vld [tilespmem:s26+$0xFFFFFFF0];
	v32 =	vadd.f32 $1.000000000e+00, v32;
	v0 =	vsub.f32 v0, v60  }
0x274: {  	v11 =	vld [tilespmem:s23+$0x60];
	v5 =	vadd.f32 v12, v5;
	v16 =	vsub.f32 v2, v62  }
0x275: {  	v52 =	vpop (erf);
	v12 =	vld [tilespmem:s23+$0x40];
	v1 =	vadd.f32 v20, v1;
	v3 =	vadd.f32 v29, v3  }
0x276: {  	v63 =	vmul.f32 v38, v25;
	v62 =	vld [tilespmem:$0x1FEB0];
	v54 =	vpop (erf);
	v39 =	vadd.f32 $1.000000000e+00, v52;
	v6 =	vadd.f32 v36, v6  }
0x277: {  	v18 =	vmul.f32 v53, v37;
	v60 =	vld [tilespmem:s26+$0x10];
	v7 =	vadd.f32 v14, v7;
	v42 =	vadd.f32 $1.000000000e+00, v54  }
0x278: {  	v17 =	vmul.f32 v53, v21;
	v55 =	vpop (erf);
	v5 =	vsub.f32 v5, v63;
	v63 =	vld [tilespmem:$0x1FF10];
	v1 =	vadd.f32 v40, v1  }
0x279: {  	(erf) = vrcp.f32 v19;
	v57 =	vpop (erf);
	v48 =	vadd.f32 $1.000000000e+00, v55;
	v2 =	vadd.f32 v50, v6  }
0x27a: {  	s25 =	sadd.s32 $0xFFFFFFFF, s25;
	(erf) = vrcp.f32 v28;
	v50 =	vld [tilespmem:s26+$0x30];
	v8 =	vadd.f32 v8, v9;
	v7 =	vadd.f32 v49, v7;
	v59 =	vpop (erf)  }
0x27b: {  	v29 =	vld [tilespmem:s26+$0x0];
	v28 =	vmov s25;
	v1 =	vadd.f32 v11, v1;
	v13 =	vadd.f32 $1.000000000e+00, v59  }
0x27c: {  	v36 =	vmul.f32 v53, v62;
	v59 =	vadd.f32 v56, v43;
	v3 =	vadd.f32 v12, v3;
	v56 =	vld [tilespmem:s26+$0x50]  }
0x27d: {  	v52 =	vadd.f32 $1.000000000e+00, v57;
	v10 =	vadd.f32 v60, v10;
	v60 =	vld [tilespmem:s26+$0x70];
	v57 =	vmul.f32 v53, v63  }
0x27e: {  	v54 =	vmul.f32 v53, v27;
	v55 =	vld [tilespmem:s26+$0x40];
	v3 =	vsub.f32 v3, v18;
	v1 =	vsub.f32 v1, v36  }
0x27f: {  	(erf) = vrcp.f32 v32;
	v6 =	vadd.f32 v50, v8;
	v2 =	vsub.f32 v2, v57  }
0x280: {  	(erf) = vrcp.f32 v39;
	v57 =	vadd.f32 v29, v59;
	v3 =	vadd.f32 v3, v34  }
0x281: {  	v11 =	vmul.f32 v53, v61;
	v59 =	vld [tilespmem:s26+$0x60];
	v29 =	vadd.f32 v1, v35;
	v56 =	vadd.f32 v56, v10  }
0x282: {  	(erf) = vrcp.f32 v42;
	v6 =	vadd.f32 v60, v6;
	v34 =	vadd.f32 v2, v33  }
0x283: {  	v19 =	vld [tilespmem:s20+$0xFFFFFFC0];
	v12 =	vmul.f32 v53, v25;
	v0 =	vadd.f32 v0, v3;
	v55 =	vadd.f32 v55, v57  }
0x284: {  	(erf) = vrcp.f32 v48;
	v57 =	vld.idx.msk [tilespmem:v28+s14+$0x0], $0xffff;
	v5 =	vadd.f32 v5, v29;
	v9 =	vsub.f32 v56, v17  }
0x285: {  	v14 =	vld [tilespmem:s23+$0xD0];
	(erf) = vrcp.f32 v52;
	v3 =	vsub.f32 v55, v54;
	v8 =	vadd.f32 v16, v34  }
0x286: {  	v40 =	vld [tilespmem:s20+$0x90];
	(erf) = vrcp.f32 v13;
	v6 =	vsub.f32 v6, v11;
	v7 =	vadd.f32 v59, v7  }
0x287: {  	v49 =	vld [tilespmem:s23+$0x170];
	v0 =	vmul.f32 v58, v0;
	v3 =	vadd.f32 v3, v15;
	v8 =	vmul.f32 v58, v8  }
0x288: {  	v39 =	vld [tilespmem:s20+$0xE0];
	v5 =	vmul.f32 v58, v5;
	v9 =	vadd.f32 v9, v30;
	v7 =	vsub.f32 v7, v12  }
0x289: {  	v42 =	vld [tilespmem:s20+$0xD0];
	v0 =	vadd.f32 v0, v0;
	v3 =	vmul.f32 v57, v3;
	v8 =	vadd.f32 v8, v8  }
0x28a: {  	v43 =	vld [tilespmem:s20+$0x80];
	v5 =	vadd.f32 v5, v5;
	v59 =	vmul.f32 v57, v9;
	v7 =	vadd.f32 v7, v31  }
0x28b: {  	v48 =	vld [tilespmem:s20+$0xC0];
	v0 =	vmul.f32 $1.442695020e+00, v0;
	v3 =	vadd.f32 v3, v3;
	v8 =	vmul.f32 $1.442695020e+00, v8  }
0x28c: {  	v52 =	vld [tilespmem:s23+$0x130];
	v4 =	vadd.f32 v6, v4;
	v5 =	vmul.f32 $1.442695020e+00, v5;
	v7 =	vmul.f32 v57, v7  }
0x28d: {  	v36 =	vld [tilespmem:s20+$0x130];
	v6 =	vadd.f32 v59, v59;
	(erf) = vpow2.f32 v0;
	v3 =	vmul.f32 $1.442695020e+00, v3  }
0x28e: {  	v13 =	vld [tilespmem:s23+$0x90];
	v60 =	vpop (erf);
	v4 =	vmul.f32 v4, v57;
	(erf) = vpow2.f32 v8;
	v7 =	vadd.f32 v7, v7  }
0x28f: {  	v50 =	vld [tilespmem:s23+$0x140];
	v6 =	vmul.f32 $1.442695020e+00, v6;
	v8 =	vpop (erf);
	(erf) = vpow2.f32 v5  }
0x290: {  	v1 =	vld [tilespmem:s23+$0x160];
	v5 =	vpop (erf);
	v7 =	vmul.f32 $1.442695020e+00, v7;
	(erf) = vpow2.f32 v3  }
0x291: {  	v35 =	vld [tilespmem:s20+$0xA0];
	v4 =	vadd.f32 v4, v4;
	v3 =	vpop (erf);
	(erf) = vpow2.f32 v6  }
0x292: {  	v2 =	vld [tilespmem:s23+$0x150];
	v10 =	vpop (erf);
	(erf) = vpow2.f32 v7  }
0x293: {  	v33 =	vld [tilespmem:s20+$0xB0];
	v4 =	vmul.f32 $1.442695020e+00, v4;
	v11 =	vpop (erf)  }
0x294: {  	v56 =	vld [tilespmem:s23+$0x110];
	v12 =	vpop (erf)  }
0x295: {  	v34 =	vld [tilespmem:s20+$0xF0];
	(erf) = vpow2.f32 v4;
	v16 =	vpop (erf)  }
0x296: {  	v54 =	vld [tilespmem:s23+$0x120];
	v20 =	vpop (erf)  }
0x297: {  	v55 =	vld [tilespmem:s23+$0xF0];
	v30 =	vpop (erf);
	v4 =	vadd.f32 $1.000000000e+00, v20  }
0x298: {  	v58 =	vld [tilespmem:s23+$0xE0];
	v9 =	vadd.f32 v60, v60;
	v17 =	vadd.f32 $1.000000000e+00, v30;
	v31 =	vpop (erf)  }
0x299: {  	v15 =	vld [tilespmem:s23+$0xB0];
	v5 =	vadd.f32 v5, v5;
	v32 =	vpop (erf);
	v18 =	vadd.f32 $1.000000000e+00, v31;
	(erf) = vrcp.f32 v4  }
0x29a: {  	v0 =	vld [tilespmem:s23+$0x100];
	v3 =	vadd.f32 v3, v3;
	v59 =	vpop (erf);
	(erf) = vrcp.f32 v17;
	v60 =	vadd.f32 $1.000000000e+00, v32  }
0x29b: {  	v57 =	vld [tilespmem:s23+$0xA0];
	v11 =	vadd.f32 v11, v11;
	v28 =	vpop (erf);
	(erf) = vrcp.f32 v18;
	v4 =	vadd.f32 $1.000000000e+00, v59  }
0x29c: {  	v6 =	vld [tilespmem:s23+$0x80];
	v3 =	vsub.f32 $1.000000000e+00, v3;
	v28 =	vadd.f32 $1.000000000e+00, v28;
	(erf) = vrcp.f32 v60  }
0x29d: {  	v7 =	vld [tilespmem:s23+$0xC0];
	v12 =	vadd.f32 v12, v12;
	(erf) = vrcp.f32 v4  }
0x29e: {  	v11 =	vsub.f32 $1.000000000e+00, v11;
	[tilespmem:s21+$0x20] =	vst v3;
	v3 =	vld [tilespmem:s20+$0x0];
	v29 =	vpop (erf);
	(erf) = vrcp.f32 v28;
	v28 =	vsub.f32 $1.000000000e+00, v5  }
0x29f: {  	v20 =	vld [tilespmem:s20+$0xFFFFFF80];
	v12 =	vsub.f32 $1.000000000e+00, v12;
	v29 =	vadd.f32 $1.000000000e+00, v29  }
0x2a0: {  	v8 =	vadd.f32 v8, v8;
	v16 =	vadd.f32 v16, v16;
	[tilespmem:s21+$0xFFFFFFD0] =	vst v11;
	v11 =	vld [tilespmem:s20+$0x20]  }
0x2a1: {  	[tilespmem:s21+$0xFFFFFFE0] =	vst v12;
	v12 =	vld [tilespmem:s20+$0x30];
	(erf) = vrcp.f32 v29  }
0x2a2: {  	v16 =	vsub.f32 $1.000000000e+00, v16;
	v17 =	vld [tilespmem:s20+$0xFFFFFFD0];
	v32 =	vsub.f32 $1.000000000e+00, v8;
	[tilespmem:s21+$0x10] =	vst v28;
	v28 =	vpop (erf)  }
0x2a3: {  	v8 =	vld [tilespmem:s20+$0xFFFFFFA0];
	v59 =	vadd.f32 v10, v10;
	v28 =	vadd.f32 v28, v28;
	v29 =	vpop (erf)  }
0x2a4: {  	v9 =	vsub.f32 $1.000000000e+00, v9;
	[tilespmem:s21+$0xFFFFFFF0] =	vst v16;
	v16 =	vld [tilespmem:s20+$0x40];
	v29 =	vadd.f32 v29, v29  }
0x2a5: {  	s22 =	sadd.s32 $0x80, s22;
	v18 =	vld [tilespmem:s20+$0xFFFFFF90];
	v28 =	vsub.f32 $1.000000000e+00, v28  }
0x2a6: {  	[tilespmem:s22+$0x30] =	vst v9;
	v10 =	vld [tilespmem:s20+$0xFFFFFFE0];
	v9 =	vsub.f32 $1.000000000e+00, v59;
	v60 =	vpop (erf);
	v29 =	vsub.f32 $1.000000000e+00, v29  }
0x2a7: {  	[tilespmem:s21+$0x0] =	vst v32;
	v4 =	vld [tilespmem:s20+$0xFFFFFFB0];
	v30 =	vadd.f32 v60, v60;
	v59 =	vpop (erf)  }
0x2a8: {  	v5 =	vld [tilespmem:s20+$0xFFFFFFF0];
	[tilespmem:s21+$0xFFFFFFC0] =	vst v9;
	v31 =	vadd.f32 v59, v59;
	v60 =	vpop (erf)  }
0x2a9: {  	v9 =	vld [tilespmem:s20+$0x10];
	[tilespmem:s22+$0x0] =	vst v28;
	v32 =	vadd.f32 v60, v60;
	v30 =	vsub.f32 $1.000000000e+00, v30;
	v28 =	vpop (erf)  }
0x2aa: {  	v59 =	vld [tilespmem:s20+$0x50];
	[tilespmem:s22+$0x10] =	vst v29;
	v31 =	vsub.f32 $1.000000000e+00, v31;
	v28 =	vadd.f32 v28, v28;
	v29 =	vpop (erf)  }
0x2ab: {  	v60 =	vld [tilespmem:s20+$0x60];
	[tilespmem:s22+$0x20] =	vst v30;
	v32 =	vsub.f32 $1.000000000e+00, v32;
	v29 =	vadd.f32 v29, v29  }
0x2ac: {  	v30 =	vld [tilespmem:s20+$0x70];
	[tilespmem:s22+$0xFFFFFFC0] =	vst v31;
	v28 =	vsub.f32 $1.000000000e+00, v28  }
0x2ad: {  	[tilespmem:s22+$0xFFFFFFD0] =	vst v32;
	v29 =	vsub.f32 $1.000000000e+00, v29  }
0x2ae: {  	[tilespmem:s22+$0xFFFFFFE0] =	vst v28  }
0x2af: {  	[tilespmem:s22+$0xFFFFFFF0] =	vst v29  }
0x2b0: {  	v32 =	vimm.s32 $0x31;
	v28 =	vld [tilespmem:$0xB6F0]  }
0x2b1: {  	v29 =	vld [tilespmem:$0xB730];
	_ =	sdelay $0x1  }
0x2b2: {  	v6 =	vadd.f32 v7, v6;
	v7 =	vadd.f32 v19, v20;
	v19 =	vld [tilespmem:$0xB770];
	_ =	sdelay $0x1  }
0x2b3: {  	v31 =	vld.idx.msk [tilespmem:v32+s12+$0x0], $0xffff  }
0x2b4: {  	v20 =	vadd.f32 v29, v28  }
0x2b5: {  	v0 =	vadd.f32 v0, v6;
	v3 =	vadd.f32 v3, v7;
	v6 =	vld [tilespmem:$0xB7B0]  }
0x2b6: {  	v7 =	vadd.f32 v19, v20;
	v20 =	vimm.s32 $0x30  }
0x2b7: {  	v0 =	vadd.f32 v50, v0;
	v3 =	vadd.f32 v16, v3;
	v16 =	vmul.f32 v38, v37  }
0x2b8: {  	v50 =	vsub.f32 $4.000000000e+00, v31;
	v19 =	vmul.f32 v53, v22  }
0x2b9: {  	v0 =	vsub.f32 v0, v16  }
0x2ba: {  	v31 =	vmul.f32 v50, v27;
	v3 =	vsub.f32 v3, v19;
	v6 =	vadd.f32 v6, v7  }
0x2bb: {  	v16 =	vld.idx.msk [tilespmem:v20+s14+$0x0], $0xffff  }
0x2bc: {  	v0 =	vadd.f32 v0, v3;
	v31 =	vsub.f32 v6, v31  }
0x2bd: {  	v6 =	vld [tilespmem:$0xB700]  }
0x2be: {  	v3 =	vld [tilespmem:$0xB740];
	v0 =	vadd.f32 v31, v0;
	_ =	sdelay $0x1  }
0x2bf: {  	v19 =	vadd.f32 v14, v13;
	v13 =	vld [tilespmem:$0xB780];
	v0 =	vmul.f32 v16, v0  }
0x2c0: {  	v20 =	vadd.f32 v17, v18  }
0x2c1: {  	v7 =	vadd.f32 v56, v19;
	v31 =	vld [tilespmem:$0xB7C0];
	v0 =	vadd.f32 v0, v0  }
0x2c2: {  	v9 =	vadd.f32 v9, v20;
	v3 =	vadd.f32 v3, v6  }
0x2c3: {  	v56 =	vmul.f32 v38, v63;
	v2 =	vadd.f32 v2, v7;
	v0 =	vmul.f32 $1.442695020e+00, v0  }
0x2c4: {  	v59 =	vadd.f32 v59, v9;
	v3 =	vadd.f32 v13, v3;
	v13 =	vmul.f32 v53, v23  }
0x2c5: {  	v2 =	vsub.f32 v2, v56;
	(erf) = vpow2.f32 v0  }
0x2c6: {  	v18 =	vmul.f32 v50, v21;
	v14 =	vsub.f32 v59, v13;
	v3 =	vadd.f32 v31, v3;
	_ =	sdelay $0x1  }
0x2c7: {  	v19 =	vsub.f32 v3, v18;
	v0 =	vadd.f32 v2, v14  }
0x2c8: {  	v21 =	vld [tilespmem:$0xB710]  }
0x2c9: {  	v20 =	vadd.f32 v58, v57;
	v31 =	vld [tilespmem:$0xB750];
	v0 =	vadd.f32 v19, v0;
	_ =	sdelay $0x1  }
0x2ca: {  	v56 =	vld [tilespmem:$0xB790];
	v3 =	vadd.f32 v54, v20;
	v54 =	vadd.f32 v10, v8;
	v0 =	vmul.f32 v16, v0;
	_ =	sdelay $0x1  }
0x2cb: {  	v58 =	vld [tilespmem:$0xB7D0];
	v57 =	vadd.f32 v11, v54;
	v0 =	vadd.f32 v0, v0;
	v59 =	vpop (erf)  }
0x2cc: {  	v17 =	vmul.f32 v53, v24;
	v2 =	vadd.f32 v31, v21;
	v13 =	vadd.f32 $1.000000000e+00, v59  }
0x2cd: {  	v14 =	vmul.f32 v38, v62;
	v1 =	vadd.f32 v1, v3;
	v0 =	vmul.f32 $1.442695020e+00, v0  }
0x2ce: {  	v3 =	vadd.f32 v60, v57;
	v2 =	vadd.f32 v56, v2;
	(erf) = vrcp.f32 v13  }
0x2cf: {  	v1 =	vsub.f32 v1, v14;
	(erf) = vpow2.f32 v0  }
0x2d0: {  	v19 =	vmul.f32 v50, v25;
	v18 =	vsub.f32 v3, v17;
	v2 =	vadd.f32 v58, v2;
	_ =	sdelay $0x1  }
0x2d1: {  	v20 =	vsub.f32 v2, v19;
	v0 =	vadd.f32 v1, v18  }
0x2d2: {  	v54 =	vld [tilespmem:$0xB760]  }
0x2d3: {  	v31 =	vld [tilespmem:$0xB720];
	v0 =	vadd.f32 v20, v0  }
0x2d4: {  	v4 =	vadd.f32 v5, v4  }
0x2d5: {  	v21 =	vadd.f32 v55, v15;
	v55 =	vld [tilespmem:$0xB7A0];
	v0 =	vmul.f32 v16, v0  }
0x2d6: {  	v4 =	vadd.f32 v12, v4;
	v56 =	vpop (erf)  }
0x2d7: {  	v57 =	vld [tilespmem:$0xB7E0];
	v2 =	vadd.f32 v52, v21;
	v0 =	vadd.f32 v0, v0;
	v58 =	vpop (erf)  }
0x2d8: {  	v9 =	vmul.f32 v53, v45;
	v1 =	vadd.f32 v54, v31;
	v59 =	vadd.f32 $1.000000000e+00, v58  }
0x2d9: {  	v4 =	vadd.f32 v30, v4;
	v60 =	vmul.f32 v38, v46;
	v0 =	vmul.f32 $1.442695020e+00, v0  }
0x2da: {  	v2 =	vadd.f32 v49, v2;
	v1 =	vadd.f32 v55, v1;
	(erf) = vrcp.f32 v59  }
0x2db: {  	v10 =	vsub.f32 v4, v9;
	(erf) = vpow2.f32 v0  }
0x2dc: {  	v11 =	vmul.f32 v50, v61;
	v2 =	vsub.f32 v2, v60;
	v1 =	vadd.f32 v57, v1;
	_ =	sdelay $0x1  }
0x2dd: {  	v1 =	vsub.f32 v1, v11;
	v0 =	vadd.f32 v2, v10;
	_ =	sdelay $0x1  }
0x2de: {  	v0 =	vadd.f32 v1, v0;
	_ =	sdelay $0x1  }
0x2df: {  	v0 =	vmul.f32 v0, v16  }
0x2e0: {  	v12 =	vpop (erf)  }
0x2e1: {  	v0 =	vadd.f32 v0, v0;
	v13 =	vpop (erf)  }
0x2e2: {  	v2 =	vadd.f32 $1.000000000e+00, v13  }
0x2e3: {  	v0 =	vmul.f32 $1.442695020e+00, v0  }
0x2e4: {  	(erf) = vrcp.f32 v2  }
0x2e5: {  	(erf) = vpow2.f32 v0;
	_ =	sdelay $0x7  }
0x2e6: {  	v14 =	vpop (erf)  }
0x2e7: {  	v15 =	vpop (erf)  }
0x2e8: {  	v2 =	vadd.f32 $1.000000000e+00, v15;
	_ =	sdelay $0x1  }
0x2e9: {  	(erf) = vrcp.f32 v2;
	_ =	sdelay $0x3  }
0x2ea: {  	v17 =	vld [tilespmem:$0x8330]  }
0x2eb: {  	v16 =	vld [tilespmem:$0x82F0]  }
0x2ec: {  	v6 =	vadd.f32 v56, v56  }
0x2ed: {  	v19 =	vld [tilespmem:$0x8370];
	v1 =	vadd.f32 v12, v12  }
0x2ee: {  	v18 =	vadd.f32 v48, v43;
	v6 =	vsub.f32 $1.000000000e+00, v6  }
0x2ef: {  	v20 =	vld [tilespmem:$0x83B0];
	v1 =	vsub.f32 $1.000000000e+00, v1;
	v0 =	vadd.f32 v14, v14;
	v21 =	vpop (erf)  }
0x2f0: {  	v2 =	vadd.f32 v17, v16;
	v7 =	vadd.f32 v21, v21  }
0x2f1: {  	v4 =	vadd.f32 v51, v18;
	[tilespmem:$0x161F0] =	vst v6;
	v0 =	vsub.f32 $1.000000000e+00, v0  }
0x2f2: {  	[tilespmem:$0x16200] =	vst v1;
	v2 =	vadd.f32 v19, v2;
	v30 =	vsub.f32 $1.000000000e+00, v7  }
0x2f3: {  	v37 =	vmul.f32 v50, v37;
	[tilespmem:$0x16210] =	vst v0  }
0x2f4: {  	v31 =	vmul.f32 v38, v22;
	v4 =	vadd.f32 v41, v4;
	v2 =	vadd.f32 v20, v2;
	[tilespmem:$0x16220] =	vst v30  }
0x2f5: {  	v1 =	vld.idx.msk [tilespmem:v32+s14+$0x0], $0xffff  }
0x2f6: {  	v0 =	vsub.f32 v4, v31;
	v2 =	vsub.f32 v2, v37  }
0x2f7: {  	v43 =	vld [tilespmem:$0x8340]  }
0x2f8: {  	v41 =	vld [tilespmem:$0x8300];
	v0 =	vadd.f32 v2, v0;
	_ =	sdelay $0x1  }
0x2f9: {  	v48 =	vld [tilespmem:$0x8380];
	v0 =	vmul.f32 v1, v0;
	_ =	sdelay $0x1  }
0x2fa: {  	v49 =	vld [tilespmem:$0x83C0];
	v0 =	vadd.f32 v0, v0  }
0x2fb: {  	v51 =	vadd.f32 v42, v40;
	v3 =	vadd.f32 v43, v41  }
0x2fc: {  	v0 =	vmul.f32 $1.442695020e+00, v0  }
0x2fd: {  	v52 =	vadd.f32 v47, v51;
	v2 =	vadd.f32 v48, v3  }
0x2fe: {  	v53 =	vmul.f32 v38, v23;
	(erf) = vpow2.f32 v0  }
0x2ff: {  	v55 =	vmul.f32 v50, v63;
	v54 =	vadd.f32 v44, v52;
	v2 =	vadd.f32 v49, v2;
	_ =	sdelay $0x1  }
0x300: {  	v2 =	vsub.f32 v2, v55;
	v0 =	vsub.f32 v54, v53  }
0x301: {  	v57 =	vld [tilespmem:$0x8350]  }
0x302: {  	v56 =	vld [tilespmem:$0x8310];
	v0 =	vadd.f32 v2, v0  }
0x303: {  	v9 =	vld [tilespmem:$0x1FD10]  }
0x304: {  	v58 =	vld [tilespmem:$0x8390];
	v0 =	vmul.f32 v1, v0  }
0x305: {  	v60 =	vld [tilespmem:$0x83D0]  }
0x306: {  	v11 =	vld [tilespmem:$0x1FD20];
	v59 =	vadd.f32 v39, v35;
	v0 =	vadd.f32 v0, v0;
	v61 =	vpop (erf)  }
0x307: {  	v3 =	vadd.f32 v57, v56;
	v63 =	vadd.f32 $1.000000000e+00, v61  }
0x308: {  	v0 =	vmul.f32 $1.442695020e+00, v0  }
0x309: {  	v5 =	vadd.f32 v9, v59;
	v2 =	vadd.f32 v58, v3;
	(erf) = vrcp.f32 v63  }
0x30a: {  	v10 =	vmul.f32 v38, v24;
	(erf) = vpow2.f32 v0  }
0x30b: {  	v12 =	vmul.f32 v50, v62;
	v2 =	vadd.f32 v60, v2;
	v0 =	vadd.f32 v11, v5;
	_ =	sdelay $0x1  }
0x30c: {  	v2 =	vsub.f32 v2, v12;
	v0 =	vsub.f32 v0, v10  }
0x30d: {  	v13 =	vld [tilespmem:$0x8320]  }
0x30e: {  	v14 =	vld [tilespmem:$0x8360];
	v0 =	vadd.f32 v2, v0;
	_ =	sdelay $0x1  }
0x30f: {  	v15 =	vld [tilespmem:$0x83A0];
	v0 =	vmul.f32 v1, v0  }
0x310: {  	v18 =	vld [tilespmem:$0x83E0];
	v16 =	vpop (erf)  }
0x311: {  	v17 =	vadd.f32 v34, v33;
	v21 =	vld [tilespmem:$0x1FD30];
	v0 =	vadd.f32 v0, v0;
	v19 =	vpop (erf)  }
0x312: {  	v3 =	vadd.f32 v14, v13;
	v20 =	vadd.f32 $1.000000000e+00, v19  }
0x313: {  	v0 =	vmul.f32 $1.442695020e+00, v0  }
0x314: {  	v6 =	vadd.f32 v36, v17;
	v2 =	vadd.f32 v15, v3;
	(erf) = vrcp.f32 v20  }
0x315: {  	v23 =	vmul.f32 v38, v45;
	(erf) = vpow2.f32 v0  }
0x316: {  	v30 =	vmul.f32 v50, v46;
	v3 =	vadd.f32 v21, v6;
	v22 =	vadd.f32 v18, v2;
	_ =	sdelay $0x1  }
0x317: {  	v2 =	vsub.f32 v3, v23;
	v0 =	vsub.f32 v22, v30;
	_ =	sdelay $0x1  }
0x318: {  	v0 =	vadd.f32 v0, v2;
	_ =	sdelay $0x1  }
0x319: {  	v0 =	vmul.f32 v1, v0  }
0x31a: {  	v31 =	vpop (erf)  }
0x31b: {  	v0 =	vadd.f32 v0, v0;
	v32 =	vpop (erf)  }
0x31c: {  	v2 =	vadd.f32 $1.000000000e+00, v32  }
0x31d: {  	v0 =	vmul.f32 $1.442695020e+00, v0  }
0x31e: {  	(erf) = vrcp.f32 v2  }
0x31f: {  	(erf) = vpow2.f32 v0;
	_ =	sdelay $0x7  }
0x320: {  	v33 =	vpop (erf)  }
0x321: {  	v34 =	vpop (erf)  }
0x322: {  	v2 =	vadd.f32 $1.000000000e+00, v34;
	_ =	sdelay $0x1  }
0x323: {  	(erf) = vrcp.f32 v2;
	_ =	sdelay $0x6  }
0x324: {  	v1 =	vadd.f32 v31, v31  }
0x325: {  	v0 =	vadd.f32 v33, v33  }
0x326: {  	v35 =	vadd.f32 v16, v16;
	v1 =	vsub.f32 $1.000000000e+00, v1;
	v36 =	vpop (erf)  }
0x327: {  	v0 =	vsub.f32 $1.000000000e+00, v0;
	v3 =	vadd.f32 v36, v36  }
0x328: {  	s19 =	sadd.s32 s5, s19;
	[tilespmem:$0x16240] =	vst v1;
	v2 =	vsub.f32 $1.000000000e+00, v35  }
0x329: {  	s19 =	smul.u32 $0x190, s19;
	[tilespmem:$0x16250] =	vst v0;
	v37 =	vsub.f32 $1.000000000e+00, v3  }
0x32a: {  	[tilespmem:$0x16230] =	vst v2  }
0x32b: {  	s19 =	sadd.s32 s2, s19;
	[tilespmem:$0x16260] =	vst v37  }
0x32c: {  	[hbm4b:s19+s3] =	stream.linear.scatter [tilespmem:s15], [sflag:$0x3], $0xC80, $0x38;
	[tilespmem:$0x164B0] =	vst v63  }
0x32d: {  	_ =	swait.ge [sflag:s8], $0xC80  }
0x32e: {  	v38 =	vld [tilespmem:$0x1FFF0]  }
0x32f: {  	v40 =	vld [tilespmem:$0x1FF50];
	_ =	sdelay $0x1  }
0x330: {  	v41 =	vld [tilespmem:$0x1FF60];
	_ =	sdelay $0x1  }
0x331: {  	v42 =	vld [tilespmem:$0x1FF70]  }
0x332: {  	[sflag:s8] =	ssyncset.done $0x0  }
0x333: {  	[sflag:s8] =	ssyncadd.s32 $0xFFFFF380  }
0x334: {  	v39 =	vld.idx.msk [tilespmem:v38+s24+$0x0], $0xffff  }
0x335: {  	v1 =	vld.idx.msk [tilespmem:v40+s24+$0x0], $0xffff;
	_ =	sdelay $0x1  }
0x336: {  	v2 =	vld.idx.msk [tilespmem:v41+s24+$0x0], $0xffff;
	_ =	sdelay $0x1  }
0x337: {  	v3 =	vld.idx.msk [tilespmem:v42+s24+$0x0], $0xffff  }
0x338: {  	v0 =	vadd.f32 v1, v39;
	_ =	sdelay $0x1  }
0x339: {  	v0 =	vadd.f32 v2, v0;
	_ =	sdelay $0x1  }
0x33a: {  	v0 =	vadd.f32 v3, v0;
	_ =	sdelay $0x1  }
0x33b: {  	v43 =	vmax.f32 v0, $1.000000000e+00  }
0x33c: {  	(erf) = vrcp.f32 v43;
	_ =	sdelay $0x3  }
0x33d: {  	v45 =	vld [tilespmem:$0x1FF80]  }
0x33e: {  	v47 =	vld [tilespmem:$0x1FF90];
	_ =	sdelay $0x1  }
0x33f: {  	v48 =	vld [tilespmem:$0x1FFA0];
	_ =	sdelay $0x1  }
0x340: {  	v49 =	vld [tilespmem:$0x1FFB0];
	vm0 =	vgt.f32 v0, $0.0e+00;
	v1 =	vpop (erf)  }
0x341: {  	[tilespmem:$0x16370] =	vst v0;
	v44 =	vnsel vm0, $0x0, v1  }
0x342: {  	[tilespmem:$0x163B0] =	vst v44  }
0x343: {  	v0 =	vld.idx.msk [tilespmem:v45+s24+$0x0], $0xffff  }
0x344: {  	v1 =	vld.idx.msk [tilespmem:v47+s24+$0x0], $0xffff;
	_ =	sdelay $0x1  }
0x345: {  	v2 =	vld.idx.msk [tilespmem:v48+s24+$0x0], $0xffff;
	_ =	sdelay $0x1  }
0x346: {  	v3 =	vld.idx.msk [tilespmem:v49+s24+$0x0], $0xffff  }
0x347: {  	v0 =	vadd.f32 v1, v0;
	_ =	sdelay $0x1  }
0x348: {  	v0 =	vadd.f32 v2, v0;
	_ =	sdelay $0x1  }
0x349: {  	v0 =	vadd.f32 v3, v0;
	_ =	sdelay $0x1  }
0x34a: {  	v50 =	vmax.f32 v0, $1.000000000e+00  }
0x34b: {  	(erf) = vrcp.f32 v50;
	_ =	sdelay $0x3  }
0x34c: {  	v52 =	vld [tilespmem:$0x1FFC0]  }
0x34d: {  	v53 =	vld [tilespmem:$0x1FFD0];
	_ =	sdelay $0x1  }
0x34e: {  	v54 =	vld [tilespmem:$0x1FFE0];
	_ =	sdelay $0x1  }
0x34f: {  	v55 =	vld [tilespmem:$0x1FD40];
	vm13 =	vgt.f32 v0, $0.0e+00;
	v1 =	vpop (erf)  }
0x350: {  	[tilespmem:$0x16380] =	vst v0;
	v51 =	vnsel vm13, $0x0, v1  }
0x351: {  	[tilespmem:$0x163C0] =	vst v51  }
0x352: {  	v0 =	vld.idx.msk [tilespmem:v52+s24+$0x0], $0xffff  }
0x353: {  	v1 =	vld.idx.msk [tilespmem:v53+s24+$0x0], $0xffff;
	_ =	sdelay $0x1  }
0x354: {  	v2 =	vld.idx.msk [tilespmem:v54+s24+$0x0], $0xffff;
	_ =	sdelay $0x1  }
0x355: {  	v3 =	vld.idx.msk [tilespmem:v55+s24+$0x0], $0xffff  }
0x356: {  	v0 =	vadd.f32 v1, v0;
	_ =	sdelay $0x1  }
0x357: {  	v0 =	vadd.f32 v2, v0;
	_ =	sdelay $0x1  }
0x358: {  	v0 =	vadd.f32 v3, v0;
	_ =	sdelay $0x1  }
0x359: {  	v56 =	vmax.f32 v0, $1.000000000e+00  }
0x35a: {  	(erf) = vrcp.f32 v56;
	_ =	sdelay $0x3  }
0x35b: {  	v58 =	vld [tilespmem:$0x1FD50]  }
0x35c: {  	v59 =	vld [tilespmem:$0x1FD60];
	_ =	sdelay $0x1  }
0x35d: {  	v60 =	vld [tilespmem:$0x1FD70];
	_ =	sdelay $0x1  }
0x35e: {  	v61 =	vld [tilespmem:$0x1FD80];
	vm14 =	vgt.f32 v0, $0.0e+00;
	v1 =	vpop (erf)  }
0x35f: {  	[tilespmem:$0x16390] =	vst v0;
	v57 =	vnsel vm14, $0x0, v1  }
0x360: {  	[tilespmem:$0x163D0] =	vst v57  }
0x361: {  	v0 =	vld.idx.msk [tilespmem:v58+s24+$0x0], $0xffff  }
0x362: {  	v1 =	vld.idx.msk [tilespmem:v59+s24+$0x0], $0xffff;
	_ =	sdelay $0x1  }
0x363: {  	v2 =	vld.idx.msk [tilespmem:v60+s24+$0x0], $0xffff;
	_ =	sdelay $0x1  }
0x364: {  	v3 =	vld.idx.msk [tilespmem:v61+s24+$0x0], $0xffff  }
0x365: {  	v0 =	vadd.f32 v1, v0;
	_ =	sdelay $0x1  }
0x366: {  	v0 =	vadd.f32 v2, v0;
	_ =	sdelay $0x1  }
0x367: {  	v0 =	vadd.f32 v3, v0;
	_ =	sdelay $0x1  }
0x368: {  	v62 =	vmax.f32 v0, $1.000000000e+00  }
0x369: {  	(erf) = vrcp.f32 v62;
	_ =	sdelay $0x8  }
0x36a: {  	vm15 =	vgt.f32 v0, $0.0e+00;
	v1 =	vpop (erf)  }
0x36b: {  	[tilespmem:$0x163A0] =	vst v0;
	v63 =	vnsel vm15, $0x0, v1  }
0x36c: {  	[tilespmem:$0x163E0] =	vst v63  }
0x36d: {  	_ =	swait.ge [sflag:s16], $0x1C00  }
0x36e: {  	[sflag:s16] =	ssyncset.done $0x0  }
0x36f: {  	[sflag:s16] =	ssyncadd.s32 $0xFFFFE400  }
0x370: {  	_ =	swait.ge [sflag:s16], $0x1800  }
0x371: {  	[sflag:s16] =	ssyncset.done $0x0  }
0x372: {  	[sflag:s16] =	ssyncadd.s32 $0xFFFFE800  }
0x373: {  	_ =	swait.ge [sflag:s16], $0x1C00  }
0x374: {  	[sflag:s16] =	ssyncset.done $0x0  }
0x375: {  	[sflag:s16] =	ssyncadd.s32 $0xFFFFE400  }
0x376: {  	_ =	swait.ge [sflag:s16], $0x1800  }
0x377: {  	[sflag:s16] =	ssyncset.done $0x0  }
0x378: {  	[sflag:s16] =	ssyncadd.s32 $0xFFFFE800  }
0x379: {  	p0 =	seq.s32 s17, $0xF;
	_ =	swait.ge [sflag:s16], $0x1C00  }
.Ltmp1:
0x37a: {  	[sflag:s16] =	ssyncset.done $0x0;
	(pc) =	sbr.rel @p0 .LBB2_6-.Ltmp1, $4  }
0x37b: {  	[sflag:s16] =	ssyncadd.s32 $0xFFFFE400  }
0x37c: {  	_ =	swait.ge [sflag:s16], $0x1800  }
0x37d: {  	[sflag:s16] =	ssyncset.done $0x0  }
0x37e: {  	v27 =	vmov v46;
	[sflag:s16] =	ssyncadd.s32 $0xFFFFE800  }
0x37f: {  	s19 =	smul.u32 $0x640, s17;
	_ =	sdelay $0x1  }
0x380: {  	s19 =	sshra.s32 s19, $0x2  }
0x381: {  	v0 =	vld [tilespmem:s19+$0x190];
	_ =	sdelay $0x4  }
0x382: {  	v1 =	vmul.u32 $0x3, v0;
	_ =	sdelay $0x1  }
0x383: {  	v1 =	vadd.s32 $0xFFFFFFFD, v1  }
0x384: {  	v3 =	vimm.f32 $1.000000000e+00;
	vm15 =	veq.s32 v0, $0x0;
	vm0 =	vgt.s32 v1, $0x0  }
0x385: {  	v0 =	vsel vm15, $0x0, v3;
	v1 =	vnsel vm0, $0x0, v1  }
0x386: {  	[tilespmem:$0x16270] =	vst v0;
	v1 =	vmin.u32 v1, $0x493DA  }
0x387: {  	[tilespmem:$0x1910] =	vst v1;
	v2 =	vadd.s32 $0x1, v1  }
0x388: {  	v1 =	vadd.s32 $0x2, v1;
	[tilespmem:$0x19E0] =	vst v2  }
0x389: {  	[tilespmem:$0x1AB0] =	vst v1  }
0x38a: {  	v0 =	vld [tilespmem:s19+$0x1A0];
	_ =	sdelay $0x4  }
0x38b: {  	v40 =	vmul.u32 $0x3, v0;
	_ =	sdelay $0x1  }
0x38c: {  	v1 =	vadd.s32 $0xFFFFFFFD, v40  }
0x38d: {  	vm5 =	veq.s32 v0, $0x0;
	vm4 =	vgt.s32 v1, $0x0  }
0x38e: {  	v0 =	vsel vm5, $0x0, v3;
	v1 =	vnsel vm4, $0x0, v1  }
0x38f: {  	[tilespmem:$0x16280] =	vst v0;
	v1 =	vmin.u32 v1, $0x493DA  }
0x390: {  	[tilespmem:$0x1920] =	vst v1;
	v41 =	vadd.s32 $0x1, v1  }
0x391: {  	v1 =	vadd.s32 $0x2, v1;
	[tilespmem:$0x19F0] =	vst v41  }
0x392: {  	[tilespmem:$0x1AC0] =	vst v1  }
0x393: {  	v0 =	vld [tilespmem:s19+$0x1B0];
	_ =	sdelay $0x4  }
0x394: {  	v42 =	vmul.u32 $0x3, v0;
	_ =	sdelay $0x1  }
0x395: {  	v1 =	vadd.s32 $0xFFFFFFFD, v42  }
0x396: {  	vm7 =	veq.s32 v0, $0x0;
	vm6 =	vgt.s32 v1, $0x0  }
0x397: {  	v0 =	vsel vm7, $0x0, v3;
	v1 =	vnsel vm6, $0x0, v1  }
0x398: {  	[tilespmem:$0x16290] =	vst v0;
	v1 =	vmin.u32 v1, $0x493DA  }
0x399: {  	[tilespmem:$0x1930] =	vst v1;
	v43 =	vadd.s32 $0x1, v1  }
0x39a: {  	v1 =	vadd.s32 $0x2, v1;
	[tilespmem:$0x1A00] =	vst v43  }
0x39b: {  	[tilespmem:$0x1AD0] =	vst v1  }
0x39c: {  	v0 =	vld [tilespmem:s19+$0x1C0];
	_ =	sdelay $0x4  }
0x39d: {  	v44 =	vmul.u32 $0x3, v0;
	_ =	sdelay $0x1  }
0x39e: {  	v1 =	vadd.s32 $0xFFFFFFFD, v44  }
0x39f: {  	vm9 =	veq.s32 v0, $0x0;
	vm8 =	vgt.s32 v1, $0x0  }
0x3a0: {  	v0 =	vsel vm9, $0x0, v3;
	v1 =	vnsel vm8, $0x0, v1  }
0x3a1: {  	[tilespmem:$0x162A0] =	vst v0;
	v1 =	vmin.u32 v1, $0x493DA  }
0x3a2: {  	[tilespmem:$0x1940] =	vst v1;
	v45 =	vadd.s32 $0x1, v1  }
0x3a3: {  	v1 =	vadd.s32 $0x2, v1;
	[tilespmem:$0x1A10] =	vst v45  }
0x3a4: {  	[tilespmem:$0x1AE0] =	vst v1  }
0x3a5: {  	v0 =	vld [tilespmem:s19+$0x1D0];
	_ =	sdelay $0x4  }
0x3a6: {  	v46 =	vmul.u32 $0x3, v0;
	_ =	sdelay $0x1  }
0x3a7: {  	v1 =	vadd.s32 $0xFFFFFFFD, v46  }
0x3a8: {  	vm11 =	veq.s32 v0, $0x0;
	vm10 =	vgt.s32 v1, $0x0  }
0x3a9: {  	v0 =	vsel vm11, $0x0, v3;
	v1 =	vnsel vm10, $0x0, v1  }
0x3aa: {  	[tilespmem:$0x162B0] =	vst v0;
	v1 =	vmin.u32 v1, $0x493DA  }
0x3ab: {  	[tilespmem:$0x1950] =	vst v1;
	v47 =	vadd.s32 $0x1, v1  }
0x3ac: {  	v1 =	vadd.s32 $0x2, v1;
	[tilespmem:$0x1A20] =	vst v47  }
0x3ad: {  	[tilespmem:$0x1AF0] =	vst v1  }
0x3ae: {  	v0 =	vld [tilespmem:s19+$0x1E0];
	_ =	sdelay $0x4  }
0x3af: {  	v48 =	vmul.u32 $0x3, v0;
	_ =	sdelay $0x1  }
0x3b0: {  	v1 =	vadd.s32 $0xFFFFFFFD, v48  }
0x3b1: {  	vm13 =	veq.s32 v0, $0x0;
	vm12 =	vgt.s32 v1, $0x0  }
0x3b2: {  	v0 =	vsel vm13, $0x0, v3;
	v1 =	vnsel vm12, $0x0, v1  }
0x3b3: {  	[tilespmem:$0x162C0] =	vst v0;
	v1 =	vmin.u32 v1, $0x493DA  }
0x3b4: {  	[tilespmem:$0x1960] =	vst v1;
	v49 =	vadd.s32 $0x1, v1  }
0x3b5: {  	v1 =	vadd.s32 $0x2, v1;
	[tilespmem:$0x1A30] =	vst v49  }
0x3b6: {  	[tilespmem:$0x1B00] =	vst v1  }
0x3b7: {  	v0 =	vld [tilespmem:s19+$0x1F0];
	_ =	sdelay $0x4  }
0x3b8: {  	v50 =	vmul.u32 $0x3, v0;
	_ =	sdelay $0x1  }
0x3b9: {  	v1 =	vadd.s32 $0xFFFFFFFD, v50  }
0x3ba: {  	vm15 =	veq.s32 v0, $0x0;
	vm14 =	vgt.s32 v1, $0x0  }
0x3bb: {  	v0 =	vsel vm15, $0x0, v3;
	v1 =	vnsel vm14, $0x0, v1  }
0x3bc: {  	[tilespmem:$0x162D0] =	vst v0;
	v1 =	vmin.u32 v1, $0x493DA  }
0x3bd: {  	[tilespmem:$0x1970] =	vst v1;
	v51 =	vadd.s32 $0x1, v1  }
0x3be: {  	v1 =	vadd.s32 $0x2, v1;
	[tilespmem:$0x1A40] =	vst v51  }
0x3bf: {  	[tilespmem:$0x1B10] =	vst v1  }
0x3c0: {  	v0 =	vld [tilespmem:s19+$0x200];
	_ =	sdelay $0x4  }
0x3c1: {  	v52 =	vmul.u32 $0x3, v0;
	_ =	sdelay $0x1  }
0x3c2: {  	v1 =	vadd.s32 $0xFFFFFFFD, v52  }
0x3c3: {  	vm5 =	veq.s32 v0, $0x0;
	vm4 =	vgt.s32 v1, $0x0  }
0x3c4: {  	v0 =	vsel vm5, $0x0, v3;
	v1 =	vnsel vm4, $0x0, v1  }
0x3c5: {  	[tilespmem:$0x162E0] =	vst v0;
	v1 =	vmin.u32 v1, $0x493DA  }
0x3c6: {  	[tilespmem:$0x1980] =	vst v1;
	v53 =	vadd.s32 $0x1, v1  }
0x3c7: {  	v1 =	vadd.s32 $0x2, v1;
	[tilespmem:$0x1A50] =	vst v53  }
0x3c8: {  	[tilespmem:$0x1B20] =	vst v1  }
0x3c9: {  	v0 =	vld [tilespmem:s19+$0x210];
	_ =	sdelay $0x4  }
0x3ca: {  	v54 =	vmul.u32 $0x3, v0;
	_ =	sdelay $0x1  }
0x3cb: {  	v1 =	vadd.s32 $0xFFFFFFFD, v54  }
0x3cc: {  	vm7 =	veq.s32 v0, $0x0;
	vm6 =	vgt.s32 v1, $0x0  }
0x3cd: {  	v0 =	vsel vm7, $0x0, v3;
	v1 =	vnsel vm6, $0x0, v1  }
0x3ce: {  	[tilespmem:$0x162F0] =	vst v0;
	v1 =	vmin.u32 v1, $0x493DA  }
0x3cf: {  	[tilespmem:$0x1990] =	vst v1;
	v55 =	vadd.s32 $0x1, v1  }
0x3d0: {  	v1 =	vadd.s32 $0x2, v1;
	[tilespmem:$0x1A60] =	vst v55  }
0x3d1: {  	[tilespmem:$0x1B30] =	vst v1  }
0x3d2: {  	v0 =	vld [tilespmem:s19+$0x220];
	_ =	sdelay $0x4  }
0x3d3: {  	v56 =	vmul.u32 $0x3, v0;
	_ =	sdelay $0x1  }
0x3d4: {  	v1 =	vadd.s32 $0xFFFFFFFD, v56  }
0x3d5: {  	vm9 =	veq.s32 v0, $0x0;
	vm8 =	vgt.s32 v1, $0x0  }
0x3d6: {  	v0 =	vsel vm9, $0x0, v3;
	v1 =	vnsel vm8, $0x0, v1  }
0x3d7: {  	[tilespmem:$0x16300] =	vst v0;
	v1 =	vmin.u32 v1, $0x493DA  }
0x3d8: {  	[tilespmem:$0x19A0] =	vst v1;
	v57 =	vadd.s32 $0x1, v1  }
0x3d9: {  	v1 =	vadd.s32 $0x2, v1;
	[tilespmem:$0x1A70] =	vst v57  }
0x3da: {  	[tilespmem:$0x1B40] =	vst v1  }
0x3db: {  	v0 =	vld [tilespmem:s19+$0x230];
	_ =	sdelay $0x4  }
0x3dc: {  	v58 =	vmul.u32 $0x3, v0;
	_ =	sdelay $0x1  }
0x3dd: {  	v1 =	vadd.s32 $0xFFFFFFFD, v58  }
0x3de: {  	vm11 =	veq.s32 v0, $0x0;
	vm10 =	vgt.s32 v1, $0x0  }
0x3df: {  	v0 =	vsel vm11, $0x0, v3;
	v1 =	vnsel vm10, $0x0, v1  }
0x3e0: {  	[tilespmem:$0x16310] =	vst v0;
	v1 =	vmin.u32 v1, $0x493DA  }
0x3e1: {  	[tilespmem:$0x19B0] =	vst v1;
	v59 =	vadd.s32 $0x1, v1  }
0x3e2: {  	v1 =	vadd.s32 $0x2, v1;
	[tilespmem:$0x1A80] =	vst v59  }
0x3e3: {  	[tilespmem:$0x1B50] =	vst v1  }
0x3e4: {  	v0 =	vld [tilespmem:s19+$0x240];
	_ =	sdelay $0x4  }
0x3e5: {  	v60 =	vmul.u32 $0x3, v0;
	_ =	sdelay $0x1  }
0x3e6: {  	v1 =	vadd.s32 $0xFFFFFFFD, v60  }
0x3e7: {  	vm13 =	veq.s32 v0, $0x0;
	vm12 =	vgt.s32 v1, $0x0  }
0x3e8: {  	v0 =	vsel vm13, $0x0, v3;
	v1 =	vnsel vm12, $0x0, v1  }
0x3e9: {  	[tilespmem:$0x16320] =	vst v0;
	v1 =	vmin.u32 v1, $0x493DA  }
0x3ea: {  	[tilespmem:$0x19C0] =	vst v1;
	v61 =	vadd.s32 $0x1, v1  }
0x3eb: {  	v1 =	vadd.s32 $0x2, v1;
	[tilespmem:$0x1A90] =	vst v61  }
0x3ec: {  	[tilespmem:$0x1B60] =	vst v1  }
0x3ed: {  	v0 =	vld [tilespmem:s19+$0x250];
	_ =	sdelay $0x4  }
0x3ee: {  	v62 =	vmul.u32 $0x3, v0;
	_ =	sdelay $0x1  }
0x3ef: {  	v1 =	vadd.s32 $0xFFFFFFFD, v62  }
0x3f0: {  	vm15 =	veq.s32 v0, $0x0;
	vm14 =	vgt.s32 v1, $0x0  }
0x3f1: {  	v0 =	vsel vm15, $0x0, v3;
	v1 =	vnsel vm14, $0x0, v1  }
0x3f2: {  	[tilespmem:$0x16330] =	vst v0;
	v1 =	vmin.u32 v1, $0x493DA  }
0x3f3: {  	[tilespmem:$0x19D0] =	vst v1;
	v63 =	vadd.s32 $0x1, v1  }
0x3f4: {  	v1 =	vadd.s32 $0x2, v1;
	[tilespmem:$0x1AA0] =	vst v63  }
0x3f5: {  	s26 =	simm.s32 $0x1910;
	s20 =	simm.s32 $0x1DF0;
	[tilespmem:$0x1B70] =	vst v1  }
0x3f6: {  	[tilespmem:s20], [sflag:$0x1] =	stream.indirect.gather [hbm4b:s4+s10], $0x40, s26, s10, $0xb8;
	[tilespmem:$0x164B0] =	vst v63  }
0x3f7: {  	s28 =	simm.s32 $0x1980;
	s29 =	simm.s32 $0x39F0  }
0x3f8: {  	[tilespmem:s29], [sflag:$0x1] =	stream.indirect.gather [hbm4b:s4+s13], $0x40, s28, s13, $0xb8;
	[tilespmem:$0x164B0] =	vst v63  }
0x3f9: {  	s21 =	simm.s32 $0x51F0;
	s20 =	simm.s32 $0x19E0  }
0x3fa: {  	[tilespmem:s21], [sflag:$0x1] =	stream.indirect.gather [hbm4b:s4+s10], $0x40, s20, s10, $0xb8;
	[tilespmem:$0x164B0] =	vst v63  }
0x3fb: {  	s22 =	simm.s32 $0x1A50;
	s23 =	simm.s32 $0x6DF0  }
0x3fc: {  	[tilespmem:s23], [sflag:$0x1] =	stream.indirect.gather [hbm4b:s4+s13], $0x40, s22, s13, $0xb8;
	[tilespmem:$0x164B0] =	vst v63  }
0x3fd: {  	s25 =	simm.s32 $0x1AB0;
	s26 =	simm.s32 $0x85F0  }
0x3fe: {  	[tilespmem:s26], [sflag:$0x1] =	stream.indirect.gather [hbm4b:s4+s10], $0x40, s25, s10, $0xb8;
	[tilespmem:$0x164B0] =	vst v63  }
0x3ff: {  	s28 =	simm.s32 $0x1B20;
	s29 =	simm.s32 $0xA1F0  }
0x400: {  	[tilespmem:s29], [sflag:$0x1] =	stream.indirect.gather [hbm4b:s4+s13], $0x40, s28, s13, $0xb8;
	[tilespmem:$0x164B0] =	vst v63  }
.LBB2_6:
0x401: {  	v4 =	vld [tilespmem:$0xEED0];
	_ =	sdelay $0x4  }
0x402: {  	[tilespmem:$0x1FC10] =	vst v4;
	v4 =	vld [tilespmem:$0xEE20];
	_ =	sdelay $0x4  }
0x403: {  	[tilespmem:$0x1FC00] =	vst v4;
	v4 =	vld [tilespmem:$0xEEA0];
	_ =	sdelay $0x4  }
0x404: {  	[tilespmem:$0x1FC20] =	vst v4;
	v4 =	vld [tilespmem:$0xEEE0];
	_ =	sdelay $0x4  }
0x405: {  	s20 =	simm.s32 $0xBB70;
	[tilespmem:$0x1FC30] =	vst v4  }
0x406: {  	v5 =	vld [tilespmem:s20+$0x140]  }
0x407: {  	v0 =	vld.msk [tilespmem:s12+$0x0], $0xffff  }
0x408: {  	v1 =	vld [tilespmem:$0xB9F0]  }
0x409: {  	v2 =	vld [tilespmem:$0xBA30]  }
0x40a: {  	v13 =	vld [tilespmem:$0xBA70];
	s22 =	simm.s32 $0x2  }
0x40b: {  	v37 =	vld [tilespmem:$0xBAB0];
	s21 =	simm.s32 $0xEF70;
	[tilespmem:$0x1FC40] =	vst v5;
	v5 =	vmov s22  }
0x40c: {  	s19 =	simm.s32 $0x1;
	s26 =	simm.s32 $0x12370;
	v34 =	vld [tilespmem:s21+$0x30]  }
0x40d: {  	v4 =	vmov s19;
	v51 =	vld [tilespmem:s26+$0xB0]  }
0x40e: {  	v52 =	vld [tilespmem:s21+$0xFFFFFFB0]  }
0x40f: {  	v53 =	vld [tilespmem:s21+$0xFFFFFFF0]  }
0x410: {  	v56 =	vld.idx.msk [tilespmem:v5+s12+$0x0], $0xffff  }
0x411: {  	v5 =	vld [tilespmem:s20+$0x150]  }
0x412: {  	v54 =	vld.idx.msk [tilespmem:v4+s12+$0x0], $0xffff  }
0x413: {  	v55 =	vld [tilespmem:s26+$0xF0]  }
0x414: {  	v57 =	vld [tilespmem:s26+$0x130]  }
0x415: {  	v58 =	vld [tilespmem:s21+$0x70]  }
0x416: {  	v59 =	vld [tilespmem:s26+$0x170];
	[tilespmem:$0x1FC50] =	vst v5  }
0x417: {  	v5 =	vld [tilespmem:s20+$0x160]  }
0x418: {  	v7 =	vld [tilespmem:$0xBA00]  }
0x419: {  	v8 =	vld [tilespmem:$0xBA40]  }
0x41a: {  	v11 =	vld [tilespmem:$0xBA80]  }
0x41b: {  	v14 =	vld [tilespmem:$0xBAC0]  }
0x41c: {  	v29 =	vld [tilespmem:$0xBA10];
	[tilespmem:$0x1FC60] =	vst v5  }
0x41d: {  	v31 =	vld.idx.msk [tilespmem:v4+s14+$0x0], $0xffff  }
0x41e: {  	v4 =	vld [tilespmem:s21+$0x140]  }
0x41f: {  	v32 =	vld [tilespmem:s20+$0x170]  }
0x420: {  	v25 =	vld [tilespmem:s20+$0x100]  }
0x421: {  	v63 =	vld [tilespmem:s20+$0x110]  }
0x422: {  	v46 =	vld [tilespmem:s20+$0x120]  }
0x423: {  	v33 =	vld [tilespmem:s20+$0x130];
	[tilespmem:$0x1FC70] =	vst v4  }
0x424: {  	v4 =	vld [tilespmem:s21+$0x150]  }
0x425: {  	v28 =	vld [tilespmem:$0xBA50]  }
0x426: {  	v42 =	vld [tilespmem:$0xBA90]  }
0x427: {  	v47 =	vld [tilespmem:$0xBAD0]  }
0x428: {  	v15 =	vld [tilespmem:$0xBA20]  }
0x429: {  	v16 =	vld [tilespmem:$0xBA60];
	[tilespmem:$0x1FC90] =	vst v4  }
0x42a: {  	v4 =	vld [tilespmem:s21+$0x160]  }
0x42b: {  	v17 =	vld [tilespmem:$0xBAA0]  }
0x42c: {  	v18 =	vld [tilespmem:$0xBAE0]  }
0x42d: {  	v19 =	vld [tilespmem:$0xEDF0]  }
0x42e: {  	v20 =	vld [tilespmem:$0xEE30]  }
0x42f: {  	v36 =	vld [tilespmem:$0xEE70];
	[tilespmem:$0x1FCA0] =	vst v4  }
0x430: {  	v4 =	vld [tilespmem:s21+$0x170]  }
0x431: {  	v3 =	vld [tilespmem:$0xEEB0]  }
0x432: {  	v30 =	vld [tilespmem:$0xEE00]  }
0x433: {  	v35 =	vld [tilespmem:$0xEE40]  }
0x434: {  	v38 =	vld [tilespmem:$0xEE80]  }
0x435: {  	v21 =	vld [tilespmem:$0x1FEA0];
	[tilespmem:$0x1FCC0] =	vst v4  }
0x436: {  	v4 =	vld [tilespmem:s20+$0x80]  }
0x437: {  	v45 =	vld [tilespmem:s20+$0xC0]  }
0x438: {  	v6 =	vld [tilespmem:s20+$0x90]  }
0x439: {  	v5 =	vld [tilespmem:s20+$0xD0]  }
0x43a: {  	v10 =	vld [tilespmem:s20+$0xA0]  }
0x43b: {  	v12 =	vld [tilespmem:s21+$0x120]  }
0x43c: {  	v9 =	vld [tilespmem:s20+$0xE0]  }
0x43d: {  	v15 =	vadd.f32 v16, v15;
	v2 =	vadd.f32 v2, v1;
	v40 =	vld [tilespmem:s20+$0xB0]  }
0x43e: {  	v0 =	vsub.f32 $4.000000000e+00, v0;
	v1 =	vadd.f32 v53, v52;
	v41 =	vld [tilespmem:s20+$0xF0]  }
0x43f: {  	v15 =	vadd.f32 v17, v15;
	v51 =	vadd.f32 v55, v51;
	v44 =	vld [tilespmem:s21+$0x100]  }
0x440: {  	v34 =	vadd.f32 v34, v1;
	v1 =	vsub.f32 $4.000000000e+00, v54;
	v50 =	vld [tilespmem:s21+$0x110];
	[tilespmem:$0x1FC80] =	vst v12  }
0x441: {  	v15 =	vadd.f32 v18, v15;
	v18 =	vadd.f32 v57, v51;
	v51 =	vmul.f32 v0, v21;
	v12 =	vld [tilespmem:s21+$0x130]  }
0x442: {  	v48 =	vld [tilespmem:$0xEEC0];
	v61 =	vadd.f32 v58, v34;
	v34 =	vsub.f32 $4.000000000e+00, v56;
	v62 =	vmul.f32 v1, v27  }
0x443: {  	v22 =	vld [tilespmem:$0x1FED0];
	v7 =	vadd.f32 v8, v7;
	v8 =	vsub.f32 v15, v51  }
0x444: {  	v23 =	vld [tilespmem:$0x1FEE0];
	v15 =	vadd.f32 v59, v18;
	v61 =	vsub.f32 v61, v62;
	v62 =	vmul.f32 v34, v26  }
0x445: {  	v24 =	vld [tilespmem:$0x1FEF0]  }
0x446: {  	v2 =	vadd.f32 v13, v2;
	v13 =	vsub.f32 v15, v62;
	v62 =	vld [tilespmem:$0x1FF10];
	[tilespmem:$0x1FCB0] =	vst v12  }
0x447: {  	v16 =	vld [tilespmem:s21+$0x80]  }
0x448: {  	v12 =	vld [tilespmem:s21+$0xC0]  }
0x449: {  	v17 =	vld [tilespmem:s21+$0x90]  }
0x44a: {  	v52 =	vld [tilespmem:s21+$0xD0]  }
0x44b: {  	v7 =	vadd.f32 v11, v7;
	v11 =	vld [tilespmem:s26+$0x150]  }
0x44c: {  	v53 =	vld [tilespmem:s21+$0xA0]  }
0x44d: {  	v54 =	vld [tilespmem:s21+$0xE0]  }
0x44e: {  	v2 =	vadd.f32 v37, v2;
	v57 =	vld [tilespmem:s21+$0xB0]  }
0x44f: {  	v7 =	vadd.f32 v14, v7;
	v14 =	vmul.f32 v0, v22;
	v8 =	vadd.f32 v61, v8;
	v51 =	vld [tilespmem:s21+$0xF0]  }
0x450: {  	v28 =	vadd.f32 v28, v29;
	v56 =	vld [tilespmem:s26+$0x140];
	[tilespmem:$0x1FCD0] =	vst v11  }
0x451: {  	v2 =	vsub.f32 v2, v14;
	v8 =	vadd.f32 v13, v8;
	v13 =	vmul.f32 v0, v23;
	v18 =	vld [tilespmem:s26+$0x160]  }
0x452: {  	v14 =	vadd.f32 v20, v19;
	v20 =	vadd.f32 v35, v30;
	v55 =	vld [tilespmem:s26+$0x100]  }
0x453: {  	v58 =	vld [tilespmem:s26+$0x110];
	[tilespmem:$0x1FCE0] =	vst v2;
	v2 =	vsub.f32 v7, v13;
	v7 =	vadd.f32 v42, v28  }
0x454: {  	v43 =	vld [tilespmem:$0xEE10]  }
0x455: {  	v39 =	vld [tilespmem:$0xEE50];
	v20 =	vadd.f32 v38, v20;
	v28 =	vmul.f32 v0, v24;
	v7 =	vadd.f32 v47, v7  }
0x456: {  	v60 =	vld [tilespmem:$0xEE60]  }
0x457: {  	v19 =	vld [tilespmem:s26+$0x120];
	[tilespmem:$0x1FCF0] =	vst v2;
	v2 =	vsub.f32 v7, v28;
	v7 =	vadd.f32 v48, v20;
	v20 =	vmul.f32 v0, v62  }
0x458: {  	v61 =	vld [tilespmem:$0x1FF00]  }
0x459: {  	v37 =	vsub.f32 v7, v20;
	v7 =	vld [tilespmem:$0x1FC00]  }
0x45a: {  	v49 =	vld [tilespmem:$0xEE90]  }
0x45b: {  	v14 =	vadd.f32 v36, v14;
	v15 =	vld [tilespmem:$0x1FC20];
	_ =	sdelay $0x1  }
0x45c: {  	v14 =	vadd.f32 v3, v14;
	v29 =	vmul.f32 v0, v61;
	v13 =	vld [tilespmem:$0x1FC10]  }
0x45d: {  	v30 =	vadd.f32 v39, v43;
	v7 =	vadd.f32 v60, v7  }
0x45e: {  	v36 =	vsub.f32 v14, v29  }
0x45f: {  	v14 =	vadd.f32 v49, v30;
	v7 =	vadd.f32 v15, v7;
	v15 =	vld [tilespmem:$0x1FC30];
	_ =	sdelay $0x1  }
0x460: {  	v14 =	vadd.f32 v13, v14;
	v13 =	vld [tilespmem:$0x1FEB0];
	_ =	sdelay $0x2  }
0x461: {  	v8 =	vmul.f32 v8, v31;
	v7 =	vadd.f32 v15, v7;
	v15 =	vld [tilespmem:$0x1FC40]  }
0x462: {  	v4 =	vadd.f32 v45, v4  }
0x463: {  	v8 =	vadd.f32 v8, v8;
	v28 =	vmul.f32 v0, v13;
	v0 =	vmul.f32 v0, v27  }
0x464: {  	v4 =	vadd.f32 v25, v4  }
0x465: {  	v8 =	vmul.f32 $1.442695020e+00, v8;
	v39 =	vsub.f32 v7, v0;
	v7 =	vld [tilespmem:$0x1FC50]  }
0x466: {  	v5 =	vadd.f32 v5, v6;
	v4 =	vadd.f32 v15, v4;
	v15 =	vld [tilespmem:$0x1FC60]  }
0x467: {  	(erf) = vpow2.f32 v8;
	v9 =	vadd.f32 v9, v10  }
0x468: {  	v5 =	vadd.f32 v63, v5  }
0x469: {  	v9 =	vadd.f32 v46, v9;
	v25 =	vld [tilespmem:$0x1FF40]  }
0x46a: {  	v11 =	vld [tilespmem:s26+$0x80];
	v0 =	vmul.f32 v34, v23;
	v5 =	vadd.f32 v7, v5  }
0x46b: {  	v38 =	vsub.f32 v14, v28;
	v9 =	vadd.f32 v15, v9;
	v15 =	vld [tilespmem:$0x1FC70]  }
0x46c: {  	v42 =	vld [tilespmem:s26+$0xC0];
	v28 =	vsub.f32 v5, v0;
	v5 =	vadd.f32 v12, v16  }
0x46d: {  	v47 =	vld [tilespmem:s26+$0x90]  }
0x46e: {  	v59 =	vld [tilespmem:s26+$0xD0];
	v5 =	vadd.f32 v44, v5  }
0x46f: {  	v3 =	vld [tilespmem:s26+$0xA0]  }
0x470: {  	[tilespmem:$0x1FD00] =	vst v2;
	v0 =	vpop (erf);
	v5 =	vadd.f32 v15, v5;
	v15 =	vld [tilespmem:$0x1FC80]  }
0x471: {  	v2 =	vld [tilespmem:s26+$0xE0];
	v0 =	vadd.f32 $1.000000000e+00, v0  }
0x472: {  	v8 =	vld [tilespmem:s21+$0xFFFFFF80]  }
0x473: {  	v20 =	vld [tilespmem:s21+$0xFFFFFFC0];
	(erf) = vrcp.f32 v0;
	v0 =	vadd.f32 v54, v53  }
0x474: {  	v49 =	vld [tilespmem:s21+$0xFFFFFF90]  }
0x475: {  	v0 =	vadd.f32 v15, v0;
	v15 =	vld [tilespmem:$0x1FC90]  }
0x476: {  	v17 =	vadd.f32 v52, v17;
	v6 =	vld [tilespmem:s21+$0xFFFFFFD0];
	v12 =	vmul.f32 v34, v24  }
0x477: {  	v35 =	vld [tilespmem:s20+$0xFFFFFF80]  }
0x478: {  	v52 =	vld [tilespmem:s21+$0x20];
	v30 =	vsub.f32 v9, v12;
	v12 =	vadd.f32 v50, v17  }
0x479: {  	v60 =	vld [tilespmem:s21+$0xFFFFFFE0]  }
0x47a: {  	v12 =	vadd.f32 v15, v12;
	v15 =	vld [tilespmem:$0x1FCA0]  }
0x47b: {  	v14 =	vld [tilespmem:s21+$0xFFFFFFA0];
	v2 =	vadd.f32 v2, v3  }
0x47c: {  	v8 =	vadd.f32 v20, v8;
	v20 =	vld [tilespmem:s26+$0xFFFFFFE0]  }
0x47d: {  	v2 =	vadd.f32 v19, v2;
	v19 =	vld [tilespmem:s26+$0xFFFFFFB0];
	v17 =	vmul.f32 v34, v61  }
0x47e: {  	v10 =	vmul.f32 v34, v22;
	v7 =	vld [tilespmem:s20+$0xFFFFFFC0]  }
0x47f: {  	v43 =	vsub.f32 v5, v17;
	v5 =	vmul.f32 v34, v62;
	v0 =	vadd.f32 v15, v0;
	v15 =	vld [tilespmem:$0x1FCB0]  }
0x480: {  	v29 =	vsub.f32 v4, v10;
	v4 =	vld [tilespmem:s20+$0xFFFFFF90]  }
0x481: {  	v45 =	vsub.f32 v12, v5;
	v12 =	vadd.f32 v42, v11;
	v11 =	vld [tilespmem:$0x1FCC0]  }
0x482: {  	v10 =	vld [tilespmem:s20+$0xFFFFFFD0];
	v54 =	vadd.f32 v51, v57  }
0x483: {  	v16 =	vld [tilespmem:s20+$0xFFFFFFA0]  }
0x484: {  	v44 =	vld [tilespmem:s20+$0xFFFFFFE0];
	v57 =	vadd.f32 v15, v54  }
0x485: {  	v9 =	vld [tilespmem:s20+$0xFFFFFFB0]  }
0x486: {  	v51 =	vld [tilespmem:s21+$0x0];
	v63 =	vadd.f32 v11, v57;
	v57 =	vmul.f32 v34, v27  }
0x487: {  	v11 =	vld [tilespmem:$0x1FCD0]  }
0x488: {  	v5 =	vmul.f32 v34, v13;
	v48 =	vsub.f32 v63, v57;
	v63 =	vld [tilespmem:$0x1FF30]  }
0x489: {  	v47 =	vadd.f32 v59, v47;
	v27 =	vld [tilespmem:$0x1FF20]  }
0x48a: {  	v50 =	vld [tilespmem:s20+$0xFFFFFFF0];
	v46 =	vsub.f32 v0, v5  }
0x48b: {  	v53 =	vld [tilespmem:s26+$0xFFFFFFC0];
	v0 =	vadd.f32 v55, v12;
	v12 =	vadd.f32 v58, v47  }
0x48c: {  	v4 =	vadd.f32 v10, v4;
	v10 =	vadd.f32 v44, v16;
	v16 =	vld [tilespmem:s20+$0x30]  }
0x48d: {  	v8 =	vadd.f32 v51, v8;
	v51 =	vld [tilespmem:s21+$0x40];
	v11 =	vadd.f32 v11, v12;
	v59 =	vmul.f32 v34, v63  }
0x48e: {  	v2 =	vadd.f32 v18, v2;
	v0 =	vadd.f32 v56, v0;
	v15 =	vld [tilespmem:s26+$0xFFFFFF80];
	v58 =	vmul.f32 v34, v27  }
0x48f: {  	v55 =	vmul.f32 v34, v25;
	v57 =	vsub.f32 v11, v59;
	v11 =	vadd.f32 v60, v14;
	v14 =	vld [tilespmem:s20+$0x10]  }
0x490: {  	v42 =	vld [tilespmem:s26+$0xFFFFFFD0];
	v0 =	vsub.f32 v0, v58  }
0x491: {  	v58 =	vsub.f32 v2, v55;
	v2 =	vadd.f32 v7, v35;
	v7 =	vld [tilespmem:s20+$0x20]  }
0x492: {  	v5 =	vld [tilespmem:s26+$0xFFFFFF90]  }
0x493: {  	v6 =	vadd.f32 v6, v49;
	v49 =	vmov v13;
	v13 =	vadd.f32 v53, v15;
	v53 =	vld [tilespmem:s21+$0x60]  }
0x494: {  	v14 =	vadd.f32 v14, v4;
	v4 =	vld [tilespmem:s26+$0x10]  }
0x495: {  	v17 =	vld [tilespmem:s21+$0x10];
	v9 =	vadd.f32 v50, v9  }
0x496: {  	v18 =	vld [tilespmem:s20+$0x0];
	v56 =	vmul.f32 v1, v61;
	v10 =	vadd.f32 v7, v10;
	v7 =	vadd.f32 v51, v8  }
0x497: {  	v50 =	vld [tilespmem:s20+$0x40];
	v5 =	vadd.f32 v42, v5;
	v11 =	vadd.f32 v52, v11  }
0x498: {  	v16 =	vadd.f32 v16, v9;
	v9 =	vld [tilespmem:s26+$0x30];
	v47 =	vsub.f32 v7, v56  }
0x499: {  	v7 =	vadd.f32 v53, v11;
	v53 =	vadd.f32 v4, v5;
	v4 =	vld [tilespmem:$0x1FCE0]  }
0x49a: {  	v6 =	vadd.f32 v17, v6;
	v17 =	vld [tilespmem:s21+$0x50]  }
0x49b: {  	v54 =	vld [tilespmem:s26+$0xFFFFFFA0]  }
0x49c: {  	v12 =	vld [tilespmem:s26+$0xFFFFFFF0]  }
0x49d: {  	v3 =	vpop (erf);
	v55 =	vld [tilespmem:s26+$0x0]  }
0x49e: {  	v3 =	vadd.f32 v3, v3;
	v15 =	vadd.f32 v47, v4;
	v4 =	vld [tilespmem:$0x1FCF0]  }
0x49f: {  	v6 =	vadd.f32 v17, v6;
	v35 =	vld [tilespmem:s20+$0x60];
	v59 =	vmul.f32 v1, v62  }
0x4a0: {  	v3 =	vsub.f32 $1.000000000e+00, v3;
	v60 =	vmul.f32 v1, v49;
	v8 =	vld [tilespmem:s26+$0x20]  }
0x4a1: {  	v42 =	vld [tilespmem:s20+$0x50];
	v20 =	vadd.f32 v20, v54;
	v6 =	vsub.f32 v6, v59  }
0x4a2: {  	v17 =	vmul.f32 v1, v22;
	v2 =	vadd.f32 v18, v2;
	v44 =	vsub.f32 v7, v60;
	v60 =	vld [tilespmem:s26+$0x40]  }
0x4a3: {  	v18 =	vmul.f32 v1, v24;
	v12 =	vadd.f32 v12, v19;
	v4 =	vadd.f32 v6, v4;
	v6 =	vld [tilespmem:$0x1FD00]  }
0x4a4: {  	s29 =	simm.s32 $0x0;
	v49 =	vmul.f32 v1, v27;
	v2 =	vadd.f32 v50, v2;
	v13 =	vadd.f32 v55, v13;
	v5 =	vld [tilespmem:s20+$0x70]  }
0x4a5: {  	v10 =	vadd.f32 v35, v10;
	v7 =	vadd.f32 v8, v20;
	v20 =	vmov s29  }
0x4a6: {  	v50 =	vmul.f32 v1, v63;
	v52 =	vmul.f32 v1, v26;
	v59 =	vadd.f32 v9, v12;
	v12 =	vld [tilespmem:s26+$0x50]  }
0x4a7: {  	s19 =	simm.s32 $0xBD70;
	v51 =	vmul.f32 v1, v25;
	v9 =	vld [tilespmem:s26+$0x70];
	v55 =	vsub.f32 v10, v18;
	v10 =	vadd.f32 v60, v13  }
0x4a8: {  	v11 =	vmul.f32 v1, v23;
	v35 =	vld [tilespmem:s19+$0x140];
	v56 =	vadd.f32 v44, v6;
	v6 =	vadd.f32 v42, v14  }
0x4a9: {  	s23 =	simm.s32 $0x3;
	v8 =	vld [tilespmem:s26+$0x60];
	v47 =	vmul.f32 v1, v21;
	v5 =	vadd.f32 v5, v16;
	v0 =	vadd.f32 v0, v15  }
0x4aa: {  	s28 =	simm.s32 $0x4;
	s22 =	simm.s32 $0xF170;
	s21 =	simm.s32 $0x15630;
	v1 =	vld.idx.msk [tilespmem:v20+s14+$0x0], $0xffff;
	v15 =	vsub.f32 v2, v17;
	v54 =	vsub.f32 v6, v11;
	v6 =	vmov s23  }
0x4ab: {  	s25 =	simm.s32 $0x12570;
	s26 =	simm.s32 $0x5;
	s20 =	simm.s32 $0x15630;
	v5 =	vsub.f32 v5, v47;
	v2 =	vmul.f32 v31, v0;
	[tilespmem:s21+$0x30] =	vst v3;
	v44 =	vld [tilespmem:s22+$0x30];
	v11 =	vadd.f32 v12, v53  }
.LBB2_7:
0x4ac: {  	_ = 	snop  }
0x4ad: {  	v3 =	vld [tilespmem:s25+$0xB0]  }
0x4ae: {  	v12 =	vld [tilespmem:s22+$0xFFFFFFF0]  }
0x4af: {  	v14 =	vld.idx.msk [tilespmem:v6+s12+$0x0], $0xffff  }
0x4b0: {  	v16 =	vld [tilespmem:s25+$0xF0]  }
0x4b1: {  	v13 =	vadd.f32 v43, v15;
	v4 =	vadd.f32 v57, v4;
	v19 =	vld [tilespmem:s25+$0x130]  }
0x4b2: {  	v18 =	vadd.f32 v58, v56;
	v20 =	vld [tilespmem:s19+$0x170];
	v10 =	vsub.f32 v10, v49  }
0x4b3: {  	v0 =	vmov s28;
	v11 =	vsub.f32 v11, v50;
	v15 =	vadd.f32 v45, v54;
	v50 =	vld [tilespmem:$0x1FEC0]  }
0x4b4: {  	v17 =	vadd.f32 v46, v55;
	v10 =	vadd.f32 v10, v36;
	v36 =	vmov v13;
	v13 =	vld [tilespmem:s22+$0x70]  }
0x4b5: {  	v5 =	vadd.f32 v48, v5;
	v7 =	vadd.f32 v8, v7;
	v8 =	vld [tilespmem:s22+$0xFFFFFFB0]  }
0x4b6: {  	v11 =	vadd.f32 v11, v37;
	v37 =	vmov v15;
	v15 =	vadd.f32 v41, v40;
	v40 =	vld [tilespmem:s19+$0xC0]  }
0x4b7: {  	v41 =	vld [tilespmem:s19+$0xF0];
	v9 =	vadd.f32 v9, v59;
	v14 =	vsub.f32 $4.000000000e+00, v14  }
0x4b8: {  	v0 =	vld.idx.msk [tilespmem:v0+s12+$0x0], $0xffff;
	v3 =	vadd.f32 v16, v3;
	v15 =	vadd.f32 v33, v15  }
0x4b9: {  	v4 =	vmul.f32 v31, v4;
	v59 =	vld [tilespmem:s19+$0x110];
	v7 =	vsub.f32 v7, v51;
	v9 =	vsub.f32 v9, v52  }
0x4ba: {  	v33 =	vld [tilespmem:s19+$0x130];
	v51 =	vmul.f32 v34, v21;
	v3 =	vadd.f32 v19, v3;
	v8 =	vadd.f32 v12, v8  }
0x4bb: {  	v16 =	vmul.f32 v14, v50;
	v15 =	vadd.f32 v32, v15;
	v19 =	vadd.f32 v4, v4;
	v12 =	vld [tilespmem:s25+$0x170]  }
0x4bc: {  	v55 =	vmul.f32 v14, v61;
	v4 =	vld [tilespmem:s22+$0x170];
	v9 =	vadd.f32 v9, v39;
	v39 =	vmovc v5;
	v5 =	vadd.f32 v44, v8  }
0x4bd: {  	v54 =	vmul.f32 v14, v62;
	v32 =	vmovc v20;
	v53 =	vmul.f32 v14, v22;
	v20 =	vld [tilespmem:s19+$0x80];
	v0 =	vsub.f32 $4.000000000e+00, v0  }
0x4be: {  	v42 =	vmul.f32 v14, v21;
	v21 =	vld [tilespmem:s19+$0xE0];
	v7 =	vadd.f32 v7, v38;
	v5 =	vadd.f32 v13, v5  }
0x4bf: {  	v38 =	vmovc v17;
	v17 =	vmul.f32 v31, v18;
	v31 =	vld.idx.msk [tilespmem:v6+s14+$0x0], $0xffff;
	v6 =	vsub.f32 v15, v51;
	v34 =	vmov v0  }
0x4c0: {  	v18 =	vld [tilespmem:s19+$0x150];
	v3 =	vadd.f32 v12, v3;
	v0 =	vsub.f32 v5, v16;
	v5 =	vmul.f32 v34, v26  }
0x4c1: {  	v47 =	vmul.f32 v14, v23;
	v49 =	vmul.f32 v14, v27;
	v15 =	vld [tilespmem:$0x1FEB0]  }
0x4c2: {  	v52 =	vmul.f32 v14, v26;
	v8 =	vld [tilespmem:s19+$0x160];
	v0 =	vadd.f32 v0, v6;
	v3 =	vsub.f32 v3, v5  }
0x4c3: {  	v51 =	vmul.f32 v14, v25;
	v44 =	vmul.f32 v14, v24;
	v13 =	vld [tilespmem:s19+$0x100]  }
0x4c4: {  	v45 =	vmul.f32 v34, v62;
	v48 =	vmul.f32 v34, v50;
	v62 =	vld [tilespmem:s19+$0x90];
	v0 =	vadd.f32 v3, v0  }
0x4c5: {  	v57 =	vmul.f32 v34, v63;
	v50 =	vmul.f32 v14, v63;
	v63 =	vld [tilespmem:s19+$0xD0]  }
0x4c6: {  	v56 =	vmul.f32 v14, v15;
	v14 =	vld [tilespmem:s19+$0xA0];
	v0 =	vmul.f32 v0, v31  }
0x4c7: {  	v2 =	vadd.f32 v2, v2;
	v12 =	vld [tilespmem:s19+$0x120]  }
0x4c8: {  	v16 =	vld [tilespmem:s22+$0x140];
	v0 =	vadd.f32 v0, v0  }
0x4c9: {  	v2 =	vmul.f32 $1.442695020e+00, v2;
	v5 =	vld [tilespmem:s22+$0x150]  }
0x4ca: {  	v10 =	vmul.f32 v1, v10;
	v6 =	vld [tilespmem:s22+$0x160];
	v0 =	vmul.f32 $1.442695020e+00, v0  }
0x4cb: {  	v11 =	vmul.f32 v1, v11;
	v3 =	vadd.f32 v17, v17;
	v14 =	vadd.f32 v21, v14;
	v21 =	vld [tilespmem:s22+$0x120]  }
0x4cc: {  	(erf) = vpow2.f32 v0;
	v0 =	vmul.f32 v1, v7;
	v7 =	vadd.f32 v40, v20;
	v40 =	vld [tilespmem:s19+$0xB0]  }
0x4cd: {  	v1 =	vmul.f32 v9, v1;
	v9 =	vmul.f32 $1.442695020e+00, v19;
	v19 =	vld [tilespmem:s22+$0x100]  }
0x4ce: {  	v10 =	vadd.f32 v10, v10;
	v3 =	vmul.f32 $1.442695020e+00, v3;
	v20 =	vld [tilespmem:s22+$0x110]  }
0x4cf: {  	(erf) = vpow2.f32 v2;
	v7 =	vadd.f32 v13, v7;
	v13 =	vadd.f32 v63, v62;
	v63 =	vld [tilespmem:$0x1FF30]  }
0x4d0: {  	v62 =	vld [tilespmem:$0x1FF10];
	(erf) = vpow2.f32 v9  }
0x4d1: {  	v11 =	vadd.f32 v11, v11;
	v10 =	vmul.f32 $1.442695020e+00, v10;
	(erf) = vpow2.f32 v3;
	v3 =	vld [tilespmem:s22+$0xC0]  }
0x4d2: {  	v17 =	vmul.f32 v34, v22;
	v13 =	vadd.f32 v59, v13;
	v2 =	vadd.f32 v35, v7;
	v7 =	vld [tilespmem:s22+$0x130]  }
0x4d3: {  	v12 =	vadd.f32 v12, v14;
	v1 =	vadd.f32 v1, v1;
	(erf) = vpow2.f32 v10;
	v10 =	vld [tilespmem:s22+$0xD0]  }
0x4d4: {  	v11 =	vmul.f32 $1.442695020e+00, v11;
	v0 =	vadd.f32 v0, v0;
	v18 =	vadd.f32 v18, v13;
	v13 =	vld [tilespmem:s22+$0x80]  }
0x4d5: {  	v59 =	vmul.f32 $1.442695020e+00, v1;
	v1 =	vsub.f32 v2, v17;
	v2 =	vadd.f32 v8, v12;
	v8 =	vld [tilespmem:s22+$0x90]  }
0x4d6: {  	v43 =	vmul.f32 v34, v61;
	v0 =	vmul.f32 $1.442695020e+00, v0;
	v12 =	vld [tilespmem:s22+$0xF0]  }
0x4d7: {  	v60 =	vmul.f32 v34, v23;
	v9 =	vpop (erf);
	(erf) = vpow2.f32 v11;
	v11 =	vld [tilespmem:s22+$0xE0]  }
0x4d8: {  	v61 =	vmul.f32 v34, v24;
	v9 =	vadd.f32 $1.000000000e+00, v9;
	(erf) = vpow2.f32 v0;
	v0 =	vld [tilespmem:s22+$0xA0]  }
0x4d9: {  	v17 =	vld [tilespmem:s25+$0x150];
	v35 =	vsub.f32 v18, v60;
	(erf) = vpow2.f32 v59  }
0x4da: {  	v2 =	vsub.f32 v2, v61;
	v3 =	vadd.f32 v3, v13;
	v13 =	vpop (erf);
	(erf) = vrcp.f32 v9;
	v9 =	vld [tilespmem:s22+$0xB0]  }
0x4db: {  	v61 =	vld [tilespmem:$0x1FF00];
	v8 =	vadd.f32 v10, v8;
	v14 =	vpop (erf);
	v59 =	vadd.f32 $1.000000000e+00, v13  }
0x4dc: {  	v10 =	vld [tilespmem:s25+$0x140];
	v3 =	vadd.f32 v19, v3;
	v14 =	vadd.f32 $1.000000000e+00, v14  }
0x4dd: {  	v18 =	vpop (erf);
	v60 =	vadd.f32 v20, v8;
	v0 =	vadd.f32 v11, v0;
	v11 =	vld [tilespmem:s25+$0x160]  }
0x4de: {  	v18 =	vadd.f32 $1.000000000e+00, v18;
	v3 =	vadd.f32 v16, v3;
	v16 =	vld [tilespmem:s25+$0x100]  }
0x4df: {  	v0 =	vadd.f32 v21, v0;
	v21 =	vadd.f32 v12, v9;
	v12 =	vld [tilespmem:s25+$0x110]  }
0x4e0: {  	v46 =	vmul.f32 v34, v15;
	v19 =	vpop (erf);
	v43 =	vsub.f32 v3, v43;
	v3 =	vadd.f32 v5, v60;
	v60 =	vld [tilespmem:s25+$0xE0]  }
0x4e1: {  	v20 =	vpop (erf);
	(erf) = vrcp.f32 v59;
	v0 =	vadd.f32 v6, v0;
	v6 =	vadd.f32 v7, v21;
	v7 =	vld [tilespmem:s25+$0x80]  }
0x4e2: {  	v13 =	vpop (erf);
	(erf) = vrcp.f32 v14;
	v45 =	vsub.f32 v3, v45;
	v3 =	vld [tilespmem:s25+$0xC0];
	v14 =	vadd.f32 $1.000000000e+00, v19  }
0x4e3: {  	v59 =	vadd.f32 $1.000000000e+00, v20;
	v20 =	vadd.f32 $1.000000000e+00, v13;
	v13 =	vld [tilespmem:s22+$0xFFFFFF80]  }
0x4e4: {  	v8 =	vpop (erf);
	(erf) = vrcp.f32 v18;
	v46 =	vsub.f32 v0, v46;
	v0 =	vadd.f32 v4, v6;
	v4 =	vld [tilespmem:s25+$0x90]  }
0x4e5: {  	v9 =	vpop (erf);
	v6 =	vld [tilespmem:s25+$0xD0]  }
0x4e6: {  	(erf) = vrcp.f32 v14;
	v14 =	vld [tilespmem:s22+$0xFFFFFFC0];
	v9 =	vadd.f32 v9, v9  }
0x4e7: {  	v48 =	vsub.f32 v0, v48;
	v0 =	vld [tilespmem:s25+$0xA0]  }
0x4e8: {  	v5 =	vld [tilespmem:s25+$0x120];
	v9 =	vsub.f32 $1.000000000e+00, v9;
	v3 =	vadd.f32 v3, v7  }
0x4e9: {  	v8 =	vadd.f32 $1.000000000e+00, v8;
	(erf) = vrcp.f32 v59;
	v59 =	vld [tilespmem:s22+$0xFFFFFF90]  }
0x4ea: {  	v3 =	vadd.f32 v16, v3;
	v4 =	vadd.f32 v6, v4;
	v16 =	vld [tilespmem:s22+$0xFFFFFFA0];
	v7 =	vpop (erf)  }
0x4eb: {  	s21 =	sadd.s32 $0x80, s21;
	v13 =	vadd.f32 v14, v13;
	v14 =	vld [tilespmem:s19+$0xFFFFFFC0];
	(erf) = vrcp.f32 v20;
	v7 =	vadd.f32 v7, v7  }
0x4ec: {  	[tilespmem:s21+$0x30] =	vst v9;
	v9 =	vpop (erf);
	(erf) = vrcp.f32 v8;
	v8 =	vld [tilespmem:s22+$0xFFFFFFD0];
	v4 =	vadd.f32 v12, v4;
	v0 =	vadd.f32 v60, v0  }
0x4ed: {  	v15 =	vmul.f32 v34, v27;
	v12 =	vld [tilespmem:s22+$0xFFFFFFE0];
	v3 =	vadd.f32 v10, v3;
	v6 =	vpop (erf);
	v9 =	vadd.f32 v9, v9  }
0x4ee: {  	v10 =	vld [tilespmem:s19+$0xFFFFFF80];
	v6 =	vadd.f32 v6, v6;
	v0 =	vadd.f32 v5, v0  }
0x4ef: {  	v5 =	vsub.f32 v3, v15;
	v3 =	vadd.f32 v17, v4;
	v4 =	vld [tilespmem:s19+$0xFFFFFF90]  }
0x4f0: {  	v7 =	vsub.f32 $1.000000000e+00, v7;
	v60 =	vadd.f32 v11, v0;
	v11 =	vld [tilespmem:s19+$0xFFFFFFD0]  }
0x4f1: {  	v15 =	vld [tilespmem:s19+$0xFFFFFFA0];
	v9 =	vsub.f32 $1.000000000e+00, v9;
	v57 =	vsub.f32 v3, v57  }
0x4f2: {  	v58 =	vmul.f32 v34, v25;
	v6 =	vsub.f32 $1.000000000e+00, v6;
	v12 =	vadd.f32 v12, v16;
	v16 =	vld [tilespmem:s19+$0xFFFFFFE0]  }
0x4f3: {  	[tilespmem:s20+$0x0] =	vst v7;
	v7 =	vadd.f32 v8, v59;
	v8 =	vpop (erf);
	v10 =	vadd.f32 v14, v10;
	v14 =	vld [tilespmem:s19+$0xFFFFFFB0]  }
0x4f4: {  	v59 =	vld [tilespmem:s19+$0xFFFFFFF0];
	v3 =	vadd.f32 v8, v8;
	v8 =	vpop (erf);
	v58 =	vsub.f32 v60, v58  }
0x4f5: {  	v8 =	vadd.f32 v8, v8;
	v0 =	vpop (erf);
	v4 =	vadd.f32 v11, v4;
	v11 =	vld [tilespmem:s22+$0x0]  }
0x4f6: {  	[tilespmem:s20+$0x10] =	vst v9;
	v60 =	vld [tilespmem:s22+$0x10];
	v3 =	vsub.f32 $1.000000000e+00, v3;
	v0 =	vadd.f32 v0, v0;
	v17 =	vpop (erf)  }
0x4f7: {  	[tilespmem:s20+$0x20] =	vst v6;
	v6 =	vld [tilespmem:s25+$0xFFFFFF80];
	v8 =	vsub.f32 $1.000000000e+00, v8;
	v17 =	vadd.f32 v17, v17  }
0x4f8: {  	v9 =	vadd.f32 v16, v15;
	v15 =	vld [tilespmem:s22+$0x20];
	[tilespmem:s20+$0xFFFFFFC0] =	vst v3;
	v0 =	vsub.f32 $1.000000000e+00, v0  }
0x4f9: {  	v3 =	vadd.f32 v59, v14;
	v14 =	vld [tilespmem:s25+$0xFFFFFFC0];
	[tilespmem:s20+$0xFFFFFFD0] =	vst v8;
	v16 =	vsub.f32 $1.000000000e+00, v17  }
0x4fa: {  	v8 =	vadd.f32 v11, v13;
	v11 =	vld [tilespmem:s25+$0xFFFFFF90];
	[tilespmem:s20+$0xFFFFFFE0] =	vst v0  }
0x4fb: {  	v0 =	vadd.f32 v60, v7;
	v7 =	vld [tilespmem:s25+$0xFFFFFFD0];
	[tilespmem:s20+$0xFFFFFFF0] =	vst v16  }
0x4fc: {  	v13 =	vld [tilespmem:s25+$0xFFFFFFA0]  }
0x4fd: {  	v12 =	vadd.f32 v15, v12;
	v15 =	vld [tilespmem:s25+$0xFFFFFFE0]  }
0x4fe: {  	v6 =	vadd.f32 v14, v6;
	v14 =	vld [tilespmem:s25+$0xFFFFFFB0]  }
0x4ff: {  	v16 =	vld [tilespmem:s25+$0xFFFFFFF0]  }
0x500: {  	v17 =	vld [tilespmem:s19+$0x0]  }
0x501: {  	v59 =	vld [tilespmem:s19+$0x20]  }
0x502: {  	v7 =	vadd.f32 v7, v11;
	v11 =	vld [tilespmem:s19+$0x10]  }
0x503: {  	v13 =	vadd.f32 v15, v13;
	v15 =	vld [tilespmem:s19+$0x30]  }
0x504: {  	v60 =	vld [tilespmem:s22+$0x40]  }
0x505: {  	v14 =	vadd.f32 v16, v14;
	v16 =	vld [tilespmem:s22+$0x50]  }
0x506: {  	v10 =	vadd.f32 v17, v10;
	v17 =	vld [tilespmem:s25+$0x0]  }
0x507: {  	v11 =	vadd.f32 v11, v4;
	v4 =	vld [tilespmem:s22+$0x60]  }
0x508: {  	v3 =	vadd.f32 v15, v3;
	v15 =	vld [tilespmem:s25+$0x10]  }
0x509: {  	v9 =	vadd.f32 v59, v9;
	v8 =	vadd.f32 v60, v8;
	v59 =	vld [tilespmem:s25+$0x20]  }
0x50a: {  	v0 =	vadd.f32 v16, v0;
	v16 =	vld [tilespmem:s25+$0x30]  }
0x50b: {  	v19 =	vld [tilespmem:s19+$0x40];
	v8 =	vsub.f32 v8, v55  }
0x50c: {  	v60 =	vld [tilespmem:s25+$0x40];
	v17 =	vadd.f32 v17, v6;
	v0 =	vsub.f32 v0, v54  }
0x50d: {  	v6 =	vld [tilespmem:s19+$0x60];
	v4 =	vadd.f32 v4, v12;
	v21 =	vadd.f32 v15, v7  }
0x50e: {  	v55 =	vld [tilespmem:s19+$0x70];
	v7 =	vadd.f32 v59, v13;
	v15 =	vadd.f32 v8, v29  }
0x50f: {  	v12 =	vld [tilespmem:s19+$0x50];
	v59 =	vadd.f32 v16, v14;
	v20 =	vsub.f32 v4, v56  }
0x510: {  	s28 =	sadd.s32 $0xFFFFFFFF, s23;
	v14 =	vld [tilespmem:s25+$0x50];
	v4 =	vadd.f32 v0, v28;
	v0 =	vadd.f32 v19, v10  }
0x511: {  	p0 =	slt.u32 s26, $0x2F;
	s19 =	sadd.s32 $0x200, s19;
	v13 =	vmov s28;
	v8 =	vld [tilespmem:s25+$0x60];
	v56 =	vadd.f32 v20, v30;
	v30 =	vmovc v2;
	v2 =	vadd.f32 v5, v15  }
.Ltmp2:
0x512: {  	v28 =	vmov v35;
	v35 =	vld [tilespmem:s19+$0x140];
	v15 =	vsub.f32 v0, v53;
	v0 =	vadd.f32 v6, v9;
	(pc) =	sbr.rel @p0 .LBB2_7-.Ltmp2, $4  }
0x513: {  	s22 =	sadd.s32 $0x200, s22;
	v3 =	vadd.f32 v55, v3;
	v9 =	vld [tilespmem:s25+$0x70]  }
0x514: {  	v29 =	vmov v1;
	v1 =	vadd.f32 v12, v11;
	v55 =	vsub.f32 v0, v44;
	v44 =	vld [tilespmem:s22+$0x30]  }
0x515: {  	s23 =	smov.u32 s26;
	s20 =	smov.u32 s21;
	v10 =	vadd.f32 v60, v17;
	v6 =	vmov s26;
	v11 =	vadd.f32 v14, v21;
	v21 =	vld [tilespmem:$0x1FEA0]  }
0x516: {  	s28 =	sadd.s32 $0x1, s23;
	s26 =	sadd.s32 $0x2, s26;
	v5 =	vsub.f32 v3, v42;
	s25 =	sadd.s32 $0x200, s25;
	v2 =	vmul.f32 v31, v2;
	v54 =	vsub.f32 v1, v47;
	v1 =	vld.idx.msk [tilespmem:v13+s14+$0x0], $0xffff  }
0x517: {  	v0 =	vmov s28;
	_ =	sdelay $0x1  }
0x518: {  	v3 =	vld [tilespmem:s25+$0xB0]  }
0x519: {  	v16 =	vld [tilespmem:s25+$0xF0]  }
0x51a: {  	v17 =	vld [tilespmem:s25+$0x130]  }
0x51b: {  	v0 =	vld.idx.msk [tilespmem:v0+s12+$0x0], $0xffff;
	_ =	sdelay $0x1  }
0x51c: {  	v53 =	vld [tilespmem:s25+$0x170];
	v19 =	vadd.f32 v41, v40  }
0x51d: {  	v3 =	vadd.f32 v16, v3  }
0x51e: {  	v12 =	vld [tilespmem:s22+$0xFFFFFFB0];
	v60 =	vadd.f32 v33, v19  }
0x51f: {  	v13 =	vld [tilespmem:s22+$0xFFFFFFF0];
	v33 =	vsub.f32 $4.000000000e+00, v0;
	v0 =	vadd.f32 v17, v3;
	_ =	sdelay $0x1  }
0x520: {  	v0 =	vadd.f32 v53, v0;
	v53 =	vld [tilespmem:s19+$0x160];
	_ =	sdelay $0x1  }
0x521: {  	v14 =	vld.idx.msk [tilespmem:v6+s12+$0x0], $0xffff  }
0x522: {  	v18 =	vld [tilespmem:s22+$0x70];
	v12 =	vadd.f32 v13, v12  }
0x523: {  	v40 =	vld [tilespmem:$0x1FEC0]  }
0x524: {  	v12 =	vadd.f32 v44, v12;
	v44 =	vmul.f32 v34, v21;
	v34 =	vld [tilespmem:s19+$0x150];
	[tilespmem:$0x1FBE0] =	vst v53  }
0x525: {  	v16 =	vld [tilespmem:s19+$0x170];
	_ =	sdelay $0x1  }
0x526: {  	v47 =	vsub.f32 $4.000000000e+00, v14;
	_ =	sdelay $0x1  }
0x527: {  	v42 =	vadd.f32 v32, v60;
	v41 =	vmul.f32 v47, v40;
	v3 =	vadd.f32 v18, v12  }
0x528: {  	v32 =	vadd.f32 v9, v59;
	v53 =	vld.idx.msk [tilespmem:v6+s14+$0x0], $0xffff;
	[tilespmem:$0x1FBF0] =	vst v16  }
0x529: {  	v12 =	vsub.f32 v42, v44;
	v3 =	vsub.f32 v3, v41;
	v9 =	vld [tilespmem:s25+$0x140]  }
0x52a: {  	v50 =	vsub.f32 v11, v50;
	v11 =	vld [tilespmem:s25+$0x150]  }
0x52b: {  	v3 =	vadd.f32 v3, v12;
	v12 =	vld [tilespmem:s25+$0x160]  }
0x52c: {  	v13 =	vld [tilespmem:s25+$0x100]  }
0x52d: {  	v17 =	vadd.f32 v8, v7;
	v60 =	vmul.f32 v33, v26;
	v14 =	vld [tilespmem:s25+$0x110]  }
0x52e: {  	v4 =	vadd.f32 v57, v4;
	v16 =	vld [tilespmem:s25+$0x120]  }
0x52f: {  	v0 =	vsub.f32 v0, v60;
	v6 =	vsub.f32 v17, v51;
	v17 =	vld [tilespmem:s25+$0xC0]  }
0x530: {  	v58 =	vadd.f32 v58, v56;
	v2 =	vadd.f32 v2, v2;
	v59 =	vld [tilespmem:s25+$0x90]  }
0x531: {  	v5 =	vadd.f32 v48, v5;
	v0 =	vadd.f32 v0, v3;
	v18 =	vld [tilespmem:s22+$0xFFFFFFD0]  }
0x532: {  	v4 =	vmul.f32 v31, v4;
	v7 =	vsub.f32 v32, v52;
	v3 =	vsub.f32 v10, v49;
	v20 =	vld [tilespmem:s22+$0xFFFFFFE0]  }
0x533: {  	v8 =	vadd.f32 v50, v37;
	v10 =	vmul.f32 v31, v58;
	v0 =	vmul.f32 v0, v53;
	v31 =	vld [tilespmem:s22+$0x0]  }
0x534: {  	v7 =	vadd.f32 v7, v39;
	v3 =	vadd.f32 v3, v36;
	v39 =	vld [tilespmem:s22+$0x10]  }
0x535: {  	v2 =	vmul.f32 $1.442695020e+00, v2;
	v36 =	vadd.f32 v45, v54;
	v45 =	vld [tilespmem:s22+$0x20];
	v0 =	vadd.f32 v0, v0  }
0x536: {  	v4 =	vadd.f32 v4, v4;
	v8 =	vmul.f32 v1, v8;
	v6 =	vadd.f32 v6, v38;
	v48 =	vld [tilespmem:s25+$0xFFFFFF80]  }
0x537: {  	v3 =	vmul.f32 v1, v3;
	v38 =	vadd.f32 v46, v55;
	v46 =	vld [tilespmem:s25+$0xFFFFFFC0];
	v0 =	vmul.f32 $1.442695020e+00, v0  }
0x538: {  	v10 =	vadd.f32 v10, v10;
	v6 =	vmul.f32 v1, v6;
	v1 =	vmul.f32 v7, v1;
	v7 =	vld [tilespmem:s25+$0xFFFFFFD0]  }
0x539: {  	v4 =	vmul.f32 $1.442695020e+00, v4;
	(erf) = vpow2.f32 v0;
	v0 =	vld [tilespmem:s25+$0x80]  }
0x53a: {  	v10 =	vmul.f32 $1.442695020e+00, v10;
	v3 =	vadd.f32 v3, v3;
	(erf) = vpow2.f32 v2;
	v2 =	vld [tilespmem:s25+$0xD0]  }
0x53b: {  	v8 =	vadd.f32 v8, v8;
	(erf) = vpow2.f32 v4;
	v4 =	vld [tilespmem:s25+$0xA0]  }
0x53c: {  	v3 =	vmul.f32 $1.442695020e+00, v3;
	(erf) = vpow2.f32 v10;
	v10 =	vld [tilespmem:s25+$0xE0]  }
0x53d: {  	v8 =	vmul.f32 $1.442695020e+00, v8;
	v6 =	vadd.f32 v6, v6;
	v52 =	vld [tilespmem:s25+$0x20]  }
0x53e: {  	v1 =	vadd.f32 v1, v1;
	(erf) = vpow2.f32 v3;
	v3 =	vld [tilespmem:s22+$0xFFFFFF80];
	v0 =	vadd.f32 v17, v0  }
0x53f: {  	v6 =	vmul.f32 $1.442695020e+00, v6;
	(erf) = vpow2.f32 v8;
	v8 =	vld [tilespmem:s22+$0xFFFFFFC0]  }
0x540: {  	v1 =	vmul.f32 $1.442695020e+00, v1;
	v17 =	vld [tilespmem:s25+$0xFFFFFF90];
	v2 =	vadd.f32 v2, v59;
	v0 =	vadd.f32 v13, v0  }
0x541: {  	v15 =	vadd.f32 v43, v15;
	(erf) = vpow2.f32 v6;
	v6 =	vld [tilespmem:s22+$0xFFFFFF90];
	v4 =	vadd.f32 v10, v4  }
0x542: {  	(erf) = vpow2.f32 v1;
	v1 =	vld [tilespmem:s22+$0xFFFFFFA0];
	v2 =	vadd.f32 v14, v2;
	v19 =	vpop (erf);
	v0 =	vadd.f32 v9, v0  }
0x543: {  	v32 =	vmul.f32 v33, v27;
	v10 =	vld [tilespmem:s25+$0xFFFFFFA0];
	v19 =	vadd.f32 $1.000000000e+00, v19;
	v4 =	vadd.f32 v16, v4  }
0x544: {  	v60 =	vmov v21;
	v14 =	vld [tilespmem:s25+$0xFFFFFFE0];
	v21 =	vpop (erf);
	v3 =	vadd.f32 v8, v3;
	v2 =	vadd.f32 v11, v2  }
0x545: {  	v9 =	vld [tilespmem:s25+$0xFFFFFFB0];
	v7 =	vadd.f32 v7, v17;
	v21 =	vadd.f32 $1.000000000e+00, v21  }
0x546: {  	v8 =	vld [tilespmem:s25+$0xFFFFFFF0];
	v54 =	vpop (erf);
	v0 =	vsub.f32 v0, v32;
	v6 =	vadd.f32 v18, v6  }
0x547: {  	v32 =	vld [tilespmem:$0x1FEB0];
	v55 =	vpop (erf);
	v37 =	vadd.f32 $1.000000000e+00, v54;
	v4 =	vadd.f32 v12, v4  }
0x548: {  	v54 =	vmul.f32 v33, v63;
	v1 =	vadd.f32 v20, v1;
	v3 =	vadd.f32 v31, v3;
	v31 =	vld [tilespmem:s25+$0x0];
	v56 =	vpop (erf)  }
0x549: {  	v17 =	vmul.f32 v47, v63;
	v43 =	vadd.f32 $1.000000000e+00, v55;
	v50 =	vadd.f32 $1.000000000e+00, v56;
	v56 =	vld [tilespmem:s22+$0x40]  }
0x54a: {  	v55 =	vmul.f32 v33, v25;
	v6 =	vadd.f32 v39, v6;
	v16 =	vsub.f32 v2, v54;
	v2 =	vld [tilespmem:s22+$0x50]  }
0x54b: {  	v18 =	vmul.f32 v47, v61;
	v10 =	vadd.f32 v14, v10;
	v57 =	vpop (erf);
	v1 =	vadd.f32 v45, v1;
	v54 =	vld [tilespmem:s25+$0x30]  }
0x54c: {  	v20 =	vmul.f32 v47, v62;
	v58 =	vpop (erf);
	v49 =	vadd.f32 $1.000000000e+00, v57;
	v4 =	vsub.f32 v4, v55;
	v57 =	vld [tilespmem:s22+$0x60]  }
0x54d: {  	(erf) = vrcp.f32 v19;
	v51 =	vadd.f32 $1.000000000e+00, v58;
	v59 =	vpop (erf);
	v58 =	vadd.f32 v46, v48  }
0x54e: {  	s23 =	sadd.s32 $0xFFFFFFFF, s23;
	(erf) = vrcp.f32 v21;
	v8 =	vadd.f32 v8, v9;
	v13 =	vadd.f32 $1.000000000e+00, v59;
	v59 =	vld [tilespmem:s25+$0x10]  }
0x54f: {  	v21 =	vmov s23;
	v10 =	vadd.f32 v52, v10;
	v19 =	vadd.f32 v31, v58  }
0x550: {  	(erf) = vrcp.f32 v37;
	v58 =	vld [tilespmem:s25+$0x70];
	v3 =	vadd.f32 v56, v3;
	v2 =	vadd.f32 v2, v6  }
0x551: {  	v39 =	vmul.f32 v47, v32;
	v56 =	vld [tilespmem:s25+$0x40];
	v6 =	vadd.f32 v54, v8;
	v1 =	vadd.f32 v57, v1  }
0x552: {  	v55 =	vmul.f32 v47, v25;
	v3 =	vsub.f32 v3, v18;
	v2 =	vsub.f32 v2, v20;
	v18 =	vld [tilespmem:s25+$0x50]  }
0x553: {  	(erf) = vrcp.f32 v43;
	v20 =	vld [tilespmem:s25+$0x60];
	v1 =	vsub.f32 v1, v39;
	v7 =	vadd.f32 v59, v7  }
0x554: {  	v44 =	vld [tilespmem:s19+$0x100];
	v48 =	vmul.f32 v47, v27;
	v3 =	vadd.f32 v3, v29;
	v59 =	vadd.f32 v2, v28  }
0x555: {  	v42 =	vld [tilespmem:s19+$0x110];
	v57 =	vmul.f32 v47, v26;
	v6 =	vadd.f32 v58, v6;
	v28 =	vadd.f32 v1, v30  }
0x556: {  	v41 =	vld [tilespmem:s19+$0x120];
	(erf) = vrcp.f32 v50;
	v0 =	vadd.f32 v0, v3;
	v3 =	vadd.f32 v56, v19  }
0x557: {  	v12 =	vld [tilespmem:s22+$0x90];
	(erf) = vrcp.f32 v49;
	v6 =	vsub.f32 v6, v57;
	v8 =	vadd.f32 v16, v59  }
0x558: {  	(erf) = vrcp.f32 v51;
	v54 =	vld.idx.msk [tilespmem:v21+s14+$0x0], $0xffff;
	v7 =	vadd.f32 v18, v7;
	v52 =	vadd.f32 v20, v10  }
0x559: {  	v45 =	vld [tilespmem:s22+$0x170];
	v4 =	vadd.f32 v4, v28;
	v3 =	vsub.f32 v3, v48;
	v0 =	vmul.f32 v53, v0  }
0x55a: {  	v37 =	vld [tilespmem:s19+$0x90];
	v8 =	vmul.f32 v53, v8;
	v5 =	vadd.f32 v6, v5;
	v7 =	vsub.f32 v7, v17  }
0x55b: {  	v43 =	vld [tilespmem:s19+$0xC0];
	(erf) = vrcp.f32 v13;
	v9 =	vsub.f32 v52, v55;
	v3 =	vadd.f32 v3, v15  }
0x55c: {  	v46 =	vld [tilespmem:s22+$0x140];
	v4 =	vmul.f32 v53, v4;
	v0 =	vadd.f32 v0, v0;
	v56 =	vadd.f32 v8, v8  }
0x55d: {  	v49 =	vld [tilespmem:s22+$0x120];
	v7 =	vadd.f32 v7, v36;
	v9 =	vadd.f32 v9, v38;
	v3 =	vmul.f32 v54, v3  }
0x55e: {  	v31 =	vld [tilespmem:s19+$0x130];
	v5 =	vmul.f32 v5, v54;
	v4 =	vadd.f32 v4, v4;
	v0 =	vmul.f32 $1.442695020e+00, v0  }
0x55f: {  	v51 =	vld [tilespmem:s22+$0x110];
	v55 =	vmul.f32 v54, v7;
	v57 =	vmul.f32 v54, v9;
	v3 =	vadd.f32 v3, v3  }
0x560: {  	v13 =	vld [tilespmem:s22+$0xD0];
	v5 =	vadd.f32 v5, v5;
	v7 =	vmul.f32 $1.442695020e+00, v56;
	v4 =	vmul.f32 $1.442695020e+00, v4  }
0x561: {  	v39 =	vld [tilespmem:s19+$0x80];
	(erf) = vpow2.f32 v0;
	v6 =	vadd.f32 v55, v55;
	v3 =	vmul.f32 $1.442695020e+00, v3  }
0x562: {  	v2 =	vld [tilespmem:s22+$0x150];
	v58 =	vpop (erf);
	v5 =	vmul.f32 $1.442695020e+00, v5;
	v8 =	vadd.f32 v57, v57;
	(erf) = vpow2.f32 v7  }
0x563: {  	v29 =	vld [tilespmem:s19+$0xF0];
	v59 =	vpop (erf);
	(erf) = vpow2.f32 v4;
	v6 =	vmul.f32 $1.442695020e+00, v6  }
0x564: {  	v1 =	vld [tilespmem:s22+$0x160];
	v4 =	vpop (erf);
	v8 =	vmul.f32 $1.442695020e+00, v8;
	(erf) = vpow2.f32 v3  }
0x565: {  	v30 =	vld [tilespmem:s19+$0xA0];
	v3 =	vpop (erf);
	(erf) = vpow2.f32 v6  }
0x566: {  	v28 =	vld [tilespmem:s19+$0xB0];
	v10 =	vpop (erf);
	(erf) = vpow2.f32 v8  }
0x567: {  	v48 =	vld [tilespmem:s22+$0x130];
	v11 =	vpop (erf)  }
0x568: {  	v52 =	vld [tilespmem:s22+$0xA0];
	(erf) = vpow2.f32 v5;
	v5 =	vpop (erf)  }
0x569: {  	v53 =	vld [tilespmem:s22+$0xE0];
	v14 =	vpop (erf)  }
0x56a: {  	v17 =	vld [tilespmem:s19+$0xFFFFFF80];
	v50 =	vpop (erf)  }
0x56b: {  	v15 =	vld [tilespmem:s22+$0xB0];
	v56 =	vpop (erf);
	v57 =	vadd.f32 $1.000000000e+00, v50  }
0x56c: {  	v38 =	vld [tilespmem:s19+$0xD0];
	v16 =	vadd.f32 $1.000000000e+00, v56;
	v18 =	vpop (erf)  }
0x56d: {  	v36 =	vld [tilespmem:s19+$0xE0];
	v9 =	vadd.f32 v58, v58;
	v19 =	vpop (erf);
	v18 =	vadd.f32 $1.000000000e+00, v18;
	(erf) = vrcp.f32 v57  }
0x56e: {  	v0 =	vld [tilespmem:s22+$0x100];
	v3 =	vadd.f32 v3, v3;
	v20 =	vpop (erf);
	(erf) = vrcp.f32 v16;
	v58 =	vadd.f32 $1.000000000e+00, v19  }
0x56f: {  	v4 =	vadd.f32 v4, v4;
	v6 =	vld [tilespmem:s22+$0x80];
	v21 =	vpop (erf);
	(erf) = vrcp.f32 v18;
	v18 =	vadd.f32 $1.000000000e+00, v20  }
0x570: {  	v8 =	vld [tilespmem:s22+$0xC0];
	v3 =	vsub.f32 $1.000000000e+00, v3;
	v21 =	vadd.f32 $1.000000000e+00, v21;
	(erf) = vrcp.f32 v58  }
0x571: {  	v9 =	vsub.f32 $1.000000000e+00, v9;
	v55 =	vadd.f32 v10, v10;
	v10 =	vld [tilespmem:s19+$0xFFFFFFE0];
	(erf) = vrcp.f32 v18  }
0x572: {  	s21 =	sadd.s32 $0x80, s21;
	v7 =	vadd.f32 v59, v59;
	[tilespmem:s20+$0x20] =	vst v3;
	v3 =	vld [tilespmem:s19+$0x0];
	v59 =	vpop (erf);
	(erf) = vrcp.f32 v21;
	v21 =	vsub.f32 $1.000000000e+00, v4  }
0x573: {  	v50 =	vld [tilespmem:s22+$0xF0];
	[tilespmem:s21+$0x30] =	vst v9;
	v9 =	vsub.f32 $1.000000000e+00, v55;
	v54 =	vadd.f32 $1.000000000e+00, v59  }
0x574: {  	v14 =	vadd.f32 v14, v14;
	v57 =	vadd.f32 v5, v5;
	v5 =	vld [tilespmem:s19+$0xFFFFFFF0]  }
0x575: {  	v7 =	vsub.f32 $1.000000000e+00, v7;
	[tilespmem:s20+$0xFFFFFFC0] =	vst v9;
	v9 =	vld [tilespmem:s19+$0x10];
	(erf) = vrcp.f32 v54  }
0x576: {  	v56 =	vadd.f32 v11, v11;
	v14 =	vsub.f32 $1.000000000e+00, v14;
	v19 =	vld [tilespmem:s19+$0xFFFFFFC0];
	[tilespmem:s20+$0x10] =	vst v21;
	v21 =	vpop (erf)  }
0x577: {  	[tilespmem:s20+$0x0] =	vst v7;
	v16 =	vld [tilespmem:s19+$0xFFFFFFD0];
	v21 =	vadd.f32 v21, v21;
	v58 =	vpop (erf)  }
0x578: {  	v7 =	vsub.f32 $1.000000000e+00, v56;
	[tilespmem:s20+$0xFFFFFFF0] =	vst v14;
	v14 =	vld [tilespmem:s19+$0x40];
	v54 =	vadd.f32 v58, v58  }
0x579: {  	v20 =	vld [tilespmem:s19+$0xFFFFFF90];
	v21 =	vsub.f32 $1.000000000e+00, v21  }
0x57a: {  	v11 =	vsub.f32 $1.000000000e+00, v57;
	[tilespmem:s20+$0xFFFFFFD0] =	vst v7;
	v7 =	vld [tilespmem:s19+$0x20];
	v59 =	vpop (erf);
	v54 =	vsub.f32 $1.000000000e+00, v54  }
0x57b: {  	v18 =	vld [tilespmem:s19+$0xFFFFFFA0];
	v55 =	vadd.f32 v59, v59;
	v56 =	vpop (erf)  }
0x57c: {  	[tilespmem:s20+$0xFFFFFFE0] =	vst v11;
	v11 =	vld [tilespmem:s19+$0x30];
	v56 =	vadd.f32 v56, v56;
	v57 =	vpop (erf)  }
0x57d: {  	v4 =	vld [tilespmem:s19+$0xFFFFFFB0];
	[tilespmem:s21+$0x0] =	vst v21;
	v57 =	vadd.f32 v57, v57;
	v55 =	vsub.f32 $1.000000000e+00, v55;
	v21 =	vpop (erf)  }
0x57e: {  	v58 =	vld [tilespmem:s19+$0x50];
	[tilespmem:s21+$0x10] =	vst v54;
	v56 =	vsub.f32 $1.000000000e+00, v56;
	v21 =	vadd.f32 v21, v21;
	v54 =	vpop (erf)  }
0x57f: {  	v59 =	vld [tilespmem:s19+$0x60];
	[tilespmem:s21+$0x20] =	vst v55;
	v57 =	vsub.f32 $1.000000000e+00, v57;
	v54 =	vadd.f32 v54, v54  }
0x580: {  	v55 =	vld [tilespmem:s19+$0x70];
	[tilespmem:s21+$0xFFFFFFC0] =	vst v56;
	v21 =	vsub.f32 $1.000000000e+00, v21  }
0x581: {  	[tilespmem:s21+$0xFFFFFFD0] =	vst v57;
	v54 =	vsub.f32 $1.000000000e+00, v54  }
0x582: {  	[tilespmem:s21+$0xFFFFFFE0] =	vst v21  }
0x583: {  	[tilespmem:s21+$0xFFFFFFF0] =	vst v54  }
0x584: {  	v57 =	vimm.s32 $0x31;
	v21 =	vld [tilespmem:$0x152F0]  }
0x585: {  	v54 =	vld [tilespmem:$0x15330];
	_ =	sdelay $0x1  }
0x586: {  	v6 =	vadd.f32 v8, v6;
	v8 =	vadd.f32 v19, v17;
	v17 =	vld [tilespmem:$0x15370];
	_ =	sdelay $0x1  }
0x587: {  	v56 =	vld.idx.msk [tilespmem:v57+s12+$0x0], $0xffff  }
0x588: {  	v54 =	vadd.f32 v54, v21  }
0x589: {  	v0 =	vadd.f32 v0, v6;
	v3 =	vadd.f32 v3, v8;
	v6 =	vld [tilespmem:$0x153B0]  }
0x58a: {  	v8 =	vadd.f32 v17, v54;
	v17 =	vimm.s32 $0x30  }
0x58b: {  	v0 =	vadd.f32 v46, v0;
	v3 =	vadd.f32 v14, v3;
	v14 =	vmul.f32 v33, v61  }
0x58c: {  	v46 =	vsub.f32 $4.000000000e+00, v56;
	v54 =	vmul.f32 v47, v22  }
0x58d: {  	v0 =	vsub.f32 v0, v14  }
0x58e: {  	v56 =	vmul.f32 v46, v27;
	v3 =	vsub.f32 v3, v54;
	v6 =	vadd.f32 v6, v8  }
0x58f: {  	v14 =	vld.idx.msk [tilespmem:v17+s14+$0x0], $0xffff  }
0x590: {  	v0 =	vadd.f32 v0, v3;
	v3 =	vsub.f32 v6, v56  }
0x591: {  	v6 =	vld [tilespmem:$0x15300]  }
0x592: {  	v0 =	vadd.f32 v3, v0;
	v3 =	vld [tilespmem:$0x15340];
	_ =	sdelay $0x1  }
0x593: {  	v54 =	vadd.f32 v13, v12;
	v12 =	vld [tilespmem:$0x15380];
	v0 =	vmul.f32 v14, v0  }
0x594: {  	v56 =	vadd.f32 v16, v20  }
0x595: {  	v8 =	vadd.f32 v51, v54;
	v54 =	vld [tilespmem:$0x153C0];
	v0 =	vadd.f32 v0, v0  }
0x596: {  	v9 =	vadd.f32 v9, v56;
	v3 =	vadd.f32 v3, v6  }
0x597: {  	v2 =	vadd.f32 v2, v8;
	v56 =	vmul.f32 v33, v62;
	v0 =	vmul.f32 $1.442695020e+00, v0  }
0x598: {  	v17 =	vmul.f32 v47, v23;
	v13 =	vadd.f32 v58, v9;
	v3 =	vadd.f32 v12, v3  }
0x599: {  	v2 =	vsub.f32 v2, v56;
	(erf) = vpow2.f32 v0  }
0x59a: {  	v51 =	vmul.f32 v46, v63;
	v3 =	vadd.f32 v54, v3;
	v0 =	vsub.f32 v13, v17;
	_ =	sdelay $0x1  }
0x59b: {  	v0 =	vadd.f32 v2, v0;
	v2 =	vsub.f32 v3, v51  }
0x59c: {  	v3 =	vadd.f32 v53, v52;
	v53 =	vld [tilespmem:$0x15310]  }
0x59d: {  	v0 =	vadd.f32 v2, v0;
	v2 =	vld [tilespmem:$0x15350]  }
0x59e: {  	v3 =	vadd.f32 v49, v3  }
0x59f: {  	v56 =	vld [tilespmem:$0x15390];
	v54 =	vadd.f32 v10, v18;
	v0 =	vmul.f32 v14, v0  }
0x5a0: {  	v1 =	vadd.f32 v1, v3  }
0x5a1: {  	v58 =	vld [tilespmem:$0x153D0];
	v3 =	vadd.f32 v7, v54;
	v0 =	vadd.f32 v0, v0;
	v12 =	vpop (erf)  }
0x5a2: {  	v16 =	vmul.f32 v33, v32;
	v2 =	vadd.f32 v2, v53;
	v13 =	vadd.f32 $1.000000000e+00, v12  }
0x5a3: {  	v17 =	vmul.f32 v47, v24;
	v0 =	vmul.f32 $1.442695020e+00, v0  }
0x5a4: {  	v3 =	vadd.f32 v59, v3;
	v2 =	vadd.f32 v56, v2;
	(erf) = vrcp.f32 v13  }
0x5a5: {  	v1 =	vsub.f32 v1, v16;
	(erf) = vpow2.f32 v0  }
0x5a6: {  	v0 =	vsub.f32 v3, v17;
	v2 =	vadd.f32 v58, v2;
	v3 =	vmul.f32 v46, v25;
	_ =	sdelay $0x1  }
0x5a7: {  	v0 =	vadd.f32 v1, v0;
	v1 =	vsub.f32 v2, v3  }
0x5a8: {  	v4 =	vadd.f32 v5, v4;
	v3 =	vld [tilespmem:$0x15320]  }
0x5a9: {  	v0 =	vadd.f32 v1, v0;
	v1 =	vld [tilespmem:$0x15360]  }
0x5aa: {  	v4 =	vadd.f32 v11, v4  }
0x5ab: {  	v5 =	vld [tilespmem:$0x153A0];
	v2 =	vadd.f32 v50, v15;
	v0 =	vmul.f32 v14, v0  }
0x5ac: {  	v4 =	vadd.f32 v55, v4;
	v49 =	vpop (erf)  }
0x5ad: {  	v50 =	vld [tilespmem:$0x153E0];
	v2 =	vadd.f32 v48, v2;
	v0 =	vadd.f32 v0, v0;
	v51 =	vpop (erf)  }
0x5ae: {  	v1 =	vadd.f32 v1, v3;
	v3 =	vadd.f32 $1.000000000e+00, v51  }
0x5af: {  	v52 =	vmul.f32 v33, v40;
	v2 =	vadd.f32 v45, v2;
	v0 =	vmul.f32 $1.442695020e+00, v0  }
0x5b0: {  	v1 =	vadd.f32 v5, v1;
	(erf) = vrcp.f32 v3;
	v3 =	vmul.f32 v47, v60  }
0x5b1: {  	v2 =	vsub.f32 v2, v52;
	(erf) = vpow2.f32 v0  }
0x5b2: {  	v1 =	vadd.f32 v50, v1;
	v0 =	vsub.f32 v4, v3;
	v3 =	vmul.f32 v46, v26;
	_ =	sdelay $0x1  }
0x5b3: {  	v0 =	vadd.f32 v2, v0;
	v1 =	vsub.f32 v1, v3;
	_ =	sdelay $0x1  }
0x5b4: {  	v0 =	vadd.f32 v1, v0;
	_ =	sdelay $0x1  }
0x5b5: {  	v0 =	vmul.f32 v0, v14  }
0x5b6: {  	v1 =	vpop (erf)  }
0x5b7: {  	v2 =	vpop (erf);
	v0 =	vadd.f32 v0, v0  }
0x5b8: {  	v2 =	vadd.f32 $1.000000000e+00, v2  }
0x5b9: {  	v0 =	vmul.f32 $1.442695020e+00, v0  }
0x5ba: {  	(erf) = vrcp.f32 v2  }
0x5bb: {  	(erf) = vpow2.f32 v0;
	_ =	sdelay $0x7  }
0x5bc: {  	v0 =	vpop (erf)  }
0x5bd: {  	v2 =	vpop (erf)  }
0x5be: {  	v2 =	vadd.f32 $1.000000000e+00, v2;
	_ =	sdelay $0x1  }
0x5bf: {  	(erf) = vrcp.f32 v2;
	_ =	sdelay $0x2  }
0x5c0: {  	v3 =	vld [tilespmem:$0x11F30]  }
0x5c1: {  	v2 =	vld [tilespmem:$0x11EF0]  }
0x5c2: {  	v6 =	vadd.f32 v49, v49;
	_ =	sdelay $0x1  }
0x5c3: {  	v5 =	vld [tilespmem:$0x11F70];
	v6 =	vsub.f32 $1.000000000e+00, v6  }
0x5c4: {  	v4 =	vadd.f32 v43, v39;
	v1 =	vadd.f32 v1, v1  }
0x5c5: {  	v0 =	vadd.f32 v0, v0;
	v2 =	vadd.f32 v3, v2;
	v3 =	vld [tilespmem:$0x11FB0];
	v53 =	vpop (erf)  }
0x5c6: {  	v1 =	vsub.f32 $1.000000000e+00, v1;
	v7 =	vadd.f32 v53, v53  }
0x5c7: {  	[tilespmem:$0x161F0] =	vst v6;
	v4 =	vadd.f32 v44, v4;
	v0 =	vsub.f32 $1.000000000e+00, v0  }
0x5c8: {  	[tilespmem:$0x16200] =	vst v1;
	v2 =	vadd.f32 v5, v2;
	v1 =	vsub.f32 $1.000000000e+00, v7  }
0x5c9: {  	v4 =	vadd.f32 v35, v4;
	[tilespmem:$0x16210] =	vst v0  }
0x5ca: {  	v0 =	vmul.f32 v33, v22;
	v2 =	vadd.f32 v3, v2;
	v3 =	vmul.f32 v46, v61;
	[tilespmem:$0x16220] =	vst v1  }
0x5cb: {  	v1 =	vld.idx.msk [tilespmem:v57+s14+$0x0], $0xffff  }
0x5cc: {  	v0 =	vsub.f32 v4, v0;
	v2 =	vsub.f32 v2, v3  }
0x5cd: {  	v4 =	vld [tilespmem:$0x11F40]  }
0x5ce: {  	v3 =	vld [tilespmem:$0x11F00];
	v0 =	vadd.f32 v2, v0;
	_ =	sdelay $0x1  }
0x5cf: {  	v2 =	vld [tilespmem:$0x11F80];
	v0 =	vmul.f32 v1, v0;
	_ =	sdelay $0x1  }
0x5d0: {  	v54 =	vadd.f32 v38, v37;
	v5 =	vld [tilespmem:$0x11FC0];
	v0 =	vadd.f32 v0, v0  }
0x5d1: {  	v3 =	vadd.f32 v4, v3  }
0x5d2: {  	v4 =	vadd.f32 v42, v54;
	v0 =	vmul.f32 $1.442695020e+00, v0  }
0x5d3: {  	v2 =	vadd.f32 v2, v3  }
0x5d4: {  	v3 =	vadd.f32 v34, v4;
	(erf) = vpow2.f32 v0  }
0x5d5: {  	v4 =	vmul.f32 v46, v62;
	v2 =	vadd.f32 v5, v2;
	v0 =	vmul.f32 v33, v23;
	_ =	sdelay $0x1  }
0x5d6: {  	v2 =	vsub.f32 v2, v4;
	v0 =	vsub.f32 v3, v0  }
0x5d7: {  	v4 =	vld [tilespmem:$0x11F50]  }
0x5d8: {  	v3 =	vld [tilespmem:$0x11F10];
	v0 =	vadd.f32 v2, v0;
	_ =	sdelay $0x1  }
0x5d9: {  	v0 =	vmul.f32 v1, v0;
	_ =	sdelay $0x1  }
0x5da: {  	v0 =	vadd.f32 v0, v0;
	v56 =	vpop (erf)  }
0x5db: {  	v2 =	vld [tilespmem:$0x11F90];
	v3 =	vadd.f32 v4, v3;
	v4 =	vadd.f32 $1.000000000e+00, v56  }
0x5dc: {  	v0 =	vmul.f32 $1.442695020e+00, v0  }
0x5dd: {  	v55 =	vld [tilespmem:$0x11FD0];
	(erf) = vrcp.f32 v4  }
0x5de: {  	(erf) = vpow2.f32 v0;
	v0 =	vld [tilespmem:$0x1FBE0]  }
0x5df: {  	v5 =	vadd.f32 v36, v30  }
0x5e0: {  	v2 =	vadd.f32 v2, v3  }
0x5e1: {  	v5 =	vadd.f32 v41, v5  }
0x5e2: {  	v2 =	vadd.f32 v55, v2;
	v4 =	vmul.f32 v46, v32  }
0x5e3: {  	v3 =	vmul.f32 v33, v24;
	v0 =	vadd.f32 v0, v5  }
0x5e4: {  	v2 =	vsub.f32 v2, v4;
	v4 =	vld [tilespmem:$0x11F60]  }
0x5e5: {  	v0 =	vsub.f32 v0, v3;
	v3 =	vld [tilespmem:$0x11F20];
	_ =	sdelay $0x1  }
0x5e6: {  	v0 =	vadd.f32 v2, v0;
	v2 =	vld [tilespmem:$0x11FA0];
	_ =	sdelay $0x2  }
0x5e7: {  	v0 =	vmul.f32 v1, v0;
	v3 =	vadd.f32 v4, v3  }
0x5e8: {  	v58 =	vld [tilespmem:$0x11FE0];
	v5 =	vpop (erf)  }
0x5e9: {  	v59 =	vpop (erf);
	v0 =	vadd.f32 v0, v0;
	v2 =	vadd.f32 v2, v3;
	v3 =	vld [tilespmem:$0x1FBF0]  }
0x5ea: {  	v57 =	vadd.f32 v29, v28;
	v4 =	vadd.f32 $1.000000000e+00, v59  }
0x5eb: {  	v0 =	vmul.f32 $1.442695020e+00, v0  }
0x5ec: {  	v6 =	vadd.f32 v31, v57;
	(erf) = vrcp.f32 v4  }
0x5ed: {  	v4 =	vmul.f32 v46, v40;
	(erf) = vpow2.f32 v0  }
0x5ee: {  	v0 =	vadd.f32 v58, v2;
	v2 =	vmul.f32 v33, v60;
	v3 =	vadd.f32 v3, v6;
	_ =	sdelay $0x1  }
0x5ef: {  	v0 =	vsub.f32 v0, v4;
	v2 =	vsub.f32 v3, v2;
	_ =	sdelay $0x1  }
0x5f0: {  	v0 =	vadd.f32 v0, v2;
	_ =	sdelay $0x1  }
0x5f1: {  	v0 =	vmul.f32 v1, v0  }
0x5f2: {  	v1 =	vpop (erf)  }
0x5f3: {  	v2 =	vpop (erf);
	v0 =	vadd.f32 v0, v0  }
0x5f4: {  	v2 =	vadd.f32 $1.000000000e+00, v2  }
0x5f5: {  	v0 =	vmul.f32 $1.442695020e+00, v0  }
0x5f6: {  	(erf) = vrcp.f32 v2  }
0x5f7: {  	(erf) = vpow2.f32 v0;
	_ =	sdelay $0x7  }
0x5f8: {  	v0 =	vpop (erf)  }
0x5f9: {  	v2 =	vpop (erf)  }
0x5fa: {  	v2 =	vadd.f32 $1.000000000e+00, v2;
	_ =	sdelay $0x1  }
0x5fb: {  	(erf) = vrcp.f32 v2;
	_ =	sdelay $0x6  }
0x5fc: {  	v1 =	vadd.f32 v1, v1  }
0x5fd: {  	v0 =	vadd.f32 v0, v0  }
0x5fe: {  	v1 =	vsub.f32 $1.000000000e+00, v1;
	v2 =	vadd.f32 v5, v5;
	v3 =	vpop (erf)  }
0x5ff: {  	v0 =	vsub.f32 $1.000000000e+00, v0;
	v3 =	vadd.f32 v3, v3  }
0x600: {  	s18 =	sadd.s32 s5, s18;
	[tilespmem:$0x16240] =	vst v1;
	v2 =	vsub.f32 $1.000000000e+00, v2  }
0x601: {  	s17 =	sadd.s32 $0x1, s17;
	s18 =	smul.u32 $0x190, s18;
	[tilespmem:$0x16250] =	vst v0;
	v1 =	vsub.f32 $1.000000000e+00, v3  }
0x602: {  	p0 =	sne.s32 s17, $0x10;
	[tilespmem:$0x16230] =	vst v2  }
.Ltmp3:
0x603: {  	s18 =	sadd.s32 s2, s18;
	[tilespmem:$0x16260] =	vst v1;
	(pc) =	sbr.rel @p0 .LBB2_2-.Ltmp3, $4  }
0x604: {  	[hbm4b:s18+s3] =	stream.linear.scatter [tilespmem:s15], [sflag:$0x3], $0xC80, $0x38;
	[tilespmem:$0x164B0] =	vst v63  }
0x605: {  	_ =	swait.ge [sflag:s8], $0xC80  }
0x606: {  	[sflag:s8] =	ssyncset.done $0x0  }
0x607: {  	v20 =	vmov v26;
	v3 =	vld [tilespmem:$0x1FFF0];
	[sflag:s8] =	ssyncadd.s32 $0xFFFFF380  }
0x608: {  	s18 =	rddreg [dreg:$0x5]  }
0x609: {  	s17 =	rddreg [dreg:$0x4];
	s18 =	sadd.s32 $0x1, s18  }
0x60a: {  	p0 =	sne.s32 s18, s17  }
.Ltmp4:
0x60b: {  	_ = 	snop;
	(pc) =	sbr.rel @p0 .LBB2_1-.Ltmp4, $1  }
0x60c: {  	_ =	sdelay $0x3  }
0x60d: {  	_ =	sfence.sel $0x180000  }
0x60e: {  	[bflag:$0x0] =	sbarrier.arrive $0xFFFF  }
0x60f: {  	_ =	strace $0x90000047  }
0x610: {  	s0 =	stileid.u32;
	[bflag:$0x2] =	sbarrier.arrive $0xFFFF  }
0x611: {  	p0 =	sne.s32 s0, $0x0;
	s0 =	rddreg [dreg:$0x2]  }
0x612: {  	s0 =	sadd.s32 @!p0 $0x100000, s0  }
0x613: {  	[sflag:s0] =	ssyncadd.tile.s32 @!p0 $0x1;
	_ =	shalt  }
.Lfunc_end2:
_tile_overlayer_lowered:
.L_overlay_start_2:
0x614: {  	(tag) =	ssettag $0x2  }
0x615: {  	s0 =	rddreg [dreg:$0x0];
	s2 =	stileid.u32  }
0x616: {  	s1 =	rddreg [dreg:$0x1];
	p0 =	sne.s32 s2, $0x0  }
0x617: {  	s3 =	rddreg [dreg:$0x2];
	[bflag:$0x3] =	sbarrier.arrive $0xFFFF;
	s2 =	simm.s32 @!p0 $0x1C03  }
0x618: {  	[timem:s3], [sflag:s2] =	dma.local @!p0 [hbm:s0], s1  }
0x619: {  	s0 =	simm.s32 @!p0 $0x3  }
0x61a: {  	_ =	swait.ge @!p0 [sflag:s0], s1  }
0x61b: {  	s1 =	ssub.s32 @!p0 $0x0, s1;
	[sflag:s0] =	ssyncset.done @!p0 $0x0  }
0x61c: {  	[sflag:s0] =	ssyncadd.s32 @!p0 s1  }
0x61d: {  	[bflag:$0x3] =	sbarrier.arrive $0xFFFF  }
0x61e: {  	_ =	shalt  }

</sc_bundles>
